<compile_context>
chip_gen: v7x
topology: tpu7x:2x2x1
jax: 0.10.2.dev20260603
libtpu: 0.0.44.dev20260713+nightly
codegen_flags: <defaults>
</compile_context>

<pallas_src>
import functools

import jax
import jax.numpy as jnp
from jax import lax
from jax.experimental import pallas as pl
from jax.experimental.pallas import tpu as pltpu
from jax.experimental.pallas import tpu_sc as plsc

B, C, H, W = 16, 3, 96, 320
HW = H * W
CHW = C * H * W
CH = C * H
RCH = 46
K = 50
KPAD = 64
NCH = 32
DET_THR = 0.3
NEG = -1e30

NUM_TILES = 32
DPT = (B * KPAD) // NUM_TILES
EPT = DPT * NCH


NLEV = 4
NSLOT = 1024
NRG = CH // 8


def _topk_body(hm_ref, scores_ref, inds_ref, idx_ref, vv_ref, vi_ref, d_ref):
    pid = pl.program_id(0)

    @pl.when(pid < B)
    def phase_a():
        b = pid
        x = jax.nn.sigmoid(hm_ref[0])
        neg_row = jnp.full((C, 1, W), NEG, jnp.float32)
        up = jnp.concatenate([x[:, 1:, :], neg_row], axis=1)
        dn = jnp.concatenate([neg_row, x[:, :-1, :]], axis=1)
        m = jnp.maximum(jnp.maximum(up, dn), x)
        neg_col = jnp.full((C, H, 1), NEG, jnp.float32)
        lf = jnp.concatenate([m[:, :, 1:], neg_col], axis=2)
        rt = jnp.concatenate([neg_col, m[:, :, :-1]], axis=2)
        m = jnp.maximum(jnp.maximum(lf, rt), m)
        masked = jnp.where(m == x, x, -1.0).reshape(CH, W)
        d_ref[b] = masked
        mpad = jnp.concatenate(
            [masked, jnp.full((CH, 384 - W), -3.0, jnp.float32)], axis=1)

        base8 = (lax.broadcasted_iota(jnp.int32, (8, 128), 0) * W
                 + lax.broadcasted_iota(jnp.int32, (8, 128), 1))
        lv = [jnp.full((8, 128), -3.0, jnp.float32) for _ in range(NLEV)]
        li = [jnp.zeros((8, 128), jnp.int32) for _ in range(NLEV)]
        for r in range(NRG):
            for part in range(3):
                xv = mpad[8 * r:8 * r + 8, 128 * part:128 * part + 128]
                xi = base8 + (r * 8 * W + part * 128)
                for l in range(NLEV):
                    sw = xv > lv[l]
                    lv[l], xv = (jnp.where(sw, xv, lv[l]),
                                 jnp.where(sw, lv[l], xv))
                    li[l], xi = (jnp.where(sw, xi, li[l]),
                                 jnp.where(sw, li[l], xi))
        vv_ref[b] = jnp.concatenate(lv, axis=0)
        vi_ref[b] = jnp.concatenate(li, axis=0)

    @pl.when(pid == B)
    def phase_b():
        vv0 = vv_ref[...]
        vi0 = vi_ref[...]
        iota_k64 = lax.broadcasted_iota(jnp.int32, (B, KPAD), 1)
        lastlev = lax.broadcasted_iota(jnp.int32, (B, NLEV * 8, 128), 1) >= (NLEV - 1) * 8
        sc_init = jnp.full((B, KPAD), -3.0, jnp.float32)
        ind_init = jnp.zeros((B, KPAD), jnp.int32)

        def ext(k, c):
            vv, sc_a, ind_a, flag = c
            gmax = jnp.max(vv, axis=(1, 2), keepdims=True)
            hit = vv == gmax
            mini = jnp.min(jnp.where(hit, vi0, CHW), axis=(1, 2),
                           keepdims=True)
            kill = hit & (vi0 == mini)
            flag = flag | jnp.any(kill & lastlev).astype(jnp.int32)
            vv = jnp.where(kill, -3.0, vv)
            sc_a = jnp.where(iota_k64 == k, gmax[:, :, 0], sc_a)
            ind_a = jnp.where(iota_k64 == k, mini[:, :, 0], ind_a)
            return vv, sc_a, ind_a, flag

        _, sc_fast, ind_fast, flag = lax.fori_loop(
            0, K, ext, (vv0, sc_init, ind_init, jnp.int32(0)))

        def emit(sc_all, ind_all):
            scores_ref[...] = sc_all[:, None, :]
            inds_ref[...] = ind_all[:, None, :]
            b_col = lax.broadcasted_iota(jnp.int32, (B, KPAD), 0)
            base = b_col * (RCH * HW) + (ind_all % HW)
            pad_base = iota_k64 * 64 + b_col * 4096
            base = jnp.where(iota_k64 < K, base, pad_base)
            c3 = lax.broadcasted_iota(jnp.int32, (B, KPAD, NCH), 2)
            idx_ref[...] = base[:, :, None] + c3 * HW

        emit(sc_fast, ind_fast)

        @pl.when(flag != 0)
        def rare_exact_path():
            flatio = (lax.broadcasted_iota(jnp.int32, (CH, W), 0) * W
                      + lax.broadcasted_iota(jnp.int32, (CH, W), 1))
            io64 = lax.broadcasted_iota(jnp.int32, (1, KPAD), 1)
            bio = lax.broadcasted_iota(jnp.int32, (B, 1), 0)

            def per_b(b, acc):
                sc_a, ind_a = acc
                dd = d_ref[b]

                def ext2(k, c2):
                    d_, scv, indv = c2
                    g = jnp.max(d_)
                    f = jnp.min(jnp.where(d_ == g, flatio, CHW))
                    d_ = jnp.where(flatio == f, -3.0, d_)
                    scv = jnp.where(io64 == k, g, scv)
                    indv = jnp.where(io64 == k, f, indv)
                    return d_, scv, indv

                _, scv, indv = lax.fori_loop(
                    0, K, ext2,
                    (dd, jnp.full((1, KPAD), -3.0, jnp.float32),
                     jnp.zeros((1, KPAD), jnp.int32)))
                rowm = bio == b
                sc_a = jnp.where(rowm, scv, sc_a)
                ind_a = jnp.where(rowm, indv, ind_a)
                return sc_a, ind_a

            sc_all, ind_all = lax.fori_loop(0, B, per_b,
                                            (sc_init, ind_init))
            emit(sc_all, ind_all)


def _topk_call(hm):
    out_shapes = (
        jax.ShapeDtypeStruct((B, 1, KPAD), jnp.float32),
        jax.ShapeDtypeStruct((B, 1, KPAD), jnp.int32),
        jax.ShapeDtypeStruct((B, KPAD, NCH), jnp.int32),
    )
    return pl.pallas_call(
        _topk_body,
        grid=(B + 1,),
        in_specs=[pl.BlockSpec((1, C, H, W),
                               lambda i: (jnp.minimum(i, B - 1), 0, 0, 0))],
        out_specs=(
            pl.BlockSpec((B, 1, KPAD), lambda i: (0, 0, 0)),
            pl.BlockSpec((B, 1, KPAD), lambda i: (0, 0, 0)),
            pl.BlockSpec((B, KPAD, NCH), lambda i: (0, 0, 0)),
        ),
        out_shape=out_shapes,
        scratch_shapes=[
            pltpu.VMEM((B, NLEV * 8, 128), jnp.float32),
            pltpu.VMEM((B, NLEV * 8, 128), jnp.int32),
            pltpu.VMEM((B, CH, W), jnp.float32),
        ],
    )(hm)


def _sc_gather_body(idx_hbm, reg_hbm, out_hbm, idx_v, rows_v, sem):
    wid = lax.axis_index("s") * 2 + lax.axis_index("c")
    rpt = EPT // 128
    pltpu.sync_copy(idx_hbm.at[pl.ds(wid * rpt, rpt)], idx_v)

    copies = [
        pltpu.async_copy(reg_hbm.at[idx_v.at[q]],
                         rows_v.at[pl.ds(q * 128, 128)], sem)
        for q in range(EPT // 128)
    ]
    for cp in copies:
        cp.wait()
    pltpu.sync_copy(rows_v, out_hbm.at[pl.ds(wid * EPT, EPT)])


def _sc_gather_call(idx2d, reg_flat):
    mesh = plsc.VectorSubcoreMesh(core_axis_name="c", subcore_axis_name="s")
    f = functools.partial(
        pl.kernel,
        mesh=mesh,
        out_type=jax.ShapeDtypeStruct((NUM_TILES * EPT,), jnp.float32),
        scratch_types=[
            pltpu.VMEM((EPT // 128, 128), jnp.int32),
            pltpu.VMEM((EPT,), jnp.float32),
            pltpu.SemaphoreType.DMA,
        ],
    )(_sc_gather_body)
    return f(idx2d, reg_flat)


def _asm_body(sc_ref, ind_ref, g_ref, out_ref):
    sc = sc_ref[...]
    ind = ind_ref[...]
    g = g_ref[...]
    spatial = ind % HW
    cls = (ind // HW).astype(jnp.float32)
    ysf = (spatial // W).astype(jnp.float32)
    xsf = (spatial % W).astype(jnp.float32)
    valid = (sc >= DET_THR).astype(jnp.float32)
    cols = jnp.concatenate(
        [xsf, ysf, jnp.maximum(g[:, 0:4], 0.0), g[:, 4:25], sc, cls], axis=1)
    out_ref[...] = cols * valid


def _asm_call(sc, ind, g):
    return pl.pallas_call(
        _asm_body,
        out_shape=jax.ShapeDtypeStruct((B * K, 29), jnp.float32),
    )(sc, ind, g)


def kernel(pred_heatmap, pred_regression):
    scores, inds, idx3 = _topk_call(pred_heatmap)
    reg_flat = pred_regression.reshape(-1)
    gout = _sc_gather_call(idx3.reshape(-1, 128), reg_flat)
    g800 = gout.reshape(B, KPAD, NCH)[:, :K].reshape(B * K, NCH)
    sc800 = scores.reshape(B, KPAD)[:, :K].reshape(B * K, 1)
    ind800 = inds.reshape(B, KPAD)[:, :K].reshape(B * K, 1)
    return _asm_call(sc800, ind800, g800)

# --- scband reference (transcript-rebuilt; emitter-appended) ---
"""Pipeline reference for scband-post-processor-1889785610762 (READ-ONLY COPY).

The authoritative reference and input builder live on the scoring server;
editing this copy changes nothing except your own understanding.
"""

import jax, jax.numpy as jnp
import numpy as np

MAX_DET = 50
DET_THR = 0.3
K2C = {'2d_dim': (0, 4), '3d_offset': (4, 6), '3d_dim': (6, 9), 'ori_cls': (9, 17), 'ori_offset': (17, 25), 'depth': (25, 26), 'corner_offset': (26, 46)}


def nms_hm(heat):
    # CenterNet-style heatmap NMS: 3x3 max-pool, keep only local maxima
    hmax = jax.lax.reduce_window(heat, -jnp.inf, jax.lax.max, (1, 1, 3, 3), (1, 1, 1, 1), 'SAME')
    keep = (hmax == heat).astype(heat.dtype)
    return heat * keep


def setup_inputs(seed: int = 0) -> dict:
    key = jax.random.key(seed)
    k1, k2 = jax.random.split(key)
    pred_heatmap = jax.random.normal(k1, (16, 3, 96, 320), dtype=jnp.float32)
    pred_regression = jax.random.normal(k2, (16, 46, 96, 320), dtype=jnp.float32)
    return {'pred_heatmap': pred_heatmap, 'pred_regression': pred_regression}


def reference(pred_heatmap, pred_regression):
    B, C, H, W = pred_heatmap.shape
    heat = jax.nn.sigmoid(pred_heatmap)
    heat = nms_hm(heat)
    # select_topk over flattened class x spatial map
    flat = heat.reshape(B, C * H * W)
    scores, inds = jax.lax.top_k(flat, MAX_DET)  # [B, K]
    clses = inds // (H * W)
    spatial = inds % (H * W)
    ys = (spatial // W).astype(jnp.float32)
    xs = (spatial % W).astype(jnp.float32)
    # select_point_of_interest: gather regression channels at top-K spatial locations
    reg = pred_regression.reshape(B, pred_regression.shape[1], H * W)
    reg = jnp.transpose(reg, (0, 2, 1))  # [B, HW, ch]
    pois = jnp.take_along_axis(reg, spatial[..., None], axis=1)  # [B, K, ch]
    scores = scores.reshape(-1)
    pois = pois.reshape(-1, pois.shape[-1])
    xs = xs.reshape(-1)
    ys = ys.reshape(-1)
    clses_f = clses.reshape(-1).astype(jnp.float32)
    # valid mask applied multiplicatively (static shape instead of boolean gather)
    valid = (scores >= DET_THR).astype(jnp.float32)
    pred_bbox_points = jnp.stack([xs, ys], axis=1)
    a, b = K2C['2d_dim']
    pred_2d_reg = jax.nn.relu(pois[:, a:b])
    a, b = K2C['3d_offset']
    pred_offset_3D = pois[:, a:b]
    a, b = K2C['3d_dim']
    pred_dim_offsets = pois[:, a:b]
    a, b = K2C['ori_cls']
    ori_cls = pois[:, a:b]
    a, b = K2C['ori_offset']
    ori_off = pois[:, a:b]
    pred_orientation = jnp.concatenate([ori_cls, ori_off], axis=1)
    result = jnp.concatenate([pred_bbox_points, pred_2d_reg, pred_offset_3D, pred_dim_offsets, pred_orientation, scores[:, None], clses_f[:, None]], axis=1)
    result = result * valid[:, None]
    return result

if __name__ == "__main__":
    import jax
    _d = setup_inputs()
    print(jax.jit(kernel)(*tuple(_d.values())))

</pallas_src>

<mosaic_0001>
#map = affine_map<(d0, d1) -> (0, 0)>
#map1 = affine_map<(d0, d1) -> (0)>
module attributes {stable_mosaic.version = 14 : i64} {
  func.func @_sc_gather_body(%arg0: i32, %arg1: i32, %arg2: memref<256x128xi32, #tpu.memory_space<hbm>>, %arg3: memref<22609920xf32, #tpu.memory_space<hbm>>, %arg4: memref<32768xf32, #tpu.memory_space<hbm>>, %arg5: memref<8x128xi32, #tpu.memory_space<vmem>>, %arg6: memref<1024xf32, #tpu.memory_space<vmem>>, %arg7: memref<!tpu.dma_semaphore, #tpu.memory_space<semaphore_mem>>) attributes {dimension_semantics = [#tpu.dimension_semantics<core_parallel>, #tpu.dimension_semantics<subcore_parallel>], iteration_bounds = array<i64: 2, 16>, scalar_prefetch = 0 : i64, scratch_operands = 3 : i64, tpu.core_type = #tpu.core_type<sc_vector_subcore>, window_params = [{transform_indices = #map}, {transform_indices = #map1}, {transform_indices = #map1}]} {
    %mul3A = arith.constant 2 : i32
    %mul3A_0 = arith.muli %arg1, %mul3A : i32
    %add3A = arith.addi %mul3A_0, %arg0 : i32
    %mul3A_1 = arith.constant 8 : i32
    %mul3A_2 = arith.muli %add3A, %mul3A_1 : i32
    "tpu.region"() ({
      %run_scoped3A = tpu.sem_alloc : memref<!tpu.dma_semaphore, #tpu.memory_space<semaphore_mem>>
      %dma_start3A_131 = arith.constant 0 : i32
      %dma_start3A_132 = tpu.memref_slice %arg2[%mul3A_2, %dma_start3A_131] : memref<256x128xi32, #tpu.memory_space<hbm>> -> memref<8x128xi32, #tpu.memory_space<hbm>>
      %dma_start3A_133 = arith.constant 0 : i32
      %dma_start3A_134 = tpu.memref_slice %arg2[%mul3A_2, %dma_start3A_133] : memref<256x128xi32, #tpu.memory_space<hbm>> -> memref<8x128xi32, #tpu.memory_space<hbm>>
      tpu.enqueue_dma source(%dma_start3A_134 : memref<8x128xi32, #tpu.memory_space<hbm>>) target(%arg5 : memref<8x128xi32, #tpu.memory_space<vmem>>) target_semaphore(%run_scoped3A : memref<!tpu.dma_semaphore, #tpu.memory_space<semaphore_mem>>)
      %dma_wait3A_135 = arith.constant 0 : i32
      %dma_wait3A_136 = tpu.memref_slice %arg2[%mul3A_2, %dma_wait3A_135] : memref<256x128xi32, #tpu.memory_space<hbm>> -> memref<8x128xi32, #tpu.memory_space<hbm>>
      %dma_wait3A_137 = arith.constant 0 : i32
      %dma_wait3A_138 = tpu.memref_slice %arg2[%mul3A_2, %dma_wait3A_137] : memref<256x128xi32, #tpu.memory_space<hbm>> -> memref<8x128xi32, #tpu.memory_space<hbm>>
      tpu.wait_dma2 semaphore(%run_scoped3A : memref<!tpu.dma_semaphore, #tpu.memory_space<semaphore_mem>>) src(%dma_wait3A_138 : memref<8x128xi32, #tpu.memory_space<hbm>>) dst(%arg5 : memref<8x128xi32, #tpu.memory_space<vmem>>)
      tpu.yield
    }) : () -> ()
    %dma_start3A = arith.constant 0 : i32
    %dma_start3A_3 = arith.constant 0 : i32
    %dma_start3A_4 = tpu.memref_slice %arg6[%dma_start3A_3] : memref<1024xf32, #tpu.memory_space<vmem>> -> memref<128xf32, #tpu.memory_space<vmem>>
    %dma_start3A_5 = arith.constant 0 : i32
    %dma_start3A_6 = tpu.memref_slice %arg5[%dma_start3A, %dma_start3A_5] : memref<8x128xi32, #tpu.memory_space<vmem>> -> memref<1x128xi32, #tpu.memory_space<vmem>>
    %dma_start3A_7 = tpu.memref_squeeze %dma_start3A_6 : memref<1x128xi32, #tpu.memory_space<vmem>> -> memref<128xi32, #tpu.memory_space<vmem>>
    %dma_start3A_8 = arith.constant 0 : i32
    %dma_start3A_9 = tpu.memref_slice %arg3[%dma_start3A_8] : memref<22609920xf32, #tpu.memory_space<hbm>> -> memref<22609920xf32, #tpu.memory_space<hbm>>
    tpu.enqueue_indirect_dma source(%dma_start3A_9 : memref<22609920xf32, #tpu.memory_space<hbm>>) target(%dma_start3A_4 : memref<128xf32, #tpu.memory_space<vmem>>) offsets(%dma_start3A_7 : memref<128xi32, #tpu.memory_space<vmem>>) semaphore(%arg7 : memref<!tpu.dma_semaphore, #tpu.memory_space<semaphore_mem>>)
    %dma_start3A_10 = arith.constant 1 : i32
    %dma_start3A_11 = arith.constant 128 : i32
    %dma_start3A_12 = tpu.memref_slice %arg6[%dma_start3A_11] : memref<1024xf32, #tpu.memory_space<vmem>> -> memref<128xf32, #tpu.memory_space<vmem>>
    %dma_start3A_13 = arith.constant 0 : i32
    %dma_start3A_14 = tpu.memref_slice %arg5[%dma_start3A_10, %dma_start3A_13] : memref<8x128xi32, #tpu.memory_space<vmem>> -> memref<1x128xi32, #tpu.memory_space<vmem>>
    %dma_start3A_15 = tpu.memref_squeeze %dma_start3A_14 : memref<1x128xi32, #tpu.memory_space<vmem>> -> memref<128xi32, #tpu.memory_space<vmem>>
    %dma_start3A_16 = arith.constant 0 : i32
    %dma_start3A_17 = tpu.memref_slice %arg3[%dma_start3A_16] : memref<22609920xf32, #tpu.memory_space<hbm>> -> memref<22609920xf32, #tpu.memory_space<hbm>>
    tpu.enqueue_indirect_dma source(%dma_start3A_17 : memref<22609920xf32, #tpu.memory_space<hbm>>) target(%dma_start3A_12 : memref<128xf32, #tpu.memory_space<vmem>>) offsets(%dma_start3A_15 : memref<128xi32, #tpu.memory_space<vmem>>) semaphore(%arg7 : memref<!tpu.dma_semaphore, #tpu.memory_space<semaphore_mem>>)
    %dma_start3A_18 = arith.constant 2 : i32
    %dma_start3A_19 = arith.constant 256 : i32
    %dma_start3A_20 = tpu.memref_slice %arg6[%dma_start3A_19] : memref<1024xf32, #tpu.memory_space<vmem>> -> memref<128xf32, #tpu.memory_space<vmem>>
    %dma_start3A_21 = arith.constant 0 : i32
    %dma_start3A_22 = tpu.memref_slice %arg5[%dma_start3A_18, %dma_start3A_21] : memref<8x128xi32, #tpu.memory_space<vmem>> -> memref<1x128xi32, #tpu.memory_space<vmem>>
    %dma_start3A_23 = tpu.memref_squeeze %dma_start3A_22 : memref<1x128xi32, #tpu.memory_space<vmem>> -> memref<128xi32, #tpu.memory_space<vmem>>
    %dma_start3A_24 = arith.constant 0 : i32
    %dma_start3A_25 = tpu.memref_slice %arg3[%dma_start3A_24] : memref<22609920xf32, #tpu.memory_space<hbm>> -> memref<22609920xf32, #tpu.memory_space<hbm>>
    tpu.enqueue_indirect_dma source(%dma_start3A_25 : memref<22609920xf32, #tpu.memory_space<hbm>>) target(%dma_start3A_20 : memref<128xf32, #tpu.memory_space<vmem>>) offsets(%dma_start3A_23 : memref<128xi32, #tpu.memory_space<vmem>>) semaphore(%arg7 : memref<!tpu.dma_semaphore, #tpu.memory_space<semaphore_mem>>)
    %dma_start3A_26 = arith.constant 3 : i32
    %dma_start3A_27 = arith.constant 384 : i32
    %dma_start3A_28 = tpu.memref_slice %arg6[%dma_start3A_27] : memref<1024xf32, #tpu.memory_space<vmem>> -> memref<128xf32, #tpu.memory_space<vmem>>
    %dma_start3A_29 = arith.constant 0 : i32
    %dma_start3A_30 = tpu.memref_slice %arg5[%dma_start3A_26, %dma_start3A_29] : memref<8x128xi32, #tpu.memory_space<vmem>> -> memref<1x128xi32, #tpu.memory_space<vmem>>
    %dma_start3A_31 = tpu.memref_squeeze %dma_start3A_30 : memref<1x128xi32, #tpu.memory_space<vmem>> -> memref<128xi32, #tpu.memory_space<vmem>>
    %dma_start3A_32 = arith.constant 0 : i32
    %dma_start3A_33 = tpu.memref_slice %arg3[%dma_start3A_32] : memref<22609920xf32, #tpu.memory_space<hbm>> -> memref<22609920xf32, #tpu.memory_space<hbm>>
    tpu.enqueue_indirect_dma source(%dma_start3A_33 : memref<22609920xf32, #tpu.memory_space<hbm>>) target(%dma_start3A_28 : memref<128xf32, #tpu.memory_space<vmem>>) offsets(%dma_start3A_31 : memref<128xi32, #tpu.memory_space<vmem>>) semaphore(%arg7 : memref<!tpu.dma_semaphore, #tpu.memory_space<semaphore_mem>>)
    %dma_start3A_34 = arith.constant 4 : i32
    %dma_start3A_35 = arith.constant 512 : i32
    %dma_start3A_36 = tpu.memref_slice %arg6[%dma_start3A_35] : memref<1024xf32, #tpu.memory_space<vmem>> -> memref<128xf32, #tpu.memory_space<vmem>>
    %dma_start3A_37 = arith.constant 0 : i32
    %dma_start3A_38 = tpu.memref_slice %arg5[%dma_start3A_34, %dma_start3A_37] : memref<8x128xi32, #tpu.memory_space<vmem>> -> memref<1x128xi32, #tpu.memory_space<vmem>>
    %dma_start3A_39 = tpu.memref_squeeze %dma_start3A_38 : memref<1x128xi32, #tpu.memory_space<vmem>> -> memref<128xi32, #tpu.memory_space<vmem>>
    %dma_start3A_40 = arith.constant 0 : i32
    %dma_start3A_41 = tpu.memref_slice %arg3[%dma_start3A_40] : memref<22609920xf32, #tpu.memory_space<hbm>> -> memref<22609920xf32, #tpu.memory_space<hbm>>
    tpu.enqueue_indirect_dma source(%dma_start3A_41 : memref<22609920xf32, #tpu.memory_space<hbm>>) target(%dma_start3A_36 : memref<128xf32, #tpu.memory_space<vmem>>) offsets(%dma_start3A_39 : memref<128xi32, #tpu.memory_space<vmem>>) semaphore(%arg7 : memref<!tpu.dma_semaphore, #tpu.memory_space<semaphore_mem>>)
    %dma_start3A_42 = arith.constant 5 : i32
    %dma_start3A_43 = arith.constant 640 : i32
    %dma_start3A_44 = tpu.memref_slice %arg6[%dma_start3A_43] : memref<1024xf32, #tpu.memory_space<vmem>> -> memref<128xf32, #tpu.memory_space<vmem>>
    %dma_start3A_45 = arith.constant 0 : i32
    %dma_start3A_46 = tpu.memref_slice %arg5[%dma_start3A_42, %dma_start3A_45] : memref<8x128xi32, #tpu.memory_space<vmem>> -> memref<1x128xi32, #tpu.memory_space<vmem>>
    %dma_start3A_47 = tpu.memref_squeeze %dma_start3A_46 : memref<1x128xi32, #tpu.memory_space<vmem>> -> memref<128xi32, #tpu.memory_space<vmem>>
    %dma_start3A_48 = arith.constant 0 : i32
    %dma_start3A_49 = tpu.memref_slice %arg3[%dma_start3A_48] : memref<22609920xf32, #tpu.memory_space<hbm>> -> memref<22609920xf32, #tpu.memory_space<hbm>>
    tpu.enqueue_indirect_dma source(%dma_start3A_49 : memref<22609920xf32, #tpu.memory_space<hbm>>) target(%dma_start3A_44 : memref<128xf32, #tpu.memory_space<vmem>>) offsets(%dma_start3A_47 : memref<128xi32, #tpu.memory_space<vmem>>) semaphore(%arg7 : memref<!tpu.dma_semaphore, #tpu.memory_space<semaphore_mem>>)
    %dma_start3A_50 = arith.constant 6 : i32
    %dma_start3A_51 = arith.constant 768 : i32
    %dma_start3A_52 = tpu.memref_slice %arg6[%dma_start3A_51] : memref<1024xf32, #tpu.memory_space<vmem>> -> memref<128xf32, #tpu.memory_space<vmem>>
    %dma_start3A_53 = arith.constant 0 : i32
    %dma_start3A_54 = tpu.memref_slice %arg5[%dma_start3A_50, %dma_start3A_53] : memref<8x128xi32, #tpu.memory_space<vmem>> -> memref<1x128xi32, #tpu.memory_space<vmem>>
    %dma_start3A_55 = tpu.memref_squeeze %dma_start3A_54 : memref<1x128xi32, #tpu.memory_space<vmem>> -> memref<128xi32, #tpu.memory_space<vmem>>
    %dma_start3A_56 = arith.constant 0 : i32
    %dma_start3A_57 = tpu.memref_slice %arg3[%dma_start3A_56] : memref<22609920xf32, #tpu.memory_space<hbm>> -> memref<22609920xf32, #tpu.memory_space<hbm>>
    tpu.enqueue_indirect_dma source(%dma_start3A_57 : memref<22609920xf32, #tpu.memory_space<hbm>>) target(%dma_start3A_52 : memref<128xf32, #tpu.memory_space<vmem>>) offsets(%dma_start3A_55 : memref<128xi32, #tpu.memory_space<vmem>>) semaphore(%arg7 : memref<!tpu.dma_semaphore, #tpu.memory_space<semaphore_mem>>)
    %dma_start3A_58 = arith.constant 7 : i32
    %dma_start3A_59 = arith.constant 896 : i32
    %dma_start3A_60 = tpu.memref_slice %arg6[%dma_start3A_59] : memref<1024xf32, #tpu.memory_space<vmem>> -> memref<128xf32, #tpu.memory_space<vmem>>
    %dma_start3A_61 = arith.constant 0 : i32
    %dma_start3A_62 = tpu.memref_slice %arg5[%dma_start3A_58, %dma_start3A_61] : memref<8x128xi32, #tpu.memory_space<vmem>> -> memref<1x128xi32, #tpu.memory_space<vmem>>
    %dma_start3A_63 = tpu.memref_squeeze %dma_start3A_62 : memref<1x128xi32, #tpu.memory_space<vmem>> -> memref<128xi32, #tpu.memory_space<vmem>>
    %dma_start3A_64 = arith.constant 0 : i32
    %dma_start3A_65 = tpu.memref_slice %arg3[%dma_start3A_64] : memref<22609920xf32, #tpu.memory_space<hbm>> -> memref<22609920xf32, #tpu.memory_space<hbm>>
    tpu.enqueue_indirect_dma source(%dma_start3A_65 : memref<22609920xf32, #tpu.memory_space<hbm>>) target(%dma_start3A_60 : memref<128xf32, #tpu.memory_space<vmem>>) offsets(%dma_start3A_63 : memref<128xi32, #tpu.memory_space<vmem>>) semaphore(%arg7 : memref<!tpu.dma_semaphore, #tpu.memory_space<semaphore_mem>>)
    %dma_wait3A = arith.constant 0 : i32
    %dma_wait3A_66 = arith.constant 0 : i32
    %dma_wait3A_67 = tpu.memref_slice %arg6[%dma_wait3A_66] : memref<1024xf32, #tpu.memory_space<vmem>> -> memref<128xf32, #tpu.memory_space<vmem>>
    %dma_wait3A_68 = arith.constant 0 : i32
    %dma_wait3A_69 = tpu.memref_slice %arg5[%dma_wait3A, %dma_wait3A_68] : memref<8x128xi32, #tpu.memory_space<vmem>> -> memref<1x128xi32, #tpu.memory_space<vmem>>
    %dma_wait3A_70 = tpu.memref_squeeze %dma_wait3A_69 : memref<1x128xi32, #tpu.memory_space<vmem>> -> memref<128xi32, #tpu.memory_space<vmem>>
    %dma_wait3A_71 = arith.constant 0 : i32
    %dma_wait3A_72 = tpu.memref_slice %arg3[%dma_wait3A_71] : memref<22609920xf32, #tpu.memory_space<hbm>> -> memref<22609920xf32, #tpu.memory_space<hbm>>
    tpu.wait_indirect_dma semaphore(%arg7 : memref<!tpu.dma_semaphore, #tpu.memory_space<semaphore_mem>>) src(%dma_wait3A_72 : memref<22609920xf32, #tpu.memory_space<hbm>>) dst(%dma_wait3A_67 : memref<128xf32, #tpu.memory_space<vmem>>)
    %dma_wait3A_73 = arith.constant 1 : i32
    %dma_wait3A_74 = arith.constant 128 : i32
    %dma_wait3A_75 = tpu.memref_slice %arg6[%dma_wait3A_74] : memref<1024xf32, #tpu.memory_space<vmem>> -> memref<128xf32, #tpu.memory_space<vmem>>
    %dma_wait3A_76 = arith.constant 0 : i32
    %dma_wait3A_77 = tpu.memref_slice %arg5[%dma_wait3A_73, %dma_wait3A_76] : memref<8x128xi32, #tpu.memory_space<vmem>> -> memref<1x128xi32, #tpu.memory_space<vmem>>
    %dma_wait3A_78 = tpu.memref_squeeze %dma_wait3A_77 : memref<1x128xi32, #tpu.memory_space<vmem>> -> memref<128xi32, #tpu.memory_space<vmem>>
    %dma_wait3A_79 = arith.constant 0 : i32
    %dma_wait3A_80 = tpu.memref_slice %arg3[%dma_wait3A_79] : memref<22609920xf32, #tpu.memory_space<hbm>> -> memref<22609920xf32, #tpu.memory_space<hbm>>
    tpu.wait_indirect_dma semaphore(%arg7 : memref<!tpu.dma_semaphore, #tpu.memory_space<semaphore_mem>>) src(%dma_wait3A_80 : memref<22609920xf32, #tpu.memory_space<hbm>>) dst(%dma_wait3A_75 : memref<128xf32, #tpu.memory_space<vmem>>)
    %dma_wait3A_81 = arith.constant 2 : i32
    %dma_wait3A_82 = arith.constant 256 : i32
    %dma_wait3A_83 = tpu.memref_slice %arg6[%dma_wait3A_82] : memref<1024xf32, #tpu.memory_space<vmem>> -> memref<128xf32, #tpu.memory_space<vmem>>
    %dma_wait3A_84 = arith.constant 0 : i32
    %dma_wait3A_85 = tpu.memref_slice %arg5[%dma_wait3A_81, %dma_wait3A_84] : memref<8x128xi32, #tpu.memory_space<vmem>> -> memref<1x128xi32, #tpu.memory_space<vmem>>
    %dma_wait3A_86 = tpu.memref_squeeze %dma_wait3A_85 : memref<1x128xi32, #tpu.memory_space<vmem>> -> memref<128xi32, #tpu.memory_space<vmem>>
    %dma_wait3A_87 = arith.constant 0 : i32
    %dma_wait3A_88 = tpu.memref_slice %arg3[%dma_wait3A_87] : memref<22609920xf32, #tpu.memory_space<hbm>> -> memref<22609920xf32, #tpu.memory_space<hbm>>
    tpu.wait_indirect_dma semaphore(%arg7 : memref<!tpu.dma_semaphore, #tpu.memory_space<semaphore_mem>>) src(%dma_wait3A_88 : memref<22609920xf32, #tpu.memory_space<hbm>>) dst(%dma_wait3A_83 : memref<128xf32, #tpu.memory_space<vmem>>)
    %dma_wait3A_89 = arith.constant 3 : i32
    %dma_wait3A_90 = arith.constant 384 : i32
    %dma_wait3A_91 = tpu.memref_slice %arg6[%dma_wait3A_90] : memref<1024xf32, #tpu.memory_space<vmem>> -> memref<128xf32, #tpu.memory_space<vmem>>
    %dma_wait3A_92 = arith.constant 0 : i32
    %dma_wait3A_93 = tpu.memref_slice %arg5[%dma_wait3A_89, %dma_wait3A_92] : memref<8x128xi32, #tpu.memory_space<vmem>> -> memref<1x128xi32, #tpu.memory_space<vmem>>
    %dma_wait3A_94 = tpu.memref_squeeze %dma_wait3A_93 : memref<1x128xi32, #tpu.memory_space<vmem>> -> memref<128xi32, #tpu.memory_space<vmem>>
    %dma_wait3A_95 = arith.constant 0 : i32
    %dma_wait3A_96 = tpu.memref_slice %arg3[%dma_wait3A_95] : memref<22609920xf32, #tpu.memory_space<hbm>> -> memref<22609920xf32, #tpu.memory_space<hbm>>
    tpu.wait_indirect_dma semaphore(%arg7 : memref<!tpu.dma_semaphore, #tpu.memory_space<semaphore_mem>>) src(%dma_wait3A_96 : memref<22609920xf32, #tpu.memory_space<hbm>>) dst(%dma_wait3A_91 : memref<128xf32, #tpu.memory_space<vmem>>)
    %dma_wait3A_97 = arith.constant 4 : i32
    %dma_wait3A_98 = arith.constant 512 : i32
    %dma_wait3A_99 = tpu.memref_slice %arg6[%dma_wait3A_98] : memref<1024xf32, #tpu.memory_space<vmem>> -> memref<128xf32, #tpu.memory_space<vmem>>
    %dma_wait3A_100 = arith.constant 0 : i32
    %dma_wait3A_101 = tpu.memref_slice %arg5[%dma_wait3A_97, %dma_wait3A_100] : memref<8x128xi32, #tpu.memory_space<vmem>> -> memref<1x128xi32, #tpu.memory_space<vmem>>
    %dma_wait3A_102 = tpu.memref_squeeze %dma_wait3A_101 : memref<1x128xi32, #tpu.memory_space<vmem>> -> memref<128xi32, #tpu.memory_space<vmem>>
    %dma_wait3A_103 = arith.constant 0 : i32
    %dma_wait3A_104 = tpu.memref_slice %arg3[%dma_wait3A_103] : memref<22609920xf32, #tpu.memory_space<hbm>> -> memref<22609920xf32, #tpu.memory_space<hbm>>
    tpu.wait_indirect_dma semaphore(%arg7 : memref<!tpu.dma_semaphore, #tpu.memory_space<semaphore_mem>>) src(%dma_wait3A_104 : memref<22609920xf32, #tpu.memory_space<hbm>>) dst(%dma_wait3A_99 : memref<128xf32, #tpu.memory_space<vmem>>)
    %dma_wait3A_105 = arith.constant 5 : i32
    %dma_wait3A_106 = arith.constant 640 : i32
    %dma_wait3A_107 = tpu.memref_slice %arg6[%dma_wait3A_106] : memref<1024xf32, #tpu.memory_space<vmem>> -> memref<128xf32, #tpu.memory_space<vmem>>
    %dma_wait3A_108 = arith.constant 0 : i32
    %dma_wait3A_109 = tpu.memref_slice %arg5[%dma_wait3A_105, %dma_wait3A_108] : memref<8x128xi32, #tpu.memory_space<vmem>> -> memref<1x128xi32, #tpu.memory_space<vmem>>
    %dma_wait3A_110 = tpu.memref_squeeze %dma_wait3A_109 : memref<1x128xi32, #tpu.memory_space<vmem>> -> memref<128xi32, #tpu.memory_space<vmem>>
    %dma_wait3A_111 = arith.constant 0 : i32
    %dma_wait3A_112 = tpu.memref_slice %arg3[%dma_wait3A_111] : memref<22609920xf32, #tpu.memory_space<hbm>> -> memref<22609920xf32, #tpu.memory_space<hbm>>
    tpu.wait_indirect_dma semaphore(%arg7 : memref<!tpu.dma_semaphore, #tpu.memory_space<semaphore_mem>>) src(%dma_wait3A_112 : memref<22609920xf32, #tpu.memory_space<hbm>>) dst(%dma_wait3A_107 : memref<128xf32, #tpu.memory_space<vmem>>)
    %dma_wait3A_113 = arith.constant 6 : i32
    %dma_wait3A_114 = arith.constant 768 : i32
    %dma_wait3A_115 = tpu.memref_slice %arg6[%dma_wait3A_114] : memref<1024xf32, #tpu.memory_space<vmem>> -> memref<128xf32, #tpu.memory_space<vmem>>
    %dma_wait3A_116 = arith.constant 0 : i32
    %dma_wait3A_117 = tpu.memref_slice %arg5[%dma_wait3A_113, %dma_wait3A_116] : memref<8x128xi32, #tpu.memory_space<vmem>> -> memref<1x128xi32, #tpu.memory_space<vmem>>
    %dma_wait3A_118 = tpu.memref_squeeze %dma_wait3A_117 : memref<1x128xi32, #tpu.memory_space<vmem>> -> memref<128xi32, #tpu.memory_space<vmem>>
    %dma_wait3A_119 = arith.constant 0 : i32
    %dma_wait3A_120 = tpu.memref_slice %arg3[%dma_wait3A_119] : memref<22609920xf32, #tpu.memory_space<hbm>> -> memref<22609920xf32, #tpu.memory_space<hbm>>
    tpu.wait_indirect_dma semaphore(%arg7 : memref<!tpu.dma_semaphore, #tpu.memory_space<semaphore_mem>>) src(%dma_wait3A_120 : memref<22609920xf32, #tpu.memory_space<hbm>>) dst(%dma_wait3A_115 : memref<128xf32, #tpu.memory_space<vmem>>)
    %dma_wait3A_121 = arith.constant 7 : i32
    %dma_wait3A_122 = arith.constant 896 : i32
    %dma_wait3A_123 = tpu.memref_slice %arg6[%dma_wait3A_122] : memref<1024xf32, #tpu.memory_space<vmem>> -> memref<128xf32, #tpu.memory_space<vmem>>
    %dma_wait3A_124 = arith.constant 0 : i32
    %dma_wait3A_125 = tpu.memref_slice %arg5[%dma_wait3A_121, %dma_wait3A_124] : memref<8x128xi32, #tpu.memory_space<vmem>> -> memref<1x128xi32, #tpu.memory_space<vmem>>
    %dma_wait3A_126 = tpu.memref_squeeze %dma_wait3A_125 : memref<1x128xi32, #tpu.memory_space<vmem>> -> memref<128xi32, #tpu.memory_space<vmem>>
    %dma_wait3A_127 = arith.constant 0 : i32
    %dma_wait3A_128 = tpu.memref_slice %arg3[%dma_wait3A_127] : memref<22609920xf32, #tpu.memory_space<hbm>> -> memref<22609920xf32, #tpu.memory_space<hbm>>
    tpu.wait_indirect_dma semaphore(%arg7 : memref<!tpu.dma_semaphore, #tpu.memory_space<semaphore_mem>>) src(%dma_wait3A_128 : memref<22609920xf32, #tpu.memory_space<hbm>>) dst(%dma_wait3A_123 : memref<128xf32, #tpu.memory_space<vmem>>)
    %mul3A_129 = arith.constant 1024 : i32
    %mul3A_130 = arith.muli %add3A, %mul3A_129 : i32
    "tpu.region"() ({
      %run_scoped3A = tpu.sem_alloc : memref<!tpu.dma_semaphore, #tpu.memory_space<semaphore_mem>>
      %dma_start3A_131 = tpu.memref_slice %arg4[%mul3A_130] : memref<32768xf32, #tpu.memory_space<hbm>> -> memref<1024xf32, #tpu.memory_space<hbm>>
      %dma_start3A_132 = tpu.memref_slice %arg4[%mul3A_130] : memref<32768xf32, #tpu.memory_space<hbm>> -> memref<1024xf32, #tpu.memory_space<hbm>>
      tpu.enqueue_dma source(%arg6 : memref<1024xf32, #tpu.memory_space<vmem>>) target(%dma_start3A_132 : memref<1024xf32, #tpu.memory_space<hbm>>) target_semaphore(%run_scoped3A : memref<!tpu.dma_semaphore, #tpu.memory_space<semaphore_mem>>)
      %dma_wait3A_133 = tpu.memref_slice %arg4[%mul3A_130] : memref<32768xf32, #tpu.memory_space<hbm>> -> memref<1024xf32, #tpu.memory_space<hbm>>
      %dma_wait3A_134 = tpu.memref_slice %arg4[%mul3A_130] : memref<32768xf32, #tpu.memory_space<hbm>> -> memref<1024xf32, #tpu.memory_space<hbm>>
      tpu.wait_dma2 semaphore(%run_scoped3A : memref<!tpu.dma_semaphore, #tpu.memory_space<semaphore_mem>>) src(%arg6 : memref<1024xf32, #tpu.memory_space<vmem>>) dst(%dma_wait3A_134 : memref<1024xf32, #tpu.memory_space<hbm>>)
      tpu.yield
    }) : () -> ()
    return
  }
}

module attributes {stable_mosaic.version = 14 : i64} {
  func.func @_topk_body(%arg0: i32, %arg1: memref<1x3x96x320xf32, #tpu.memory_space<vmem>>, %arg2: memref<16x1x64xf32, #tpu.memory_space<vmem>>, %arg3: memref<16x1x64xi32, #tpu.memory_space<vmem>>, %arg4: memref<16x64x32xi32, #tpu.memory_space<vmem>>, %arg5: memref<16x32x128xf32, #tpu.memory_space<vmem>>, %arg6: memref<16x32x128xi32, #tpu.memory_space<vmem>>, %arg7: memref<16x288x320xf32, #tpu.memory_space<vmem>>) attributes {dimension_semantics = [#tpu.dimension_semantics<arbitrary>], iteration_bounds = array<i64: 17>, scalar_prefetch = 0 : i64, scratch_operands = 3 : i64, tpu.core_type = #tpu.core_type<tc>, window_params = [{transform_indices = @transform_0, window_bounds = array<i64: 1, 3, 96, 320>}, {pipeline_mode = #tpu.pipeline_mode<synchronous>, transform_indices = @transform_1, window_bounds = array<i64: 16, 1, 64>}, {pipeline_mode = #tpu.pipeline_mode<synchronous>, transform_indices = @transform_2, window_bounds = array<i64: 16, 1, 64>}, {pipeline_mode = #tpu.pipeline_mode<synchronous>, transform_indices = @transform_3, window_bounds = array<i64: 16, 64, 32>}]} {
    %lt3A = arith.constant 16 : i32
    %lt3A_0 = arith.cmpi slt, %arg0, %lt3A : i32
    %convert_element_type3A = arith.extui %lt3A_0 : i1 to i32
    %cond3A = arith.constant 0 : i32
    %cond3A_1 = arith.cmpi ne, %convert_element_type3A, %cond3A : i32
    scf.if %cond3A_1 {
      %get3A = arith.constant 0 : index
      %get3A_6 = arith.constant 0 : index
      %get3A_7 = arith.constant 0 : index
      %get3A_8 = arith.constant 0 : index
      %get3A_9 = vector.load %arg1[%get3A, %get3A_6, %get3A_7, %get3A_8] : memref<1x3x96x320xf32, #tpu.memory_space<vmem>>, vector<1x3x96x320xf32>
      %get3A_10 = vector.shape_cast %get3A_9 : vector<1x3x96x320xf32> to vector<3x96x320xf32>
      %logistic3A = arith.negf %get3A_10 : vector<3x96x320xf32>
      %logistic3A_11 = math.exp %logistic3A : vector<3x96x320xf32>
      %logistic3A_12 = arith.constant 1.000000e+00 : f32
      %logistic3A_13 = vector.broadcast %logistic3A_12 : f32 to vector<3x96x320xf32>
      %logistic3A_14 = arith.addf %logistic3A_13, %logistic3A_11 : vector<3x96x320xf32>
      %logistic3A_15 = arith.divf %logistic3A_13, %logistic3A_14 : vector<3x96x320xf32>
      %broadcast_in_dim3A = arith.constant -1.000000e+30 : f32
      %broadcast_in_dim3A_16 = vector.broadcast %broadcast_in_dim3A : f32 to vector<3x1x320xf32>
      %slice3A = vector.extract_strided_slice %logistic3A_15 {offsets = [0, 1, 0], sizes = [3, 95, 320], strides = [1, 1, 1]} : vector<3x96x320xf32> to vector<3x95x320xf32>
      %concatenate3A = tpu.concatenate %slice3A, %broadcast_in_dim3A_16 in 1 : vector<3x95x320xf32>, vector<3x1x320xf32> -> vector<3x96x320xf32>
      %slice3A_17 = vector.extract_strided_slice %logistic3A_15 {offsets = [0, 0, 0], sizes = [3, 95, 320], strides = [1, 1, 1]} : vector<3x96x320xf32> to vector<3x95x320xf32>
      %concatenate3A_18 = tpu.concatenate %broadcast_in_dim3A_16, %slice3A_17 in 1 : vector<3x1x320xf32>, vector<3x95x320xf32> -> vector<3x96x320xf32>
      %max3A = arith.maximumf %concatenate3A, %concatenate3A_18 : vector<3x96x320xf32>
      %max3A_19 = arith.maximumf %max3A, %logistic3A_15 : vector<3x96x320xf32>
      %broadcast_in_dim3A_20 = arith.constant -1.000000e+30 : f32
      %broadcast_in_dim3A_21 = vector.broadcast %broadcast_in_dim3A_20 : f32 to vector<3x96x1xf32>
      %slice3A_22 = vector.extract_strided_slice %max3A_19 {offsets = [0, 0, 1], sizes = [3, 96, 319], strides = [1, 1, 1]} : vector<3x96x320xf32> to vector<3x96x319xf32>
      %concatenate3A_23 = tpu.concatenate %slice3A_22, %broadcast_in_dim3A_21 in 2 : vector<3x96x319xf32>, vector<3x96x1xf32> -> vector<3x96x320xf32>
      %slice3A_24 = vector.extract_strided_slice %max3A_19 {offsets = [0, 0, 0], sizes = [3, 96, 319], strides = [1, 1, 1]} : vector<3x96x320xf32> to vector<3x96x319xf32>
      %concatenate3A_25 = tpu.concatenate %broadcast_in_dim3A_21, %slice3A_24 in 2 : vector<3x96x1xf32>, vector<3x96x319xf32> -> vector<3x96x320xf32>
      %max3A_26 = arith.maximumf %concatenate3A_23, %concatenate3A_25 : vector<3x96x320xf32>
      %max3A_27 = arith.maximumf %max3A_26, %max3A_19 : vector<3x96x320xf32>
      %eq3A_28 = arith.cmpf oeq, %max3A_27, %logistic3A_15 : vector<3x96x320xf32>
      %jit3A = arith.constant -1.000000e+00 : f32
      %broadcast_in_dim3A_29 = vector.broadcast %jit3A : f32 to vector<3x96x320xf32>
      %select_n3A = arith.select %eq3A_28, %logistic3A_15, %broadcast_in_dim3A_29 : vector<3x96x320xi1>, vector<3x96x320xf32>
      %reshape3A = vector.shape_cast %select_n3A : vector<3x96x320xf32> to vector<288x320xf32>
      %swap3A = arith.index_cast %arg0 : i32 to index
      %swap3A_30 = arith.constant 0 : index
      %swap3A_31 = arith.constant 0 : index
      %swap3A_32 = vector.load %arg7[%swap3A, %swap3A_30, %swap3A_31] : memref<16x288x320xf32, #tpu.memory_space<vmem>>, vector<1x288x320xf32>
      %swap3A_33 = vector.shape_cast %swap3A_32 : vector<1x288x320xf32> to vector<288x320xf32>
      %swap3A_34 = vector.shape_cast %reshape3A : vector<288x320xf32> to vector<1x288x320xf32>
      tpu.vector_store %arg7[%swap3A, %swap3A_30, %swap3A_31], %swap3A_34 {strides = array<i32>} : memref<16x288x320xf32, #tpu.memory_space<vmem>>, vector<1x288x320xf32>,
      %broadcast_in_dim3A_35 = arith.constant -3.000000e+00 : f32
      %broadcast_in_dim3A_36 = vector.broadcast %broadcast_in_dim3A_35 : f32 to vector<288x64xf32>
      %concatenate3A_37 = tpu.concatenate %reshape3A, %broadcast_in_dim3A_36 in 1 : vector<288x320xf32>, vector<288x64xf32> -> vector<288x384xf32>
      %iota3A = tpu.iota {dimensions = array<i32: 0>} : vector<8x128xi32>
      %mul3A = arith.constant 320 : i32
      %mul3A_38 = vector.broadcast %mul3A : i32 to vector<8x128xi32>
      %mul3A_39 = arith.muli %iota3A, %mul3A_38 : vector<8x128xi32>
      %iota3A_40 = tpu.iota {dimensions = array<i32: 1>} : vector<8x128xi32>
      %add3A = arith.addi %mul3A_39, %iota3A_40 : vector<8x128xi32>
      %broadcast_in_dim3A_41 = arith.constant -3.000000e+00 : f32
      %broadcast_in_dim3A_42 = vector.broadcast %broadcast_in_dim3A_41 : f32 to vector<8x128xf32>
      %broadcast_in_dim3A_43 = arith.constant -3.000000e+00 : f32
      %broadcast_in_dim3A_44 = vector.broadcast %broadcast_in_dim3A_43 : f32 to vector<8x128xf32>
      %broadcast_in_dim3A_45 = arith.constant -3.000000e+00 : f32
      %broadcast_in_dim3A_46 = vector.broadcast %broadcast_in_dim3A_45 : f32 to vector<8x128xf32>
      %broadcast_in_dim3A_47 = arith.constant -3.000000e+00 : f32
      %broadcast_in_dim3A_48 = vector.broadcast %broadcast_in_dim3A_47 : f32 to vector<8x128xf32>
      %broadcast_in_dim3A_49 = arith.constant 0 : i32
      %broadcast_in_dim3A_50 = vector.broadcast %broadcast_in_dim3A_49 : i32 to vector<8x128xi32>
      %broadcast_in_dim3A_51 = arith.constant 0 : i32
      %broadcast_in_dim3A_52 = vector.broadcast %broadcast_in_dim3A_51 : i32 to vector<8x128xi32>
      %broadcast_in_dim3A_53 = arith.constant 0 : i32
      %broadcast_in_dim3A_54 = vector.broadcast %broadcast_in_dim3A_53 : i32 to vector<8x128xi32>
      %broadcast_in_dim3A_55 = arith.constant 0 : i32
      %broadcast_in_dim3A_56 = vector.broadcast %broadcast_in_dim3A_55 : i32 to vector<8x128xi32>
      %slice3A_57 = vector.extract_strided_slice %concatenate3A_37 {offsets = [0, 0], sizes = [8, 128], strides = [1, 1]} : vector<288x384xf32> to vector<8x128xf32>
      %add3A_58 = arith.constant 0 : i32
      %add3A_59 = vector.broadcast %add3A_58 : i32 to vector<8x128xi32>
      %add3A_60 = arith.addi %add3A, %add3A_59 : vector<8x128xi32>
      %gt3A = arith.cmpf ogt, %slice3A_57, %broadcast_in_dim3A_42 : vector<8x128xf32>
      %select_n3A_61 = arith.select %gt3A, %slice3A_57, %broadcast_in_dim3A_42 : vector<8x128xi1>, vector<8x128xf32>
      %select_n3A_62 = arith.select %gt3A, %broadcast_in_dim3A_42, %slice3A_57 : vector<8x128xi1>, vector<8x128xf32>
      %select_n3A_63 = arith.select %gt3A, %add3A_60, %broadcast_in_dim3A_50 : vector<8x128xi1>, vector<8x128xi32>
      %select_n3A_64 = arith.select %gt3A, %broadcast_in_dim3A_50, %add3A_60 : vector<8x128xi1>, vector<8x128xi32>
      %gt3A_65 = arith.cmpf ogt, %select_n3A_62, %broadcast_in_dim3A_44 : vector<8x128xf32>
      %select_n3A_66 = arith.select %gt3A_65, %select_n3A_62, %broadcast_in_dim3A_44 : vector<8x128xi1>, vector<8x128xf32>
      %select_n3A_67 = arith.select %gt3A_65, %broadcast_in_dim3A_44, %select_n3A_62 : vector<8x128xi1>, vector<8x128xf32>
      %select_n3A_68 = arith.select %gt3A_65, %select_n3A_64, %broadcast_in_dim3A_52 : vector<8x128xi1>, vector<8x128xi32>
      %select_n3A_69 = arith.select %gt3A_65, %broadcast_in_dim3A_52, %select_n3A_64 : vector<8x128xi1>, vector<8x128xi32>
      %gt3A_70 = arith.cmpf ogt, %select_n3A_67, %broadcast_in_dim3A_46 : vector<8x128xf32>
      %select_n3A_71 = arith.select %gt3A_70, %select_n3A_67, %broadcast_in_dim3A_46 : vector<8x128xi1>, vector<8x128xf32>
      %select_n3A_72 = arith.select %gt3A_70, %broadcast_in_dim3A_46, %select_n3A_67 : vector<8x128xi1>, vector<8x128xf32>
      %select_n3A_73 = arith.select %gt3A_70, %select_n3A_69, %broadcast_in_dim3A_54 : vector<8x128xi1>, vector<8x128xi32>
      %select_n3A_74 = arith.select %gt3A_70, %broadcast_in_dim3A_54, %select_n3A_69 : vector<8x128xi1>, vector<8x128xi32>
      %gt3A_75 = arith.cmpf ogt, %select_n3A_72, %broadcast_in_dim3A_48 : vector<8x128xf32>
      %select_n3A_76 = arith.select %gt3A_75, %select_n3A_72, %broadcast_in_dim3A_48 : vector<8x128xi1>, vector<8x128xf32>
      %select_n3A_77 = arith.select %gt3A_75, %select_n3A_74, %broadcast_in_dim3A_56 : vector<8x128xi1>, vector<8x128xi32>
      %slice3A_78 = vector.extract_strided_slice %concatenate3A_37 {offsets = [0, 128], sizes = [8, 128], strides = [1, 1]} : vector<288x384xf32> to vector<8x128xf32>
      %add3A_79 = arith.constant 128 : i32
      %add3A_80 = vector.broadcast %add3A_79 : i32 to vector<8x128xi32>
      %add3A_81 = arith.addi %add3A, %add3A_80 : vector<8x128xi32>
      %gt3A_82 = arith.cmpf ogt, %slice3A_78, %select_n3A_61 : vector<8x128xf32>
      %select_n3A_83 = arith.select %gt3A_82, %slice3A_78, %select_n3A_61 : vector<8x128xi1>, vector<8x128xf32>
      %select_n3A_84 = arith.select %gt3A_82, %select_n3A_61, %slice3A_78 : vector<8x128xi1>, vector<8x128xf32>
      %select_n3A_85 = arith.select %gt3A_82, %add3A_81, %select_n3A_63 : vector<8x128xi1>, vector<8x128xi32>
      %select_n3A_86 = arith.select %gt3A_82, %select_n3A_63, %add3A_81 : vector<8x128xi1>, vector<8x128xi32>
      %gt3A_87 = arith.cmpf ogt, %select_n3A_84, %select_n3A_66 : vector<8x128xf32>
      %select_n3A_88 = arith.select %gt3A_87, %select_n3A_84, %select_n3A_66 : vector<8x128xi1>, vector<8x128xf32>
      %select_n3A_89 = arith.select %gt3A_87, %select_n3A_66, %select_n3A_84 : vector<8x128xi1>, vector<8x128xf32>
      %select_n3A_90 = arith.select %gt3A_87, %select_n3A_86, %select_n3A_68 : vector<8x128xi1>, vector<8x128xi32>
      %select_n3A_91 = arith.select %gt3A_87, %select_n3A_68, %select_n3A_86 : vector<8x128xi1>, vector<8x128xi32>
      %gt3A_92 = arith.cmpf ogt, %select_n3A_89, %select_n3A_71 : vector<8x128xf32>
      %select_n3A_93 = arith.select %gt3A_92, %select_n3A_89, %select_n3A_71 : vector<8x128xi1>, vector<8x128xf32>
      %select_n3A_94 = arith.select %gt3A_92, %select_n3A_71, %select_n3A_89 : vector<8x128xi1>, vector<8x128xf32>
      %select_n3A_95 = arith.select %gt3A_92, %select_n3A_91, %select_n3A_73 : vector<8x128xi1>, vector<8x128xi32>
      %select_n3A_96 = arith.select %gt3A_92, %select_n3A_73, %select_n3A_91 : vector<8x128xi1>, vector<8x128xi32>
      %gt3A_97 = arith.cmpf ogt, %select_n3A_94, %select_n3A_76 : vector<8x128xf32>
      %select_n3A_98 = arith.select %gt3A_97, %select_n3A_94, %select_n3A_76 : vector<8x128xi1>, vector<8x128xf32>
      %select_n3A_99 = arith.select %gt3A_97, %select_n3A_96, %select_n3A_77 : vector<8x128xi1>, vector<8x128xi32>
      %slice3A_100 = vector.extract_strided_slice %concatenate3A_37 {offsets = [0, 256], sizes = [8, 128], strides = [1, 1]} : vector<288x384xf32> to vector<8x128xf32>
      %add3A_101 = arith.constant 256 : i32
      %add3A_102 = vector.broadcast %add3A_101 : i32 to vector<8x128xi32>
      %add3A_103 = arith.addi %add3A, %add3A_102 : vector<8x128xi32>
      %gt3A_104 = arith.cmpf ogt, %slice3A_100, %select_n3A_83 : vector<8x128xf32>
      %select_n3A_105 = arith.select %gt3A_104, %slice3A_100, %select_n3A_83 : vector<8x128xi1>, vector<8x128xf32>
      %select_n3A_106 = arith.select %gt3A_104, %select_n3A_83, %slice3A_100 : vector<8x128xi1>, vector<8x128xf32>
      %select_n3A_107 = arith.select %gt3A_104, %add3A_103, %select_n3A_85 : vector<8x128xi1>, vector<8x128xi32>
      %select_n3A_108 = arith.select %gt3A_104, %select_n3A_85, %add3A_103 : vector<8x128xi1>, vector<8x128xi32>
      %gt3A_109 = arith.cmpf ogt, %select_n3A_106, %select_n3A_88 : vector<8x128xf32>
      %select_n3A_110 = arith.select %gt3A_109, %select_n3A_106, %select_n3A_88 : vector<8x128xi1>, vector<8x128xf32>
      %select_n3A_111 = arith.select %gt3A_109, %select_n3A_88, %select_n3A_106 : vector<8x128xi1>, vector<8x128xf32>
      %select_n3A_112 = arith.select %gt3A_109, %select_n3A_108, %select_n3A_90 : vector<8x128xi1>, vector<8x128xi32>
      %select_n3A_113 = arith.select %gt3A_109, %select_n3A_90, %select_n3A_108 : vector<8x128xi1>, vector<8x128xi32>
      %gt3A_114 = arith.cmpf ogt, %select_n3A_111, %select_n3A_93 : vector<8x128xf32>
      %select_n3A_115 = arith.select %gt3A_114, %select_n3A_111, %select_n3A_93 : vector<8x128xi1>, vector<8x128xf32>
      %select_n3A_116 = arith.select %gt3A_114, %select_n3A_93, %select_n3A_111 : vector<8x128xi1>, vector<8x128xf32>
      %select_n3A_117 = arith.select %gt3A_114, %select_n3A_113, %select_n3A_95 : vector<8x128xi1>, vector<8x128xi32>
      %select_n3A_118 = arith.select %gt3A_114, %select_n3A_95, %select_n3A_113 : vector<8x128xi1>, vector<8x128xi32>
      %gt3A_119 = arith.cmpf ogt, %select_n3A_116, %select_n3A_98 : vector<8x128xf32>
      %select_n3A_120 = arith.select %gt3A_119, %select_n3A_116, %select_n3A_98 : vector<8x128xi1>, vector<8x128xf32>
      %select_n3A_121 = arith.select %gt3A_119, %select_n3A_118, %select_n3A_99 : vector<8x128xi1>, vector<8x128xi32>
      %slice3A_122 = vector.extract_strided_slice %concatenate3A_37 {offsets = [8, 0], sizes = [8, 128], strides = [1, 1]} : vector<288x384xf32> to vector<8x128xf32>
      %add3A_123 = arith.constant 2560 : i32
      %add3A_124 = vector.broadcast %add3A_123 : i32 to vector<8x128xi32>
      %add3A_125 = arith.addi %add3A, %add3A_124 : vector<8x128xi32>
      %gt3A_126 = arith.cmpf ogt, %slice3A_122, %select_n3A_105 : vector<8x128xf32>
      %select_n3A_127 = arith.select %gt3A_126, %slice3A_122, %select_n3A_105 : vector<8x128xi1>, vector<8x128xf32>
      %select_n3A_128 = arith.select %gt3A_126, %select_n3A_105, %slice3A_122 : vector<8x128xi1>, vector<8x128xf32>
      %select_n3A_129 = arith.select %gt3A_126, %add3A_125, %select_n3A_107 : vector<8x128xi1>, vector<8x128xi32>
      %select_n3A_130 = arith.select %gt3A_126, %select_n3A_107, %add3A_125 : vector<8x128xi1>, vector<8x128xi32>
      %gt3A_131 = arith.cmpf ogt, %select_n3A_128, %select_n3A_110 : vector<8x128xf32>
      %select_n3A_132 = arith.select %gt3A_131, %select_n3A_128, %select_n3A_110 : vector<8x128xi1>, vector<8x128xf32>
      %select_n3A_133 = arith.select %gt3A_131, %select_n3A_110, %select_n3A_128 : vector<8x128xi1>, vector<8x128xf32>
      %select_n3A_134 = arith.select %gt3A_131, %select_n3A_130, %select_n3A_112 : vector<8x128xi1>, vector<8x128xi32>
      %select_n3A_135 = arith.select %gt3A_131, %select_n3A_112, %select_n3A_130 : vector<8x128xi1>, vector<8x128xi32>
      %gt3A_136 = arith.cmpf ogt, %select_n3A_133, %select_n3A_115 : vector<8x128xf32>
      %select_n3A_137 = arith.select %gt3A_136, %select_n3A_133, %select_n3A_115 : vector<8x128xi1>, vector<8x128xf32>
      %select_n3A_138 = arith.select %gt3A_136, %select_n3A_115, %select_n3A_133 : vector<8x128xi1>, vector<8x128xf32>
      %select_n3A_139 = arith.select %gt3A_136, %select_n3A_135, %select_n3A_117 : vector<8x128xi1>, vector<8x128xi32>
      %select_n3A_140 = arith.select %gt3A_136, %select_n3A_117, %select_n3A_135 : vector<8x128xi1>, vector<8x128xi32>
      %gt3A_141 = arith.cmpf ogt, %select_n3A_138, %select_n3A_120 : vector<8x128xf32>
      %select_n3A_142 = arith.select %gt3A_141, %select_n3A_138, %select_n3A_120 : vector<8x128xi1>, vector<8x128xf32>
      %select_n3A_143 = arith.select %gt3A_141, %select_n3A_140, %select_n3A_121 : vector<8x128xi1>, vector<8x128xi32>
      %slice3A_144 = vector.extract_strided_slice %concatenate3A_37 {offsets = [8, 128], sizes = [8, 128], strides = [1, 1]} : vector<288x384xf32> to vector<8x128xf32>
      %add3A_145 = arith.constant 2688 : i32
      %add3A_146 = vector.broadcast %add3A_145 : i32 to vector<8x128xi32>
      %add3A_147 = arith.addi %add3A, %add3A_146 : vector<8x128xi32>
      %gt3A_148 = arith.cmpf ogt, %slice3A_144, %select_n3A_127 : vector<8x128xf32>
      %select_n3A_149 = arith.select %gt3A_148, %slice3A_144, %select_n3A_127 : vector<8x128xi1>, vector<8x128xf32>
      %select_n3A_150 = arith.select %gt3A_148, %select_n3A_127, %slice3A_144 : vector<8x128xi1>, vector<8x128xf32>
      %select_n3A_151 = arith.select %gt3A_148, %add3A_147, %select_n3A_129 : vector<8x128xi1>, vector<8x128xi32>
      %select_n3A_152 = arith.select %gt3A_148, %select_n3A_129, %add3A_147 : vector<8x128xi1>, vector<8x128xi32>
      %gt3A_153 = arith.cmpf ogt, %select_n3A_150, %select_n3A_132 : vector<8x128xf32>
      %select_n3A_154 = arith.select %gt3A_153, %select_n3A_150, %select_n3A_132 : vector<8x128xi1>, vector<8x128xf32>
      %select_n3A_155 = arith.select %gt3A_153, %select_n3A_132, %select_n3A_150 : vector<8x128xi1>, vector<8x128xf32>
      %select_n3A_156 = arith.select %gt3A_153, %select_n3A_152, %select_n3A_134 : vector<8x128xi1>, vector<8x128xi32>
      %select_n3A_157 = arith.select %gt3A_153, %select_n3A_134, %select_n3A_152 : vector<8x128xi1>, vector<8x128xi32>
      %gt3A_158 = arith.cmpf ogt, %select_n3A_155, %select_n3A_137 : vector<8x128xf32>
      %select_n3A_159 = arith.select %gt3A_158, %select_n3A_155, %select_n3A_137 : vector<8x128xi1>, vector<8x128xf32>
      %select_n3A_160 = arith.select %gt3A_158, %select_n3A_137, %select_n3A_155 : vector<8x128xi1>, vector<8x128xf32>
      %select_n3A_161 = arith.select %gt3A_158, %select_n3A_157, %select_n3A_139 : vector<8x128xi1>, vector<8x128xi32>
      %select_n3A_162 = arith.select %gt3A_158, %select_n3A_139, %select_n3A_157 : vector<8x128xi1>, vector<8x128xi32>
      %gt3A_163 = arith.cmpf ogt, %select_n3A_160, %select_n3A_142 : vector<8x128xf32>
      %select_n3A_164 = arith.select %gt3A_163, %select_n3A_160, %select_n3A_142 : vector<8x128xi1>, vector<8x128xf32>
      %select_n3A_165 = arith.select %gt3A_163, %select_n3A_162, %select_n3A_143 : vector<8x128xi1>, vector<8x128xi32>
      %slice3A_166 = vector.extract_strided_slice %concatenate3A_37 {offsets = [8, 256], sizes = [8, 128], strides = [1, 1]} : vector<288x384xf32> to vector<8x128xf32>
      %add3A_167 = arith.constant 2816 : i32
      %add3A_168 = vector.broadcast %add3A_167 : i32 to vector<8x128xi32>
      %add3A_169 = arith.addi %add3A, %add3A_168 : vector<8x128xi32>
      %gt3A_170 = arith.cmpf ogt, %slice3A_166, %select_n3A_149 : vector<8x128xf32>
      %select_n3A_171 = arith.select %gt3A_170, %slice3A_166, %select_n3A_149 : vector<8x128xi1>, vector<8x128xf32>
      %select_n3A_172 = arith.select %gt3A_170, %select_n3A_149, %slice3A_166 : vector<8x128xi1>, vector<8x128xf32>
      %select_n3A_173 = arith.select %gt3A_170, %add3A_169, %select_n3A_151 : vector<8x128xi1>, vector<8x128xi32>
      %select_n3A_174 = arith.select %gt3A_170, %select_n3A_151, %add3A_169 : vector<8x128xi1>, vector<8x128xi32>
      %gt3A_175 = arith.cmpf ogt, %select_n3A_172, %select_n3A_154 : vector<8x128xf32>
      %select_n3A_176 = arith.select %gt3A_175, %select_n3A_172, %select_n3A_154 : vector<8x128xi1>, vector<8x128xf32>
      %select_n3A_177 = arith.select %gt3A_175, %select_n3A_154, %select_n3A_172 : vector<8x128xi1>, vector<8x128xf32>
      %select_n3A_178 = arith.select %gt3A_175, %select_n3A_174, %select_n3A_156 : vector<8x128xi1>, vector<8x128xi32>
      %select_n3A_179 = arith.select %gt3A_175, %select_n3A_156, %select_n3A_174 : vector<8x128xi1>, vector<8x128xi32>
      %gt3A_180 = arith.cmpf ogt, %select_n3A_177, %select_n3A_159 : vector<8x128xf32>
      %select_n3A_181 = arith.select %gt3A_180, %select_n3A_177, %select_n3A_159 : vector<8x128xi1>, vector<8x128xf32>
      %select_n3A_182 = arith.select %gt3A_180, %select_n3A_159, %select_n3A_177 : vector<8x128xi1>, vector<8x128xf32>
      %select_n3A_183 = arith.select %gt3A_180, %select_n3A_179, %select_n3A_161 : vector<8x128xi1>, vector<8x128xi32>
      %select_n3A_184 = arith.select %gt3A_180, %select_n3A_161, %select_n3A_179 : vector<8x128xi1>, vector<8x128xi32>
      %gt3A_185 = arith.cmpf ogt, %select_n3A_182, %select_n3A_164 : vector<8x128xf32>
      %select_n3A_186 = arith.select %gt3A_185, %select_n3A_182, %select_n3A_164 : vector<8x128xi1>, vector<8x128xf32>
      %select_n3A_187 = arith.select %gt3A_185, %select_n3A_184, %select_n3A_165 : vector<8x128xi1>, vector<8x128xi32>
      %slice3A_188 = vector.extract_strided_slice %concatenate3A_37 {offsets = [16, 0], sizes = [8, 128], strides = [1, 1]} : vector<288x384xf32> to vector<8x128xf32>
      %add3A_189 = arith.constant 5120 : i32
      %add3A_190 = vector.broadcast %add3A_189 : i32 to vector<8x128xi32>
      %add3A_191 = arith.addi %add3A, %add3A_190 : vector<8x128xi32>
      %gt3A_192 = arith.cmpf ogt, %slice3A_188, %select_n3A_171 : vector<8x128xf32>
      %select_n3A_193 = arith.select %gt3A_192, %slice3A_188, %select_n3A_171 : vector<8x128xi1>, vector<8x128xf32>
      %select_n3A_194 = arith.select %gt3A_192, %select_n3A_171, %slice3A_188 : vector<8x128xi1>, vector<8x128xf32>
      %select_n3A_195 = arith.select %gt3A_192, %add3A_191, %select_n3A_173 : vector<8x128xi1>, vector<8x128xi32>
      %select_n3A_196 = arith.select %gt3A_192, %select_n3A_173, %add3A_191 : vector<8x128xi1>, vector<8x128xi32>
      %gt3A_197 = arith.cmpf ogt, %select_n3A_194, %select_n3A_176 : vector<8x128xf32>
      %select_n3A_198 = arith.select %gt3A_197, %select_n3A_194, %select_n3A_176 : vector<8x128xi1>, vector<8x128xf32>
      %select_n3A_199 = arith.select %gt3A_197, %select_n3A_176, %select_n3A_194 : vector<8x128xi1>, vector<8x128xf32>
      %select_n3A_200 = arith.select %gt3A_197, %select_n3A_196, %select_n3A_178 : vector<8x128xi1>, vector<8x128xi32>
      %select_n3A_201 = arith.select %gt3A_197, %select_n3A_178, %select_n3A_196 : vector<8x128xi1>, vector<8x128xi32>
      %gt3A_202 = arith.cmpf ogt, %select_n3A_199, %select_n3A_181 : vector<8x128xf32>
      %select_n3A_203 = arith.select %gt3A_202, %select_n3A_199, %select_n3A_181 : vector<8x128xi1>, vector<8x128xf32>
      %select_n3A_204 = arith.select %gt3A_202, %select_n3A_181, %select_n3A_199 : vector<8x128xi1>, vector<8x128xf32>
      %select_n3A_205 = arith.select %gt3A_202, %select_n3A_201, %select_n3A_183 : vector<8x128xi1>, vector<8x128xi32>
      %select_n3A_206 = arith.select %gt3A_202, %select_n3A_183, %select_n3A_201 : vector<8x128xi1>, vector<8x128xi32>
      %gt3A_207 = arith.cmpf ogt, %select_n3A_204, %select_n3A_186 : vector<8x128xf32>
      %select_n3A_208 = arith.select %gt3A_207, %select_n3A_204, %select_n3A_186 : vector<8x128xi1>, vector<8x128xf32>
      %select_n3A_209 = arith.select %gt3A_207, %select_n3A_206, %select_n3A_187 : vector<8x128xi1>, vector<8x128xi32>
      %slice3A_210 = vector.extract_strided_slice %concatenate3A_37 {offsets = [16, 128], sizes = [8, 128], strides = [1, 1]} : vector<288x384xf32> to vector<8x128xf32>
      %add3A_211 = arith.constant 5248 : i32
      %add3A_212 = vector.broadcast %add3A_211 : i32 to vector<8x128xi32>
      %add3A_213 = arith.addi %add3A, %add3A_212 : vector<8x128xi32>
      %gt3A_214 = arith.cmpf ogt, %slice3A_210, %select_n3A_193 : vector<8x128xf32>
      %select_n3A_215 = arith.select %gt3A_214, %slice3A_210, %select_n3A_193 : vector<8x128xi1>, vector<8x128xf32>
      %select_n3A_216 = arith.select %gt3A_214, %select_n3A_193, %slice3A_210 : vector<8x128xi1>, vector<8x128xf32>
      %select_n3A_217 = arith.select %gt3A_214, %add3A_213, %select_n3A_195 : vector<8x128xi1>, vector<8x128xi32>
      %select_n3A_218 = arith.select %gt3A_214, %select_n3A_195, %add3A_213 : vector<8x128xi1>, vector<8x128xi32>
      %gt3A_219 = arith.cmpf ogt, %select_n3A_216, %select_n3A_198 : vector<8x128xf32>
      %select_n3A_220 = arith.select %gt3A_219, %select_n3A_216, %select_n3A_198 : vector<8x128xi1>, vector<8x128xf32>
      %select_n3A_221 = arith.select %gt3A_219, %select_n3A_198, %select_n3A_216 : vector<8x128xi1>, vector<8x128xf32>
      %select_n3A_222 = arith.select %gt3A_219, %select_n3A_218, %select_n3A_200 : vector<8x128xi1>, vector<8x128xi32>
      %select_n3A_223 = arith.select %gt3A_219, %select_n3A_200, %select_n3A_218 : vector<8x128xi1>, vector<8x128xi32>
      %gt3A_224 = arith.cmpf ogt, %select_n3A_221, %select_n3A_203 : vector<8x128xf32>
      %select_n3A_225 = arith.select %gt3A_224, %select_n3A_221, %select_n3A_203 : vector<8x128xi1>, vector<8x128xf32>
      %select_n3A_226 = arith.select %gt3A_224, %select_n3A_203, %select_n3A_221 : vector<8x128xi1>, vector<8x128xf32>
      %select_n3A_227 = arith.select %gt3A_224, %select_n3A_223, %select_n3A_205 : vector<8x128xi1>, vector<8x128xi32>
      %select_n3A_228 = arith.select %gt3A_224, %select_n3A_205, %select_n3A_223 : vector<8x128xi1>, vector<8x128xi32>
      %gt3A_229 = arith.cmpf ogt, %select_n3A_226, %select_n3A_208 : vector<8x128xf32>
      %select_n3A_230 = arith.select %gt3A_229, %select_n3A_226, %select_n3A_208 : vector<8x128xi1>, vector<8x128xf32>
      %select_n3A_231 = arith.select %gt3A_229, %select_n3A_228, %select_n3A_209 : vector<8x128xi1>, vector<8x128xi32>
      %slice3A_232 = vector.extract_strided_slice %concatenate3A_37 {offsets = [16, 256], sizes = [8, 128], strides = [1, 1]} : vector<288x384xf32> to vector<8x128xf32>
      %add3A_233 = arith.constant 5376 : i32
      %add3A_234 = vector.broadcast %add3A_233 : i32 to vector<8x128xi32>
      %add3A_235 = arith.addi %add3A, %add3A_234 : vector<8x128xi32>
      %gt3A_236 = arith.cmpf ogt, %slice3A_232, %select_n3A_215 : vector<8x128xf32>
      %select_n3A_237 = arith.select %gt3A_236, %slice3A_232, %select_n3A_215 : vector<8x128xi1>, vector<8x128xf32>
      %select_n3A_238 = arith.select %gt3A_236, %select_n3A_215, %slice3A_232 : vector<8x128xi1>, vector<8x128xf32>
      %select_n3A_239 = arith.select %gt3A_236, %add3A_235, %select_n3A_217 : vector<8x128xi1>, vector<8x128xi32>
      %select_n3A_240 = arith.select %gt3A_236, %select_n3A_217, %add3A_235 : vector<8x128xi1>, vector<8x128xi32>
      %gt3A_241 = arith.cmpf ogt, %select_n3A_238, %select_n3A_220 : vector<8x128xf32>
      %select_n3A_242 = arith.select %gt3A_241, %select_n3A_238, %select_n3A_220 : vector<8x128xi1>, vector<8x128xf32>
      %select_n3A_243 = arith.select %gt3A_241, %select_n3A_220, %select_n3A_238 : vector<8x128xi1>, vector<8x128xf32>
      %select_n3A_244 = arith.select %gt3A_241, %select_n3A_240, %select_n3A_222 : vector<8x128xi1>, vector<8x128xi32>
      %select_n3A_245 = arith.select %gt3A_241, %select_n3A_222, %select_n3A_240 : vector<8x128xi1>, vector<8x128xi32>
      %gt3A_246 = arith.cmpf ogt, %select_n3A_243, %select_n3A_225 : vector<8x128xf32>
      %select_n3A_247 = arith.select %gt3A_246, %select_n3A_243, %select_n3A_225 : vector<8x128xi1>, vector<8x128xf32>
      %select_n3A_248 = arith.select %gt3A_246, %select_n3A_225, %select_n3A_243 : vector<8x128xi1>, vector<8x128xf32>
      %select_n3A_249 = arith.select %gt3A_246, %select_n3A_245, %select_n3A_227 : vector<8x128xi1>, vector<8x128xi32>
      %select_n3A_250 = arith.select %gt3A_246, %select_n3A_227, %select_n3A_245 : vector<8x128xi1>, vector<8x128xi32>
      %gt3A_251 = arith.cmpf ogt, %select_n3A_248, %select_n3A_230 : vector<8x128xf32>
      %select_n3A_252 = arith.select %gt3A_251, %select_n3A_248, %select_n3A_230 : vector<8x128xi1>, vector<8x128xf32>
      %select_n3A_253 = arith.select %gt3A_251, %select_n3A_250, %select_n3A_231 : vector<8x128xi1>, vector<8x128xi32>
      %slice3A_254 = vector.extract_strided_slice %concatenate3A_37 {offsets = [24, 0], sizes = [8, 128], strides = [1, 1]} : vector<288x384xf32> to vector<8x128xf32>
      %add3A_255 = arith.constant 7680 : i32
      %add3A_256 = vector.broadcast %add3A_255 : i32 to vector<8x128xi32>
      %add3A_257 = arith.addi %add3A, %add3A_256 : vector<8x128xi32>
      %gt3A_258 = arith.cmpf ogt, %slice3A_254, %select_n3A_237 : vector<8x128xf32>
      %select_n3A_259 = arith.select %gt3A_258, %slice3A_254, %select_n3A_237 : vector<8x128xi1>, vector<8x128xf32>
      %select_n3A_260 = arith.select %gt3A_258, %select_n3A_237, %slice3A_254 : vector<8x128xi1>, vector<8x128xf32>
      %select_n3A_261 = arith.select %gt3A_258, %add3A_257, %select_n3A_239 : vector<8x128xi1>, vector<8x128xi32>
      %select_n3A_262 = arith.select %gt3A_258, %select_n3A_239, %add3A_257 : vector<8x128xi1>, vector<8x128xi32>
      %gt3A_263 = arith.cmpf ogt, %select_n3A_260, %select_n3A_242 : vector<8x128xf32>
      %select_n3A_264 = arith.select %gt3A_263, %select_n3A_260, %select_n3A_242 : vector<8x128xi1>, vector<8x128xf32>
      %select_n3A_265 = arith.select %gt3A_263, %select_n3A_242, %select_n3A_260 : vector<8x128xi1>, vector<8x128xf32>
      %select_n3A_266 = arith.select %gt3A_263, %select_n3A_262, %select_n3A_244 : vector<8x128xi1>, vector<8x128xi32>
      %select_n3A_267 = arith.select %gt3A_263, %select_n3A_244, %select_n3A_262 : vector<8x128xi1>, vector<8x128xi32>
      %gt3A_268 = arith.cmpf ogt, %select_n3A_265, %select_n3A_247 : vector<8x128xf32>
      %select_n3A_269 = arith.select %gt3A_268, %select_n3A_265, %select_n3A_247 : vector<8x128xi1>, vector<8x128xf32>
      %select_n3A_270 = arith.select %gt3A_268, %select_n3A_247, %select_n3A_265 : vector<8x128xi1>, vector<8x128xf32>
      %select_n3A_271 = arith.select %gt3A_268, %select_n3A_267, %select_n3A_249 : vector<8x128xi1>, vector<8x128xi32>
      %select_n3A_272 = arith.select %gt3A_268, %select_n3A_249, %select_n3A_267 : vector<8x128xi1>, vector<8x128xi32>
      %gt3A_273 = arith.cmpf ogt, %select_n3A_270, %select_n3A_252 : vector<8x128xf32>
      %select_n3A_274 = arith.select %gt3A_273, %select_n3A_270, %select_n3A_252 : vector<8x128xi1>, vector<8x128xf32>
      %select_n3A_275 = arith.select %gt3A_273, %select_n3A_272, %select_n3A_253 : vector<8x128xi1>, vector<8x128xi32>
      %slice3A_276 = vector.extract_strided_slice %concatenate3A_37 {offsets = [24, 128], sizes = [8, 128], strides = [1, 1]} : vector<288x384xf32> to vector<8x128xf32>
      %add3A_277 = arith.constant 7808 : i32
      %add3A_278 = vector.broadcast %add3A_277 : i32 to vector<8x128xi32>
      %add3A_279 = arith.addi %add3A, %add3A_278 : vector<8x128xi32>
      %gt3A_280 = arith.cmpf ogt, %slice3A_276, %select_n3A_259 : vector<8x128xf32>
      %select_n3A_281 = arith.select %gt3A_280, %slice3A_276, %select_n3A_259 : vector<8x128xi1>, vector<8x128xf32>
      %select_n3A_282 = arith.select %gt3A_280, %select_n3A_259, %slice3A_276 : vector<8x128xi1>, vector<8x128xf32>
      %select_n3A_283 = arith.select %gt3A_280, %add3A_279, %select_n3A_261 : vector<8x128xi1>, vector<8x128xi32>
      %select_n3A_284 = arith.select %gt3A_280, %select_n3A_261, %add3A_279 : vector<8x128xi1>, vector<8x128xi32>
      %gt3A_285 = arith.cmpf ogt, %select_n3A_282, %select_n3A_264 : vector<8x128xf32>
      %select_n3A_286 = arith.select %gt3A_285, %select_n3A_282, %select_n3A_264 : vector<8x128xi1>, vector<8x128xf32>
      %select_n3A_287 = arith.select %gt3A_285, %select_n3A_264, %select_n3A_282 : vector<8x128xi1>, vector<8x128xf32>
      %select_n3A_288 = arith.select %gt3A_285, %select_n3A_284, %select_n3A_266 : vector<8x128xi1>, vector<8x128xi32>
      %select_n3A_289 = arith.select %gt3A_285, %select_n3A_266, %select_n3A_284 : vector<8x128xi1>, vector<8x128xi32>
      %gt3A_290 = arith.cmpf ogt, %select_n3A_287, %select_n3A_269 : vector<8x128xf32>
      %select_n3A_291 = arith.select %gt3A_290, %select_n3A_287, %select_n3A_269 : vector<8x128xi1>, vector<8x128xf32>
      %select_n3A_292 = arith.select %gt3A_290, %select_n3A_269, %select_n3A_287 : vector<8x128xi1>, vector<8x128xf32>
      %select_n3A_293 = arith.select %gt3A_290, %select_n3A_289, %select_n3A_271 : vector<8x128xi1>, vector<8x128xi32>
      %select_n3A_294 = arith.select %gt3A_290, %select_n3A_271, %select_n3A_289 : vector<8x128xi1>, vector<8x128xi32>
      %gt3A_295 = arith.cmpf ogt, %select_n3A_292, %select_n3A_274 : vector<8x128xf32>
      %select_n3A_296 = arith.select %gt3A_295, %select_n3A_292, %select_n3A_274 : vector<8x128xi1>, vector<8x128xf32>
      %select_n3A_297 = arith.select %gt3A_295, %select_n3A_294, %select_n3A_275 : vector<8x128xi1>, vector<8x128xi32>
      %slice3A_298 = vector.extract_strided_slice %concatenate3A_37 {offsets = [24, 256], sizes = [8, 128], strides = [1, 1]} : vector<288x384xf32> to vector<8x128xf32>
      %add3A_299 = arith.constant 7936 : i32
      %add3A_300 = vector.broadcast %add3A_299 : i32 to vector<8x128xi32>
      %add3A_301 = arith.addi %add3A, %add3A_300 : vector<8x128xi32>
      %gt3A_302 = arith.cmpf ogt, %slice3A_298, %select_n3A_281 : vector<8x128xf32>
      %select_n3A_303 = arith.select %gt3A_302, %slice3A_298, %select_n3A_281 : vector<8x128xi1>, vector<8x128xf32>
      %select_n3A_304 = arith.select %gt3A_302, %select_n3A_281, %slice3A_298 : vector<8x128xi1>, vector<8x128xf32>
      %select_n3A_305 = arith.select %gt3A_302, %add3A_301, %select_n3A_283 : vector<8x128xi1>, vector<8x128xi32>
      %select_n3A_306 = arith.select %gt3A_302, %select_n3A_283, %add3A_301 : vector<8x128xi1>, vector<8x128xi32>
      %gt3A_307 = arith.cmpf ogt, %select_n3A_304, %select_n3A_286 : vector<8x128xf32>
      %select_n3A_308 = arith.select %gt3A_307, %select_n3A_304, %select_n3A_286 : vector<8x128xi1>, vector<8x128xf32>
      %select_n3A_309 = arith.select %gt3A_307, %select_n3A_286, %select_n3A_304 : vector<8x128xi1>, vector<8x128xf32>
      %select_n3A_310 = arith.select %gt3A_307, %select_n3A_306, %select_n3A_288 : vector<8x128xi1>, vector<8x128xi32>
      %select_n3A_311 = arith.select %gt3A_307, %select_n3A_288, %select_n3A_306 : vector<8x128xi1>, vector<8x128xi32>
      %gt3A_312 = arith.cmpf ogt, %select_n3A_309, %select_n3A_291 : vector<8x128xf32>
      %select_n3A_313 = arith.select %gt3A_312, %select_n3A_309, %select_n3A_291 : vector<8x128xi1>, vector<8x128xf32>
      %select_n3A_314 = arith.select %gt3A_312, %select_n3A_291, %select_n3A_309 : vector<8x128xi1>, vector<8x128xf32>
      %select_n3A_315 = arith.select %gt3A_312, %select_n3A_311, %select_n3A_293 : vector<8x128xi1>, vector<8x128xi32>
      %select_n3A_316 = arith.select %gt3A_312, %select_n3A_293, %select_n3A_311 : vector<8x128xi1>, vector<8x128xi32>
      %gt3A_317 = arith.cmpf ogt, %select_n3A_314, %select_n3A_296 : vector<8x128xf32>
      %select_n3A_318 = arith.select %gt3A_317, %select_n3A_314, %select_n3A_296 : vector<8x128xi1>, vector<8x128xf32>
      %select_n3A_319 = arith.select %gt3A_317, %select_n3A_316, %select_n3A_297 : vector<8x128xi1>, vector<8x128xi32>
      %slice3A_320 = vector.extract_strided_slice %concatenate3A_37 {offsets = [32, 0], sizes = [8, 128], strides = [1, 1]} : vector<288x384xf32> to vector<8x128xf32>
      %add3A_321 = arith.constant 10240 : i32
      %add3A_322 = vector.broadcast %add3A_321 : i32 to vector<8x128xi32>
      %add3A_323 = arith.addi %add3A, %add3A_322 : vector<8x128xi32>
      %gt3A_324 = arith.cmpf ogt, %slice3A_320, %select_n3A_303 : vector<8x128xf32>
      %select_n3A_325 = arith.select %gt3A_324, %slice3A_320, %select_n3A_303 : vector<8x128xi1>, vector<8x128xf32>
      %select_n3A_326 = arith.select %gt3A_324, %select_n3A_303, %slice3A_320 : vector<8x128xi1>, vector<8x128xf32>
      %select_n3A_327 = arith.select %gt3A_324, %add3A_323, %select_n3A_305 : vector<8x128xi1>, vector<8x128xi32>
      %select_n3A_328 = arith.select %gt3A_324, %select_n3A_305, %add3A_323 : vector<8x128xi1>, vector<8x128xi32>
      %gt3A_329 = arith.cmpf ogt, %select_n3A_326, %select_n3A_308 : vector<8x128xf32>
      %select_n3A_330 = arith.select %gt3A_329, %select_n3A_326, %select_n3A_308 : vector<8x128xi1>, vector<8x128xf32>
      %select_n3A_331 = arith.select %gt3A_329, %select_n3A_308, %select_n3A_326 : vector<8x128xi1>, vector<8x128xf32>
      %select_n3A_332 = arith.select %gt3A_329, %select_n3A_328, %select_n3A_310 : vector<8x128xi1>, vector<8x128xi32>
      %select_n3A_333 = arith.select %gt3A_329, %select_n3A_310, %select_n3A_328 : vector<8x128xi1>, vector<8x128xi32>
      %gt3A_334 = arith.cmpf ogt, %select_n3A_331, %select_n3A_313 : vector<8x128xf32>
      %select_n3A_335 = arith.select %gt3A_334, %select_n3A_331, %select_n3A_313 : vector<8x128xi1>, vector<8x128xf32>
      %select_n3A_336 = arith.select %gt3A_334, %select_n3A_313, %select_n3A_331 : vector<8x128xi1>, vector<8x128xf32>
      %select_n3A_337 = arith.select %gt3A_334, %select_n3A_333, %select_n3A_315 : vector<8x128xi1>, vector<8x128xi32>
      %select_n3A_338 = arith.select %gt3A_334, %select_n3A_315, %select_n3A_333 : vector<8x128xi1>, vector<8x128xi32>
      %gt3A_339 = arith.cmpf ogt, %select_n3A_336, %select_n3A_318 : vector<8x128xf32>
      %select_n3A_340 = arith.select %gt3A_339, %select_n3A_336, %select_n3A_318 : vector<8x128xi1>, vector<8x128xf32>
      %select_n3A_341 = arith.select %gt3A_339, %select_n3A_338, %select_n3A_319 : vector<8x128xi1>, vector<8x128xi32>
      %slice3A_342 = vector.extract_strided_slice %concatenate3A_37 {offsets = [32, 128], sizes = [8, 128], strides = [1, 1]} : vector<288x384xf32> to vector<8x128xf32>
      %add3A_343 = arith.constant 10368 : i32
      %add3A_344 = vector.broadcast %add3A_343 : i32 to vector<8x128xi32>
      %add3A_345 = arith.addi %add3A, %add3A_344 : vector<8x128xi32>
      %gt3A_346 = arith.cmpf ogt, %slice3A_342, %select_n3A_325 : vector<8x128xf32>
      %select_n3A_347 = arith.select %gt3A_346, %slice3A_342, %select_n3A_325 : vector<8x128xi1>, vector<8x128xf32>
      %select_n3A_348 = arith.select %gt3A_346, %select_n3A_325, %slice3A_342 : vector<8x128xi1>, vector<8x128xf32>
      %select_n3A_349 = arith.select %gt3A_346, %add3A_345, %select_n3A_327 : vector<8x128xi1>, vector<8x128xi32>
      %select_n3A_350 = arith.select %gt3A_346, %select_n3A_327, %add3A_345 : vector<8x128xi1>, vector<8x128xi32>
      %gt3A_351 = arith.cmpf ogt, %select_n3A_348, %select_n3A_330 : vector<8x128xf32>
      %select_n3A_352 = arith.select %gt3A_351, %select_n3A_348, %select_n3A_330 : vector<8x128xi1>, vector<8x128xf32>
      %select_n3A_353 = arith.select %gt3A_351, %select_n3A_330, %select_n3A_348 : vector<8x128xi1>, vector<8x128xf32>
      %select_n3A_354 = arith.select %gt3A_351, %select_n3A_350, %select_n3A_332 : vector<8x128xi1>, vector<8x128xi32>
      %select_n3A_355 = arith.select %gt3A_351, %select_n3A_332, %select_n3A_350 : vector<8x128xi1>, vector<8x128xi32>
      %gt3A_356 = arith.cmpf ogt, %select_n3A_353, %select_n3A_335 : vector<8x128xf32>
      %select_n3A_357 = arith.select %gt3A_356, %select_n3A_353, %select_n3A_335 : vector<8x128xi1>, vector<8x128xf32>
      %select_n3A_358 = arith.select %gt3A_356, %select_n3A_335, %select_n3A_353 : vector<8x128xi1>, vector<8x128xf32>
      %select_n3A_359 = arith.select %gt3A_356, %select_n3A_355, %select_n3A_337 : vector<8x128xi1>, vector<8x128xi32>
      %select_n3A_360 = arith.select %gt3A_356, %select_n3A_337, %select_n3A_355 : vector<8x128xi1>, vector<8x128xi32>
      %gt3A_361 = arith.cmpf ogt, %select_n3A_358, %select_n3A_340 : vector<8x128xf32>
      %select_n3A_362 = arith.select %gt3A_361, %select_n3A_358, %select_n3A_340 : vector<8x128xi1>, vector<8x128xf32>
      %select_n3A_363 = arith.select %gt3A_361, %select_n3A_360, %select_n3A_341 : vector<8x128xi1>, vector<8x128xi32>
      %slice3A_364 = vector.extract_strided_slice %concatenate3A_37 {offsets = [32, 256], sizes = [8, 128], strides = [1, 1]} : vector<288x384xf32> to vector<8x128xf32>
      %add3A_365 = arith.constant 10496 : i32
      %add3A_366 = vector.broadcast %add3A_365 : i32 to vector<8x128xi32>
      %add3A_367 = arith.addi %add3A, %add3A_366 : vector<8x128xi32>
      %gt3A_368 = arith.cmpf ogt, %slice3A_364, %select_n3A_347 : vector<8x128xf32>
      %select_n3A_369 = arith.select %gt3A_368, %slice3A_364, %select_n3A_347 : vector<8x128xi1>, vector<8x128xf32>
      %select_n3A_370 = arith.select %gt3A_368, %select_n3A_347, %slice3A_364 : vector<8x128xi1>, vector<8x128xf32>
      %select_n3A_371 = arith.select %gt3A_368, %add3A_367, %select_n3A_349 : vector<8x128xi1>, vector<8x128xi32>
      %select_n3A_372 = arith.select %gt3A_368, %select_n3A_349, %add3A_367 : vector<8x128xi1>, vector<8x128xi32>
      %gt3A_373 = arith.cmpf ogt, %select_n3A_370, %select_n3A_352 : vector<8x128xf32>
      %select_n3A_374 = arith.select %gt3A_373, %select_n3A_370, %select_n3A_352 : vector<8x128xi1>, vector<8x128xf32>
      %select_n3A_375 = arith.select %gt3A_373, %select_n3A_352, %select_n3A_370 : vector<8x128xi1>, vector<8x128xf32>
      %select_n3A_376 = arith.select %gt3A_373, %select_n3A_372, %select_n3A_354 : vector<8x128xi1>, vector<8x128xi32>
      %select_n3A_377 = arith.select %gt3A_373, %select_n3A_354, %select_n3A_372 : vector<8x128xi1>, vector<8x128xi32>
      %gt3A_378 = arith.cmpf ogt, %select_n3A_375, %select_n3A_357 : vector<8x128xf32>
      %select_n3A_379 = arith.select %gt3A_378, %select_n3A_375, %select_n3A_357 : vector<8x128xi1>, vector<8x128xf32>
      %select_n3A_380 = arith.select %gt3A_378, %select_n3A_357, %select_n3A_375 : vector<8x128xi1>, vector<8x128xf32>
      %select_n3A_381 = arith.select %gt3A_378, %select_n3A_377, %select_n3A_359 : vector<8x128xi1>, vector<8x128xi32>
      %select_n3A_382 = arith.select %gt3A_378, %select_n3A_359, %select_n3A_377 : vector<8x128xi1>, vector<8x128xi32>
      %gt3A_383 = arith.cmpf ogt, %select_n3A_380, %select_n3A_362 : vector<8x128xf32>
      %select_n3A_384 = arith.select %gt3A_383, %select_n3A_380, %select_n3A_362 : vector<8x128xi1>, vector<8x128xf32>
      %select_n3A_385 = arith.select %gt3A_383, %select_n3A_382, %select_n3A_363 : vector<8x128xi1>, vector<8x128xi32>
      %slice3A_386 = vector.extract_strided_slice %concatenate3A_37 {offsets = [40, 0], sizes = [8, 128], strides = [1, 1]} : vector<288x384xf32> to vector<8x128xf32>
      %add3A_387 = arith.constant 12800 : i32
      %add3A_388 = vector.broadcast %add3A_387 : i32 to vector<8x128xi32>
      %add3A_389 = arith.addi %add3A, %add3A_388 : vector<8x128xi32>
      %gt3A_390 = arith.cmpf ogt, %slice3A_386, %select_n3A_369 : vector<8x128xf32>
      %select_n3A_391 = arith.select %gt3A_390, %slice3A_386, %select_n3A_369 : vector<8x128xi1>, vector<8x128xf32>
      %select_n3A_392 = arith.select %gt3A_390, %select_n3A_369, %slice3A_386 : vector<8x128xi1>, vector<8x128xf32>
      %select_n3A_393 = arith.select %gt3A_390, %add3A_389, %select_n3A_371 : vector<8x128xi1>, vector<8x128xi32>
      %select_n3A_394 = arith.select %gt3A_390, %select_n3A_371, %add3A_389 : vector<8x128xi1>, vector<8x128xi32>
      %gt3A_395 = arith.cmpf ogt, %select_n3A_392, %select_n3A_374 : vector<8x128xf32>
      %select_n3A_396 = arith.select %gt3A_395, %select_n3A_392, %select_n3A_374 : vector<8x128xi1>, vector<8x128xf32>
      %select_n3A_397 = arith.select %gt3A_395, %select_n3A_374, %select_n3A_392 : vector<8x128xi1>, vector<8x128xf32>
      %select_n3A_398 = arith.select %gt3A_395, %select_n3A_394, %select_n3A_376 : vector<8x128xi1>, vector<8x128xi32>
      %select_n3A_399 = arith.select %gt3A_395, %select_n3A_376, %select_n3A_394 : vector<8x128xi1>, vector<8x128xi32>
      %gt3A_400 = arith.cmpf ogt, %select_n3A_397, %select_n3A_379 : vector<8x128xf32>
      %select_n3A_401 = arith.select %gt3A_400, %select_n3A_397, %select_n3A_379 : vector<8x128xi1>, vector<8x128xf32>
      %select_n3A_402 = arith.select %gt3A_400, %select_n3A_379, %select_n3A_397 : vector<8x128xi1>, vector<8x128xf32>
      %select_n3A_403 = arith.select %gt3A_400, %select_n3A_399, %select_n3A_381 : vector<8x128xi1>, vector<8x128xi32>
      %select_n3A_404 = arith.select %gt3A_400, %select_n3A_381, %select_n3A_399 : vector<8x128xi1>, vector<8x128xi32>
      %gt3A_405 = arith.cmpf ogt, %select_n3A_402, %select_n3A_384 : vector<8x128xf32>
      %select_n3A_406 = arith.select %gt3A_405, %select_n3A_402, %select_n3A_384 : vector<8x128xi1>, vector<8x128xf32>
      %select_n3A_407 = arith.select %gt3A_405, %select_n3A_404, %select_n3A_385 : vector<8x128xi1>, vector<8x128xi32>
      %slice3A_408 = vector.extract_strided_slice %concatenate3A_37 {offsets = [40, 128], sizes = [8, 128], strides = [1, 1]} : vector<288x384xf32> to vector<8x128xf32>
      %add3A_409 = arith.constant 12928 : i32
      %add3A_410 = vector.broadcast %add3A_409 : i32 to vector<8x128xi32>
      %add3A_411 = arith.addi %add3A, %add3A_410 : vector<8x128xi32>
      %gt3A_412 = arith.cmpf ogt, %slice3A_408, %select_n3A_391 : vector<8x128xf32>
      %select_n3A_413 = arith.select %gt3A_412, %slice3A_408, %select_n3A_391 : vector<8x128xi1>, vector<8x128xf32>
      %select_n3A_414 = arith.select %gt3A_412, %select_n3A_391, %slice3A_408 : vector<8x128xi1>, vector<8x128xf32>
      %select_n3A_415 = arith.select %gt3A_412, %add3A_411, %select_n3A_393 : vector<8x128xi1>, vector<8x128xi32>
      %select_n3A_416 = arith.select %gt3A_412, %select_n3A_393, %add3A_411 : vector<8x128xi1>, vector<8x128xi32>
      %gt3A_417 = arith.cmpf ogt, %select_n3A_414, %select_n3A_396 : vector<8x128xf32>
      %select_n3A_418 = arith.select %gt3A_417, %select_n3A_414, %select_n3A_396 : vector<8x128xi1>, vector<8x128xf32>
      %select_n3A_419 = arith.select %gt3A_417, %select_n3A_396, %select_n3A_414 : vector<8x128xi1>, vector<8x128xf32>
      %select_n3A_420 = arith.select %gt3A_417, %select_n3A_416, %select_n3A_398 : vector<8x128xi1>, vector<8x128xi32>
      %select_n3A_421 = arith.select %gt3A_417, %select_n3A_398, %select_n3A_416 : vector<8x128xi1>, vector<8x128xi32>
      %gt3A_422 = arith.cmpf ogt, %select_n3A_419, %select_n3A_401 : vector<8x128xf32>
      %select_n3A_423 = arith.select %gt3A_422, %select_n3A_419, %select_n3A_401 : vector<8x128xi1>, vector<8x128xf32>
      %select_n3A_424 = arith.select %gt3A_422, %select_n3A_401, %select_n3A_419 : vector<8x128xi1>, vector<8x128xf32>
      %select_n3A_425 = arith.select %gt3A_422, %select_n3A_421, %select_n3A_403 : vector<8x128xi1>, vector<8x128xi32>
      %select_n3A_426 = arith.select %gt3A_422, %select_n3A_403, %select_n3A_421 : vector<8x128xi1>, vector<8x128xi32>
      %gt3A_427 = arith.cmpf ogt, %select_n3A_424, %select_n3A_406 : vector<8x128xf32>
      %select_n3A_428 = arith.select %gt3A_427, %select_n3A_424, %select_n3A_406 : vector<8x128xi1>, vector<8x128xf32>
      %select_n3A_429 = arith.select %gt3A_427, %select_n3A_426, %select_n3A_407 : vector<8x128xi1>, vector<8x128xi32>
      %slice3A_430 = vector.extract_strided_slice %concatenate3A_37 {offsets = [40, 256], sizes = [8, 128], strides = [1, 1]} : vector<288x384xf32> to vector<8x128xf32>
      %add3A_431 = arith.constant 13056 : i32
      %add3A_432 = vector.broadcast %add3A_431 : i32 to vector<8x128xi32>
      %add3A_433 = arith.addi %add3A, %add3A_432 : vector<8x128xi32>
      %gt3A_434 = arith.cmpf ogt, %slice3A_430, %select_n3A_413 : vector<8x128xf32>
      %select_n3A_435 = arith.select %gt3A_434, %slice3A_430, %select_n3A_413 : vector<8x128xi1>, vector<8x128xf32>
      %select_n3A_436 = arith.select %gt3A_434, %select_n3A_413, %slice3A_430 : vector<8x128xi1>, vector<8x128xf32>
      %select_n3A_437 = arith.select %gt3A_434, %add3A_433, %select_n3A_415 : vector<8x128xi1>, vector<8x128xi32>
      %select_n3A_438 = arith.select %gt3A_434, %select_n3A_415, %add3A_433 : vector<8x128xi1>, vector<8x128xi32>
      %gt3A_439 = arith.cmpf ogt, %select_n3A_436, %select_n3A_418 : vector<8x128xf32>
      %select_n3A_440 = arith.select %gt3A_439, %select_n3A_436, %select_n3A_418 : vector<8x128xi1>, vector<8x128xf32>
      %select_n3A_441 = arith.select %gt3A_439, %select_n3A_418, %select_n3A_436 : vector<8x128xi1>, vector<8x128xf32>
      %select_n3A_442 = arith.select %gt3A_439, %select_n3A_438, %select_n3A_420 : vector<8x128xi1>, vector<8x128xi32>
      %select_n3A_443 = arith.select %gt3A_439, %select_n3A_420, %select_n3A_438 : vector<8x128xi1>, vector<8x128xi32>
      %gt3A_444 = arith.cmpf ogt, %select_n3A_441, %select_n3A_423 : vector<8x128xf32>
      %select_n3A_445 = arith.select %gt3A_444, %select_n3A_441, %select_n3A_423 : vector<8x128xi1>, vector<8x128xf32>
      %select_n3A_446 = arith.select %gt3A_444, %select_n3A_423, %select_n3A_441 : vector<8x128xi1>, vector<8x128xf32>
      %select_n3A_447 = arith.select %gt3A_444, %select_n3A_443, %select_n3A_425 : vector<8x128xi1>, vector<8x128xi32>
      %select_n3A_448 = arith.select %gt3A_444, %select_n3A_425, %select_n3A_443 : vector<8x128xi1>, vector<8x128xi32>
      %gt3A_449 = arith.cmpf ogt, %select_n3A_446, %select_n3A_428 : vector<8x128xf32>
      %select_n3A_450 = arith.select %gt3A_449, %select_n3A_446, %select_n3A_428 : vector<8x128xi1>, vector<8x128xf32>
      %select_n3A_451 = arith.select %gt3A_449, %select_n3A_448, %select_n3A_429 : vector<8x128xi1>, vector<8x128xi32>
      %slice3A_452 = vector.extract_strided_slice %concatenate3A_37 {offsets = [48, 0], sizes = [8, 128], strides = [1, 1]} : vector<288x384xf32> to vector<8x128xf32>
      %add3A_453 = arith.constant 15360 : i32
      %add3A_454 = vector.broadcast %add3A_453 : i32 to vector<8x128xi32>
      %add3A_455 = arith.addi %add3A, %add3A_454 : vector<8x128xi32>
      %gt3A_456 = arith.cmpf ogt, %slice3A_452, %select_n3A_435 : vector<8x128xf32>
      %select_n3A_457 = arith.select %gt3A_456, %slice3A_452, %select_n3A_435 : vector<8x128xi1>, vector<8x128xf32>
      %select_n3A_458 = arith.select %gt3A_456, %select_n3A_435, %slice3A_452 : vector<8x128xi1>, vector<8x128xf32>
      %select_n3A_459 = arith.select %gt3A_456, %add3A_455, %select_n3A_437 : vector<8x128xi1>, vector<8x128xi32>
      %select_n3A_460 = arith.select %gt3A_456, %select_n3A_437, %add3A_455 : vector<8x128xi1>, vector<8x128xi32>
      %gt3A_461 = arith.cmpf ogt, %select_n3A_458, %select_n3A_440 : vector<8x128xf32>
      %select_n3A_462 = arith.select %gt3A_461, %select_n3A_458, %select_n3A_440 : vector<8x128xi1>, vector<8x128xf32>
      %select_n3A_463 = arith.select %gt3A_461, %select_n3A_440, %select_n3A_458 : vector<8x128xi1>, vector<8x128xf32>
      %select_n3A_464 = arith.select %gt3A_461, %select_n3A_460, %select_n3A_442 : vector<8x128xi1>, vector<8x128xi32>
      %select_n3A_465 = arith.select %gt3A_461, %select_n3A_442, %select_n3A_460 : vector<8x128xi1>, vector<8x128xi32>
      %gt3A_466 = arith.cmpf ogt, %select_n3A_463, %select_n3A_445 : vector<8x128xf32>
      %select_n3A_467 = arith.select %gt3A_466, %select_n3A_463, %select_n3A_445 : vector<8x128xi1>, vector<8x128xf32>
      %select_n3A_468 = arith.select %gt3A_466, %select_n3A_445, %select_n3A_463 : vector<8x128xi1>, vector<8x128xf32>
      %select_n3A_469 = arith.select %gt3A_466, %select_n3A_465, %select_n3A_447 : vector<8x128xi1>, vector<8x128xi32>
      %select_n3A_470 = arith.select %gt3A_466, %select_n3A_447, %select_n3A_465 : vector<8x128xi1>, vector<8x128xi32>
      %gt3A_471 = arith.cmpf ogt, %select_n3A_468, %select_n3A_450 : vector<8x128xf32>
      %select_n3A_472 = arith.select %gt3A_471, %select_n3A_468, %select_n3A_450 : vector<8x128xi1>, vector<8x128xf32>
      %select_n3A_473 = arith.select %gt3A_471, %select_n3A_470, %select_n3A_451 : vector<8x128xi1>, vector<8x128xi32>
      %slice3A_474 = vector.extract_strided_slice %concatenate3A_37 {offsets = [48, 128], sizes = [8, 128], strides = [1, 1]} : vector<288x384xf32> to vector<8x128xf32>
      %add3A_475 = arith.constant 15488 : i32
      %add3A_476 = vector.broadcast %add3A_475 : i32 to vector<8x128xi32>
      %add3A_477 = arith.addi %add3A, %add3A_476 : vector<8x128xi32>
      %gt3A_478 = arith.cmpf ogt, %slice3A_474, %select_n3A_457 : vector<8x128xf32>
      %select_n3A_479 = arith.select %gt3A_478, %slice3A_474, %select_n3A_457 : vector<8x128xi1>, vector<8x128xf32>
      %select_n3A_480 = arith.select %gt3A_478, %select_n3A_457, %slice3A_474 : vector<8x128xi1>, vector<8x128xf32>
      %select_n3A_481 = arith.select %gt3A_478, %add3A_477, %select_n3A_459 : vector<8x128xi1>, vector<8x128xi32>
      %select_n3A_482 = arith.select %gt3A_478, %select_n3A_459, %add3A_477 : vector<8x128xi1>, vector<8x128xi32>
      %gt3A_483 = arith.cmpf ogt, %select_n3A_480, %select_n3A_462 : vector<8x128xf32>
      %select_n3A_484 = arith.select %gt3A_483, %select_n3A_480, %select_n3A_462 : vector<8x128xi1>, vector<8x128xf32>
      %select_n3A_485 = arith.select %gt3A_483, %select_n3A_462, %select_n3A_480 : vector<8x128xi1>, vector<8x128xf32>
      %select_n3A_486 = arith.select %gt3A_483, %select_n3A_482, %select_n3A_464 : vector<8x128xi1>, vector<8x128xi32>
      %select_n3A_487 = arith.select %gt3A_483, %select_n3A_464, %select_n3A_482 : vector<8x128xi1>, vector<8x128xi32>
      %gt3A_488 = arith.cmpf ogt, %select_n3A_485, %select_n3A_467 : vector<8x128xf32>
      %select_n3A_489 = arith.select %gt3A_488, %select_n3A_485, %select_n3A_467 : vector<8x128xi1>, vector<8x128xf32>
      %select_n3A_490 = arith.select %gt3A_488, %select_n3A_467, %select_n3A_485 : vector<8x128xi1>, vector<8x128xf32>
      %select_n3A_491 = arith.select %gt3A_488, %select_n3A_487, %select_n3A_469 : vector<8x128xi1>, vector<8x128xi32>
      %select_n3A_492 = arith.select %gt3A_488, %select_n3A_469, %select_n3A_487 : vector<8x128xi1>, vector<8x128xi32>
      %gt3A_493 = arith.cmpf ogt, %select_n3A_490, %select_n3A_472 : vector<8x128xf32>
      %select_n3A_494 = arith.select %gt3A_493, %select_n3A_490, %select_n3A_472 : vector<8x128xi1>, vector<8x128xf32>
      %select_n3A_495 = arith.select %gt3A_493, %select_n3A_492, %select_n3A_473 : vector<8x128xi1>, vector<8x128xi32>
      %slice3A_496 = vector.extract_strided_slice %concatenate3A_37 {offsets = [48, 256], sizes = [8, 128], strides = [1, 1]} : vector<288x384xf32> to vector<8x128xf32>
      %add3A_497 = arith.constant 15616 : i32
      %add3A_498 = vector.broadcast %add3A_497 : i32 to vector<8x128xi32>
      %add3A_499 = arith.addi %add3A, %add3A_498 : vector<8x128xi32>
      %gt3A_500 = arith.cmpf ogt, %slice3A_496, %select_n3A_479 : vector<8x128xf32>
      %select_n3A_501 = arith.select %gt3A_500, %slice3A_496, %select_n3A_479 : vector<8x128xi1>, vector<8x128xf32>
      %select_n3A_502 = arith.select %gt3A_500, %select_n3A_479, %slice3A_496 : vector<8x128xi1>, vector<8x128xf32>
      %select_n3A_503 = arith.select %gt3A_500, %add3A_499, %select_n3A_481 : vector<8x128xi1>, vector<8x128xi32>
      %select_n3A_504 = arith.select %gt3A_500, %select_n3A_481, %add3A_499 : vector<8x128xi1>, vector<8x128xi32>
      %gt3A_505 = arith.cmpf ogt, %select_n3A_502, %select_n3A_484 : vector<8x128xf32>
      %select_n3A_506 = arith.select %gt3A_505, %select_n3A_502, %select_n3A_484 : vector<8x128xi1>, vector<8x128xf32>
      %select_n3A_507 = arith.select %gt3A_505, %select_n3A_484, %select_n3A_502 : vector<8x128xi1>, vector<8x128xf32>
      %select_n3A_508 = arith.select %gt3A_505, %select_n3A_504, %select_n3A_486 : vector<8x128xi1>, vector<8x128xi32>
      %select_n3A_509 = arith.select %gt3A_505, %select_n3A_486, %select_n3A_504 : vector<8x128xi1>, vector<8x128xi32>
      %gt3A_510 = arith.cmpf ogt, %select_n3A_507, %select_n3A_489 : vector<8x128xf32>
      %select_n3A_511 = arith.select %gt3A_510, %select_n3A_507, %select_n3A_489 : vector<8x128xi1>, vector<8x128xf32>
      %select_n3A_512 = arith.select %gt3A_510, %select_n3A_489, %select_n3A_507 : vector<8x128xi1>, vector<8x128xf32>
      %select_n3A_513 = arith.select %gt3A_510, %select_n3A_509, %select_n3A_491 : vector<8x128xi1>, vector<8x128xi32>
      %select_n3A_514 = arith.select %gt3A_510, %select_n3A_491, %select_n3A_509 : vector<8x128xi1>, vector<8x128xi32>
      %gt3A_515 = arith.cmpf ogt, %select_n3A_512, %select_n3A_494 : vector<8x128xf32>
      %select_n3A_516 = arith.select %gt3A_515, %select_n3A_512, %select_n3A_494 : vector<8x128xi1>, vector<8x128xf32>
      %select_n3A_517 = arith.select %gt3A_515, %select_n3A_514, %select_n3A_495 : vector<8x128xi1>, vector<8x128xi32>
      %slice3A_518 = vector.extract_strided_slice %concatenate3A_37 {offsets = [56, 0], sizes = [8, 128], strides = [1, 1]} : vector<288x384xf32> to vector<8x128xf32>
      %add3A_519 = arith.constant 17920 : i32
      %add3A_520 = vector.broadcast %add3A_519 : i32 to vector<8x128xi32>
      %add3A_521 = arith.addi %add3A, %add3A_520 : vector<8x128xi32>
      %gt3A_522 = arith.cmpf ogt, %slice3A_518, %select_n3A_501 : vector<8x128xf32>
      %select_n3A_523 = arith.select %gt3A_522, %slice3A_518, %select_n3A_501 : vector<8x128xi1>, vector<8x128xf32>
      %select_n3A_524 = arith.select %gt3A_522, %select_n3A_501, %slice3A_518 : vector<8x128xi1>, vector<8x128xf32>
      %select_n3A_525 = arith.select %gt3A_522, %add3A_521, %select_n3A_503 : vector<8x128xi1>, vector<8x128xi32>
      %select_n3A_526 = arith.select %gt3A_522, %select_n3A_503, %add3A_521 : vector<8x128xi1>, vector<8x128xi32>
      %gt3A_527 = arith.cmpf ogt, %select_n3A_524, %select_n3A_506 : vector<8x128xf32>
      %select_n3A_528 = arith.select %gt3A_527, %select_n3A_524, %select_n3A_506 : vector<8x128xi1>, vector<8x128xf32>
      %select_n3A_529 = arith.select %gt3A_527, %select_n3A_506, %select_n3A_524 : vector<8x128xi1>, vector<8x128xf32>
      %select_n3A_530 = arith.select %gt3A_527, %select_n3A_526, %select_n3A_508 : vector<8x128xi1>, vector<8x128xi32>
      %select_n3A_531 = arith.select %gt3A_527, %select_n3A_508, %select_n3A_526 : vector<8x128xi1>, vector<8x128xi32>
      %gt3A_532 = arith.cmpf ogt, %select_n3A_529, %select_n3A_511 : vector<8x128xf32>
      %select_n3A_533 = arith.select %gt3A_532, %select_n3A_529, %select_n3A_511 : vector<8x128xi1>, vector<8x128xf32>
      %select_n3A_534 = arith.select %gt3A_532, %select_n3A_511, %select_n3A_529 : vector<8x128xi1>, vector<8x128xf32>
      %select_n3A_535 = arith.select %gt3A_532, %select_n3A_531, %select_n3A_513 : vector<8x128xi1>, vector<8x128xi32>
      %select_n3A_536 = arith.select %gt3A_532, %select_n3A_513, %select_n3A_531 : vector<8x128xi1>, vector<8x128xi32>
      %gt3A_537 = arith.cmpf ogt, %select_n3A_534, %select_n3A_516 : vector<8x128xf32>
      %select_n3A_538 = arith.select %gt3A_537, %select_n3A_534, %select_n3A_516 : vector<8x128xi1>, vector<8x128xf32>
      %select_n3A_539 = arith.select %gt3A_537, %select_n3A_536, %select_n3A_517 : vector<8x128xi1>, vector<8x128xi32>
      %slice3A_540 = vector.extract_strided_slice %concatenate3A_37 {offsets = [56, 128], sizes = [8, 128], strides = [1, 1]} : vector<288x384xf32> to vector<8x128xf32>
      %add3A_541 = arith.constant 18048 : i32
      %add3A_542 = vector.broadcast %add3A_541 : i32 to vector<8x128xi32>
      %add3A_543 = arith.addi %add3A, %add3A_542 : vector<8x128xi32>
      %gt3A_544 = arith.cmpf ogt, %slice3A_540, %select_n3A_523 : vector<8x128xf32>
      %select_n3A_545 = arith.select %gt3A_544, %slice3A_540, %select_n3A_523 : vector<8x128xi1>, vector<8x128xf32>
      %select_n3A_546 = arith.select %gt3A_544, %select_n3A_523, %slice3A_540 : vector<8x128xi1>, vector<8x128xf32>
      %select_n3A_547 = arith.select %gt3A_544, %add3A_543, %select_n3A_525 : vector<8x128xi1>, vector<8x128xi32>
      %select_n3A_548 = arith.select %gt3A_544, %select_n3A_525, %add3A_543 : vector<8x128xi1>, vector<8x128xi32>
      %gt3A_549 = arith.cmpf ogt, %select_n3A_546, %select_n3A_528 : vector<8x128xf32>
      %select_n3A_550 = arith.select %gt3A_549, %select_n3A_546, %select_n3A_528 : vector<8x128xi1>, vector<8x128xf32>
      %select_n3A_551 = arith.select %gt3A_549, %select_n3A_528, %select_n3A_546 : vector<8x128xi1>, vector<8x128xf32>
      %select_n3A_552 = arith.select %gt3A_549, %select_n3A_548, %select_n3A_530 : vector<8x128xi1>, vector<8x128xi32>
      %select_n3A_553 = arith.select %gt3A_549, %select_n3A_530, %select_n3A_548 : vector<8x128xi1>, vector<8x128xi32>
      %gt3A_554 = arith.cmpf ogt, %select_n3A_551, %select_n3A_533 : vector<8x128xf32>
      %select_n3A_555 = arith.select %gt3A_554, %select_n3A_551, %select_n3A_533 : vector<8x128xi1>, vector<8x128xf32>
      %select_n3A_556 = arith.select %gt3A_554, %select_n3A_533, %select_n3A_551 : vector<8x128xi1>, vector<8x128xf32>
      %select_n3A_557 = arith.select %gt3A_554, %select_n3A_553, %select_n3A_535 : vector<8x128xi1>, vector<8x128xi32>
      %select_n3A_558 = arith.select %gt3A_554, %select_n3A_535, %select_n3A_553 : vector<8x128xi1>, vector<8x128xi32>
      %gt3A_559 = arith.cmpf ogt, %select_n3A_556, %select_n3A_538 : vector<8x128xf32>
      %select_n3A_560 = arith.select %gt3A_559, %select_n3A_556, %select_n3A_538 : vector<8x128xi1>, vector<8x128xf32>
      %select_n3A_561 = arith.select %gt3A_559, %select_n3A_558, %select_n3A_539 : vector<8x128xi1>, vector<8x128xi32>
      %slice3A_562 = vector.extract_strided_slice %concatenate3A_37 {offsets = [56, 256], sizes = [8, 128], strides = [1, 1]} : vector<288x384xf32> to vector<8x128xf32>
      %add3A_563 = arith.constant 18176 : i32
      %add3A_564 = vector.broadcast %add3A_563 : i32 to vector<8x128xi32>
      %add3A_565 = arith.addi %add3A, %add3A_564 : vector<8x128xi32>
      %gt3A_566 = arith.cmpf ogt, %slice3A_562, %select_n3A_545 : vector<8x128xf32>
      %select_n3A_567 = arith.select %gt3A_566, %slice3A_562, %select_n3A_545 : vector<8x128xi1>, vector<8x128xf32>
      %select_n3A_568 = arith.select %gt3A_566, %select_n3A_545, %slice3A_562 : vector<8x128xi1>, vector<8x128xf32>
      %select_n3A_569 = arith.select %gt3A_566, %add3A_565, %select_n3A_547 : vector<8x128xi1>, vector<8x128xi32>
      %select_n3A_570 = arith.select %gt3A_566, %select_n3A_547, %add3A_565 : vector<8x128xi1>, vector<8x128xi32>
      %gt3A_571 = arith.cmpf ogt, %select_n3A_568, %select_n3A_550 : vector<8x128xf32>
      %select_n3A_572 = arith.select %gt3A_571, %select_n3A_568, %select_n3A_550 : vector<8x128xi1>, vector<8x128xf32>
      %select_n3A_573 = arith.select %gt3A_571, %select_n3A_550, %select_n3A_568 : vector<8x128xi1>, vector<8x128xf32>
      %select_n3A_574 = arith.select %gt3A_571, %select_n3A_570, %select_n3A_552 : vector<8x128xi1>, vector<8x128xi32>
      %select_n3A_575 = arith.select %gt3A_571, %select_n3A_552, %select_n3A_570 : vector<8x128xi1>, vector<8x128xi32>
      %gt3A_576 = arith.cmpf ogt, %select_n3A_573, %select_n3A_555 : vector<8x128xf32>
      %select_n3A_577 = arith.select %gt3A_576, %select_n3A_573, %select_n3A_555 : vector<8x128xi1>, vector<8x128xf32>
      %select_n3A_578 = arith.select %gt3A_576, %select_n3A_555, %select_n3A_573 : vector<8x128xi1>, vector<8x128xf32>
      %select_n3A_579 = arith.select %gt3A_576, %select_n3A_575, %select_n3A_557 : vector<8x128xi1>, vector<8x128xi32>
      %select_n3A_580 = arith.select %gt3A_576, %select_n3A_557, %select_n3A_575 : vector<8x128xi1>, vector<8x128xi32>
      %gt3A_581 = arith.cmpf ogt, %select_n3A_578, %select_n3A_560 : vector<8x128xf32>
      %select_n3A_582 = arith.select %gt3A_581, %select_n3A_578, %select_n3A_560 : vector<8x128xi1>, vector<8x128xf32>
      %select_n3A_583 = arith.select %gt3A_581, %select_n3A_580, %select_n3A_561 : vector<8x128xi1>, vector<8x128xi32>
      %slice3A_584 = vector.extract_strided_slice %concatenate3A_37 {offsets = [64, 0], sizes = [8, 128], strides = [1, 1]} : vector<288x384xf32> to vector<8x128xf32>
      %add3A_585 = arith.constant 20480 : i32
      %add3A_586 = vector.broadcast %add3A_585 : i32 to vector<8x128xi32>
      %add3A_587 = arith.addi %add3A, %add3A_586 : vector<8x128xi32>
      %gt3A_588 = arith.cmpf ogt, %slice3A_584, %select_n3A_567 : vector<8x128xf32>
      %select_n3A_589 = arith.select %gt3A_588, %slice3A_584, %select_n3A_567 : vector<8x128xi1>, vector<8x128xf32>
      %select_n3A_590 = arith.select %gt3A_588, %select_n3A_567, %slice3A_584 : vector<8x128xi1>, vector<8x128xf32>
      %select_n3A_591 = arith.select %gt3A_588, %add3A_587, %select_n3A_569 : vector<8x128xi1>, vector<8x128xi32>
      %select_n3A_592 = arith.select %gt3A_588, %select_n3A_569, %add3A_587 : vector<8x128xi1>, vector<8x128xi32>
      %gt3A_593 = arith.cmpf ogt, %select_n3A_590, %select_n3A_572 : vector<8x128xf32>
      %select_n3A_594 = arith.select %gt3A_593, %select_n3A_590, %select_n3A_572 : vector<8x128xi1>, vector<8x128xf32>
      %select_n3A_595 = arith.select %gt3A_593, %select_n3A_572, %select_n3A_590 : vector<8x128xi1>, vector<8x128xf32>
      %select_n3A_596 = arith.select %gt3A_593, %select_n3A_592, %select_n3A_574 : vector<8x128xi1>, vector<8x128xi32>
      %select_n3A_597 = arith.select %gt3A_593, %select_n3A_574, %select_n3A_592 : vector<8x128xi1>, vector<8x128xi32>
      %gt3A_598 = arith.cmpf ogt, %select_n3A_595, %select_n3A_577 : vector<8x128xf32>
      %select_n3A_599 = arith.select %gt3A_598, %select_n3A_595, %select_n3A_577 : vector<8x128xi1>, vector<8x128xf32>
      %select_n3A_600 = arith.select %gt3A_598, %select_n3A_577, %select_n3A_595 : vector<8x128xi1>, vector<8x128xf32>
      %select_n3A_601 = arith.select %gt3A_598, %select_n3A_597, %select_n3A_579 : vector<8x128xi1>, vector<8x128xi32>
      %select_n3A_602 = arith.select %gt3A_598, %select_n3A_579, %select_n3A_597 : vector<8x128xi1>, vector<8x128xi32>
      %gt3A_603 = arith.cmpf ogt, %select_n3A_600, %select_n3A_582 : vector<8x128xf32>
      %select_n3A_604 = arith.select %gt3A_603, %select_n3A_600, %select_n3A_582 : vector<8x128xi1>, vector<8x128xf32>
      %select_n3A_605 = arith.select %gt3A_603, %select_n3A_602, %select_n3A_583 : vector<8x128xi1>, vector<8x128xi32>
      %slice3A_606 = vector.extract_strided_slice %concatenate3A_37 {offsets = [64, 128], sizes = [8, 128], strides = [1, 1]} : vector<288x384xf32> to vector<8x128xf32>
      %add3A_607 = arith.constant 20608 : i32
      %add3A_608 = vector.broadcast %add3A_607 : i32 to vector<8x128xi32>
      %add3A_609 = arith.addi %add3A, %add3A_608 : vector<8x128xi32>
      %gt3A_610 = arith.cmpf ogt, %slice3A_606, %select_n3A_589 : vector<8x128xf32>
      %select_n3A_611 = arith.select %gt3A_610, %slice3A_606, %select_n3A_589 : vector<8x128xi1>, vector<8x128xf32>
      %select_n3A_612 = arith.select %gt3A_610, %select_n3A_589, %slice3A_606 : vector<8x128xi1>, vector<8x128xf32>
      %select_n3A_613 = arith.select %gt3A_610, %add3A_609, %select_n3A_591 : vector<8x128xi1>, vector<8x128xi32>
      %select_n3A_614 = arith.select %gt3A_610, %select_n3A_591, %add3A_609 : vector<8x128xi1>, vector<8x128xi32>
      %gt3A_615 = arith.cmpf ogt, %select_n3A_612, %select_n3A_594 : vector<8x128xf32>
      %select_n3A_616 = arith.select %gt3A_615, %select_n3A_612, %select_n3A_594 : vector<8x128xi1>, vector<8x128xf32>
      %select_n3A_617 = arith.select %gt3A_615, %select_n3A_594, %select_n3A_612 : vector<8x128xi1>, vector<8x128xf32>
      %select_n3A_618 = arith.select %gt3A_615, %select_n3A_614, %select_n3A_596 : vector<8x128xi1>, vector<8x128xi32>
      %select_n3A_619 = arith.select %gt3A_615, %select_n3A_596, %select_n3A_614 : vector<8x128xi1>, vector<8x128xi32>
      %gt3A_620 = arith.cmpf ogt, %select_n3A_617, %select_n3A_599 : vector<8x128xf32>
      %select_n3A_621 = arith.select %gt3A_620, %select_n3A_617, %select_n3A_599 : vector<8x128xi1>, vector<8x128xf32>
      %select_n3A_622 = arith.select %gt3A_620, %select_n3A_599, %select_n3A_617 : vector<8x128xi1>, vector<8x128xf32>
      %select_n3A_623 = arith.select %gt3A_620, %select_n3A_619, %select_n3A_601 : vector<8x128xi1>, vector<8x128xi32>
      %select_n3A_624 = arith.select %gt3A_620, %select_n3A_601, %select_n3A_619 : vector<8x128xi1>, vector<8x128xi32>
      %gt3A_625 = arith.cmpf ogt, %select_n3A_622, %select_n3A_604 : vector<8x128xf32>
      %select_n3A_626 = arith.select %gt3A_625, %select_n3A_622, %select_n3A_604 : vector<8x128xi1>, vector<8x128xf32>
      %select_n3A_627 = arith.select %gt3A_625, %select_n3A_624, %select_n3A_605 : vector<8x128xi1>, vector<8x128xi32>
      %slice3A_628 = vector.extract_strided_slice %concatenate3A_37 {offsets = [64, 256], sizes = [8, 128], strides = [1, 1]} : vector<288x384xf32> to vector<8x128xf32>
      %add3A_629 = arith.constant 20736 : i32
      %add3A_630 = vector.broadcast %add3A_629 : i32 to vector<8x128xi32>
      %add3A_631 = arith.addi %add3A, %add3A_630 : vector<8x128xi32>
      %gt3A_632 = arith.cmpf ogt, %slice3A_628, %select_n3A_611 : vector<8x128xf32>
      %select_n3A_633 = arith.select %gt3A_632, %slice3A_628, %select_n3A_611 : vector<8x128xi1>, vector<8x128xf32>
      %select_n3A_634 = arith.select %gt3A_632, %select_n3A_611, %slice3A_628 : vector<8x128xi1>, vector<8x128xf32>
      %select_n3A_635 = arith.select %gt3A_632, %add3A_631, %select_n3A_613 : vector<8x128xi1>, vector<8x128xi32>
      %select_n3A_636 = arith.select %gt3A_632, %select_n3A_613, %add3A_631 : vector<8x128xi1>, vector<8x128xi32>
      %gt3A_637 = arith.cmpf ogt, %select_n3A_634, %select_n3A_616 : vector<8x128xf32>
      %select_n3A_638 = arith.select %gt3A_637, %select_n3A_634, %select_n3A_616 : vector<8x128xi1>, vector<8x128xf32>
      %select_n3A_639 = arith.select %gt3A_637, %select_n3A_616, %select_n3A_634 : vector<8x128xi1>, vector<8x128xf32>
      %select_n3A_640 = arith.select %gt3A_637, %select_n3A_636, %select_n3A_618 : vector<8x128xi1>, vector<8x128xi32>
      %select_n3A_641 = arith.select %gt3A_637, %select_n3A_618, %select_n3A_636 : vector<8x128xi1>, vector<8x128xi32>
      %gt3A_642 = arith.cmpf ogt, %select_n3A_639, %select_n3A_621 : vector<8x128xf32>
      %select_n3A_643 = arith.select %gt3A_642, %select_n3A_639, %select_n3A_621 : vector<8x128xi1>, vector<8x128xf32>
      %select_n3A_644 = arith.select %gt3A_642, %select_n3A_621, %select_n3A_639 : vector<8x128xi1>, vector<8x128xf32>
      %select_n3A_645 = arith.select %gt3A_642, %select_n3A_641, %select_n3A_623 : vector<8x128xi1>, vector<8x128xi32>
      %select_n3A_646 = arith.select %gt3A_642, %select_n3A_623, %select_n3A_641 : vector<8x128xi1>, vector<8x128xi32>
      %gt3A_647 = arith.cmpf ogt, %select_n3A_644, %select_n3A_626 : vector<8x128xf32>
      %select_n3A_648 = arith.select %gt3A_647, %select_n3A_644, %select_n3A_626 : vector<8x128xi1>, vector<8x128xf32>
      %select_n3A_649 = arith.select %gt3A_647, %select_n3A_646, %select_n3A_627 : vector<8x128xi1>, vector<8x128xi32>
      %slice3A_650 = vector.extract_strided_slice %concatenate3A_37 {offsets = [72, 0], sizes = [8, 128], strides = [1, 1]} : vector<288x384xf32> to vector<8x128xf32>
      %add3A_651 = arith.constant 23040 : i32
      %add3A_652 = vector.broadcast %add3A_651 : i32 to vector<8x128xi32>
      %add3A_653 = arith.addi %add3A, %add3A_652 : vector<8x128xi32>
      %gt3A_654 = arith.cmpf ogt, %slice3A_650, %select_n3A_633 : vector<8x128xf32>
      %select_n3A_655 = arith.select %gt3A_654, %slice3A_650, %select_n3A_633 : vector<8x128xi1>, vector<8x128xf32>
      %select_n3A_656 = arith.select %gt3A_654, %select_n3A_633, %slice3A_650 : vector<8x128xi1>, vector<8x128xf32>
      %select_n3A_657 = arith.select %gt3A_654, %add3A_653, %select_n3A_635 : vector<8x128xi1>, vector<8x128xi32>
      %select_n3A_658 = arith.select %gt3A_654, %select_n3A_635, %add3A_653 : vector<8x128xi1>, vector<8x128xi32>
      %gt3A_659 = arith.cmpf ogt, %select_n3A_656, %select_n3A_638 : vector<8x128xf32>
      %select_n3A_660 = arith.select %gt3A_659, %select_n3A_656, %select_n3A_638 : vector<8x128xi1>, vector<8x128xf32>
      %select_n3A_661 = arith.select %gt3A_659, %select_n3A_638, %select_n3A_656 : vector<8x128xi1>, vector<8x128xf32>
      %select_n3A_662 = arith.select %gt3A_659, %select_n3A_658, %select_n3A_640 : vector<8x128xi1>, vector<8x128xi32>
      %select_n3A_663 = arith.select %gt3A_659, %select_n3A_640, %select_n3A_658 : vector<8x128xi1>, vector<8x128xi32>
      %gt3A_664 = arith.cmpf ogt, %select_n3A_661, %select_n3A_643 : vector<8x128xf32>
      %select_n3A_665 = arith.select %gt3A_664, %select_n3A_661, %select_n3A_643 : vector<8x128xi1>, vector<8x128xf32>
      %select_n3A_666 = arith.select %gt3A_664, %select_n3A_643, %select_n3A_661 : vector<8x128xi1>, vector<8x128xf32>
      %select_n3A_667 = arith.select %gt3A_664, %select_n3A_663, %select_n3A_645 : vector<8x128xi1>, vector<8x128xi32>
      %select_n3A_668 = arith.select %gt3A_664, %select_n3A_645, %select_n3A_663 : vector<8x128xi1>, vector<8x128xi32>
      %gt3A_669 = arith.cmpf ogt, %select_n3A_666, %select_n3A_648 : vector<8x128xf32>
      %select_n3A_670 = arith.select %gt3A_669, %select_n3A_666, %select_n3A_648 : vector<8x128xi1>, vector<8x128xf32>
      %select_n3A_671 = arith.select %gt3A_669, %select_n3A_668, %select_n3A_649 : vector<8x128xi1>, vector<8x128xi32>
      %slice3A_672 = vector.extract_strided_slice %concatenate3A_37 {offsets = [72, 128], sizes = [8, 128], strides = [1, 1]} : vector<288x384xf32> to vector<8x128xf32>
      %add3A_673 = arith.constant 23168 : i32
      %add3A_674 = vector.broadcast %add3A_673 : i32 to vector<8x128xi32>
      %add3A_675 = arith.addi %add3A, %add3A_674 : vector<8x128xi32>
      %gt3A_676 = arith.cmpf ogt, %slice3A_672, %select_n3A_655 : vector<8x128xf32>
      %select_n3A_677 = arith.select %gt3A_676, %slice3A_672, %select_n3A_655 : vector<8x128xi1>, vector<8x128xf32>
      %select_n3A_678 = arith.select %gt3A_676, %select_n3A_655, %slice3A_672 : vector<8x128xi1>, vector<8x128xf32>
      %select_n3A_679 = arith.select %gt3A_676, %add3A_675, %select_n3A_657 : vector<8x128xi1>, vector<8x128xi32>
      %select_n3A_680 = arith.select %gt3A_676, %select_n3A_657, %add3A_675 : vector<8x128xi1>, vector<8x128xi32>
      %gt3A_681 = arith.cmpf ogt, %select_n3A_678, %select_n3A_660 : vector<8x128xf32>
      %select_n3A_682 = arith.select %gt3A_681, %select_n3A_678, %select_n3A_660 : vector<8x128xi1>, vector<8x128xf32>
      %select_n3A_683 = arith.select %gt3A_681, %select_n3A_660, %select_n3A_678 : vector<8x128xi1>, vector<8x128xf32>
      %select_n3A_684 = arith.select %gt3A_681, %select_n3A_680, %select_n3A_662 : vector<8x128xi1>, vector<8x128xi32>
      %select_n3A_685 = arith.select %gt3A_681, %select_n3A_662, %select_n3A_680 : vector<8x128xi1>, vector<8x128xi32>
      %gt3A_686 = arith.cmpf ogt, %select_n3A_683, %select_n3A_665 : vector<8x128xf32>
      %select_n3A_687 = arith.select %gt3A_686, %select_n3A_683, %select_n3A_665 : vector<8x128xi1>, vector<8x128xf32>
      %select_n3A_688 = arith.select %gt3A_686, %select_n3A_665, %select_n3A_683 : vector<8x128xi1>, vector<8x128xf32>
      %select_n3A_689 = arith.select %gt3A_686, %select_n3A_685, %select_n3A_667 : vector<8x128xi1>, vector<8x128xi32>
      %select_n3A_690 = arith.select %gt3A_686, %select_n3A_667, %select_n3A_685 : vector<8x128xi1>, vector<8x128xi32>
      %gt3A_691 = arith.cmpf ogt, %select_n3A_688, %select_n3A_670 : vector<8x128xf32>
      %select_n3A_692 = arith.select %gt3A_691, %select_n3A_688, %select_n3A_670 : vector<8x128xi1>, vector<8x128xf32>
      %select_n3A_693 = arith.select %gt3A_691, %select_n3A_690, %select_n3A_671 : vector<8x128xi1>, vector<8x128xi32>
      %slice3A_694 = vector.extract_strided_slice %concatenate3A_37 {offsets = [72, 256], sizes = [8, 128], strides = [1, 1]} : vector<288x384xf32> to vector<8x128xf32>
      %add3A_695 = arith.constant 23296 : i32
      %add3A_696 = vector.broadcast %add3A_695 : i32 to vector<8x128xi32>
      %add3A_697 = arith.addi %add3A, %add3A_696 : vector<8x128xi32>
      %gt3A_698 = arith.cmpf ogt, %slice3A_694, %select_n3A_677 : vector<8x128xf32>
      %select_n3A_699 = arith.select %gt3A_698, %slice3A_694, %select_n3A_677 : vector<8x128xi1>, vector<8x128xf32>
      %select_n3A_700 = arith.select %gt3A_698, %select_n3A_677, %slice3A_694 : vector<8x128xi1>, vector<8x128xf32>
      %select_n3A_701 = arith.select %gt3A_698, %add3A_697, %select_n3A_679 : vector<8x128xi1>, vector<8x128xi32>
      %select_n3A_702 = arith.select %gt3A_698, %select_n3A_679, %add3A_697 : vector<8x128xi1>, vector<8x128xi32>
      %gt3A_703 = arith.cmpf ogt, %select_n3A_700, %select_n3A_682 : vector<8x128xf32>
      %select_n3A_704 = arith.select %gt3A_703, %select_n3A_700, %select_n3A_682 : vector<8x128xi1>, vector<8x128xf32>
      %select_n3A_705 = arith.select %gt3A_703, %select_n3A_682, %select_n3A_700 : vector<8x128xi1>, vector<8x128xf32>
      %select_n3A_706 = arith.select %gt3A_703, %select_n3A_702, %select_n3A_684 : vector<8x128xi1>, vector<8x128xi32>
      %select_n3A_707 = arith.select %gt3A_703, %select_n3A_684, %select_n3A_702 : vector<8x128xi1>, vector<8x128xi32>
      %gt3A_708 = arith.cmpf ogt, %select_n3A_705, %select_n3A_687 : vector<8x128xf32>
      %select_n3A_709 = arith.select %gt3A_708, %select_n3A_705, %select_n3A_687 : vector<8x128xi1>, vector<8x128xf32>
      %select_n3A_710 = arith.select %gt3A_708, %select_n3A_687, %select_n3A_705 : vector<8x128xi1>, vector<8x128xf32>
      %select_n3A_711 = arith.select %gt3A_708, %select_n3A_707, %select_n3A_689 : vector<8x128xi1>, vector<8x128xi32>
      %select_n3A_712 = arith.select %gt3A_708, %select_n3A_689, %select_n3A_707 : vector<8x128xi1>, vector<8x128xi32>
      %gt3A_713 = arith.cmpf ogt, %select_n3A_710, %select_n3A_692 : vector<8x128xf32>
      %select_n3A_714 = arith.select %gt3A_713, %select_n3A_710, %select_n3A_692 : vector<8x128xi1>, vector<8x128xf32>
      %select_n3A_715 = arith.select %gt3A_713, %select_n3A_712, %select_n3A_693 : vector<8x128xi1>, vector<8x128xi32>
      %slice3A_716 = vector.extract_strided_slice %concatenate3A_37 {offsets = [80, 0], sizes = [8, 128], strides = [1, 1]} : vector<288x384xf32> to vector<8x128xf32>
      %add3A_717 = arith.constant 25600 : i32
      %add3A_718 = vector.broadcast %add3A_717 : i32 to vector<8x128xi32>
      %add3A_719 = arith.addi %add3A, %add3A_718 : vector<8x128xi32>
      %gt3A_720 = arith.cmpf ogt, %slice3A_716, %select_n3A_699 : vector<8x128xf32>
      %select_n3A_721 = arith.select %gt3A_720, %slice3A_716, %select_n3A_699 : vector<8x128xi1>, vector<8x128xf32>
      %select_n3A_722 = arith.select %gt3A_720, %select_n3A_699, %slice3A_716 : vector<8x128xi1>, vector<8x128xf32>
      %select_n3A_723 = arith.select %gt3A_720, %add3A_719, %select_n3A_701 : vector<8x128xi1>, vector<8x128xi32>
      %select_n3A_724 = arith.select %gt3A_720, %select_n3A_701, %add3A_719 : vector<8x128xi1>, vector<8x128xi32>
      %gt3A_725 = arith.cmpf ogt, %select_n3A_722, %select_n3A_704 : vector<8x128xf32>
      %select_n3A_726 = arith.select %gt3A_725, %select_n3A_722, %select_n3A_704 : vector<8x128xi1>, vector<8x128xf32>
      %select_n3A_727 = arith.select %gt3A_725, %select_n3A_704, %select_n3A_722 : vector<8x128xi1>, vector<8x128xf32>
      %select_n3A_728 = arith.select %gt3A_725, %select_n3A_724, %select_n3A_706 : vector<8x128xi1>, vector<8x128xi32>
      %select_n3A_729 = arith.select %gt3A_725, %select_n3A_706, %select_n3A_724 : vector<8x128xi1>, vector<8x128xi32>
      %gt3A_730 = arith.cmpf ogt, %select_n3A_727, %select_n3A_709 : vector<8x128xf32>
      %select_n3A_731 = arith.select %gt3A_730, %select_n3A_727, %select_n3A_709 : vector<8x128xi1>, vector<8x128xf32>
      %select_n3A_732 = arith.select %gt3A_730, %select_n3A_709, %select_n3A_727 : vector<8x128xi1>, vector<8x128xf32>
      %select_n3A_733 = arith.select %gt3A_730, %select_n3A_729, %select_n3A_711 : vector<8x128xi1>, vector<8x128xi32>
      %select_n3A_734 = arith.select %gt3A_730, %select_n3A_711, %select_n3A_729 : vector<8x128xi1>, vector<8x128xi32>
      %gt3A_735 = arith.cmpf ogt, %select_n3A_732, %select_n3A_714 : vector<8x128xf32>
      %select_n3A_736 = arith.select %gt3A_735, %select_n3A_732, %select_n3A_714 : vector<8x128xi1>, vector<8x128xf32>
      %select_n3A_737 = arith.select %gt3A_735, %select_n3A_734, %select_n3A_715 : vector<8x128xi1>, vector<8x128xi32>
      %slice3A_738 = vector.extract_strided_slice %concatenate3A_37 {offsets = [80, 128], sizes = [8, 128], strides = [1, 1]} : vector<288x384xf32> to vector<8x128xf32>
      %add3A_739 = arith.constant 25728 : i32
      %add3A_740 = vector.broadcast %add3A_739 : i32 to vector<8x128xi32>
      %add3A_741 = arith.addi %add3A, %add3A_740 : vector<8x128xi32>
      %gt3A_742 = arith.cmpf ogt, %slice3A_738, %select_n3A_721 : vector<8x128xf32>
      %select_n3A_743 = arith.select %gt3A_742, %slice3A_738, %select_n3A_721 : vector<8x128xi1>, vector<8x128xf32>
      %select_n3A_744 = arith.select %gt3A_742, %select_n3A_721, %slice3A_738 : vector<8x128xi1>, vector<8x128xf32>
      %select_n3A_745 = arith.select %gt3A_742, %add3A_741, %select_n3A_723 : vector<8x128xi1>, vector<8x128xi32>
      %select_n3A_746 = arith.select %gt3A_742, %select_n3A_723, %add3A_741 : vector<8x128xi1>, vector<8x128xi32>
      %gt3A_747 = arith.cmpf ogt, %select_n3A_744, %select_n3A_726 : vector<8x128xf32>
      %select_n3A_748 = arith.select %gt3A_747, %select_n3A_744, %select_n3A_726 : vector<8x128xi1>, vector<8x128xf32>
      %select_n3A_749 = arith.select %gt3A_747, %select_n3A_726, %select_n3A_744 : vector<8x128xi1>, vector<8x128xf32>
      %select_n3A_750 = arith.select %gt3A_747, %select_n3A_746, %select_n3A_728 : vector<8x128xi1>, vector<8x128xi32>
      %select_n3A_751 = arith.select %gt3A_747, %select_n3A_728, %select_n3A_746 : vector<8x128xi1>, vector<8x128xi32>
      %gt3A_752 = arith.cmpf ogt, %select_n3A_749, %select_n3A_731 : vector<8x128xf32>
      %select_n3A_753 = arith.select %gt3A_752, %select_n3A_749, %select_n3A_731 : vector<8x128xi1>, vector<8x128xf32>
      %select_n3A_754 = arith.select %gt3A_752, %select_n3A_731, %select_n3A_749 : vector<8x128xi1>, vector<8x128xf32>
      %select_n3A_755 = arith.select %gt3A_752, %select_n3A_751, %select_n3A_733 : vector<8x128xi1>, vector<8x128xi32>
      %select_n3A_756 = arith.select %gt3A_752, %select_n3A_733, %select_n3A_751 : vector<8x128xi1>, vector<8x128xi32>
      %gt3A_757 = arith.cmpf ogt, %select_n3A_754, %select_n3A_736 : vector<8x128xf32>
      %select_n3A_758 = arith.select %gt3A_757, %select_n3A_754, %select_n3A_736 : vector<8x128xi1>, vector<8x128xf32>
      %select_n3A_759 = arith.select %gt3A_757, %select_n3A_756, %select_n3A_737 : vector<8x128xi1>, vector<8x128xi32>
      %slice3A_760 = vector.extract_strided_slice %concatenate3A_37 {offsets = [80, 256], sizes = [8, 128], strides = [1, 1]} : vector<288x384xf32> to vector<8x128xf32>
      %add3A_761 = arith.constant 25856 : i32
      %add3A_762 = vector.broadcast %add3A_761 : i32 to vector<8x128xi32>
      %add3A_763 = arith.addi %add3A, %add3A_762 : vector<8x128xi32>
      %gt3A_764 = arith.cmpf ogt, %slice3A_760, %select_n3A_743 : vector<8x128xf32>
      %select_n3A_765 = arith.select %gt3A_764, %slice3A_760, %select_n3A_743 : vector<8x128xi1>, vector<8x128xf32>
      %select_n3A_766 = arith.select %gt3A_764, %select_n3A_743, %slice3A_760 : vector<8x128xi1>, vector<8x128xf32>
      %select_n3A_767 = arith.select %gt3A_764, %add3A_763, %select_n3A_745 : vector<8x128xi1>, vector<8x128xi32>
      %select_n3A_768 = arith.select %gt3A_764, %select_n3A_745, %add3A_763 : vector<8x128xi1>, vector<8x128xi32>
      %gt3A_769 = arith.cmpf ogt, %select_n3A_766, %select_n3A_748 : vector<8x128xf32>
      %select_n3A_770 = arith.select %gt3A_769, %select_n3A_766, %select_n3A_748 : vector<8x128xi1>, vector<8x128xf32>
      %select_n3A_771 = arith.select %gt3A_769, %select_n3A_748, %select_n3A_766 : vector<8x128xi1>, vector<8x128xf32>
      %select_n3A_772 = arith.select %gt3A_769, %select_n3A_768, %select_n3A_750 : vector<8x128xi1>, vector<8x128xi32>
      %select_n3A_773 = arith.select %gt3A_769, %select_n3A_750, %select_n3A_768 : vector<8x128xi1>, vector<8x128xi32>
      %gt3A_774 = arith.cmpf ogt, %select_n3A_771, %select_n3A_753 : vector<8x128xf32>
      %select_n3A_775 = arith.select %gt3A_774, %select_n3A_771, %select_n3A_753 : vector<8x128xi1>, vector<8x128xf32>
      %select_n3A_776 = arith.select %gt3A_774, %select_n3A_753, %select_n3A_771 : vector<8x128xi1>, vector<8x128xf32>
      %select_n3A_777 = arith.select %gt3A_774, %select_n3A_773, %select_n3A_755 : vector<8x128xi1>, vector<8x128xi32>
      %select_n3A_778 = arith.select %gt3A_774, %select_n3A_755, %select_n3A_773 : vector<8x128xi1>, vector<8x128xi32>
      %gt3A_779 = arith.cmpf ogt, %select_n3A_776, %select_n3A_758 : vector<8x128xf32>
      %select_n3A_780 = arith.select %gt3A_779, %select_n3A_776, %select_n3A_758 : vector<8x128xi1>, vector<8x128xf32>
      %select_n3A_781 = arith.select %gt3A_779, %select_n3A_778, %select_n3A_759 : vector<8x128xi1>, vector<8x128xi32>
      %slice3A_782 = vector.extract_strided_slice %concatenate3A_37 {offsets = [88, 0], sizes = [8, 128], strides = [1, 1]} : vector<288x384xf32> to vector<8x128xf32>
      %add3A_783 = arith.constant 28160 : i32
      %add3A_784 = vector.broadcast %add3A_783 : i32 to vector<8x128xi32>
      %add3A_785 = arith.addi %add3A, %add3A_784 : vector<8x128xi32>
      %gt3A_786 = arith.cmpf ogt, %slice3A_782, %select_n3A_765 : vector<8x128xf32>
      %select_n3A_787 = arith.select %gt3A_786, %slice3A_782, %select_n3A_765 : vector<8x128xi1>, vector<8x128xf32>
      %select_n3A_788 = arith.select %gt3A_786, %select_n3A_765, %slice3A_782 : vector<8x128xi1>, vector<8x128xf32>
      %select_n3A_789 = arith.select %gt3A_786, %add3A_785, %select_n3A_767 : vector<8x128xi1>, vector<8x128xi32>
      %select_n3A_790 = arith.select %gt3A_786, %select_n3A_767, %add3A_785 : vector<8x128xi1>, vector<8x128xi32>
      %gt3A_791 = arith.cmpf ogt, %select_n3A_788, %select_n3A_770 : vector<8x128xf32>
      %select_n3A_792 = arith.select %gt3A_791, %select_n3A_788, %select_n3A_770 : vector<8x128xi1>, vector<8x128xf32>
      %select_n3A_793 = arith.select %gt3A_791, %select_n3A_770, %select_n3A_788 : vector<8x128xi1>, vector<8x128xf32>
      %select_n3A_794 = arith.select %gt3A_791, %select_n3A_790, %select_n3A_772 : vector<8x128xi1>, vector<8x128xi32>
      %select_n3A_795 = arith.select %gt3A_791, %select_n3A_772, %select_n3A_790 : vector<8x128xi1>, vector<8x128xi32>
      %gt3A_796 = arith.cmpf ogt, %select_n3A_793, %select_n3A_775 : vector<8x128xf32>
      %select_n3A_797 = arith.select %gt3A_796, %select_n3A_793, %select_n3A_775 : vector<8x128xi1>, vector<8x128xf32>
      %select_n3A_798 = arith.select %gt3A_796, %select_n3A_775, %select_n3A_793 : vector<8x128xi1>, vector<8x128xf32>
      %select_n3A_799 = arith.select %gt3A_796, %select_n3A_795, %select_n3A_777 : vector<8x128xi1>, vector<8x128xi32>
      %select_n3A_800 = arith.select %gt3A_796, %select_n3A_777, %select_n3A_795 : vector<8x128xi1>, vector<8x128xi32>
      %gt3A_801 = arith.cmpf ogt, %select_n3A_798, %select_n3A_780 : vector<8x128xf32>
      %select_n3A_802 = arith.select %gt3A_801, %select_n3A_798, %select_n3A_780 : vector<8x128xi1>, vector<8x128xf32>
      %select_n3A_803 = arith.select %gt3A_801, %select_n3A_800, %select_n3A_781 : vector<8x128xi1>, vector<8x128xi32>
      %slice3A_804 = vector.extract_strided_slice %concatenate3A_37 {offsets = [88, 128], sizes = [8, 128], strides = [1, 1]} : vector<288x384xf32> to vector<8x128xf32>
      %add3A_805 = arith.constant 28288 : i32
      %add3A_806 = vector.broadcast %add3A_805 : i32 to vector<8x128xi32>
      %add3A_807 = arith.addi %add3A, %add3A_806 : vector<8x128xi32>
      %gt3A_808 = arith.cmpf ogt, %slice3A_804, %select_n3A_787 : vector<8x128xf32>
      %select_n3A_809 = arith.select %gt3A_808, %slice3A_804, %select_n3A_787 : vector<8x128xi1>, vector<8x128xf32>
      %select_n3A_810 = arith.select %gt3A_808, %select_n3A_787, %slice3A_804 : vector<8x128xi1>, vector<8x128xf32>
      %select_n3A_811 = arith.select %gt3A_808, %add3A_807, %select_n3A_789 : vector<8x128xi1>, vector<8x128xi32>
      %select_n3A_812 = arith.select %gt3A_808, %select_n3A_789, %add3A_807 : vector<8x128xi1>, vector<8x128xi32>
      %gt3A_813 = arith.cmpf ogt, %select_n3A_810, %select_n3A_792 : vector<8x128xf32>
      %select_n3A_814 = arith.select %gt3A_813, %select_n3A_810, %select_n3A_792 : vector<8x128xi1>, vector<8x128xf32>
      %select_n3A_815 = arith.select %gt3A_813, %select_n3A_792, %select_n3A_810 : vector<8x128xi1>, vector<8x128xf32>
      %select_n3A_816 = arith.select %gt3A_813, %select_n3A_812, %select_n3A_794 : vector<8x128xi1>, vector<8x128xi32>
      %select_n3A_817 = arith.select %gt3A_813, %select_n3A_794, %select_n3A_812 : vector<8x128xi1>, vector<8x128xi32>
      %gt3A_818 = arith.cmpf ogt, %select_n3A_815, %select_n3A_797 : vector<8x128xf32>
      %select_n3A_819 = arith.select %gt3A_818, %select_n3A_815, %select_n3A_797 : vector<8x128xi1>, vector<8x128xf32>
      %select_n3A_820 = arith.select %gt3A_818, %select_n3A_797, %select_n3A_815 : vector<8x128xi1>, vector<8x128xf32>
      %select_n3A_821 = arith.select %gt3A_818, %select_n3A_817, %select_n3A_799 : vector<8x128xi1>, vector<8x128xi32>
      %select_n3A_822 = arith.select %gt3A_818, %select_n3A_799, %select_n3A_817 : vector<8x128xi1>, vector<8x128xi32>
      %gt3A_823 = arith.cmpf ogt, %select_n3A_820, %select_n3A_802 : vector<8x128xf32>
      %select_n3A_824 = arith.select %gt3A_823, %select_n3A_820, %select_n3A_802 : vector<8x128xi1>, vector<8x128xf32>
      %select_n3A_825 = arith.select %gt3A_823, %select_n3A_822, %select_n3A_803 : vector<8x128xi1>, vector<8x128xi32>
      %slice3A_826 = vector.extract_strided_slice %concatenate3A_37 {offsets = [88, 256], sizes = [8, 128], strides = [1, 1]} : vector<288x384xf32> to vector<8x128xf32>
      %add3A_827 = arith.constant 28416 : i32
      %add3A_828 = vector.broadcast %add3A_827 : i32 to vector<8x128xi32>
      %add3A_829 = arith.addi %add3A, %add3A_828 : vector<8x128xi32>
      %gt3A_830 = arith.cmpf ogt, %slice3A_826, %select_n3A_809 : vector<8x128xf32>
      %select_n3A_831 = arith.select %gt3A_830, %slice3A_826, %select_n3A_809 : vector<8x128xi1>, vector<8x128xf32>
      %select_n3A_832 = arith.select %gt3A_830, %select_n3A_809, %slice3A_826 : vector<8x128xi1>, vector<8x128xf32>
      %select_n3A_833 = arith.select %gt3A_830, %add3A_829, %select_n3A_811 : vector<8x128xi1>, vector<8x128xi32>
      %select_n3A_834 = arith.select %gt3A_830, %select_n3A_811, %add3A_829 : vector<8x128xi1>, vector<8x128xi32>
      %gt3A_835 = arith.cmpf ogt, %select_n3A_832, %select_n3A_814 : vector<8x128xf32>
      %select_n3A_836 = arith.select %gt3A_835, %select_n3A_832, %select_n3A_814 : vector<8x128xi1>, vector<8x128xf32>
      %select_n3A_837 = arith.select %gt3A_835, %select_n3A_814, %select_n3A_832 : vector<8x128xi1>, vector<8x128xf32>
      %select_n3A_838 = arith.select %gt3A_835, %select_n3A_834, %select_n3A_816 : vector<8x128xi1>, vector<8x128xi32>
      %select_n3A_839 = arith.select %gt3A_835, %select_n3A_816, %select_n3A_834 : vector<8x128xi1>, vector<8x128xi32>
      %gt3A_840 = arith.cmpf ogt, %select_n3A_837, %select_n3A_819 : vector<8x128xf32>
      %select_n3A_841 = arith.select %gt3A_840, %select_n3A_837, %select_n3A_819 : vector<8x128xi1>, vector<8x128xf32>
      %select_n3A_842 = arith.select %gt3A_840, %select_n3A_819, %select_n3A_837 : vector<8x128xi1>, vector<8x128xf32>
      %select_n3A_843 = arith.select %gt3A_840, %select_n3A_839, %select_n3A_821 : vector<8x128xi1>, vector<8x128xi32>
      %select_n3A_844 = arith.select %gt3A_840, %select_n3A_821, %select_n3A_839 : vector<8x128xi1>, vector<8x128xi32>
      %gt3A_845 = arith.cmpf ogt, %select_n3A_842, %select_n3A_824 : vector<8x128xf32>
      %select_n3A_846 = arith.select %gt3A_845, %select_n3A_842, %select_n3A_824 : vector<8x128xi1>, vector<8x128xf32>
      %select_n3A_847 = arith.select %gt3A_845, %select_n3A_844, %select_n3A_825 : vector<8x128xi1>, vector<8x128xi32>
      %slice3A_848 = vector.extract_strided_slice %concatenate3A_37 {offsets = [96, 0], sizes = [8, 128], strides = [1, 1]} : vector<288x384xf32> to vector<8x128xf32>
      %add3A_849 = arith.constant 30720 : i32
      %add3A_850 = vector.broadcast %add3A_849 : i32 to vector<8x128xi32>
      %add3A_851 = arith.addi %add3A, %add3A_850 : vector<8x128xi32>
      %gt3A_852 = arith.cmpf ogt, %slice3A_848, %select_n3A_831 : vector<8x128xf32>
      %select_n3A_853 = arith.select %gt3A_852, %slice3A_848, %select_n3A_831 : vector<8x128xi1>, vector<8x128xf32>
      %select_n3A_854 = arith.select %gt3A_852, %select_n3A_831, %slice3A_848 : vector<8x128xi1>, vector<8x128xf32>
      %select_n3A_855 = arith.select %gt3A_852, %add3A_851, %select_n3A_833 : vector<8x128xi1>, vector<8x128xi32>
      %select_n3A_856 = arith.select %gt3A_852, %select_n3A_833, %add3A_851 : vector<8x128xi1>, vector<8x128xi32>
      %gt3A_857 = arith.cmpf ogt, %select_n3A_854, %select_n3A_836 : vector<8x128xf32>
      %select_n3A_858 = arith.select %gt3A_857, %select_n3A_854, %select_n3A_836 : vector<8x128xi1>, vector<8x128xf32>
      %select_n3A_859 = arith.select %gt3A_857, %select_n3A_836, %select_n3A_854 : vector<8x128xi1>, vector<8x128xf32>
      %select_n3A_860 = arith.select %gt3A_857, %select_n3A_856, %select_n3A_838 : vector<8x128xi1>, vector<8x128xi32>
      %select_n3A_861 = arith.select %gt3A_857, %select_n3A_838, %select_n3A_856 : vector<8x128xi1>, vector<8x128xi32>
      %gt3A_862 = arith.cmpf ogt, %select_n3A_859, %select_n3A_841 : vector<8x128xf32>
      %select_n3A_863 = arith.select %gt3A_862, %select_n3A_859, %select_n3A_841 : vector<8x128xi1>, vector<8x128xf32>
      %select_n3A_864 = arith.select %gt3A_862, %select_n3A_841, %select_n3A_859 : vector<8x128xi1>, vector<8x128xf32>
      %select_n3A_865 = arith.select %gt3A_862, %select_n3A_861, %select_n3A_843 : vector<8x128xi1>, vector<8x128xi32>
      %select_n3A_866 = arith.select %gt3A_862, %select_n3A_843, %select_n3A_861 : vector<8x128xi1>, vector<8x128xi32>
      %gt3A_867 = arith.cmpf ogt, %select_n3A_864, %select_n3A_846 : vector<8x128xf32>
      %select_n3A_868 = arith.select %gt3A_867, %select_n3A_864, %select_n3A_846 : vector<8x128xi1>, vector<8x128xf32>
      %select_n3A_869 = arith.select %gt3A_867, %select_n3A_866, %select_n3A_847 : vector<8x128xi1>, vector<8x128xi32>
      %slice3A_870 = vector.extract_strided_slice %concatenate3A_37 {offsets = [96, 128], sizes = [8, 128], strides = [1, 1]} : vector<288x384xf32> to vector<8x128xf32>
      %add3A_871 = arith.constant 30848 : i32
      %add3A_872 = vector.broadcast %add3A_871 : i32 to vector<8x128xi32>
      %add3A_873 = arith.addi %add3A, %add3A_872 : vector<8x128xi32>
      %gt3A_874 = arith.cmpf ogt, %slice3A_870, %select_n3A_853 : vector<8x128xf32>
      %select_n3A_875 = arith.select %gt3A_874, %slice3A_870, %select_n3A_853 : vector<8x128xi1>, vector<8x128xf32>
      %select_n3A_876 = arith.select %gt3A_874, %select_n3A_853, %slice3A_870 : vector<8x128xi1>, vector<8x128xf32>
      %select_n3A_877 = arith.select %gt3A_874, %add3A_873, %select_n3A_855 : vector<8x128xi1>, vector<8x128xi32>
      %select_n3A_878 = arith.select %gt3A_874, %select_n3A_855, %add3A_873 : vector<8x128xi1>, vector<8x128xi32>
      %gt3A_879 = arith.cmpf ogt, %select_n3A_876, %select_n3A_858 : vector<8x128xf32>
      %select_n3A_880 = arith.select %gt3A_879, %select_n3A_876, %select_n3A_858 : vector<8x128xi1>, vector<8x128xf32>
      %select_n3A_881 = arith.select %gt3A_879, %select_n3A_858, %select_n3A_876 : vector<8x128xi1>, vector<8x128xf32>
      %select_n3A_882 = arith.select %gt3A_879, %select_n3A_878, %select_n3A_860 : vector<8x128xi1>, vector<8x128xi32>
      %select_n3A_883 = arith.select %gt3A_879, %select_n3A_860, %select_n3A_878 : vector<8x128xi1>, vector<8x128xi32>
      %gt3A_884 = arith.cmpf ogt, %select_n3A_881, %select_n3A_863 : vector<8x128xf32>
      %select_n3A_885 = arith.select %gt3A_884, %select_n3A_881, %select_n3A_863 : vector<8x128xi1>, vector<8x128xf32>
      %select_n3A_886 = arith.select %gt3A_884, %select_n3A_863, %select_n3A_881 : vector<8x128xi1>, vector<8x128xf32>
      %select_n3A_887 = arith.select %gt3A_884, %select_n3A_883, %select_n3A_865 : vector<8x128xi1>, vector<8x128xi32>
      %select_n3A_888 = arith.select %gt3A_884, %select_n3A_865, %select_n3A_883 : vector<8x128xi1>, vector<8x128xi32>
      %gt3A_889 = arith.cmpf ogt, %select_n3A_886, %select_n3A_868 : vector<8x128xf32>
      %select_n3A_890 = arith.select %gt3A_889, %select_n3A_886, %select_n3A_868 : vector<8x128xi1>, vector<8x128xf32>
      %select_n3A_891 = arith.select %gt3A_889, %select_n3A_888, %select_n3A_869 : vector<8x128xi1>, vector<8x128xi32>
      %slice3A_892 = vector.extract_strided_slice %concatenate3A_37 {offsets = [96, 256], sizes = [8, 128], strides = [1, 1]} : vector<288x384xf32> to vector<8x128xf32>
      %add3A_893 = arith.constant 30976 : i32
      %add3A_894 = vector.broadcast %add3A_893 : i32 to vector<8x128xi32>
      %add3A_895 = arith.addi %add3A, %add3A_894 : vector<8x128xi32>
      %gt3A_896 = arith.cmpf ogt, %slice3A_892, %select_n3A_875 : vector<8x128xf32>
      %select_n3A_897 = arith.select %gt3A_896, %slice3A_892, %select_n3A_875 : vector<8x128xi1>, vector<8x128xf32>
      %select_n3A_898 = arith.select %gt3A_896, %select_n3A_875, %slice3A_892 : vector<8x128xi1>, vector<8x128xf32>
      %select_n3A_899 = arith.select %gt3A_896, %add3A_895, %select_n3A_877 : vector<8x128xi1>, vector<8x128xi32>
      %select_n3A_900 = arith.select %gt3A_896, %select_n3A_877, %add3A_895 : vector<8x128xi1>, vector<8x128xi32>
      %gt3A_901 = arith.cmpf ogt, %select_n3A_898, %select_n3A_880 : vector<8x128xf32>
      %select_n3A_902 = arith.select %gt3A_901, %select_n3A_898, %select_n3A_880 : vector<8x128xi1>, vector<8x128xf32>
      %select_n3A_903 = arith.select %gt3A_901, %select_n3A_880, %select_n3A_898 : vector<8x128xi1>, vector<8x128xf32>
      %select_n3A_904 = arith.select %gt3A_901, %select_n3A_900, %select_n3A_882 : vector<8x128xi1>, vector<8x128xi32>
      %select_n3A_905 = arith.select %gt3A_901, %select_n3A_882, %select_n3A_900 : vector<8x128xi1>, vector<8x128xi32>
      %gt3A_906 = arith.cmpf ogt, %select_n3A_903, %select_n3A_885 : vector<8x128xf32>
      %select_n3A_907 = arith.select %gt3A_906, %select_n3A_903, %select_n3A_885 : vector<8x128xi1>, vector<8x128xf32>
      %select_n3A_908 = arith.select %gt3A_906, %select_n3A_885, %select_n3A_903 : vector<8x128xi1>, vector<8x128xf32>
      %select_n3A_909 = arith.select %gt3A_906, %select_n3A_905, %select_n3A_887 : vector<8x128xi1>, vector<8x128xi32>
      %select_n3A_910 = arith.select %gt3A_906, %select_n3A_887, %select_n3A_905 : vector<8x128xi1>, vector<8x128xi32>
      %gt3A_911 = arith.cmpf ogt, %select_n3A_908, %select_n3A_890 : vector<8x128xf32>
      %select_n3A_912 = arith.select %gt3A_911, %select_n3A_908, %select_n3A_890 : vector<8x128xi1>, vector<8x128xf32>
      %select_n3A_913 = arith.select %gt3A_911, %select_n3A_910, %select_n3A_891 : vector<8x128xi1>, vector<8x128xi32>
      %slice3A_914 = vector.extract_strided_slice %concatenate3A_37 {offsets = [104, 0], sizes = [8, 128], strides = [1, 1]} : vector<288x384xf32> to vector<8x128xf32>
      %add3A_915 = arith.constant 33280 : i32
      %add3A_916 = vector.broadcast %add3A_915 : i32 to vector<8x128xi32>
      %add3A_917 = arith.addi %add3A, %add3A_916 : vector<8x128xi32>
      %gt3A_918 = arith.cmpf ogt, %slice3A_914, %select_n3A_897 : vector<8x128xf32>
      %select_n3A_919 = arith.select %gt3A_918, %slice3A_914, %select_n3A_897 : vector<8x128xi1>, vector<8x128xf32>
      %select_n3A_920 = arith.select %gt3A_918, %select_n3A_897, %slice3A_914 : vector<8x128xi1>, vector<8x128xf32>
      %select_n3A_921 = arith.select %gt3A_918, %add3A_917, %select_n3A_899 : vector<8x128xi1>, vector<8x128xi32>
      %select_n3A_922 = arith.select %gt3A_918, %select_n3A_899, %add3A_917 : vector<8x128xi1>, vector<8x128xi32>
      %gt3A_923 = arith.cmpf ogt, %select_n3A_920, %select_n3A_902 : vector<8x128xf32>
      %select_n3A_924 = arith.select %gt3A_923, %select_n3A_920, %select_n3A_902 : vector<8x128xi1>, vector<8x128xf32>
      %select_n3A_925 = arith.select %gt3A_923, %select_n3A_902, %select_n3A_920 : vector<8x128xi1>, vector<8x128xf32>
      %select_n3A_926 = arith.select %gt3A_923, %select_n3A_922, %select_n3A_904 : vector<8x128xi1>, vector<8x128xi32>
      %select_n3A_927 = arith.select %gt3A_923, %select_n3A_904, %select_n3A_922 : vector<8x128xi1>, vector<8x128xi32>
      %gt3A_928 = arith.cmpf ogt, %select_n3A_925, %select_n3A_907 : vector<8x128xf32>
      %select_n3A_929 = arith.select %gt3A_928, %select_n3A_925, %select_n3A_907 : vector<8x128xi1>, vector<8x128xf32>
      %select_n3A_930 = arith.select %gt3A_928, %select_n3A_907, %select_n3A_925 : vector<8x128xi1>, vector<8x128xf32>
      %select_n3A_931 = arith.select %gt3A_928, %select_n3A_927, %select_n3A_909 : vector<8x128xi1>, vector<8x128xi32>
      %select_n3A_932 = arith.select %gt3A_928, %select_n3A_909, %select_n3A_927 : vector<8x128xi1>, vector<8x128xi32>
      %gt3A_933 = arith.cmpf ogt, %select_n3A_930, %select_n3A_912 : vector<8x128xf32>
      %select_n3A_934 = arith.select %gt3A_933, %select_n3A_930, %select_n3A_912 : vector<8x128xi1>, vector<8x128xf32>
      %select_n3A_935 = arith.select %gt3A_933, %select_n3A_932, %select_n3A_913 : vector<8x128xi1>, vector<8x128xi32>
      %slice3A_936 = vector.extract_strided_slice %concatenate3A_37 {offsets = [104, 128], sizes = [8, 128], strides = [1, 1]} : vector<288x384xf32> to vector<8x128xf32>
      %add3A_937 = arith.constant 33408 : i32
      %add3A_938 = vector.broadcast %add3A_937 : i32 to vector<8x128xi32>
      %add3A_939 = arith.addi %add3A, %add3A_938 : vector<8x128xi32>
      %gt3A_940 = arith.cmpf ogt, %slice3A_936, %select_n3A_919 : vector<8x128xf32>
      %select_n3A_941 = arith.select %gt3A_940, %slice3A_936, %select_n3A_919 : vector<8x128xi1>, vector<8x128xf32>
      %select_n3A_942 = arith.select %gt3A_940, %select_n3A_919, %slice3A_936 : vector<8x128xi1>, vector<8x128xf32>
      %select_n3A_943 = arith.select %gt3A_940, %add3A_939, %select_n3A_921 : vector<8x128xi1>, vector<8x128xi32>
      %select_n3A_944 = arith.select %gt3A_940, %select_n3A_921, %add3A_939 : vector<8x128xi1>, vector<8x128xi32>
      %gt3A_945 = arith.cmpf ogt, %select_n3A_942, %select_n3A_924 : vector<8x128xf32>
      %select_n3A_946 = arith.select %gt3A_945, %select_n3A_942, %select_n3A_924 : vector<8x128xi1>, vector<8x128xf32>
      %select_n3A_947 = arith.select %gt3A_945, %select_n3A_924, %select_n3A_942 : vector<8x128xi1>, vector<8x128xf32>
      %select_n3A_948 = arith.select %gt3A_945, %select_n3A_944, %select_n3A_926 : vector<8x128xi1>, vector<8x128xi32>
      %select_n3A_949 = arith.select %gt3A_945, %select_n3A_926, %select_n3A_944 : vector<8x128xi1>, vector<8x128xi32>
      %gt3A_950 = arith.cmpf ogt, %select_n3A_947, %select_n3A_929 : vector<8x128xf32>
      %select_n3A_951 = arith.select %gt3A_950, %select_n3A_947, %select_n3A_929 : vector<8x128xi1>, vector<8x128xf32>
      %select_n3A_952 = arith.select %gt3A_950, %select_n3A_929, %select_n3A_947 : vector<8x128xi1>, vector<8x128xf32>
      %select_n3A_953 = arith.select %gt3A_950, %select_n3A_949, %select_n3A_931 : vector<8x128xi1>, vector<8x128xi32>
      %select_n3A_954 = arith.select %gt3A_950, %select_n3A_931, %select_n3A_949 : vector<8x128xi1>, vector<8x128xi32>
      %gt3A_955 = arith.cmpf ogt, %select_n3A_952, %select_n3A_934 : vector<8x128xf32>
      %select_n3A_956 = arith.select %gt3A_955, %select_n3A_952, %select_n3A_934 : vector<8x128xi1>, vector<8x128xf32>
      %select_n3A_957 = arith.select %gt3A_955, %select_n3A_954, %select_n3A_935 : vector<8x128xi1>, vector<8x128xi32>
      %slice3A_958 = vector.extract_strided_slice %concatenate3A_37 {offsets = [104, 256], sizes = [8, 128], strides = [1, 1]} : vector<288x384xf32> to vector<8x128xf32>
      %add3A_959 = arith.constant 33536 : i32
      %add3A_960 = vector.broadcast %add3A_959 : i32 to vector<8x128xi32>
      %add3A_961 = arith.addi %add3A, %add3A_960 : vector<8x128xi32>
      %gt3A_962 = arith.cmpf ogt, %slice3A_958, %select_n3A_941 : vector<8x128xf32>
      %select_n3A_963 = arith.select %gt3A_962, %slice3A_958, %select_n3A_941 : vector<8x128xi1>, vector<8x128xf32>
      %select_n3A_964 = arith.select %gt3A_962, %select_n3A_941, %slice3A_958 : vector<8x128xi1>, vector<8x128xf32>
      %select_n3A_965 = arith.select %gt3A_962, %add3A_961, %select_n3A_943 : vector<8x128xi1>, vector<8x128xi32>
      %select_n3A_966 = arith.select %gt3A_962, %select_n3A_943, %add3A_961 : vector<8x128xi1>, vector<8x128xi32>
      %gt3A_967 = arith.cmpf ogt, %select_n3A_964, %select_n3A_946 : vector<8x128xf32>
      %select_n3A_968 = arith.select %gt3A_967, %select_n3A_964, %select_n3A_946 : vector<8x128xi1>, vector<8x128xf32>
      %select_n3A_969 = arith.select %gt3A_967, %select_n3A_946, %select_n3A_964 : vector<8x128xi1>, vector<8x128xf32>
      %select_n3A_970 = arith.select %gt3A_967, %select_n3A_966, %select_n3A_948 : vector<8x128xi1>, vector<8x128xi32>
      %select_n3A_971 = arith.select %gt3A_967, %select_n3A_948, %select_n3A_966 : vector<8x128xi1>, vector<8x128xi32>
      %gt3A_972 = arith.cmpf ogt, %select_n3A_969, %select_n3A_951 : vector<8x128xf32>
      %select_n3A_973 = arith.select %gt3A_972, %select_n3A_969, %select_n3A_951 : vector<8x128xi1>, vector<8x128xf32>
      %select_n3A_974 = arith.select %gt3A_972, %select_n3A_951, %select_n3A_969 : vector<8x128xi1>, vector<8x128xf32>
      %select_n3A_975 = arith.select %gt3A_972, %select_n3A_971, %select_n3A_953 : vector<8x128xi1>, vector<8x128xi32>
      %select_n3A_976 = arith.select %gt3A_972, %select_n3A_953, %select_n3A_971 : vector<8x128xi1>, vector<8x128xi32>
      %gt3A_977 = arith.cmpf ogt, %select_n3A_974, %select_n3A_956 : vector<8x128xf32>
      %select_n3A_978 = arith.select %gt3A_977, %select_n3A_974, %select_n3A_956 : vector<8x128xi1>, vector<8x128xf32>
      %select_n3A_979 = arith.select %gt3A_977, %select_n3A_976, %select_n3A_957 : vector<8x128xi1>, vector<8x128xi32>
      %slice3A_980 = vector.extract_strided_slice %concatenate3A_37 {offsets = [112, 0], sizes = [8, 128], strides = [1, 1]} : vector<288x384xf32> to vector<8x128xf32>
      %add3A_981 = arith.constant 35840 : i32
      %add3A_982 = vector.broadcast %add3A_981 : i32 to vector<8x128xi32>
      %add3A_983 = arith.addi %add3A, %add3A_982 : vector<8x128xi32>
      %gt3A_984 = arith.cmpf ogt, %slice3A_980, %select_n3A_963 : vector<8x128xf32>
      %select_n3A_985 = arith.select %gt3A_984, %slice3A_980, %select_n3A_963 : vector<8x128xi1>, vector<8x128xf32>
      %select_n3A_986 = arith.select %gt3A_984, %select_n3A_963, %slice3A_980 : vector<8x128xi1>, vector<8x128xf32>
      %select_n3A_987 = arith.select %gt3A_984, %add3A_983, %select_n3A_965 : vector<8x128xi1>, vector<8x128xi32>
      %select_n3A_988 = arith.select %gt3A_984, %select_n3A_965, %add3A_983 : vector<8x128xi1>, vector<8x128xi32>
      %gt3A_989 = arith.cmpf ogt, %select_n3A_986, %select_n3A_968 : vector<8x128xf32>
      %select_n3A_990 = arith.select %gt3A_989, %select_n3A_986, %select_n3A_968 : vector<8x128xi1>, vector<8x128xf32>
      %select_n3A_991 = arith.select %gt3A_989, %select_n3A_968, %select_n3A_986 : vector<8x128xi1>, vector<8x128xf32>
      %select_n3A_992 = arith.select %gt3A_989, %select_n3A_988, %select_n3A_970 : vector<8x128xi1>, vector<8x128xi32>
      %select_n3A_993 = arith.select %gt3A_989, %select_n3A_970, %select_n3A_988 : vector<8x128xi1>, vector<8x128xi32>
      %gt3A_994 = arith.cmpf ogt, %select_n3A_991, %select_n3A_973 : vector<8x128xf32>
      %select_n3A_995 = arith.select %gt3A_994, %select_n3A_991, %select_n3A_973 : vector<8x128xi1>, vector<8x128xf32>
      %select_n3A_996 = arith.select %gt3A_994, %select_n3A_973, %select_n3A_991 : vector<8x128xi1>, vector<8x128xf32>
      %select_n3A_997 = arith.select %gt3A_994, %select_n3A_993, %select_n3A_975 : vector<8x128xi1>, vector<8x128xi32>
      %select_n3A_998 = arith.select %gt3A_994, %select_n3A_975, %select_n3A_993 : vector<8x128xi1>, vector<8x128xi32>
      %gt3A_999 = arith.cmpf ogt, %select_n3A_996, %select_n3A_978 : vector<8x128xf32>
      %select_n3A_1000 = arith.select %gt3A_999, %select_n3A_996, %select_n3A_978 : vector<8x128xi1>, vector<8x128xf32>
      %select_n3A_1001 = arith.select %gt3A_999, %select_n3A_998, %select_n3A_979 : vector<8x128xi1>, vector<8x128xi32>
      %slice3A_1002 = vector.extract_strided_slice %concatenate3A_37 {offsets = [112, 128], sizes = [8, 128], strides = [1, 1]} : vector<288x384xf32> to vector<8x128xf32>
      %add3A_1003 = arith.constant 35968 : i32
      %add3A_1004 = vector.broadcast %add3A_1003 : i32 to vector<8x128xi32>
      %add3A_1005 = arith.addi %add3A, %add3A_1004 : vector<8x128xi32>
      %gt3A_1006 = arith.cmpf ogt, %slice3A_1002, %select_n3A_985 : vector<8x128xf32>
      %select_n3A_1007 = arith.select %gt3A_1006, %slice3A_1002, %select_n3A_985 : vector<8x128xi1>, vector<8x128xf32>
      %select_n3A_1008 = arith.select %gt3A_1006, %select_n3A_985, %slice3A_1002 : vector<8x128xi1>, vector<8x128xf32>
      %select_n3A_1009 = arith.select %gt3A_1006, %add3A_1005, %select_n3A_987 : vector<8x128xi1>, vector<8x128xi32>
      %select_n3A_1010 = arith.select %gt3A_1006, %select_n3A_987, %add3A_1005 : vector<8x128xi1>, vector<8x128xi32>
      %gt3A_1011 = arith.cmpf ogt, %select_n3A_1008, %select_n3A_990 : vector<8x128xf32>
      %select_n3A_1012 = arith.select %gt3A_1011, %select_n3A_1008, %select_n3A_990 : vector<8x128xi1>, vector<8x128xf32>
      %select_n3A_1013 = arith.select %gt3A_1011, %select_n3A_990, %select_n3A_1008 : vector<8x128xi1>, vector<8x128xf32>
      %select_n3A_1014 = arith.select %gt3A_1011, %select_n3A_1010, %select_n3A_992 : vector<8x128xi1>, vector<8x128xi32>
      %select_n3A_1015 = arith.select %gt3A_1011, %select_n3A_992, %select_n3A_1010 : vector<8x128xi1>, vector<8x128xi32>
      %gt3A_1016 = arith.cmpf ogt, %select_n3A_1013, %select_n3A_995 : vector<8x128xf32>
      %select_n3A_1017 = arith.select %gt3A_1016, %select_n3A_1013, %select_n3A_995 : vector<8x128xi1>, vector<8x128xf32>
      %select_n3A_1018 = arith.select %gt3A_1016, %select_n3A_995, %select_n3A_1013 : vector<8x128xi1>, vector<8x128xf32>
      %select_n3A_1019 = arith.select %gt3A_1016, %select_n3A_1015, %select_n3A_997 : vector<8x128xi1>, vector<8x128xi32>
      %select_n3A_1020 = arith.select %gt3A_1016, %select_n3A_997, %select_n3A_1015 : vector<8x128xi1>, vector<8x128xi32>
      %gt3A_1021 = arith.cmpf ogt, %select_n3A_1018, %select_n3A_1000 : vector<8x128xf32>
      %select_n3A_1022 = arith.select %gt3A_1021, %select_n3A_1018, %select_n3A_1000 : vector<8x128xi1>, vector<8x128xf32>
      %select_n3A_1023 = arith.select %gt3A_1021, %select_n3A_1020, %select_n3A_1001 : vector<8x128xi1>, vector<8x128xi32>
      %slice3A_1024 = vector.extract_strided_slice %concatenate3A_37 {offsets = [112, 256], sizes = [8, 128], strides = [1, 1]} : vector<288x384xf32> to vector<8x128xf32>
      %add3A_1025 = arith.constant 36096 : i32
      %add3A_1026 = vector.broadcast %add3A_1025 : i32 to vector<8x128xi32>
      %add3A_1027 = arith.addi %add3A, %add3A_1026 : vector<8x128xi32>
      %gt3A_1028 = arith.cmpf ogt, %slice3A_1024, %select_n3A_1007 : vector<8x128xf32>
      %select_n3A_1029 = arith.select %gt3A_1028, %slice3A_1024, %select_n3A_1007 : vector<8x128xi1>, vector<8x128xf32>
      %select_n3A_1030 = arith.select %gt3A_1028, %select_n3A_1007, %slice3A_1024 : vector<8x128xi1>, vector<8x128xf32>
      %select_n3A_1031 = arith.select %gt3A_1028, %add3A_1027, %select_n3A_1009 : vector<8x128xi1>, vector<8x128xi32>
      %select_n3A_1032 = arith.select %gt3A_1028, %select_n3A_1009, %add3A_1027 : vector<8x128xi1>, vector<8x128xi32>
      %gt3A_1033 = arith.cmpf ogt, %select_n3A_1030, %select_n3A_1012 : vector<8x128xf32>
      %select_n3A_1034 = arith.select %gt3A_1033, %select_n3A_1030, %select_n3A_1012 : vector<8x128xi1>, vector<8x128xf32>
      %select_n3A_1035 = arith.select %gt3A_1033, %select_n3A_1012, %select_n3A_1030 : vector<8x128xi1>, vector<8x128xf32>
      %select_n3A_1036 = arith.select %gt3A_1033, %select_n3A_1032, %select_n3A_1014 : vector<8x128xi1>, vector<8x128xi32>
      %select_n3A_1037 = arith.select %gt3A_1033, %select_n3A_1014, %select_n3A_1032 : vector<8x128xi1>, vector<8x128xi32>
      %gt3A_1038 = arith.cmpf ogt, %select_n3A_1035, %select_n3A_1017 : vector<8x128xf32>
      %select_n3A_1039 = arith.select %gt3A_1038, %select_n3A_1035, %select_n3A_1017 : vector<8x128xi1>, vector<8x128xf32>
      %select_n3A_1040 = arith.select %gt3A_1038, %select_n3A_1017, %select_n3A_1035 : vector<8x128xi1>, vector<8x128xf32>
      %select_n3A_1041 = arith.select %gt3A_1038, %select_n3A_1037, %select_n3A_1019 : vector<8x128xi1>, vector<8x128xi32>
      %select_n3A_1042 = arith.select %gt3A_1038, %select_n3A_1019, %select_n3A_1037 : vector<8x128xi1>, vector<8x128xi32>
      %gt3A_1043 = arith.cmpf ogt, %select_n3A_1040, %select_n3A_1022 : vector<8x128xf32>
      %select_n3A_1044 = arith.select %gt3A_1043, %select_n3A_1040, %select_n3A_1022 : vector<8x128xi1>, vector<8x128xf32>
      %select_n3A_1045 = arith.select %gt3A_1043, %select_n3A_1042, %select_n3A_1023 : vector<8x128xi1>, vector<8x128xi32>
      %slice3A_1046 = vector.extract_strided_slice %concatenate3A_37 {offsets = [120, 0], sizes = [8, 128], strides = [1, 1]} : vector<288x384xf32> to vector<8x128xf32>
      %add3A_1047 = arith.constant 38400 : i32
      %add3A_1048 = vector.broadcast %add3A_1047 : i32 to vector<8x128xi32>
      %add3A_1049 = arith.addi %add3A, %add3A_1048 : vector<8x128xi32>
      %gt3A_1050 = arith.cmpf ogt, %slice3A_1046, %select_n3A_1029 : vector<8x128xf32>
      %select_n3A_1051 = arith.select %gt3A_1050, %slice3A_1046, %select_n3A_1029 : vector<8x128xi1>, vector<8x128xf32>
      %select_n3A_1052 = arith.select %gt3A_1050, %select_n3A_1029, %slice3A_1046 : vector<8x128xi1>, vector<8x128xf32>
      %select_n3A_1053 = arith.select %gt3A_1050, %add3A_1049, %select_n3A_1031 : vector<8x128xi1>, vector<8x128xi32>
      %select_n3A_1054 = arith.select %gt3A_1050, %select_n3A_1031, %add3A_1049 : vector<8x128xi1>, vector<8x128xi32>
      %gt3A_1055 = arith.cmpf ogt, %select_n3A_1052, %select_n3A_1034 : vector<8x128xf32>
      %select_n3A_1056 = arith.select %gt3A_1055, %select_n3A_1052, %select_n3A_1034 : vector<8x128xi1>, vector<8x128xf32>
      %select_n3A_1057 = arith.select %gt3A_1055, %select_n3A_1034, %select_n3A_1052 : vector<8x128xi1>, vector<8x128xf32>
      %select_n3A_1058 = arith.select %gt3A_1055, %select_n3A_1054, %select_n3A_1036 : vector<8x128xi1>, vector<8x128xi32>
      %select_n3A_1059 = arith.select %gt3A_1055, %select_n3A_1036, %select_n3A_1054 : vector<8x128xi1>, vector<8x128xi32>
      %gt3A_1060 = arith.cmpf ogt, %select_n3A_1057, %select_n3A_1039 : vector<8x128xf32>
      %select_n3A_1061 = arith.select %gt3A_1060, %select_n3A_1057, %select_n3A_1039 : vector<8x128xi1>, vector<8x128xf32>
      %select_n3A_1062 = arith.select %gt3A_1060, %select_n3A_1039, %select_n3A_1057 : vector<8x128xi1>, vector<8x128xf32>
      %select_n3A_1063 = arith.select %gt3A_1060, %select_n3A_1059, %select_n3A_1041 : vector<8x128xi1>, vector<8x128xi32>
      %select_n3A_1064 = arith.select %gt3A_1060, %select_n3A_1041, %select_n3A_1059 : vector<8x128xi1>, vector<8x128xi32>
      %gt3A_1065 = arith.cmpf ogt, %select_n3A_1062, %select_n3A_1044 : vector<8x128xf32>
      %select_n3A_1066 = arith.select %gt3A_1065, %select_n3A_1062, %select_n3A_1044 : vector<8x128xi1>, vector<8x128xf32>
      %select_n3A_1067 = arith.select %gt3A_1065, %select_n3A_1064, %select_n3A_1045 : vector<8x128xi1>, vector<8x128xi32>
      %slice3A_1068 = vector.extract_strided_slice %concatenate3A_37 {offsets = [120, 128], sizes = [8, 128], strides = [1, 1]} : vector<288x384xf32> to vector<8x128xf32>
      %add3A_1069 = arith.constant 38528 : i32
      %add3A_1070 = vector.broadcast %add3A_1069 : i32 to vector<8x128xi32>
      %add3A_1071 = arith.addi %add3A, %add3A_1070 : vector<8x128xi32>
      %gt3A_1072 = arith.cmpf ogt, %slice3A_1068, %select_n3A_1051 : vector<8x128xf32>
      %select_n3A_1073 = arith.select %gt3A_1072, %slice3A_1068, %select_n3A_1051 : vector<8x128xi1>, vector<8x128xf32>
      %select_n3A_1074 = arith.select %gt3A_1072, %select_n3A_1051, %slice3A_1068 : vector<8x128xi1>, vector<8x128xf32>
      %select_n3A_1075 = arith.select %gt3A_1072, %add3A_1071, %select_n3A_1053 : vector<8x128xi1>, vector<8x128xi32>
      %select_n3A_1076 = arith.select %gt3A_1072, %select_n3A_1053, %add3A_1071 : vector<8x128xi1>, vector<8x128xi32>
      %gt3A_1077 = arith.cmpf ogt, %select_n3A_1074, %select_n3A_1056 : vector<8x128xf32>
      %select_n3A_1078 = arith.select %gt3A_1077, %select_n3A_1074, %select_n3A_1056 : vector<8x128xi1>, vector<8x128xf32>
      %select_n3A_1079 = arith.select %gt3A_1077, %select_n3A_1056, %select_n3A_1074 : vector<8x128xi1>, vector<8x128xf32>
      %select_n3A_1080 = arith.select %gt3A_1077, %select_n3A_1076, %select_n3A_1058 : vector<8x128xi1>, vector<8x128xi32>
      %select_n3A_1081 = arith.select %gt3A_1077, %select_n3A_1058, %select_n3A_1076 : vector<8x128xi1>, vector<8x128xi32>
      %gt3A_1082 = arith.cmpf ogt, %select_n3A_1079, %select_n3A_1061 : vector<8x128xf32>
      %select_n3A_1083 = arith.select %gt3A_1082, %select_n3A_1079, %select_n3A_1061 : vector<8x128xi1>, vector<8x128xf32>
      %select_n3A_1084 = arith.select %gt3A_1082, %select_n3A_1061, %select_n3A_1079 : vector<8x128xi1>, vector<8x128xf32>
      %select_n3A_1085 = arith.select %gt3A_1082, %select_n3A_1081, %select_n3A_1063 : vector<8x128xi1>, vector<8x128xi32>
      %select_n3A_1086 = arith.select %gt3A_1082, %select_n3A_1063, %select_n3A_1081 : vector<8x128xi1>, vector<8x128xi32>
      %gt3A_1087 = arith.cmpf ogt, %select_n3A_1084, %select_n3A_1066 : vector<8x128xf32>
      %select_n3A_1088 = arith.select %gt3A_1087, %select_n3A_1084, %select_n3A_1066 : vector<8x128xi1>, vector<8x128xf32>
      %select_n3A_1089 = arith.select %gt3A_1087, %select_n3A_1086, %select_n3A_1067 : vector<8x128xi1>, vector<8x128xi32>
      %slice3A_1090 = vector.extract_strided_slice %concatenate3A_37 {offsets = [120, 256], sizes = [8, 128], strides = [1, 1]} : vector<288x384xf32> to vector<8x128xf32>
      %add3A_1091 = arith.constant 38656 : i32
      %add3A_1092 = vector.broadcast %add3A_1091 : i32 to vector<8x128xi32>
      %add3A_1093 = arith.addi %add3A, %add3A_1092 : vector<8x128xi32>
      %gt3A_1094 = arith.cmpf ogt, %slice3A_1090, %select_n3A_1073 : vector<8x128xf32>
      %select_n3A_1095 = arith.select %gt3A_1094, %slice3A_1090, %select_n3A_1073 : vector<8x128xi1>, vector<8x128xf32>
      %select_n3A_1096 = arith.select %gt3A_1094, %select_n3A_1073, %slice3A_1090 : vector<8x128xi1>, vector<8x128xf32>
      %select_n3A_1097 = arith.select %gt3A_1094, %add3A_1093, %select_n3A_1075 : vector<8x128xi1>, vector<8x128xi32>
      %select_n3A_1098 = arith.select %gt3A_1094, %select_n3A_1075, %add3A_1093 : vector<8x128xi1>, vector<8x128xi32>
      %gt3A_1099 = arith.cmpf ogt, %select_n3A_1096, %select_n3A_1078 : vector<8x128xf32>
      %select_n3A_1100 = arith.select %gt3A_1099, %select_n3A_1096, %select_n3A_1078 : vector<8x128xi1>, vector<8x128xf32>
      %select_n3A_1101 = arith.select %gt3A_1099, %select_n3A_1078, %select_n3A_1096 : vector<8x128xi1>, vector<8x128xf32>
      %select_n3A_1102 = arith.select %gt3A_1099, %select_n3A_1098, %select_n3A_1080 : vector<8x128xi1>, vector<8x128xi32>
      %select_n3A_1103 = arith.select %gt3A_1099, %select_n3A_1080, %select_n3A_1098 : vector<8x128xi1>, vector<8x128xi32>
      %gt3A_1104 = arith.cmpf ogt, %select_n3A_1101, %select_n3A_1083 : vector<8x128xf32>
      %select_n3A_1105 = arith.select %gt3A_1104, %select_n3A_1101, %select_n3A_1083 : vector<8x128xi1>, vector<8x128xf32>
      %select_n3A_1106 = arith.select %gt3A_1104, %select_n3A_1083, %select_n3A_1101 : vector<8x128xi1>, vector<8x128xf32>
      %select_n3A_1107 = arith.select %gt3A_1104, %select_n3A_1103, %select_n3A_1085 : vector<8x128xi1>, vector<8x128xi32>
      %select_n3A_1108 = arith.select %gt3A_1104, %select_n3A_1085, %select_n3A_1103 : vector<8x128xi1>, vector<8x128xi32>
      %gt3A_1109 = arith.cmpf ogt, %select_n3A_1106, %select_n3A_1088 : vector<8x128xf32>
      %select_n3A_1110 = arith.select %gt3A_1109, %select_n3A_1106, %select_n3A_1088 : vector<8x128xi1>, vector<8x128xf32>
      %select_n3A_1111 = arith.select %gt3A_1109, %select_n3A_1108, %select_n3A_1089 : vector<8x128xi1>, vector<8x128xi32>
      %slice3A_1112 = vector.extract_strided_slice %concatenate3A_37 {offsets = [128, 0], sizes = [8, 128], strides = [1, 1]} : vector<288x384xf32> to vector<8x128xf32>
      %add3A_1113 = arith.constant 40960 : i32
      %add3A_1114 = vector.broadcast %add3A_1113 : i32 to vector<8x128xi32>
      %add3A_1115 = arith.addi %add3A, %add3A_1114 : vector<8x128xi32>
      %gt3A_1116 = arith.cmpf ogt, %slice3A_1112, %select_n3A_1095 : vector<8x128xf32>
      %select_n3A_1117 = arith.select %gt3A_1116, %slice3A_1112, %select_n3A_1095 : vector<8x128xi1>, vector<8x128xf32>
      %select_n3A_1118 = arith.select %gt3A_1116, %select_n3A_1095, %slice3A_1112 : vector<8x128xi1>, vector<8x128xf32>
      %select_n3A_1119 = arith.select %gt3A_1116, %add3A_1115, %select_n3A_1097 : vector<8x128xi1>, vector<8x128xi32>
      %select_n3A_1120 = arith.select %gt3A_1116, %select_n3A_1097, %add3A_1115 : vector<8x128xi1>, vector<8x128xi32>
      %gt3A_1121 = arith.cmpf ogt, %select_n3A_1118, %select_n3A_1100 : vector<8x128xf32>
      %select_n3A_1122 = arith.select %gt3A_1121, %select_n3A_1118, %select_n3A_1100 : vector<8x128xi1>, vector<8x128xf32>
      %select_n3A_1123 = arith.select %gt3A_1121, %select_n3A_1100, %select_n3A_1118 : vector<8x128xi1>, vector<8x128xf32>
      %select_n3A_1124 = arith.select %gt3A_1121, %select_n3A_1120, %select_n3A_1102 : vector<8x128xi1>, vector<8x128xi32>
      %select_n3A_1125 = arith.select %gt3A_1121, %select_n3A_1102, %select_n3A_1120 : vector<8x128xi1>, vector<8x128xi32>
      %gt3A_1126 = arith.cmpf ogt, %select_n3A_1123, %select_n3A_1105 : vector<8x128xf32>
      %select_n3A_1127 = arith.select %gt3A_1126, %select_n3A_1123, %select_n3A_1105 : vector<8x128xi1>, vector<8x128xf32>
      %select_n3A_1128 = arith.select %gt3A_1126, %select_n3A_1105, %select_n3A_1123 : vector<8x128xi1>, vector<8x128xf32>
      %select_n3A_1129 = arith.select %gt3A_1126, %select_n3A_1125, %select_n3A_1107 : vector<8x128xi1>, vector<8x128xi32>
      %select_n3A_1130 = arith.select %gt3A_1126, %select_n3A_1107, %select_n3A_1125 : vector<8x128xi1>, vector<8x128xi32>
      %gt3A_1131 = arith.cmpf ogt, %select_n3A_1128, %select_n3A_1110 : vector<8x128xf32>
      %select_n3A_1132 = arith.select %gt3A_1131, %select_n3A_1128, %select_n3A_1110 : vector<8x128xi1>, vector<8x128xf32>
      %select_n3A_1133 = arith.select %gt3A_1131, %select_n3A_1130, %select_n3A_1111 : vector<8x128xi1>, vector<8x128xi32>
      %slice3A_1134 = vector.extract_strided_slice %concatenate3A_37 {offsets = [128, 128], sizes = [8, 128], strides = [1, 1]} : vector<288x384xf32> to vector<8x128xf32>
      %add3A_1135 = arith.constant 41088 : i32
      %add3A_1136 = vector.broadcast %add3A_1135 : i32 to vector<8x128xi32>
      %add3A_1137 = arith.addi %add3A, %add3A_1136 : vector<8x128xi32>
      %gt3A_1138 = arith.cmpf ogt, %slice3A_1134, %select_n3A_1117 : vector<8x128xf32>
      %select_n3A_1139 = arith.select %gt3A_1138, %slice3A_1134, %select_n3A_1117 : vector<8x128xi1>, vector<8x128xf32>
      %select_n3A_1140 = arith.select %gt3A_1138, %select_n3A_1117, %slice3A_1134 : vector<8x128xi1>, vector<8x128xf32>
      %select_n3A_1141 = arith.select %gt3A_1138, %add3A_1137, %select_n3A_1119 : vector<8x128xi1>, vector<8x128xi32>
      %select_n3A_1142 = arith.select %gt3A_1138, %select_n3A_1119, %add3A_1137 : vector<8x128xi1>, vector<8x128xi32>
      %gt3A_1143 = arith.cmpf ogt, %select_n3A_1140, %select_n3A_1122 : vector<8x128xf32>
      %select_n3A_1144 = arith.select %gt3A_1143, %select_n3A_1140, %select_n3A_1122 : vector<8x128xi1>, vector<8x128xf32>
      %select_n3A_1145 = arith.select %gt3A_1143, %select_n3A_1122, %select_n3A_1140 : vector<8x128xi1>, vector<8x128xf32>
      %select_n3A_1146 = arith.select %gt3A_1143, %select_n3A_1142, %select_n3A_1124 : vector<8x128xi1>, vector<8x128xi32>
      %select_n3A_1147 = arith.select %gt3A_1143, %select_n3A_1124, %select_n3A_1142 : vector<8x128xi1>, vector<8x128xi32>
      %gt3A_1148 = arith.cmpf ogt, %select_n3A_1145, %select_n3A_1127 : vector<8x128xf32>
      %select_n3A_1149 = arith.select %gt3A_1148, %select_n3A_1145, %select_n3A_1127 : vector<8x128xi1>, vector<8x128xf32>
      %select_n3A_1150 = arith.select %gt3A_1148, %select_n3A_1127, %select_n3A_1145 : vector<8x128xi1>, vector<8x128xf32>
      %select_n3A_1151 = arith.select %gt3A_1148, %select_n3A_1147, %select_n3A_1129 : vector<8x128xi1>, vector<8x128xi32>
      %select_n3A_1152 = arith.select %gt3A_1148, %select_n3A_1129, %select_n3A_1147 : vector<8x128xi1>, vector<8x128xi32>
      %gt3A_1153 = arith.cmpf ogt, %select_n3A_1150, %select_n3A_1132 : vector<8x128xf32>
      %select_n3A_1154 = arith.select %gt3A_1153, %select_n3A_1150, %select_n3A_1132 : vector<8x128xi1>, vector<8x128xf32>
      %select_n3A_1155 = arith.select %gt3A_1153, %select_n3A_1152, %select_n3A_1133 : vector<8x128xi1>, vector<8x128xi32>
      %slice3A_1156 = vector.extract_strided_slice %concatenate3A_37 {offsets = [128, 256], sizes = [8, 128], strides = [1, 1]} : vector<288x384xf32> to vector<8x128xf32>
      %add3A_1157 = arith.constant 41216 : i32
      %add3A_1158 = vector.broadcast %add3A_1157 : i32 to vector<8x128xi32>
      %add3A_1159 = arith.addi %add3A, %add3A_1158 : vector<8x128xi32>
      %gt3A_1160 = arith.cmpf ogt, %slice3A_1156, %select_n3A_1139 : vector<8x128xf32>
      %select_n3A_1161 = arith.select %gt3A_1160, %slice3A_1156, %select_n3A_1139 : vector<8x128xi1>, vector<8x128xf32>
      %select_n3A_1162 = arith.select %gt3A_1160, %select_n3A_1139, %slice3A_1156 : vector<8x128xi1>, vector<8x128xf32>
      %select_n3A_1163 = arith.select %gt3A_1160, %add3A_1159, %select_n3A_1141 : vector<8x128xi1>, vector<8x128xi32>
      %select_n3A_1164 = arith.select %gt3A_1160, %select_n3A_1141, %add3A_1159 : vector<8x128xi1>, vector<8x128xi32>
      %gt3A_1165 = arith.cmpf ogt, %select_n3A_1162, %select_n3A_1144 : vector<8x128xf32>
      %select_n3A_1166 = arith.select %gt3A_1165, %select_n3A_1162, %select_n3A_1144 : vector<8x128xi1>, vector<8x128xf32>
      %select_n3A_1167 = arith.select %gt3A_1165, %select_n3A_1144, %select_n3A_1162 : vector<8x128xi1>, vector<8x128xf32>
      %select_n3A_1168 = arith.select %gt3A_1165, %select_n3A_1164, %select_n3A_1146 : vector<8x128xi1>, vector<8x128xi32>
      %select_n3A_1169 = arith.select %gt3A_1165, %select_n3A_1146, %select_n3A_1164 : vector<8x128xi1>, vector<8x128xi32>
      %gt3A_1170 = arith.cmpf ogt, %select_n3A_1167, %select_n3A_1149 : vector<8x128xf32>
      %select_n3A_1171 = arith.select %gt3A_1170, %select_n3A_1167, %select_n3A_1149 : vector<8x128xi1>, vector<8x128xf32>
      %select_n3A_1172 = arith.select %gt3A_1170, %select_n3A_1149, %select_n3A_1167 : vector<8x128xi1>, vector<8x128xf32>
      %select_n3A_1173 = arith.select %gt3A_1170, %select_n3A_1169, %select_n3A_1151 : vector<8x128xi1>, vector<8x128xi32>
      %select_n3A_1174 = arith.select %gt3A_1170, %select_n3A_1151, %select_n3A_1169 : vector<8x128xi1>, vector<8x128xi32>
      %gt3A_1175 = arith.cmpf ogt, %select_n3A_1172, %select_n3A_1154 : vector<8x128xf32>
      %select_n3A_1176 = arith.select %gt3A_1175, %select_n3A_1172, %select_n3A_1154 : vector<8x128xi1>, vector<8x128xf32>
      %select_n3A_1177 = arith.select %gt3A_1175, %select_n3A_1174, %select_n3A_1155 : vector<8x128xi1>, vector<8x128xi32>
      %slice3A_1178 = vector.extract_strided_slice %concatenate3A_37 {offsets = [136, 0], sizes = [8, 128], strides = [1, 1]} : vector<288x384xf32> to vector<8x128xf32>
      %add3A_1179 = arith.constant 43520 : i32
      %add3A_1180 = vector.broadcast %add3A_1179 : i32 to vector<8x128xi32>
      %add3A_1181 = arith.addi %add3A, %add3A_1180 : vector<8x128xi32>
      %gt3A_1182 = arith.cmpf ogt, %slice3A_1178, %select_n3A_1161 : vector<8x128xf32>
      %select_n3A_1183 = arith.select %gt3A_1182, %slice3A_1178, %select_n3A_1161 : vector<8x128xi1>, vector<8x128xf32>
      %select_n3A_1184 = arith.select %gt3A_1182, %select_n3A_1161, %slice3A_1178 : vector<8x128xi1>, vector<8x128xf32>
      %select_n3A_1185 = arith.select %gt3A_1182, %add3A_1181, %select_n3A_1163 : vector<8x128xi1>, vector<8x128xi32>
      %select_n3A_1186 = arith.select %gt3A_1182, %select_n3A_1163, %add3A_1181 : vector<8x128xi1>, vector<8x128xi32>
      %gt3A_1187 = arith.cmpf ogt, %select_n3A_1184, %select_n3A_1166 : vector<8x128xf32>
      %select_n3A_1188 = arith.select %gt3A_1187, %select_n3A_1184, %select_n3A_1166 : vector<8x128xi1>, vector<8x128xf32>
      %select_n3A_1189 = arith.select %gt3A_1187, %select_n3A_1166, %select_n3A_1184 : vector<8x128xi1>, vector<8x128xf32>
      %select_n3A_1190 = arith.select %gt3A_1187, %select_n3A_1186, %select_n3A_1168 : vector<8x128xi1>, vector<8x128xi32>
      %select_n3A_1191 = arith.select %gt3A_1187, %select_n3A_1168, %select_n3A_1186 : vector<8x128xi1>, vector<8x128xi32>
      %gt3A_1192 = arith.cmpf ogt, %select_n3A_1189, %select_n3A_1171 : vector<8x128xf32>
      %select_n3A_1193 = arith.select %gt3A_1192, %select_n3A_1189, %select_n3A_1171 : vector<8x128xi1>, vector<8x128xf32>
      %select_n3A_1194 = arith.select %gt3A_1192, %select_n3A_1171, %select_n3A_1189 : vector<8x128xi1>, vector<8x128xf32>
      %select_n3A_1195 = arith.select %gt3A_1192, %select_n3A_1191, %select_n3A_1173 : vector<8x128xi1>, vector<8x128xi32>
      %select_n3A_1196 = arith.select %gt3A_1192, %select_n3A_1173, %select_n3A_1191 : vector<8x128xi1>, vector<8x128xi32>
      %gt3A_1197 = arith.cmpf ogt, %select_n3A_1194, %select_n3A_1176 : vector<8x128xf32>
      %select_n3A_1198 = arith.select %gt3A_1197, %select_n3A_1194, %select_n3A_1176 : vector<8x128xi1>, vector<8x128xf32>
      %select_n3A_1199 = arith.select %gt3A_1197, %select_n3A_1196, %select_n3A_1177 : vector<8x128xi1>, vector<8x128xi32>
      %slice3A_1200 = vector.extract_strided_slice %concatenate3A_37 {offsets = [136, 128], sizes = [8, 128], strides = [1, 1]} : vector<288x384xf32> to vector<8x128xf32>
      %add3A_1201 = arith.constant 43648 : i32
      %add3A_1202 = vector.broadcast %add3A_1201 : i32 to vector<8x128xi32>
      %add3A_1203 = arith.addi %add3A, %add3A_1202 : vector<8x128xi32>
      %gt3A_1204 = arith.cmpf ogt, %slice3A_1200, %select_n3A_1183 : vector<8x128xf32>
      %select_n3A_1205 = arith.select %gt3A_1204, %slice3A_1200, %select_n3A_1183 : vector<8x128xi1>, vector<8x128xf32>
      %select_n3A_1206 = arith.select %gt3A_1204, %select_n3A_1183, %slice3A_1200 : vector<8x128xi1>, vector<8x128xf32>
      %select_n3A_1207 = arith.select %gt3A_1204, %add3A_1203, %select_n3A_1185 : vector<8x128xi1>, vector<8x128xi32>
      %select_n3A_1208 = arith.select %gt3A_1204, %select_n3A_1185, %add3A_1203 : vector<8x128xi1>, vector<8x128xi32>
      %gt3A_1209 = arith.cmpf ogt, %select_n3A_1206, %select_n3A_1188 : vector<8x128xf32>
      %select_n3A_1210 = arith.select %gt3A_1209, %select_n3A_1206, %select_n3A_1188 : vector<8x128xi1>, vector<8x128xf32>
      %select_n3A_1211 = arith.select %gt3A_1209, %select_n3A_1188, %select_n3A_1206 : vector<8x128xi1>, vector<8x128xf32>
      %select_n3A_1212 = arith.select %gt3A_1209, %select_n3A_1208, %select_n3A_1190 : vector<8x128xi1>, vector<8x128xi32>
      %select_n3A_1213 = arith.select %gt3A_1209, %select_n3A_1190, %select_n3A_1208 : vector<8x128xi1>, vector<8x128xi32>
      %gt3A_1214 = arith.cmpf ogt, %select_n3A_1211, %select_n3A_1193 : vector<8x128xf32>
      %select_n3A_1215 = arith.select %gt3A_1214, %select_n3A_1211, %select_n3A_1193 : vector<8x128xi1>, vector<8x128xf32>
      %select_n3A_1216 = arith.select %gt3A_1214, %select_n3A_1193, %select_n3A_1211 : vector<8x128xi1>, vector<8x128xf32>
      %select_n3A_1217 = arith.select %gt3A_1214, %select_n3A_1213, %select_n3A_1195 : vector<8x128xi1>, vector<8x128xi32>
      %select_n3A_1218 = arith.select %gt3A_1214, %select_n3A_1195, %select_n3A_1213 : vector<8x128xi1>, vector<8x128xi32>
      %gt3A_1219 = arith.cmpf ogt, %select_n3A_1216, %select_n3A_1198 : vector<8x128xf32>
      %select_n3A_1220 = arith.select %gt3A_1219, %select_n3A_1216, %select_n3A_1198 : vector<8x128xi1>, vector<8x128xf32>
      %select_n3A_1221 = arith.select %gt3A_1219, %select_n3A_1218, %select_n3A_1199 : vector<8x128xi1>, vector<8x128xi32>
      %slice3A_1222 = vector.extract_strided_slice %concatenate3A_37 {offsets = [136, 256], sizes = [8, 128], strides = [1, 1]} : vector<288x384xf32> to vector<8x128xf32>
      %add3A_1223 = arith.constant 43776 : i32
      %add3A_1224 = vector.broadcast %add3A_1223 : i32 to vector<8x128xi32>
      %add3A_1225 = arith.addi %add3A, %add3A_1224 : vector<8x128xi32>
      %gt3A_1226 = arith.cmpf ogt, %slice3A_1222, %select_n3A_1205 : vector<8x128xf32>
      %select_n3A_1227 = arith.select %gt3A_1226, %slice3A_1222, %select_n3A_1205 : vector<8x128xi1>, vector<8x128xf32>
      %select_n3A_1228 = arith.select %gt3A_1226, %select_n3A_1205, %slice3A_1222 : vector<8x128xi1>, vector<8x128xf32>
      %select_n3A_1229 = arith.select %gt3A_1226, %add3A_1225, %select_n3A_1207 : vector<8x128xi1>, vector<8x128xi32>
      %select_n3A_1230 = arith.select %gt3A_1226, %select_n3A_1207, %add3A_1225 : vector<8x128xi1>, vector<8x128xi32>
      %gt3A_1231 = arith.cmpf ogt, %select_n3A_1228, %select_n3A_1210 : vector<8x128xf32>
      %select_n3A_1232 = arith.select %gt3A_1231, %select_n3A_1228, %select_n3A_1210 : vector<8x128xi1>, vector<8x128xf32>
      %select_n3A_1233 = arith.select %gt3A_1231, %select_n3A_1210, %select_n3A_1228 : vector<8x128xi1>, vector<8x128xf32>
      %select_n3A_1234 = arith.select %gt3A_1231, %select_n3A_1230, %select_n3A_1212 : vector<8x128xi1>, vector<8x128xi32>
      %select_n3A_1235 = arith.select %gt3A_1231, %select_n3A_1212, %select_n3A_1230 : vector<8x128xi1>, vector<8x128xi32>
      %gt3A_1236 = arith.cmpf ogt, %select_n3A_1233, %select_n3A_1215 : vector<8x128xf32>
      %select_n3A_1237 = arith.select %gt3A_1236, %select_n3A_1233, %select_n3A_1215 : vector<8x128xi1>, vector<8x128xf32>
      %select_n3A_1238 = arith.select %gt3A_1236, %select_n3A_1215, %select_n3A_1233 : vector<8x128xi1>, vector<8x128xf32>
      %select_n3A_1239 = arith.select %gt3A_1236, %select_n3A_1235, %select_n3A_1217 : vector<8x128xi1>, vector<8x128xi32>
      %select_n3A_1240 = arith.select %gt3A_1236, %select_n3A_1217, %select_n3A_1235 : vector<8x128xi1>, vector<8x128xi32>
      %gt3A_1241 = arith.cmpf ogt, %select_n3A_1238, %select_n3A_1220 : vector<8x128xf32>
      %select_n3A_1242 = arith.select %gt3A_1241, %select_n3A_1238, %select_n3A_1220 : vector<8x128xi1>, vector<8x128xf32>
      %select_n3A_1243 = arith.select %gt3A_1241, %select_n3A_1240, %select_n3A_1221 : vector<8x128xi1>, vector<8x128xi32>
      %slice3A_1244 = vector.extract_strided_slice %concatenate3A_37 {offsets = [144, 0], sizes = [8, 128], strides = [1, 1]} : vector<288x384xf32> to vector<8x128xf32>
      %add3A_1245 = arith.constant 46080 : i32
      %add3A_1246 = vector.broadcast %add3A_1245 : i32 to vector<8x128xi32>
      %add3A_1247 = arith.addi %add3A, %add3A_1246 : vector<8x128xi32>
      %gt3A_1248 = arith.cmpf ogt, %slice3A_1244, %select_n3A_1227 : vector<8x128xf32>
      %select_n3A_1249 = arith.select %gt3A_1248, %slice3A_1244, %select_n3A_1227 : vector<8x128xi1>, vector<8x128xf32>
      %select_n3A_1250 = arith.select %gt3A_1248, %select_n3A_1227, %slice3A_1244 : vector<8x128xi1>, vector<8x128xf32>
      %select_n3A_1251 = arith.select %gt3A_1248, %add3A_1247, %select_n3A_1229 : vector<8x128xi1>, vector<8x128xi32>
      %select_n3A_1252 = arith.select %gt3A_1248, %select_n3A_1229, %add3A_1247 : vector<8x128xi1>, vector<8x128xi32>
      %gt3A_1253 = arith.cmpf ogt, %select_n3A_1250, %select_n3A_1232 : vector<8x128xf32>
      %select_n3A_1254 = arith.select %gt3A_1253, %select_n3A_1250, %select_n3A_1232 : vector<8x128xi1>, vector<8x128xf32>
      %select_n3A_1255 = arith.select %gt3A_1253, %select_n3A_1232, %select_n3A_1250 : vector<8x128xi1>, vector<8x128xf32>
      %select_n3A_1256 = arith.select %gt3A_1253, %select_n3A_1252, %select_n3A_1234 : vector<8x128xi1>, vector<8x128xi32>
      %select_n3A_1257 = arith.select %gt3A_1253, %select_n3A_1234, %select_n3A_1252 : vector<8x128xi1>, vector<8x128xi32>
      %gt3A_1258 = arith.cmpf ogt, %select_n3A_1255, %select_n3A_1237 : vector<8x128xf32>
      %select_n3A_1259 = arith.select %gt3A_1258, %select_n3A_1255, %select_n3A_1237 : vector<8x128xi1>, vector<8x128xf32>
      %select_n3A_1260 = arith.select %gt3A_1258, %select_n3A_1237, %select_n3A_1255 : vector<8x128xi1>, vector<8x128xf32>
      %select_n3A_1261 = arith.select %gt3A_1258, %select_n3A_1257, %select_n3A_1239 : vector<8x128xi1>, vector<8x128xi32>
      %select_n3A_1262 = arith.select %gt3A_1258, %select_n3A_1239, %select_n3A_1257 : vector<8x128xi1>, vector<8x128xi32>
      %gt3A_1263 = arith.cmpf ogt, %select_n3A_1260, %select_n3A_1242 : vector<8x128xf32>
      %select_n3A_1264 = arith.select %gt3A_1263, %select_n3A_1260, %select_n3A_1242 : vector<8x128xi1>, vector<8x128xf32>
      %select_n3A_1265 = arith.select %gt3A_1263, %select_n3A_1262, %select_n3A_1243 : vector<8x128xi1>, vector<8x128xi32>
      %slice3A_1266 = vector.extract_strided_slice %concatenate3A_37 {offsets = [144, 128], sizes = [8, 128], strides = [1, 1]} : vector<288x384xf32> to vector<8x128xf32>
      %add3A_1267 = arith.constant 46208 : i32
      %add3A_1268 = vector.broadcast %add3A_1267 : i32 to vector<8x128xi32>
      %add3A_1269 = arith.addi %add3A, %add3A_1268 : vector<8x128xi32>
      %gt3A_1270 = arith.cmpf ogt, %slice3A_1266, %select_n3A_1249 : vector<8x128xf32>
      %select_n3A_1271 = arith.select %gt3A_1270, %slice3A_1266, %select_n3A_1249 : vector<8x128xi1>, vector<8x128xf32>
      %select_n3A_1272 = arith.select %gt3A_1270, %select_n3A_1249, %slice3A_1266 : vector<8x128xi1>, vector<8x128xf32>
      %select_n3A_1273 = arith.select %gt3A_1270, %add3A_1269, %select_n3A_1251 : vector<8x128xi1>, vector<8x128xi32>
      %select_n3A_1274 = arith.select %gt3A_1270, %select_n3A_1251, %add3A_1269 : vector<8x128xi1>, vector<8x128xi32>
      %gt3A_1275 = arith.cmpf ogt, %select_n3A_1272, %select_n3A_1254 : vector<8x128xf32>
      %select_n3A_1276 = arith.select %gt3A_1275, %select_n3A_1272, %select_n3A_1254 : vector<8x128xi1>, vector<8x128xf32>
      %select_n3A_1277 = arith.select %gt3A_1275, %select_n3A_1254, %select_n3A_1272 : vector<8x128xi1>, vector<8x128xf32>
      %select_n3A_1278 = arith.select %gt3A_1275, %select_n3A_1274, %select_n3A_1256 : vector<8x128xi1>, vector<8x128xi32>
      %select_n3A_1279 = arith.select %gt3A_1275, %select_n3A_1256, %select_n3A_1274 : vector<8x128xi1>, vector<8x128xi32>
      %gt3A_1280 = arith.cmpf ogt, %select_n3A_1277, %select_n3A_1259 : vector<8x128xf32>
      %select_n3A_1281 = arith.select %gt3A_1280, %select_n3A_1277, %select_n3A_1259 : vector<8x128xi1>, vector<8x128xf32>
      %select_n3A_1282 = arith.select %gt3A_1280, %select_n3A_1259, %select_n3A_1277 : vector<8x128xi1>, vector<8x128xf32>
      %select_n3A_1283 = arith.select %gt3A_1280, %select_n3A_1279, %select_n3A_1261 : vector<8x128xi1>, vector<8x128xi32>
      %select_n3A_1284 = arith.select %gt3A_1280, %select_n3A_1261, %select_n3A_1279 : vector<8x128xi1>, vector<8x128xi32>
      %gt3A_1285 = arith.cmpf ogt, %select_n3A_1282, %select_n3A_1264 : vector<8x128xf32>
      %select_n3A_1286 = arith.select %gt3A_1285, %select_n3A_1282, %select_n3A_1264 : vector<8x128xi1>, vector<8x128xf32>
      %select_n3A_1287 = arith.select %gt3A_1285, %select_n3A_1284, %select_n3A_1265 : vector<8x128xi1>, vector<8x128xi32>
      %slice3A_1288 = vector.extract_strided_slice %concatenate3A_37 {offsets = [144, 256], sizes = [8, 128], strides = [1, 1]} : vector<288x384xf32> to vector<8x128xf32>
      %add3A_1289 = arith.constant 46336 : i32
      %add3A_1290 = vector.broadcast %add3A_1289 : i32 to vector<8x128xi32>
      %add3A_1291 = arith.addi %add3A, %add3A_1290 : vector<8x128xi32>
      %gt3A_1292 = arith.cmpf ogt, %slice3A_1288, %select_n3A_1271 : vector<8x128xf32>
      %select_n3A_1293 = arith.select %gt3A_1292, %slice3A_1288, %select_n3A_1271 : vector<8x128xi1>, vector<8x128xf32>
      %select_n3A_1294 = arith.select %gt3A_1292, %select_n3A_1271, %slice3A_1288 : vector<8x128xi1>, vector<8x128xf32>
      %select_n3A_1295 = arith.select %gt3A_1292, %add3A_1291, %select_n3A_1273 : vector<8x128xi1>, vector<8x128xi32>
      %select_n3A_1296 = arith.select %gt3A_1292, %select_n3A_1273, %add3A_1291 : vector<8x128xi1>, vector<8x128xi32>
      %gt3A_1297 = arith.cmpf ogt, %select_n3A_1294, %select_n3A_1276 : vector<8x128xf32>
      %select_n3A_1298 = arith.select %gt3A_1297, %select_n3A_1294, %select_n3A_1276 : vector<8x128xi1>, vector<8x128xf32>
      %select_n3A_1299 = arith.select %gt3A_1297, %select_n3A_1276, %select_n3A_1294 : vector<8x128xi1>, vector<8x128xf32>
      %select_n3A_1300 = arith.select %gt3A_1297, %select_n3A_1296, %select_n3A_1278 : vector<8x128xi1>, vector<8x128xi32>
      %select_n3A_1301 = arith.select %gt3A_1297, %select_n3A_1278, %select_n3A_1296 : vector<8x128xi1>, vector<8x128xi32>
      %gt3A_1302 = arith.cmpf ogt, %select_n3A_1299, %select_n3A_1281 : vector<8x128xf32>
      %select_n3A_1303 = arith.select %gt3A_1302, %select_n3A_1299, %select_n3A_1281 : vector<8x128xi1>, vector<8x128xf32>
      %select_n3A_1304 = arith.select %gt3A_1302, %select_n3A_1281, %select_n3A_1299 : vector<8x128xi1>, vector<8x128xf32>
      %select_n3A_1305 = arith.select %gt3A_1302, %select_n3A_1301, %select_n3A_1283 : vector<8x128xi1>, vector<8x128xi32>
      %select_n3A_1306 = arith.select %gt3A_1302, %select_n3A_1283, %select_n3A_1301 : vector<8x128xi1>, vector<8x128xi32>
      %gt3A_1307 = arith.cmpf ogt, %select_n3A_1304, %select_n3A_1286 : vector<8x128xf32>
      %select_n3A_1308 = arith.select %gt3A_1307, %select_n3A_1304, %select_n3A_1286 : vector<8x128xi1>, vector<8x128xf32>
      %select_n3A_1309 = arith.select %gt3A_1307, %select_n3A_1306, %select_n3A_1287 : vector<8x128xi1>, vector<8x128xi32>
      %slice3A_1310 = vector.extract_strided_slice %concatenate3A_37 {offsets = [152, 0], sizes = [8, 128], strides = [1, 1]} : vector<288x384xf32> to vector<8x128xf32>
      %add3A_1311 = arith.constant 48640 : i32
      %add3A_1312 = vector.broadcast %add3A_1311 : i32 to vector<8x128xi32>
      %add3A_1313 = arith.addi %add3A, %add3A_1312 : vector<8x128xi32>
      %gt3A_1314 = arith.cmpf ogt, %slice3A_1310, %select_n3A_1293 : vector<8x128xf32>
      %select_n3A_1315 = arith.select %gt3A_1314, %slice3A_1310, %select_n3A_1293 : vector<8x128xi1>, vector<8x128xf32>
      %select_n3A_1316 = arith.select %gt3A_1314, %select_n3A_1293, %slice3A_1310 : vector<8x128xi1>, vector<8x128xf32>
      %select_n3A_1317 = arith.select %gt3A_1314, %add3A_1313, %select_n3A_1295 : vector<8x128xi1>, vector<8x128xi32>
      %select_n3A_1318 = arith.select %gt3A_1314, %select_n3A_1295, %add3A_1313 : vector<8x128xi1>, vector<8x128xi32>
      %gt3A_1319 = arith.cmpf ogt, %select_n3A_1316, %select_n3A_1298 : vector<8x128xf32>
      %select_n3A_1320 = arith.select %gt3A_1319, %select_n3A_1316, %select_n3A_1298 : vector<8x128xi1>, vector<8x128xf32>
      %select_n3A_1321 = arith.select %gt3A_1319, %select_n3A_1298, %select_n3A_1316 : vector<8x128xi1>, vector<8x128xf32>
      %select_n3A_1322 = arith.select %gt3A_1319, %select_n3A_1318, %select_n3A_1300 : vector<8x128xi1>, vector<8x128xi32>
      %select_n3A_1323 = arith.select %gt3A_1319, %select_n3A_1300, %select_n3A_1318 : vector<8x128xi1>, vector<8x128xi32>
      %gt3A_1324 = arith.cmpf ogt, %select_n3A_1321, %select_n3A_1303 : vector<8x128xf32>
      %select_n3A_1325 = arith.select %gt3A_1324, %select_n3A_1321, %select_n3A_1303 : vector<8x128xi1>, vector<8x128xf32>
      %select_n3A_1326 = arith.select %gt3A_1324, %select_n3A_1303, %select_n3A_1321 : vector<8x128xi1>, vector<8x128xf32>
      %select_n3A_1327 = arith.select %gt3A_1324, %select_n3A_1323, %select_n3A_1305 : vector<8x128xi1>, vector<8x128xi32>
      %select_n3A_1328 = arith.select %gt3A_1324, %select_n3A_1305, %select_n3A_1323 : vector<8x128xi1>, vector<8x128xi32>
      %gt3A_1329 = arith.cmpf ogt, %select_n3A_1326, %select_n3A_1308 : vector<8x128xf32>
      %select_n3A_1330 = arith.select %gt3A_1329, %select_n3A_1326, %select_n3A_1308 : vector<8x128xi1>, vector<8x128xf32>
      %select_n3A_1331 = arith.select %gt3A_1329, %select_n3A_1328, %select_n3A_1309 : vector<8x128xi1>, vector<8x128xi32>
      %slice3A_1332 = vector.extract_strided_slice %concatenate3A_37 {offsets = [152, 128], sizes = [8, 128], strides = [1, 1]} : vector<288x384xf32> to vector<8x128xf32>
      %add3A_1333 = arith.constant 48768 : i32
      %add3A_1334 = vector.broadcast %add3A_1333 : i32 to vector<8x128xi32>
      %add3A_1335 = arith.addi %add3A, %add3A_1334 : vector<8x128xi32>
      %gt3A_1336 = arith.cmpf ogt, %slice3A_1332, %select_n3A_1315 : vector<8x128xf32>
      %select_n3A_1337 = arith.select %gt3A_1336, %slice3A_1332, %select_n3A_1315 : vector<8x128xi1>, vector<8x128xf32>
      %select_n3A_1338 = arith.select %gt3A_1336, %select_n3A_1315, %slice3A_1332 : vector<8x128xi1>, vector<8x128xf32>
      %select_n3A_1339 = arith.select %gt3A_1336, %add3A_1335, %select_n3A_1317 : vector<8x128xi1>, vector<8x128xi32>
      %select_n3A_1340 = arith.select %gt3A_1336, %select_n3A_1317, %add3A_1335 : vector<8x128xi1>, vector<8x128xi32>
      %gt3A_1341 = arith.cmpf ogt, %select_n3A_1338, %select_n3A_1320 : vector<8x128xf32>
      %select_n3A_1342 = arith.select %gt3A_1341, %select_n3A_1338, %select_n3A_1320 : vector<8x128xi1>, vector<8x128xf32>
      %select_n3A_1343 = arith.select %gt3A_1341, %select_n3A_1320, %select_n3A_1338 : vector<8x128xi1>, vector<8x128xf32>
      %select_n3A_1344 = arith.select %gt3A_1341, %select_n3A_1340, %select_n3A_1322 : vector<8x128xi1>, vector<8x128xi32>
      %select_n3A_1345 = arith.select %gt3A_1341, %select_n3A_1322, %select_n3A_1340 : vector<8x128xi1>, vector<8x128xi32>
      %gt3A_1346 = arith.cmpf ogt, %select_n3A_1343, %select_n3A_1325 : vector<8x128xf32>
      %select_n3A_1347 = arith.select %gt3A_1346, %select_n3A_1343, %select_n3A_1325 : vector<8x128xi1>, vector<8x128xf32>
      %select_n3A_1348 = arith.select %gt3A_1346, %select_n3A_1325, %select_n3A_1343 : vector<8x128xi1>, vector<8x128xf32>
      %select_n3A_1349 = arith.select %gt3A_1346, %select_n3A_1345, %select_n3A_1327 : vector<8x128xi1>, vector<8x128xi32>
      %select_n3A_1350 = arith.select %gt3A_1346, %select_n3A_1327, %select_n3A_1345 : vector<8x128xi1>, vector<8x128xi32>
      %gt3A_1351 = arith.cmpf ogt, %select_n3A_1348, %select_n3A_1330 : vector<8x128xf32>
      %select_n3A_1352 = arith.select %gt3A_1351, %select_n3A_1348, %select_n3A_1330 : vector<8x128xi1>, vector<8x128xf32>
      %select_n3A_1353 = arith.select %gt3A_1351, %select_n3A_1350, %select_n3A_1331 : vector<8x128xi1>, vector<8x128xi32>
      %slice3A_1354 = vector.extract_strided_slice %concatenate3A_37 {offsets = [152, 256], sizes = [8, 128], strides = [1, 1]} : vector<288x384xf32> to vector<8x128xf32>
      %add3A_1355 = arith.constant 48896 : i32
      %add3A_1356 = vector.broadcast %add3A_1355 : i32 to vector<8x128xi32>
      %add3A_1357 = arith.addi %add3A, %add3A_1356 : vector<8x128xi32>
      %gt3A_1358 = arith.cmpf ogt, %slice3A_1354, %select_n3A_1337 : vector<8x128xf32>
      %select_n3A_1359 = arith.select %gt3A_1358, %slice3A_1354, %select_n3A_1337 : vector<8x128xi1>, vector<8x128xf32>
      %select_n3A_1360 = arith.select %gt3A_1358, %select_n3A_1337, %slice3A_1354 : vector<8x128xi1>, vector<8x128xf32>
      %select_n3A_1361 = arith.select %gt3A_1358, %add3A_1357, %select_n3A_1339 : vector<8x128xi1>, vector<8x128xi32>
      %select_n3A_1362 = arith.select %gt3A_1358, %select_n3A_1339, %add3A_1357 : vector<8x128xi1>, vector<8x128xi32>
      %gt3A_1363 = arith.cmpf ogt, %select_n3A_1360, %select_n3A_1342 : vector<8x128xf32>
      %select_n3A_1364 = arith.select %gt3A_1363, %select_n3A_1360, %select_n3A_1342 : vector<8x128xi1>, vector<8x128xf32>
      %select_n3A_1365 = arith.select %gt3A_1363, %select_n3A_1342, %select_n3A_1360 : vector<8x128xi1>, vector<8x128xf32>
      %select_n3A_1366 = arith.select %gt3A_1363, %select_n3A_1362, %select_n3A_1344 : vector<8x128xi1>, vector<8x128xi32>
      %select_n3A_1367 = arith.select %gt3A_1363, %select_n3A_1344, %select_n3A_1362 : vector<8x128xi1>, vector<8x128xi32>
      %gt3A_1368 = arith.cmpf ogt, %select_n3A_1365, %select_n3A_1347 : vector<8x128xf32>
      %select_n3A_1369 = arith.select %gt3A_1368, %select_n3A_1365, %select_n3A_1347 : vector<8x128xi1>, vector<8x128xf32>
      %select_n3A_1370 = arith.select %gt3A_1368, %select_n3A_1347, %select_n3A_1365 : vector<8x128xi1>, vector<8x128xf32>
      %select_n3A_1371 = arith.select %gt3A_1368, %select_n3A_1367, %select_n3A_1349 : vector<8x128xi1>, vector<8x128xi32>
      %select_n3A_1372 = arith.select %gt3A_1368, %select_n3A_1349, %select_n3A_1367 : vector<8x128xi1>, vector<8x128xi32>
      %gt3A_1373 = arith.cmpf ogt, %select_n3A_1370, %select_n3A_1352 : vector<8x128xf32>
      %select_n3A_1374 = arith.select %gt3A_1373, %select_n3A_1370, %select_n3A_1352 : vector<8x128xi1>, vector<8x128xf32>
      %select_n3A_1375 = arith.select %gt3A_1373, %select_n3A_1372, %select_n3A_1353 : vector<8x128xi1>, vector<8x128xi32>
      %slice3A_1376 = vector.extract_strided_slice %concatenate3A_37 {offsets = [160, 0], sizes = [8, 128], strides = [1, 1]} : vector<288x384xf32> to vector<8x128xf32>
      %add3A_1377 = arith.constant 51200 : i32
      %add3A_1378 = vector.broadcast %add3A_1377 : i32 to vector<8x128xi32>
      %add3A_1379 = arith.addi %add3A, %add3A_1378 : vector<8x128xi32>
      %gt3A_1380 = arith.cmpf ogt, %slice3A_1376, %select_n3A_1359 : vector<8x128xf32>
      %select_n3A_1381 = arith.select %gt3A_1380, %slice3A_1376, %select_n3A_1359 : vector<8x128xi1>, vector<8x128xf32>
      %select_n3A_1382 = arith.select %gt3A_1380, %select_n3A_1359, %slice3A_1376 : vector<8x128xi1>, vector<8x128xf32>
      %select_n3A_1383 = arith.select %gt3A_1380, %add3A_1379, %select_n3A_1361 : vector<8x128xi1>, vector<8x128xi32>
      %select_n3A_1384 = arith.select %gt3A_1380, %select_n3A_1361, %add3A_1379 : vector<8x128xi1>, vector<8x128xi32>
      %gt3A_1385 = arith.cmpf ogt, %select_n3A_1382, %select_n3A_1364 : vector<8x128xf32>
      %select_n3A_1386 = arith.select %gt3A_1385, %select_n3A_1382, %select_n3A_1364 : vector<8x128xi1>, vector<8x128xf32>
      %select_n3A_1387 = arith.select %gt3A_1385, %select_n3A_1364, %select_n3A_1382 : vector<8x128xi1>, vector<8x128xf32>
      %select_n3A_1388 = arith.select %gt3A_1385, %select_n3A_1384, %select_n3A_1366 : vector<8x128xi1>, vector<8x128xi32>
      %select_n3A_1389 = arith.select %gt3A_1385, %select_n3A_1366, %select_n3A_1384 : vector<8x128xi1>, vector<8x128xi32>
      %gt3A_1390 = arith.cmpf ogt, %select_n3A_1387, %select_n3A_1369 : vector<8x128xf32>
      %select_n3A_1391 = arith.select %gt3A_1390, %select_n3A_1387, %select_n3A_1369 : vector<8x128xi1>, vector<8x128xf32>
      %select_n3A_1392 = arith.select %gt3A_1390, %select_n3A_1369, %select_n3A_1387 : vector<8x128xi1>, vector<8x128xf32>
      %select_n3A_1393 = arith.select %gt3A_1390, %select_n3A_1389, %select_n3A_1371 : vector<8x128xi1>, vector<8x128xi32>
      %select_n3A_1394 = arith.select %gt3A_1390, %select_n3A_1371, %select_n3A_1389 : vector<8x128xi1>, vector<8x128xi32>
      %gt3A_1395 = arith.cmpf ogt, %select_n3A_1392, %select_n3A_1374 : vector<8x128xf32>
      %select_n3A_1396 = arith.select %gt3A_1395, %select_n3A_1392, %select_n3A_1374 : vector<8x128xi1>, vector<8x128xf32>
      %select_n3A_1397 = arith.select %gt3A_1395, %select_n3A_1394, %select_n3A_1375 : vector<8x128xi1>, vector<8x128xi32>
      %slice3A_1398 = vector.extract_strided_slice %concatenate3A_37 {offsets = [160, 128], sizes = [8, 128], strides = [1, 1]} : vector<288x384xf32> to vector<8x128xf32>
      %add3A_1399 = arith.constant 51328 : i32
      %add3A_1400 = vector.broadcast %add3A_1399 : i32 to vector<8x128xi32>
      %add3A_1401 = arith.addi %add3A, %add3A_1400 : vector<8x128xi32>
      %gt3A_1402 = arith.cmpf ogt, %slice3A_1398, %select_n3A_1381 : vector<8x128xf32>
      %select_n3A_1403 = arith.select %gt3A_1402, %slice3A_1398, %select_n3A_1381 : vector<8x128xi1>, vector<8x128xf32>
      %select_n3A_1404 = arith.select %gt3A_1402, %select_n3A_1381, %slice3A_1398 : vector<8x128xi1>, vector<8x128xf32>
      %select_n3A_1405 = arith.select %gt3A_1402, %add3A_1401, %select_n3A_1383 : vector<8x128xi1>, vector<8x128xi32>
      %select_n3A_1406 = arith.select %gt3A_1402, %select_n3A_1383, %add3A_1401 : vector<8x128xi1>, vector<8x128xi32>
      %gt3A_1407 = arith.cmpf ogt, %select_n3A_1404, %select_n3A_1386 : vector<8x128xf32>
      %select_n3A_1408 = arith.select %gt3A_1407, %select_n3A_1404, %select_n3A_1386 : vector<8x128xi1>, vector<8x128xf32>
      %select_n3A_1409 = arith.select %gt3A_1407, %select_n3A_1386, %select_n3A_1404 : vector<8x128xi1>, vector<8x128xf32>
      %select_n3A_1410 = arith.select %gt3A_1407, %select_n3A_1406, %select_n3A_1388 : vector<8x128xi1>, vector<8x128xi32>
      %select_n3A_1411 = arith.select %gt3A_1407, %select_n3A_1388, %select_n3A_1406 : vector<8x128xi1>, vector<8x128xi32>
      %gt3A_1412 = arith.cmpf ogt, %select_n3A_1409, %select_n3A_1391 : vector<8x128xf32>
      %select_n3A_1413 = arith.select %gt3A_1412, %select_n3A_1409, %select_n3A_1391 : vector<8x128xi1>, vector<8x128xf32>
      %select_n3A_1414 = arith.select %gt3A_1412, %select_n3A_1391, %select_n3A_1409 : vector<8x128xi1>, vector<8x128xf32>
      %select_n3A_1415 = arith.select %gt3A_1412, %select_n3A_1411, %select_n3A_1393 : vector<8x128xi1>, vector<8x128xi32>
      %select_n3A_1416 = arith.select %gt3A_1412, %select_n3A_1393, %select_n3A_1411 : vector<8x128xi1>, vector<8x128xi32>
      %gt3A_1417 = arith.cmpf ogt, %select_n3A_1414, %select_n3A_1396 : vector<8x128xf32>
      %select_n3A_1418 = arith.select %gt3A_1417, %select_n3A_1414, %select_n3A_1396 : vector<8x128xi1>, vector<8x128xf32>
      %select_n3A_1419 = arith.select %gt3A_1417, %select_n3A_1416, %select_n3A_1397 : vector<8x128xi1>, vector<8x128xi32>
      %slice3A_1420 = vector.extract_strided_slice %concatenate3A_37 {offsets = [160, 256], sizes = [8, 128], strides = [1, 1]} : vector<288x384xf32> to vector<8x128xf32>
      %add3A_1421 = arith.constant 51456 : i32
      %add3A_1422 = vector.broadcast %add3A_1421 : i32 to vector<8x128xi32>
      %add3A_1423 = arith.addi %add3A, %add3A_1422 : vector<8x128xi32>
      %gt3A_1424 = arith.cmpf ogt, %slice3A_1420, %select_n3A_1403 : vector<8x128xf32>
      %select_n3A_1425 = arith.select %gt3A_1424, %slice3A_1420, %select_n3A_1403 : vector<8x128xi1>, vector<8x128xf32>
      %select_n3A_1426 = arith.select %gt3A_1424, %select_n3A_1403, %slice3A_1420 : vector<8x128xi1>, vector<8x128xf32>
      %select_n3A_1427 = arith.select %gt3A_1424, %add3A_1423, %select_n3A_1405 : vector<8x128xi1>, vector<8x128xi32>
      %select_n3A_1428 = arith.select %gt3A_1424, %select_n3A_1405, %add3A_1423 : vector<8x128xi1>, vector<8x128xi32>
      %gt3A_1429 = arith.cmpf ogt, %select_n3A_1426, %select_n3A_1408 : vector<8x128xf32>
      %select_n3A_1430 = arith.select %gt3A_1429, %select_n3A_1426, %select_n3A_1408 : vector<8x128xi1>, vector<8x128xf32>
      %select_n3A_1431 = arith.select %gt3A_1429, %select_n3A_1408, %select_n3A_1426 : vector<8x128xi1>, vector<8x128xf32>
      %select_n3A_1432 = arith.select %gt3A_1429, %select_n3A_1428, %select_n3A_1410 : vector<8x128xi1>, vector<8x128xi32>
      %select_n3A_1433 = arith.select %gt3A_1429, %select_n3A_1410, %select_n3A_1428 : vector<8x128xi1>, vector<8x128xi32>
      %gt3A_1434 = arith.cmpf ogt, %select_n3A_1431, %select_n3A_1413 : vector<8x128xf32>
      %select_n3A_1435 = arith.select %gt3A_1434, %select_n3A_1431, %select_n3A_1413 : vector<8x128xi1>, vector<8x128xf32>
      %select_n3A_1436 = arith.select %gt3A_1434, %select_n3A_1413, %select_n3A_1431 : vector<8x128xi1>, vector<8x128xf32>
      %select_n3A_1437 = arith.select %gt3A_1434, %select_n3A_1433, %select_n3A_1415 : vector<8x128xi1>, vector<8x128xi32>
      %select_n3A_1438 = arith.select %gt3A_1434, %select_n3A_1415, %select_n3A_1433 : vector<8x128xi1>, vector<8x128xi32>
      %gt3A_1439 = arith.cmpf ogt, %select_n3A_1436, %select_n3A_1418 : vector<8x128xf32>
      %select_n3A_1440 = arith.select %gt3A_1439, %select_n3A_1436, %select_n3A_1418 : vector<8x128xi1>, vector<8x128xf32>
      %select_n3A_1441 = arith.select %gt3A_1439, %select_n3A_1438, %select_n3A_1419 : vector<8x128xi1>, vector<8x128xi32>
      %slice3A_1442 = vector.extract_strided_slice %concatenate3A_37 {offsets = [168, 0], sizes = [8, 128], strides = [1, 1]} : vector<288x384xf32> to vector<8x128xf32>
      %add3A_1443 = arith.constant 53760 : i32
      %add3A_1444 = vector.broadcast %add3A_1443 : i32 to vector<8x128xi32>
      %add3A_1445 = arith.addi %add3A, %add3A_1444 : vector<8x128xi32>
      %gt3A_1446 = arith.cmpf ogt, %slice3A_1442, %select_n3A_1425 : vector<8x128xf32>
      %select_n3A_1447 = arith.select %gt3A_1446, %slice3A_1442, %select_n3A_1425 : vector<8x128xi1>, vector<8x128xf32>
      %select_n3A_1448 = arith.select %gt3A_1446, %select_n3A_1425, %slice3A_1442 : vector<8x128xi1>, vector<8x128xf32>
      %select_n3A_1449 = arith.select %gt3A_1446, %add3A_1445, %select_n3A_1427 : vector<8x128xi1>, vector<8x128xi32>
      %select_n3A_1450 = arith.select %gt3A_1446, %select_n3A_1427, %add3A_1445 : vector<8x128xi1>, vector<8x128xi32>
      %gt3A_1451 = arith.cmpf ogt, %select_n3A_1448, %select_n3A_1430 : vector<8x128xf32>
      %select_n3A_1452 = arith.select %gt3A_1451, %select_n3A_1448, %select_n3A_1430 : vector<8x128xi1>, vector<8x128xf32>
      %select_n3A_1453 = arith.select %gt3A_1451, %select_n3A_1430, %select_n3A_1448 : vector<8x128xi1>, vector<8x128xf32>
      %select_n3A_1454 = arith.select %gt3A_1451, %select_n3A_1450, %select_n3A_1432 : vector<8x128xi1>, vector<8x128xi32>
      %select_n3A_1455 = arith.select %gt3A_1451, %select_n3A_1432, %select_n3A_1450 : vector<8x128xi1>, vector<8x128xi32>
      %gt3A_1456 = arith.cmpf ogt, %select_n3A_1453, %select_n3A_1435 : vector<8x128xf32>
      %select_n3A_1457 = arith.select %gt3A_1456, %select_n3A_1453, %select_n3A_1435 : vector<8x128xi1>, vector<8x128xf32>
      %select_n3A_1458 = arith.select %gt3A_1456, %select_n3A_1435, %select_n3A_1453 : vector<8x128xi1>, vector<8x128xf32>
      %select_n3A_1459 = arith.select %gt3A_1456, %select_n3A_1455, %select_n3A_1437 : vector<8x128xi1>, vector<8x128xi32>
      %select_n3A_1460 = arith.select %gt3A_1456, %select_n3A_1437, %select_n3A_1455 : vector<8x128xi1>, vector<8x128xi32>
      %gt3A_1461 = arith.cmpf ogt, %select_n3A_1458, %select_n3A_1440 : vector<8x128xf32>
      %select_n3A_1462 = arith.select %gt3A_1461, %select_n3A_1458, %select_n3A_1440 : vector<8x128xi1>, vector<8x128xf32>
      %select_n3A_1463 = arith.select %gt3A_1461, %select_n3A_1460, %select_n3A_1441 : vector<8x128xi1>, vector<8x128xi32>
      %slice3A_1464 = vector.extract_strided_slice %concatenate3A_37 {offsets = [168, 128], sizes = [8, 128], strides = [1, 1]} : vector<288x384xf32> to vector<8x128xf32>
      %add3A_1465 = arith.constant 53888 : i32
      %add3A_1466 = vector.broadcast %add3A_1465 : i32 to vector<8x128xi32>
      %add3A_1467 = arith.addi %add3A, %add3A_1466 : vector<8x128xi32>
      %gt3A_1468 = arith.cmpf ogt, %slice3A_1464, %select_n3A_1447 : vector<8x128xf32>
      %select_n3A_1469 = arith.select %gt3A_1468, %slice3A_1464, %select_n3A_1447 : vector<8x128xi1>, vector<8x128xf32>
      %select_n3A_1470 = arith.select %gt3A_1468, %select_n3A_1447, %slice3A_1464 : vector<8x128xi1>, vector<8x128xf32>
      %select_n3A_1471 = arith.select %gt3A_1468, %add3A_1467, %select_n3A_1449 : vector<8x128xi1>, vector<8x128xi32>
      %select_n3A_1472 = arith.select %gt3A_1468, %select_n3A_1449, %add3A_1467 : vector<8x128xi1>, vector<8x128xi32>
      %gt3A_1473 = arith.cmpf ogt, %select_n3A_1470, %select_n3A_1452 : vector<8x128xf32>
      %select_n3A_1474 = arith.select %gt3A_1473, %select_n3A_1470, %select_n3A_1452 : vector<8x128xi1>, vector<8x128xf32>
      %select_n3A_1475 = arith.select %gt3A_1473, %select_n3A_1452, %select_n3A_1470 : vector<8x128xi1>, vector<8x128xf32>
      %select_n3A_1476 = arith.select %gt3A_1473, %select_n3A_1472, %select_n3A_1454 : vector<8x128xi1>, vector<8x128xi32>
      %select_n3A_1477 = arith.select %gt3A_1473, %select_n3A_1454, %select_n3A_1472 : vector<8x128xi1>, vector<8x128xi32>
      %gt3A_1478 = arith.cmpf ogt, %select_n3A_1475, %select_n3A_1457 : vector<8x128xf32>
      %select_n3A_1479 = arith.select %gt3A_1478, %select_n3A_1475, %select_n3A_1457 : vector<8x128xi1>, vector<8x128xf32>
      %select_n3A_1480 = arith.select %gt3A_1478, %select_n3A_1457, %select_n3A_1475 : vector<8x128xi1>, vector<8x128xf32>
      %select_n3A_1481 = arith.select %gt3A_1478, %select_n3A_1477, %select_n3A_1459 : vector<8x128xi1>, vector<8x128xi32>
      %select_n3A_1482 = arith.select %gt3A_1478, %select_n3A_1459, %select_n3A_1477 : vector<8x128xi1>, vector<8x128xi32>
      %gt3A_1483 = arith.cmpf ogt, %select_n3A_1480, %select_n3A_1462 : vector<8x128xf32>
      %select_n3A_1484 = arith.select %gt3A_1483, %select_n3A_1480, %select_n3A_1462 : vector<8x128xi1>, vector<8x128xf32>
      %select_n3A_1485 = arith.select %gt3A_1483, %select_n3A_1482, %select_n3A_1463 : vector<8x128xi1>, vector<8x128xi32>
      %slice3A_1486 = vector.extract_strided_slice %concatenate3A_37 {offsets = [168, 256], sizes = [8, 128], strides = [1, 1]} : vector<288x384xf32> to vector<8x128xf32>
      %add3A_1487 = arith.constant 54016 : i32
      %add3A_1488 = vector.broadcast %add3A_1487 : i32 to vector<8x128xi32>
      %add3A_1489 = arith.addi %add3A, %add3A_1488 : vector<8x128xi32>
      %gt3A_1490 = arith.cmpf ogt, %slice3A_1486, %select_n3A_1469 : vector<8x128xf32>
      %select_n3A_1491 = arith.select %gt3A_1490, %slice3A_1486, %select_n3A_1469 : vector<8x128xi1>, vector<8x128xf32>
      %select_n3A_1492 = arith.select %gt3A_1490, %select_n3A_1469, %slice3A_1486 : vector<8x128xi1>, vector<8x128xf32>
      %select_n3A_1493 = arith.select %gt3A_1490, %add3A_1489, %select_n3A_1471 : vector<8x128xi1>, vector<8x128xi32>
      %select_n3A_1494 = arith.select %gt3A_1490, %select_n3A_1471, %add3A_1489 : vector<8x128xi1>, vector<8x128xi32>
      %gt3A_1495 = arith.cmpf ogt, %select_n3A_1492, %select_n3A_1474 : vector<8x128xf32>
      %select_n3A_1496 = arith.select %gt3A_1495, %select_n3A_1492, %select_n3A_1474 : vector<8x128xi1>, vector<8x128xf32>
      %select_n3A_1497 = arith.select %gt3A_1495, %select_n3A_1474, %select_n3A_1492 : vector<8x128xi1>, vector<8x128xf32>
      %select_n3A_1498 = arith.select %gt3A_1495, %select_n3A_1494, %select_n3A_1476 : vector<8x128xi1>, vector<8x128xi32>
      %select_n3A_1499 = arith.select %gt3A_1495, %select_n3A_1476, %select_n3A_1494 : vector<8x128xi1>, vector<8x128xi32>
      %gt3A_1500 = arith.cmpf ogt, %select_n3A_1497, %select_n3A_1479 : vector<8x128xf32>
      %select_n3A_1501 = arith.select %gt3A_1500, %select_n3A_1497, %select_n3A_1479 : vector<8x128xi1>, vector<8x128xf32>
      %select_n3A_1502 = arith.select %gt3A_1500, %select_n3A_1479, %select_n3A_1497 : vector<8x128xi1>, vector<8x128xf32>
      %select_n3A_1503 = arith.select %gt3A_1500, %select_n3A_1499, %select_n3A_1481 : vector<8x128xi1>, vector<8x128xi32>
      %select_n3A_1504 = arith.select %gt3A_1500, %select_n3A_1481, %select_n3A_1499 : vector<8x128xi1>, vector<8x128xi32>
      %gt3A_1505 = arith.cmpf ogt, %select_n3A_1502, %select_n3A_1484 : vector<8x128xf32>
      %select_n3A_1506 = arith.select %gt3A_1505, %select_n3A_1502, %select_n3A_1484 : vector<8x128xi1>, vector<8x128xf32>
      %select_n3A_1507 = arith.select %gt3A_1505, %select_n3A_1504, %select_n3A_1485 : vector<8x128xi1>, vector<8x128xi32>
      %slice3A_1508 = vector.extract_strided_slice %concatenate3A_37 {offsets = [176, 0], sizes = [8, 128], strides = [1, 1]} : vector<288x384xf32> to vector<8x128xf32>
      %add3A_1509 = arith.constant 56320 : i32
      %add3A_1510 = vector.broadcast %add3A_1509 : i32 to vector<8x128xi32>
      %add3A_1511 = arith.addi %add3A, %add3A_1510 : vector<8x128xi32>
      %gt3A_1512 = arith.cmpf ogt, %slice3A_1508, %select_n3A_1491 : vector<8x128xf32>
      %select_n3A_1513 = arith.select %gt3A_1512, %slice3A_1508, %select_n3A_1491 : vector<8x128xi1>, vector<8x128xf32>
      %select_n3A_1514 = arith.select %gt3A_1512, %select_n3A_1491, %slice3A_1508 : vector<8x128xi1>, vector<8x128xf32>
      %select_n3A_1515 = arith.select %gt3A_1512, %add3A_1511, %select_n3A_1493 : vector<8x128xi1>, vector<8x128xi32>
      %select_n3A_1516 = arith.select %gt3A_1512, %select_n3A_1493, %add3A_1511 : vector<8x128xi1>, vector<8x128xi32>
      %gt3A_1517 = arith.cmpf ogt, %select_n3A_1514, %select_n3A_1496 : vector<8x128xf32>
      %select_n3A_1518 = arith.select %gt3A_1517, %select_n3A_1514, %select_n3A_1496 : vector<8x128xi1>, vector<8x128xf32>
      %select_n3A_1519 = arith.select %gt3A_1517, %select_n3A_1496, %select_n3A_1514 : vector<8x128xi1>, vector<8x128xf32>
      %select_n3A_1520 = arith.select %gt3A_1517, %select_n3A_1516, %select_n3A_1498 : vector<8x128xi1>, vector<8x128xi32>
      %select_n3A_1521 = arith.select %gt3A_1517, %select_n3A_1498, %select_n3A_1516 : vector<8x128xi1>, vector<8x128xi32>
      %gt3A_1522 = arith.cmpf ogt, %select_n3A_1519, %select_n3A_1501 : vector<8x128xf32>
      %select_n3A_1523 = arith.select %gt3A_1522, %select_n3A_1519, %select_n3A_1501 : vector<8x128xi1>, vector<8x128xf32>
      %select_n3A_1524 = arith.select %gt3A_1522, %select_n3A_1501, %select_n3A_1519 : vector<8x128xi1>, vector<8x128xf32>
      %select_n3A_1525 = arith.select %gt3A_1522, %select_n3A_1521, %select_n3A_1503 : vector<8x128xi1>, vector<8x128xi32>
      %select_n3A_1526 = arith.select %gt3A_1522, %select_n3A_1503, %select_n3A_1521 : vector<8x128xi1>, vector<8x128xi32>
      %gt3A_1527 = arith.cmpf ogt, %select_n3A_1524, %select_n3A_1506 : vector<8x128xf32>
      %select_n3A_1528 = arith.select %gt3A_1527, %select_n3A_1524, %select_n3A_1506 : vector<8x128xi1>, vector<8x128xf32>
      %select_n3A_1529 = arith.select %gt3A_1527, %select_n3A_1526, %select_n3A_1507 : vector<8x128xi1>, vector<8x128xi32>
      %slice3A_1530 = vector.extract_strided_slice %concatenate3A_37 {offsets = [176, 128], sizes = [8, 128], strides = [1, 1]} : vector<288x384xf32> to vector<8x128xf32>
      %add3A_1531 = arith.constant 56448 : i32
      %add3A_1532 = vector.broadcast %add3A_1531 : i32 to vector<8x128xi32>
      %add3A_1533 = arith.addi %add3A, %add3A_1532 : vector<8x128xi32>
      %gt3A_1534 = arith.cmpf ogt, %slice3A_1530, %select_n3A_1513 : vector<8x128xf32>
      %select_n3A_1535 = arith.select %gt3A_1534, %slice3A_1530, %select_n3A_1513 : vector<8x128xi1>, vector<8x128xf32>
      %select_n3A_1536 = arith.select %gt3A_1534, %select_n3A_1513, %slice3A_1530 : vector<8x128xi1>, vector<8x128xf32>
      %select_n3A_1537 = arith.select %gt3A_1534, %add3A_1533, %select_n3A_1515 : vector<8x128xi1>, vector<8x128xi32>
      %select_n3A_1538 = arith.select %gt3A_1534, %select_n3A_1515, %add3A_1533 : vector<8x128xi1>, vector<8x128xi32>
      %gt3A_1539 = arith.cmpf ogt, %select_n3A_1536, %select_n3A_1518 : vector<8x128xf32>
      %select_n3A_1540 = arith.select %gt3A_1539, %select_n3A_1536, %select_n3A_1518 : vector<8x128xi1>, vector<8x128xf32>
      %select_n3A_1541 = arith.select %gt3A_1539, %select_n3A_1518, %select_n3A_1536 : vector<8x128xi1>, vector<8x128xf32>
      %select_n3A_1542 = arith.select %gt3A_1539, %select_n3A_1538, %select_n3A_1520 : vector<8x128xi1>, vector<8x128xi32>
      %select_n3A_1543 = arith.select %gt3A_1539, %select_n3A_1520, %select_n3A_1538 : vector<8x128xi1>, vector<8x128xi32>
      %gt3A_1544 = arith.cmpf ogt, %select_n3A_1541, %select_n3A_1523 : vector<8x128xf32>
      %select_n3A_1545 = arith.select %gt3A_1544, %select_n3A_1541, %select_n3A_1523 : vector<8x128xi1>, vector<8x128xf32>
      %select_n3A_1546 = arith.select %gt3A_1544, %select_n3A_1523, %select_n3A_1541 : vector<8x128xi1>, vector<8x128xf32>
      %select_n3A_1547 = arith.select %gt3A_1544, %select_n3A_1543, %select_n3A_1525 : vector<8x128xi1>, vector<8x128xi32>
      %select_n3A_1548 = arith.select %gt3A_1544, %select_n3A_1525, %select_n3A_1543 : vector<8x128xi1>, vector<8x128xi32>
      %gt3A_1549 = arith.cmpf ogt, %select_n3A_1546, %select_n3A_1528 : vector<8x128xf32>
      %select_n3A_1550 = arith.select %gt3A_1549, %select_n3A_1546, %select_n3A_1528 : vector<8x128xi1>, vector<8x128xf32>
      %select_n3A_1551 = arith.select %gt3A_1549, %select_n3A_1548, %select_n3A_1529 : vector<8x128xi1>, vector<8x128xi32>
      %slice3A_1552 = vector.extract_strided_slice %concatenate3A_37 {offsets = [176, 256], sizes = [8, 128], strides = [1, 1]} : vector<288x384xf32> to vector<8x128xf32>
      %add3A_1553 = arith.constant 56576 : i32
      %add3A_1554 = vector.broadcast %add3A_1553 : i32 to vector<8x128xi32>
      %add3A_1555 = arith.addi %add3A, %add3A_1554 : vector<8x128xi32>
      %gt3A_1556 = arith.cmpf ogt, %slice3A_1552, %select_n3A_1535 : vector<8x128xf32>
      %select_n3A_1557 = arith.select %gt3A_1556, %slice3A_1552, %select_n3A_1535 : vector<8x128xi1>, vector<8x128xf32>
      %select_n3A_1558 = arith.select %gt3A_1556, %select_n3A_1535, %slice3A_1552 : vector<8x128xi1>, vector<8x128xf32>
      %select_n3A_1559 = arith.select %gt3A_1556, %add3A_1555, %select_n3A_1537 : vector<8x128xi1>, vector<8x128xi32>
      %select_n3A_1560 = arith.select %gt3A_1556, %select_n3A_1537, %add3A_1555 : vector<8x128xi1>, vector<8x128xi32>
      %gt3A_1561 = arith.cmpf ogt, %select_n3A_1558, %select_n3A_1540 : vector<8x128xf32>
      %select_n3A_1562 = arith.select %gt3A_1561, %select_n3A_1558, %select_n3A_1540 : vector<8x128xi1>, vector<8x128xf32>
      %select_n3A_1563 = arith.select %gt3A_1561, %select_n3A_1540, %select_n3A_1558 : vector<8x128xi1>, vector<8x128xf32>
      %select_n3A_1564 = arith.select %gt3A_1561, %select_n3A_1560, %select_n3A_1542 : vector<8x128xi1>, vector<8x128xi32>
      %select_n3A_1565 = arith.select %gt3A_1561, %select_n3A_1542, %select_n3A_1560 : vector<8x128xi1>, vector<8x128xi32>
      %gt3A_1566 = arith.cmpf ogt, %select_n3A_1563, %select_n3A_1545 : vector<8x128xf32>
      %select_n3A_1567 = arith.select %gt3A_1566, %select_n3A_1563, %select_n3A_1545 : vector<8x128xi1>, vector<8x128xf32>
      %select_n3A_1568 = arith.select %gt3A_1566, %select_n3A_1545, %select_n3A_1563 : vector<8x128xi1>, vector<8x128xf32>
      %select_n3A_1569 = arith.select %gt3A_1566, %select_n3A_1565, %select_n3A_1547 : vector<8x128xi1>, vector<8x128xi32>
      %select_n3A_1570 = arith.select %gt3A_1566, %select_n3A_1547, %select_n3A_1565 : vector<8x128xi1>, vector<8x128xi32>
      %gt3A_1571 = arith.cmpf ogt, %select_n3A_1568, %select_n3A_1550 : vector<8x128xf32>
      %select_n3A_1572 = arith.select %gt3A_1571, %select_n3A_1568, %select_n3A_1550 : vector<8x128xi1>, vector<8x128xf32>
      %select_n3A_1573 = arith.select %gt3A_1571, %select_n3A_1570, %select_n3A_1551 : vector<8x128xi1>, vector<8x128xi32>
      %slice3A_1574 = vector.extract_strided_slice %concatenate3A_37 {offsets = [184, 0], sizes = [8, 128], strides = [1, 1]} : vector<288x384xf32> to vector<8x128xf32>
      %add3A_1575 = arith.constant 58880 : i32
      %add3A_1576 = vector.broadcast %add3A_1575 : i32 to vector<8x128xi32>
      %add3A_1577 = arith.addi %add3A, %add3A_1576 : vector<8x128xi32>
      %gt3A_1578 = arith.cmpf ogt, %slice3A_1574, %select_n3A_1557 : vector<8x128xf32>
      %select_n3A_1579 = arith.select %gt3A_1578, %slice3A_1574, %select_n3A_1557 : vector<8x128xi1>, vector<8x128xf32>
      %select_n3A_1580 = arith.select %gt3A_1578, %select_n3A_1557, %slice3A_1574 : vector<8x128xi1>, vector<8x128xf32>
      %select_n3A_1581 = arith.select %gt3A_1578, %add3A_1577, %select_n3A_1559 : vector<8x128xi1>, vector<8x128xi32>
      %select_n3A_1582 = arith.select %gt3A_1578, %select_n3A_1559, %add3A_1577 : vector<8x128xi1>, vector<8x128xi32>
      %gt3A_1583 = arith.cmpf ogt, %select_n3A_1580, %select_n3A_1562 : vector<8x128xf32>
      %select_n3A_1584 = arith.select %gt3A_1583, %select_n3A_1580, %select_n3A_1562 : vector<8x128xi1>, vector<8x128xf32>
      %select_n3A_1585 = arith.select %gt3A_1583, %select_n3A_1562, %select_n3A_1580 : vector<8x128xi1>, vector<8x128xf32>
      %select_n3A_1586 = arith.select %gt3A_1583, %select_n3A_1582, %select_n3A_1564 : vector<8x128xi1>, vector<8x128xi32>
      %select_n3A_1587 = arith.select %gt3A_1583, %select_n3A_1564, %select_n3A_1582 : vector<8x128xi1>, vector<8x128xi32>
      %gt3A_1588 = arith.cmpf ogt, %select_n3A_1585, %select_n3A_1567 : vector<8x128xf32>
      %select_n3A_1589 = arith.select %gt3A_1588, %select_n3A_1585, %select_n3A_1567 : vector<8x128xi1>, vector<8x128xf32>
      %select_n3A_1590 = arith.select %gt3A_1588, %select_n3A_1567, %select_n3A_1585 : vector<8x128xi1>, vector<8x128xf32>
      %select_n3A_1591 = arith.select %gt3A_1588, %select_n3A_1587, %select_n3A_1569 : vector<8x128xi1>, vector<8x128xi32>
      %select_n3A_1592 = arith.select %gt3A_1588, %select_n3A_1569, %select_n3A_1587 : vector<8x128xi1>, vector<8x128xi32>
      %gt3A_1593 = arith.cmpf ogt, %select_n3A_1590, %select_n3A_1572 : vector<8x128xf32>
      %select_n3A_1594 = arith.select %gt3A_1593, %select_n3A_1590, %select_n3A_1572 : vector<8x128xi1>, vector<8x128xf32>
      %select_n3A_1595 = arith.select %gt3A_1593, %select_n3A_1592, %select_n3A_1573 : vector<8x128xi1>, vector<8x128xi32>
      %slice3A_1596 = vector.extract_strided_slice %concatenate3A_37 {offsets = [184, 128], sizes = [8, 128], strides = [1, 1]} : vector<288x384xf32> to vector<8x128xf32>
      %add3A_1597 = arith.constant 59008 : i32
      %add3A_1598 = vector.broadcast %add3A_1597 : i32 to vector<8x128xi32>
      %add3A_1599 = arith.addi %add3A, %add3A_1598 : vector<8x128xi32>
      %gt3A_1600 = arith.cmpf ogt, %slice3A_1596, %select_n3A_1579 : vector<8x128xf32>
      %select_n3A_1601 = arith.select %gt3A_1600, %slice3A_1596, %select_n3A_1579 : vector<8x128xi1>, vector<8x128xf32>
      %select_n3A_1602 = arith.select %gt3A_1600, %select_n3A_1579, %slice3A_1596 : vector<8x128xi1>, vector<8x128xf32>
      %select_n3A_1603 = arith.select %gt3A_1600, %add3A_1599, %select_n3A_1581 : vector<8x128xi1>, vector<8x128xi32>
      %select_n3A_1604 = arith.select %gt3A_1600, %select_n3A_1581, %add3A_1599 : vector<8x128xi1>, vector<8x128xi32>
      %gt3A_1605 = arith.cmpf ogt, %select_n3A_1602, %select_n3A_1584 : vector<8x128xf32>
      %select_n3A_1606 = arith.select %gt3A_1605, %select_n3A_1602, %select_n3A_1584 : vector<8x128xi1>, vector<8x128xf32>
      %select_n3A_1607 = arith.select %gt3A_1605, %select_n3A_1584, %select_n3A_1602 : vector<8x128xi1>, vector<8x128xf32>
      %select_n3A_1608 = arith.select %gt3A_1605, %select_n3A_1604, %select_n3A_1586 : vector<8x128xi1>, vector<8x128xi32>
      %select_n3A_1609 = arith.select %gt3A_1605, %select_n3A_1586, %select_n3A_1604 : vector<8x128xi1>, vector<8x128xi32>
      %gt3A_1610 = arith.cmpf ogt, %select_n3A_1607, %select_n3A_1589 : vector<8x128xf32>
      %select_n3A_1611 = arith.select %gt3A_1610, %select_n3A_1607, %select_n3A_1589 : vector<8x128xi1>, vector<8x128xf32>
      %select_n3A_1612 = arith.select %gt3A_1610, %select_n3A_1589, %select_n3A_1607 : vector<8x128xi1>, vector<8x128xf32>
      %select_n3A_1613 = arith.select %gt3A_1610, %select_n3A_1609, %select_n3A_1591 : vector<8x128xi1>, vector<8x128xi32>
      %select_n3A_1614 = arith.select %gt3A_1610, %select_n3A_1591, %select_n3A_1609 : vector<8x128xi1>, vector<8x128xi32>
      %gt3A_1615 = arith.cmpf ogt, %select_n3A_1612, %select_n3A_1594 : vector<8x128xf32>
      %select_n3A_1616 = arith.select %gt3A_1615, %select_n3A_1612, %select_n3A_1594 : vector<8x128xi1>, vector<8x128xf32>
      %select_n3A_1617 = arith.select %gt3A_1615, %select_n3A_1614, %select_n3A_1595 : vector<8x128xi1>, vector<8x128xi32>
      %slice3A_1618 = vector.extract_strided_slice %concatenate3A_37 {offsets = [184, 256], sizes = [8, 128], strides = [1, 1]} : vector<288x384xf32> to vector<8x128xf32>
      %add3A_1619 = arith.constant 59136 : i32
      %add3A_1620 = vector.broadcast %add3A_1619 : i32 to vector<8x128xi32>
      %add3A_1621 = arith.addi %add3A, %add3A_1620 : vector<8x128xi32>
      %gt3A_1622 = arith.cmpf ogt, %slice3A_1618, %select_n3A_1601 : vector<8x128xf32>
      %select_n3A_1623 = arith.select %gt3A_1622, %slice3A_1618, %select_n3A_1601 : vector<8x128xi1>, vector<8x128xf32>
      %select_n3A_1624 = arith.select %gt3A_1622, %select_n3A_1601, %slice3A_1618 : vector<8x128xi1>, vector<8x128xf32>
      %select_n3A_1625 = arith.select %gt3A_1622, %add3A_1621, %select_n3A_1603 : vector<8x128xi1>, vector<8x128xi32>
      %select_n3A_1626 = arith.select %gt3A_1622, %select_n3A_1603, %add3A_1621 : vector<8x128xi1>, vector<8x128xi32>
      %gt3A_1627 = arith.cmpf ogt, %select_n3A_1624, %select_n3A_1606 : vector<8x128xf32>
      %select_n3A_1628 = arith.select %gt3A_1627, %select_n3A_1624, %select_n3A_1606 : vector<8x128xi1>, vector<8x128xf32>
      %select_n3A_1629 = arith.select %gt3A_1627, %select_n3A_1606, %select_n3A_1624 : vector<8x128xi1>, vector<8x128xf32>
      %select_n3A_1630 = arith.select %gt3A_1627, %select_n3A_1626, %select_n3A_1608 : vector<8x128xi1>, vector<8x128xi32>
      %select_n3A_1631 = arith.select %gt3A_1627, %select_n3A_1608, %select_n3A_1626 : vector<8x128xi1>, vector<8x128xi32>
      %gt3A_1632 = arith.cmpf ogt, %select_n3A_1629, %select_n3A_1611 : vector<8x128xf32>
      %select_n3A_1633 = arith.select %gt3A_1632, %select_n3A_1629, %select_n3A_1611 : vector<8x128xi1>, vector<8x128xf32>
      %select_n3A_1634 = arith.select %gt3A_1632, %select_n3A_1611, %select_n3A_1629 : vector<8x128xi1>, vector<8x128xf32>
      %select_n3A_1635 = arith.select %gt3A_1632, %select_n3A_1631, %select_n3A_1613 : vector<8x128xi1>, vector<8x128xi32>
      %select_n3A_1636 = arith.select %gt3A_1632, %select_n3A_1613, %select_n3A_1631 : vector<8x128xi1>, vector<8x128xi32>
      %gt3A_1637 = arith.cmpf ogt, %select_n3A_1634, %select_n3A_1616 : vector<8x128xf32>
      %select_n3A_1638 = arith.select %gt3A_1637, %select_n3A_1634, %select_n3A_1616 : vector<8x128xi1>, vector<8x128xf32>
      %select_n3A_1639 = arith.select %gt3A_1637, %select_n3A_1636, %select_n3A_1617 : vector<8x128xi1>, vector<8x128xi32>
      %slice3A_1640 = vector.extract_strided_slice %concatenate3A_37 {offsets = [192, 0], sizes = [8, 128], strides = [1, 1]} : vector<288x384xf32> to vector<8x128xf32>
      %add3A_1641 = arith.constant 61440 : i32
      %add3A_1642 = vector.broadcast %add3A_1641 : i32 to vector<8x128xi32>
      %add3A_1643 = arith.addi %add3A, %add3A_1642 : vector<8x128xi32>
      %gt3A_1644 = arith.cmpf ogt, %slice3A_1640, %select_n3A_1623 : vector<8x128xf32>
      %select_n3A_1645 = arith.select %gt3A_1644, %slice3A_1640, %select_n3A_1623 : vector<8x128xi1>, vector<8x128xf32>
      %select_n3A_1646 = arith.select %gt3A_1644, %select_n3A_1623, %slice3A_1640 : vector<8x128xi1>, vector<8x128xf32>
      %select_n3A_1647 = arith.select %gt3A_1644, %add3A_1643, %select_n3A_1625 : vector<8x128xi1>, vector<8x128xi32>
      %select_n3A_1648 = arith.select %gt3A_1644, %select_n3A_1625, %add3A_1643 : vector<8x128xi1>, vector<8x128xi32>
      %gt3A_1649 = arith.cmpf ogt, %select_n3A_1646, %select_n3A_1628 : vector<8x128xf32>
      %select_n3A_1650 = arith.select %gt3A_1649, %select_n3A_1646, %select_n3A_1628 : vector<8x128xi1>, vector<8x128xf32>
      %select_n3A_1651 = arith.select %gt3A_1649, %select_n3A_1628, %select_n3A_1646 : vector<8x128xi1>, vector<8x128xf32>
      %select_n3A_1652 = arith.select %gt3A_1649, %select_n3A_1648, %select_n3A_1630 : vector<8x128xi1>, vector<8x128xi32>
      %select_n3A_1653 = arith.select %gt3A_1649, %select_n3A_1630, %select_n3A_1648 : vector<8x128xi1>, vector<8x128xi32>
      %gt3A_1654 = arith.cmpf ogt, %select_n3A_1651, %select_n3A_1633 : vector<8x128xf32>
      %select_n3A_1655 = arith.select %gt3A_1654, %select_n3A_1651, %select_n3A_1633 : vector<8x128xi1>, vector<8x128xf32>
      %select_n3A_1656 = arith.select %gt3A_1654, %select_n3A_1633, %select_n3A_1651 : vector<8x128xi1>, vector<8x128xf32>
      %select_n3A_1657 = arith.select %gt3A_1654, %select_n3A_1653, %select_n3A_1635 : vector<8x128xi1>, vector<8x128xi32>
      %select_n3A_1658 = arith.select %gt3A_1654, %select_n3A_1635, %select_n3A_1653 : vector<8x128xi1>, vector<8x128xi32>
      %gt3A_1659 = arith.cmpf ogt, %select_n3A_1656, %select_n3A_1638 : vector<8x128xf32>
      %select_n3A_1660 = arith.select %gt3A_1659, %select_n3A_1656, %select_n3A_1638 : vector<8x128xi1>, vector<8x128xf32>
      %select_n3A_1661 = arith.select %gt3A_1659, %select_n3A_1658, %select_n3A_1639 : vector<8x128xi1>, vector<8x128xi32>
      %slice3A_1662 = vector.extract_strided_slice %concatenate3A_37 {offsets = [192, 128], sizes = [8, 128], strides = [1, 1]} : vector<288x384xf32> to vector<8x128xf32>
      %add3A_1663 = arith.constant 61568 : i32
      %add3A_1664 = vector.broadcast %add3A_1663 : i32 to vector<8x128xi32>
      %add3A_1665 = arith.addi %add3A, %add3A_1664 : vector<8x128xi32>
      %gt3A_1666 = arith.cmpf ogt, %slice3A_1662, %select_n3A_1645 : vector<8x128xf32>
      %select_n3A_1667 = arith.select %gt3A_1666, %slice3A_1662, %select_n3A_1645 : vector<8x128xi1>, vector<8x128xf32>
      %select_n3A_1668 = arith.select %gt3A_1666, %select_n3A_1645, %slice3A_1662 : vector<8x128xi1>, vector<8x128xf32>
      %select_n3A_1669 = arith.select %gt3A_1666, %add3A_1665, %select_n3A_1647 : vector<8x128xi1>, vector<8x128xi32>
      %select_n3A_1670 = arith.select %gt3A_1666, %select_n3A_1647, %add3A_1665 : vector<8x128xi1>, vector<8x128xi32>
      %gt3A_1671 = arith.cmpf ogt, %select_n3A_1668, %select_n3A_1650 : vector<8x128xf32>
      %select_n3A_1672 = arith.select %gt3A_1671, %select_n3A_1668, %select_n3A_1650 : vector<8x128xi1>, vector<8x128xf32>
      %select_n3A_1673 = arith.select %gt3A_1671, %select_n3A_1650, %select_n3A_1668 : vector<8x128xi1>, vector<8x128xf32>
      %select_n3A_1674 = arith.select %gt3A_1671, %select_n3A_1670, %select_n3A_1652 : vector<8x128xi1>, vector<8x128xi32>
      %select_n3A_1675 = arith.select %gt3A_1671, %select_n3A_1652, %select_n3A_1670 : vector<8x128xi1>, vector<8x128xi32>
      %gt3A_1676 = arith.cmpf ogt, %select_n3A_1673, %select_n3A_1655 : vector<8x128xf32>
      %select_n3A_1677 = arith.select %gt3A_1676, %select_n3A_1673, %select_n3A_1655 : vector<8x128xi1>, vector<8x128xf32>
      %select_n3A_1678 = arith.select %gt3A_1676, %select_n3A_1655, %select_n3A_1673 : vector<8x128xi1>, vector<8x128xf32>
      %select_n3A_1679 = arith.select %gt3A_1676, %select_n3A_1675, %select_n3A_1657 : vector<8x128xi1>, vector<8x128xi32>
      %select_n3A_1680 = arith.select %gt3A_1676, %select_n3A_1657, %select_n3A_1675 : vector<8x128xi1>, vector<8x128xi32>
      %gt3A_1681 = arith.cmpf ogt, %select_n3A_1678, %select_n3A_1660 : vector<8x128xf32>
      %select_n3A_1682 = arith.select %gt3A_1681, %select_n3A_1678, %select_n3A_1660 : vector<8x128xi1>, vector<8x128xf32>
      %select_n3A_1683 = arith.select %gt3A_1681, %select_n3A_1680, %select_n3A_1661 : vector<8x128xi1>, vector<8x128xi32>
      %slice3A_1684 = vector.extract_strided_slice %concatenate3A_37 {offsets = [192, 256], sizes = [8, 128], strides = [1, 1]} : vector<288x384xf32> to vector<8x128xf32>
      %add3A_1685 = arith.constant 61696 : i32
      %add3A_1686 = vector.broadcast %add3A_1685 : i32 to vector<8x128xi32>
      %add3A_1687 = arith.addi %add3A, %add3A_1686 : vector<8x128xi32>
      %gt3A_1688 = arith.cmpf ogt, %slice3A_1684, %select_n3A_1667 : vector<8x128xf32>
      %select_n3A_1689 = arith.select %gt3A_1688, %slice3A_1684, %select_n3A_1667 : vector<8x128xi1>, vector<8x128xf32>
      %select_n3A_1690 = arith.select %gt3A_1688, %select_n3A_1667, %slice3A_1684 : vector<8x128xi1>, vector<8x128xf32>
      %select_n3A_1691 = arith.select %gt3A_1688, %add3A_1687, %select_n3A_1669 : vector<8x128xi1>, vector<8x128xi32>
      %select_n3A_1692 = arith.select %gt3A_1688, %select_n3A_1669, %add3A_1687 : vector<8x128xi1>, vector<8x128xi32>
      %gt3A_1693 = arith.cmpf ogt, %select_n3A_1690, %select_n3A_1672 : vector<8x128xf32>
      %select_n3A_1694 = arith.select %gt3A_1693, %select_n3A_1690, %select_n3A_1672 : vector<8x128xi1>, vector<8x128xf32>
      %select_n3A_1695 = arith.select %gt3A_1693, %select_n3A_1672, %select_n3A_1690 : vector<8x128xi1>, vector<8x128xf32>
      %select_n3A_1696 = arith.select %gt3A_1693, %select_n3A_1692, %select_n3A_1674 : vector<8x128xi1>, vector<8x128xi32>
      %select_n3A_1697 = arith.select %gt3A_1693, %select_n3A_1674, %select_n3A_1692 : vector<8x128xi1>, vector<8x128xi32>
      %gt3A_1698 = arith.cmpf ogt, %select_n3A_1695, %select_n3A_1677 : vector<8x128xf32>
      %select_n3A_1699 = arith.select %gt3A_1698, %select_n3A_1695, %select_n3A_1677 : vector<8x128xi1>, vector<8x128xf32>
      %select_n3A_1700 = arith.select %gt3A_1698, %select_n3A_1677, %select_n3A_1695 : vector<8x128xi1>, vector<8x128xf32>
      %select_n3A_1701 = arith.select %gt3A_1698, %select_n3A_1697, %select_n3A_1679 : vector<8x128xi1>, vector<8x128xi32>
      %select_n3A_1702 = arith.select %gt3A_1698, %select_n3A_1679, %select_n3A_1697 : vector<8x128xi1>, vector<8x128xi32>
      %gt3A_1703 = arith.cmpf ogt, %select_n3A_1700, %select_n3A_1682 : vector<8x128xf32>
      %select_n3A_1704 = arith.select %gt3A_1703, %select_n3A_1700, %select_n3A_1682 : vector<8x128xi1>, vector<8x128xf32>
      %select_n3A_1705 = arith.select %gt3A_1703, %select_n3A_1702, %select_n3A_1683 : vector<8x128xi1>, vector<8x128xi32>
      %slice3A_1706 = vector.extract_strided_slice %concatenate3A_37 {offsets = [200, 0], sizes = [8, 128], strides = [1, 1]} : vector<288x384xf32> to vector<8x128xf32>
      %add3A_1707 = arith.constant 64000 : i32
      %add3A_1708 = vector.broadcast %add3A_1707 : i32 to vector<8x128xi32>
      %add3A_1709 = arith.addi %add3A, %add3A_1708 : vector<8x128xi32>
      %gt3A_1710 = arith.cmpf ogt, %slice3A_1706, %select_n3A_1689 : vector<8x128xf32>
      %select_n3A_1711 = arith.select %gt3A_1710, %slice3A_1706, %select_n3A_1689 : vector<8x128xi1>, vector<8x128xf32>
      %select_n3A_1712 = arith.select %gt3A_1710, %select_n3A_1689, %slice3A_1706 : vector<8x128xi1>, vector<8x128xf32>
      %select_n3A_1713 = arith.select %gt3A_1710, %add3A_1709, %select_n3A_1691 : vector<8x128xi1>, vector<8x128xi32>
      %select_n3A_1714 = arith.select %gt3A_1710, %select_n3A_1691, %add3A_1709 : vector<8x128xi1>, vector<8x128xi32>
      %gt3A_1715 = arith.cmpf ogt, %select_n3A_1712, %select_n3A_1694 : vector<8x128xf32>
      %select_n3A_1716 = arith.select %gt3A_1715, %select_n3A_1712, %select_n3A_1694 : vector<8x128xi1>, vector<8x128xf32>
      %select_n3A_1717 = arith.select %gt3A_1715, %select_n3A_1694, %select_n3A_1712 : vector<8x128xi1>, vector<8x128xf32>
      %select_n3A_1718 = arith.select %gt3A_1715, %select_n3A_1714, %select_n3A_1696 : vector<8x128xi1>, vector<8x128xi32>
      %select_n3A_1719 = arith.select %gt3A_1715, %select_n3A_1696, %select_n3A_1714 : vector<8x128xi1>, vector<8x128xi32>
      %gt3A_1720 = arith.cmpf ogt, %select_n3A_1717, %select_n3A_1699 : vector<8x128xf32>
      %select_n3A_1721 = arith.select %gt3A_1720, %select_n3A_1717, %select_n3A_1699 : vector<8x128xi1>, vector<8x128xf32>
      %select_n3A_1722 = arith.select %gt3A_1720, %select_n3A_1699, %select_n3A_1717 : vector<8x128xi1>, vector<8x128xf32>
      %select_n3A_1723 = arith.select %gt3A_1720, %select_n3A_1719, %select_n3A_1701 : vector<8x128xi1>, vector<8x128xi32>
      %select_n3A_1724 = arith.select %gt3A_1720, %select_n3A_1701, %select_n3A_1719 : vector<8x128xi1>, vector<8x128xi32>
      %gt3A_1725 = arith.cmpf ogt, %select_n3A_1722, %select_n3A_1704 : vector<8x128xf32>
      %select_n3A_1726 = arith.select %gt3A_1725, %select_n3A_1722, %select_n3A_1704 : vector<8x128xi1>, vector<8x128xf32>
      %select_n3A_1727 = arith.select %gt3A_1725, %select_n3A_1724, %select_n3A_1705 : vector<8x128xi1>, vector<8x128xi32>
      %slice3A_1728 = vector.extract_strided_slice %concatenate3A_37 {offsets = [200, 128], sizes = [8, 128], strides = [1, 1]} : vector<288x384xf32> to vector<8x128xf32>
      %add3A_1729 = arith.constant 64128 : i32
      %add3A_1730 = vector.broadcast %add3A_1729 : i32 to vector<8x128xi32>
      %add3A_1731 = arith.addi %add3A, %add3A_1730 : vector<8x128xi32>
      %gt3A_1732 = arith.cmpf ogt, %slice3A_1728, %select_n3A_1711 : vector<8x128xf32>
      %select_n3A_1733 = arith.select %gt3A_1732, %slice3A_1728, %select_n3A_1711 : vector<8x128xi1>, vector<8x128xf32>
      %select_n3A_1734 = arith.select %gt3A_1732, %select_n3A_1711, %slice3A_1728 : vector<8x128xi1>, vector<8x128xf32>
      %select_n3A_1735 = arith.select %gt3A_1732, %add3A_1731, %select_n3A_1713 : vector<8x128xi1>, vector<8x128xi32>
      %select_n3A_1736 = arith.select %gt3A_1732, %select_n3A_1713, %add3A_1731 : vector<8x128xi1>, vector<8x128xi32>
      %gt3A_1737 = arith.cmpf ogt, %select_n3A_1734, %select_n3A_1716 : vector<8x128xf32>
      %select_n3A_1738 = arith.select %gt3A_1737, %select_n3A_1734, %select_n3A_1716 : vector<8x128xi1>, vector<8x128xf32>
      %select_n3A_1739 = arith.select %gt3A_1737, %select_n3A_1716, %select_n3A_1734 : vector<8x128xi1>, vector<8x128xf32>
      %select_n3A_1740 = arith.select %gt3A_1737, %select_n3A_1736, %select_n3A_1718 : vector<8x128xi1>, vector<8x128xi32>
      %select_n3A_1741 = arith.select %gt3A_1737, %select_n3A_1718, %select_n3A_1736 : vector<8x128xi1>, vector<8x128xi32>
      %gt3A_1742 = arith.cmpf ogt, %select_n3A_1739, %select_n3A_1721 : vector<8x128xf32>
      %select_n3A_1743 = arith.select %gt3A_1742, %select_n3A_1739, %select_n3A_1721 : vector<8x128xi1>, vector<8x128xf32>
      %select_n3A_1744 = arith.select %gt3A_1742, %select_n3A_1721, %select_n3A_1739 : vector<8x128xi1>, vector<8x128xf32>
      %select_n3A_1745 = arith.select %gt3A_1742, %select_n3A_1741, %select_n3A_1723 : vector<8x128xi1>, vector<8x128xi32>
      %select_n3A_1746 = arith.select %gt3A_1742, %select_n3A_1723, %select_n3A_1741 : vector<8x128xi1>, vector<8x128xi32>
      %gt3A_1747 = arith.cmpf ogt, %select_n3A_1744, %select_n3A_1726 : vector<8x128xf32>
      %select_n3A_1748 = arith.select %gt3A_1747, %select_n3A_1744, %select_n3A_1726 : vector<8x128xi1>, vector<8x128xf32>
      %select_n3A_1749 = arith.select %gt3A_1747, %select_n3A_1746, %select_n3A_1727 : vector<8x128xi1>, vector<8x128xi32>
      %slice3A_1750 = vector.extract_strided_slice %concatenate3A_37 {offsets = [200, 256], sizes = [8, 128], strides = [1, 1]} : vector<288x384xf32> to vector<8x128xf32>
      %add3A_1751 = arith.constant 64256 : i32
      %add3A_1752 = vector.broadcast %add3A_1751 : i32 to vector<8x128xi32>
      %add3A_1753 = arith.addi %add3A, %add3A_1752 : vector<8x128xi32>
      %gt3A_1754 = arith.cmpf ogt, %slice3A_1750, %select_n3A_1733 : vector<8x128xf32>
      %select_n3A_1755 = arith.select %gt3A_1754, %slice3A_1750, %select_n3A_1733 : vector<8x128xi1>, vector<8x128xf32>
      %select_n3A_1756 = arith.select %gt3A_1754, %select_n3A_1733, %slice3A_1750 : vector<8x128xi1>, vector<8x128xf32>
      %select_n3A_1757 = arith.select %gt3A_1754, %add3A_1753, %select_n3A_1735 : vector<8x128xi1>, vector<8x128xi32>
      %select_n3A_1758 = arith.select %gt3A_1754, %select_n3A_1735, %add3A_1753 : vector<8x128xi1>, vector<8x128xi32>
      %gt3A_1759 = arith.cmpf ogt, %select_n3A_1756, %select_n3A_1738 : vector<8x128xf32>
      %select_n3A_1760 = arith.select %gt3A_1759, %select_n3A_1756, %select_n3A_1738 : vector<8x128xi1>, vector<8x128xf32>
      %select_n3A_1761 = arith.select %gt3A_1759, %select_n3A_1738, %select_n3A_1756 : vector<8x128xi1>, vector<8x128xf32>
      %select_n3A_1762 = arith.select %gt3A_1759, %select_n3A_1758, %select_n3A_1740 : vector<8x128xi1>, vector<8x128xi32>
      %select_n3A_1763 = arith.select %gt3A_1759, %select_n3A_1740, %select_n3A_1758 : vector<8x128xi1>, vector<8x128xi32>
      %gt3A_1764 = arith.cmpf ogt, %select_n3A_1761, %select_n3A_1743 : vector<8x128xf32>
      %select_n3A_1765 = arith.select %gt3A_1764, %select_n3A_1761, %select_n3A_1743 : vector<8x128xi1>, vector<8x128xf32>
      %select_n3A_1766 = arith.select %gt3A_1764, %select_n3A_1743, %select_n3A_1761 : vector<8x128xi1>, vector<8x128xf32>
      %select_n3A_1767 = arith.select %gt3A_1764, %select_n3A_1763, %select_n3A_1745 : vector<8x128xi1>, vector<8x128xi32>
      %select_n3A_1768 = arith.select %gt3A_1764, %select_n3A_1745, %select_n3A_1763 : vector<8x128xi1>, vector<8x128xi32>
      %gt3A_1769 = arith.cmpf ogt, %select_n3A_1766, %select_n3A_1748 : vector<8x128xf32>
      %select_n3A_1770 = arith.select %gt3A_1769, %select_n3A_1766, %select_n3A_1748 : vector<8x128xi1>, vector<8x128xf32>
      %select_n3A_1771 = arith.select %gt3A_1769, %select_n3A_1768, %select_n3A_1749 : vector<8x128xi1>, vector<8x128xi32>
      %slice3A_1772 = vector.extract_strided_slice %concatenate3A_37 {offsets = [208, 0], sizes = [8, 128], strides = [1, 1]} : vector<288x384xf32> to vector<8x128xf32>
      %add3A_1773 = arith.constant 66560 : i32
      %add3A_1774 = vector.broadcast %add3A_1773 : i32 to vector<8x128xi32>
      %add3A_1775 = arith.addi %add3A, %add3A_1774 : vector<8x128xi32>
      %gt3A_1776 = arith.cmpf ogt, %slice3A_1772, %select_n3A_1755 : vector<8x128xf32>
      %select_n3A_1777 = arith.select %gt3A_1776, %slice3A_1772, %select_n3A_1755 : vector<8x128xi1>, vector<8x128xf32>
      %select_n3A_1778 = arith.select %gt3A_1776, %select_n3A_1755, %slice3A_1772 : vector<8x128xi1>, vector<8x128xf32>
      %select_n3A_1779 = arith.select %gt3A_1776, %add3A_1775, %select_n3A_1757 : vector<8x128xi1>, vector<8x128xi32>
      %select_n3A_1780 = arith.select %gt3A_1776, %select_n3A_1757, %add3A_1775 : vector<8x128xi1>, vector<8x128xi32>
      %gt3A_1781 = arith.cmpf ogt, %select_n3A_1778, %select_n3A_1760 : vector<8x128xf32>
      %select_n3A_1782 = arith.select %gt3A_1781, %select_n3A_1778, %select_n3A_1760 : vector<8x128xi1>, vector<8x128xf32>
      %select_n3A_1783 = arith.select %gt3A_1781, %select_n3A_1760, %select_n3A_1778 : vector<8x128xi1>, vector<8x128xf32>
      %select_n3A_1784 = arith.select %gt3A_1781, %select_n3A_1780, %select_n3A_1762 : vector<8x128xi1>, vector<8x128xi32>
      %select_n3A_1785 = arith.select %gt3A_1781, %select_n3A_1762, %select_n3A_1780 : vector<8x128xi1>, vector<8x128xi32>
      %gt3A_1786 = arith.cmpf ogt, %select_n3A_1783, %select_n3A_1765 : vector<8x128xf32>
      %select_n3A_1787 = arith.select %gt3A_1786, %select_n3A_1783, %select_n3A_1765 : vector<8x128xi1>, vector<8x128xf32>
      %select_n3A_1788 = arith.select %gt3A_1786, %select_n3A_1765, %select_n3A_1783 : vector<8x128xi1>, vector<8x128xf32>
      %select_n3A_1789 = arith.select %gt3A_1786, %select_n3A_1785, %select_n3A_1767 : vector<8x128xi1>, vector<8x128xi32>
      %select_n3A_1790 = arith.select %gt3A_1786, %select_n3A_1767, %select_n3A_1785 : vector<8x128xi1>, vector<8x128xi32>
      %gt3A_1791 = arith.cmpf ogt, %select_n3A_1788, %select_n3A_1770 : vector<8x128xf32>
      %select_n3A_1792 = arith.select %gt3A_1791, %select_n3A_1788, %select_n3A_1770 : vector<8x128xi1>, vector<8x128xf32>
      %select_n3A_1793 = arith.select %gt3A_1791, %select_n3A_1790, %select_n3A_1771 : vector<8x128xi1>, vector<8x128xi32>
      %slice3A_1794 = vector.extract_strided_slice %concatenate3A_37 {offsets = [208, 128], sizes = [8, 128], strides = [1, 1]} : vector<288x384xf32> to vector<8x128xf32>
      %add3A_1795 = arith.constant 66688 : i32
      %add3A_1796 = vector.broadcast %add3A_1795 : i32 to vector<8x128xi32>
      %add3A_1797 = arith.addi %add3A, %add3A_1796 : vector<8x128xi32>
      %gt3A_1798 = arith.cmpf ogt, %slice3A_1794, %select_n3A_1777 : vector<8x128xf32>
      %select_n3A_1799 = arith.select %gt3A_1798, %slice3A_1794, %select_n3A_1777 : vector<8x128xi1>, vector<8x128xf32>
      %select_n3A_1800 = arith.select %gt3A_1798, %select_n3A_1777, %slice3A_1794 : vector<8x128xi1>, vector<8x128xf32>
      %select_n3A_1801 = arith.select %gt3A_1798, %add3A_1797, %select_n3A_1779 : vector<8x128xi1>, vector<8x128xi32>
      %select_n3A_1802 = arith.select %gt3A_1798, %select_n3A_1779, %add3A_1797 : vector<8x128xi1>, vector<8x128xi32>
      %gt3A_1803 = arith.cmpf ogt, %select_n3A_1800, %select_n3A_1782 : vector<8x128xf32>
      %select_n3A_1804 = arith.select %gt3A_1803, %select_n3A_1800, %select_n3A_1782 : vector<8x128xi1>, vector<8x128xf32>
      %select_n3A_1805 = arith.select %gt3A_1803, %select_n3A_1782, %select_n3A_1800 : vector<8x128xi1>, vector<8x128xf32>
      %select_n3A_1806 = arith.select %gt3A_1803, %select_n3A_1802, %select_n3A_1784 : vector<8x128xi1>, vector<8x128xi32>
      %select_n3A_1807 = arith.select %gt3A_1803, %select_n3A_1784, %select_n3A_1802 : vector<8x128xi1>, vector<8x128xi32>
      %gt3A_1808 = arith.cmpf ogt, %select_n3A_1805, %select_n3A_1787 : vector<8x128xf32>
      %select_n3A_1809 = arith.select %gt3A_1808, %select_n3A_1805, %select_n3A_1787 : vector<8x128xi1>, vector<8x128xf32>
      %select_n3A_1810 = arith.select %gt3A_1808, %select_n3A_1787, %select_n3A_1805 : vector<8x128xi1>, vector<8x128xf32>
      %select_n3A_1811 = arith.select %gt3A_1808, %select_n3A_1807, %select_n3A_1789 : vector<8x128xi1>, vector<8x128xi32>
      %select_n3A_1812 = arith.select %gt3A_1808, %select_n3A_1789, %select_n3A_1807 : vector<8x128xi1>, vector<8x128xi32>
      %gt3A_1813 = arith.cmpf ogt, %select_n3A_1810, %select_n3A_1792 : vector<8x128xf32>
      %select_n3A_1814 = arith.select %gt3A_1813, %select_n3A_1810, %select_n3A_1792 : vector<8x128xi1>, vector<8x128xf32>
      %select_n3A_1815 = arith.select %gt3A_1813, %select_n3A_1812, %select_n3A_1793 : vector<8x128xi1>, vector<8x128xi32>
      %slice3A_1816 = vector.extract_strided_slice %concatenate3A_37 {offsets = [208, 256], sizes = [8, 128], strides = [1, 1]} : vector<288x384xf32> to vector<8x128xf32>
      %add3A_1817 = arith.constant 66816 : i32
      %add3A_1818 = vector.broadcast %add3A_1817 : i32 to vector<8x128xi32>
      %add3A_1819 = arith.addi %add3A, %add3A_1818 : vector<8x128xi32>
      %gt3A_1820 = arith.cmpf ogt, %slice3A_1816, %select_n3A_1799 : vector<8x128xf32>
      %select_n3A_1821 = arith.select %gt3A_1820, %slice3A_1816, %select_n3A_1799 : vector<8x128xi1>, vector<8x128xf32>
      %select_n3A_1822 = arith.select %gt3A_1820, %select_n3A_1799, %slice3A_1816 : vector<8x128xi1>, vector<8x128xf32>
      %select_n3A_1823 = arith.select %gt3A_1820, %add3A_1819, %select_n3A_1801 : vector<8x128xi1>, vector<8x128xi32>
      %select_n3A_1824 = arith.select %gt3A_1820, %select_n3A_1801, %add3A_1819 : vector<8x128xi1>, vector<8x128xi32>
      %gt3A_1825 = arith.cmpf ogt, %select_n3A_1822, %select_n3A_1804 : vector<8x128xf32>
      %select_n3A_1826 = arith.select %gt3A_1825, %select_n3A_1822, %select_n3A_1804 : vector<8x128xi1>, vector<8x128xf32>
      %select_n3A_1827 = arith.select %gt3A_1825, %select_n3A_1804, %select_n3A_1822 : vector<8x128xi1>, vector<8x128xf32>
      %select_n3A_1828 = arith.select %gt3A_1825, %select_n3A_1824, %select_n3A_1806 : vector<8x128xi1>, vector<8x128xi32>
      %select_n3A_1829 = arith.select %gt3A_1825, %select_n3A_1806, %select_n3A_1824 : vector<8x128xi1>, vector<8x128xi32>
      %gt3A_1830 = arith.cmpf ogt, %select_n3A_1827, %select_n3A_1809 : vector<8x128xf32>
      %select_n3A_1831 = arith.select %gt3A_1830, %select_n3A_1827, %select_n3A_1809 : vector<8x128xi1>, vector<8x128xf32>
      %select_n3A_1832 = arith.select %gt3A_1830, %select_n3A_1809, %select_n3A_1827 : vector<8x128xi1>, vector<8x128xf32>
      %select_n3A_1833 = arith.select %gt3A_1830, %select_n3A_1829, %select_n3A_1811 : vector<8x128xi1>, vector<8x128xi32>
      %select_n3A_1834 = arith.select %gt3A_1830, %select_n3A_1811, %select_n3A_1829 : vector<8x128xi1>, vector<8x128xi32>
      %gt3A_1835 = arith.cmpf ogt, %select_n3A_1832, %select_n3A_1814 : vector<8x128xf32>
      %select_n3A_1836 = arith.select %gt3A_1835, %select_n3A_1832, %select_n3A_1814 : vector<8x128xi1>, vector<8x128xf32>
      %select_n3A_1837 = arith.select %gt3A_1835, %select_n3A_1834, %select_n3A_1815 : vector<8x128xi1>, vector<8x128xi32>
      %slice3A_1838 = vector.extract_strided_slice %concatenate3A_37 {offsets = [216, 0], sizes = [8, 128], strides = [1, 1]} : vector<288x384xf32> to vector<8x128xf32>
      %add3A_1839 = arith.constant 69120 : i32
      %add3A_1840 = vector.broadcast %add3A_1839 : i32 to vector<8x128xi32>
      %add3A_1841 = arith.addi %add3A, %add3A_1840 : vector<8x128xi32>
      %gt3A_1842 = arith.cmpf ogt, %slice3A_1838, %select_n3A_1821 : vector<8x128xf32>
      %select_n3A_1843 = arith.select %gt3A_1842, %slice3A_1838, %select_n3A_1821 : vector<8x128xi1>, vector<8x128xf32>
      %select_n3A_1844 = arith.select %gt3A_1842, %select_n3A_1821, %slice3A_1838 : vector<8x128xi1>, vector<8x128xf32>
      %select_n3A_1845 = arith.select %gt3A_1842, %add3A_1841, %select_n3A_1823 : vector<8x128xi1>, vector<8x128xi32>
      %select_n3A_1846 = arith.select %gt3A_1842, %select_n3A_1823, %add3A_1841 : vector<8x128xi1>, vector<8x128xi32>
      %gt3A_1847 = arith.cmpf ogt, %select_n3A_1844, %select_n3A_1826 : vector<8x128xf32>
      %select_n3A_1848 = arith.select %gt3A_1847, %select_n3A_1844, %select_n3A_1826 : vector<8x128xi1>, vector<8x128xf32>
      %select_n3A_1849 = arith.select %gt3A_1847, %select_n3A_1826, %select_n3A_1844 : vector<8x128xi1>, vector<8x128xf32>
      %select_n3A_1850 = arith.select %gt3A_1847, %select_n3A_1846, %select_n3A_1828 : vector<8x128xi1>, vector<8x128xi32>
      %select_n3A_1851 = arith.select %gt3A_1847, %select_n3A_1828, %select_n3A_1846 : vector<8x128xi1>, vector<8x128xi32>
      %gt3A_1852 = arith.cmpf ogt, %select_n3A_1849, %select_n3A_1831 : vector<8x128xf32>
      %select_n3A_1853 = arith.select %gt3A_1852, %select_n3A_1849, %select_n3A_1831 : vector<8x128xi1>, vector<8x128xf32>
      %select_n3A_1854 = arith.select %gt3A_1852, %select_n3A_1831, %select_n3A_1849 : vector<8x128xi1>, vector<8x128xf32>
      %select_n3A_1855 = arith.select %gt3A_1852, %select_n3A_1851, %select_n3A_1833 : vector<8x128xi1>, vector<8x128xi32>
      %select_n3A_1856 = arith.select %gt3A_1852, %select_n3A_1833, %select_n3A_1851 : vector<8x128xi1>, vector<8x128xi32>
      %gt3A_1857 = arith.cmpf ogt, %select_n3A_1854, %select_n3A_1836 : vector<8x128xf32>
      %select_n3A_1858 = arith.select %gt3A_1857, %select_n3A_1854, %select_n3A_1836 : vector<8x128xi1>, vector<8x128xf32>
      %select_n3A_1859 = arith.select %gt3A_1857, %select_n3A_1856, %select_n3A_1837 : vector<8x128xi1>, vector<8x128xi32>
      %slice3A_1860 = vector.extract_strided_slice %concatenate3A_37 {offsets = [216, 128], sizes = [8, 128], strides = [1, 1]} : vector<288x384xf32> to vector<8x128xf32>
      %add3A_1861 = arith.constant 69248 : i32
      %add3A_1862 = vector.broadcast %add3A_1861 : i32 to vector<8x128xi32>
      %add3A_1863 = arith.addi %add3A, %add3A_1862 : vector<8x128xi32>
      %gt3A_1864 = arith.cmpf ogt, %slice3A_1860, %select_n3A_1843 : vector<8x128xf32>
      %select_n3A_1865 = arith.select %gt3A_1864, %slice3A_1860, %select_n3A_1843 : vector<8x128xi1>, vector<8x128xf32>
      %select_n3A_1866 = arith.select %gt3A_1864, %select_n3A_1843, %slice3A_1860 : vector<8x128xi1>, vector<8x128xf32>
      %select_n3A_1867 = arith.select %gt3A_1864, %add3A_1863, %select_n3A_1845 : vector<8x128xi1>, vector<8x128xi32>
      %select_n3A_1868 = arith.select %gt3A_1864, %select_n3A_1845, %add3A_1863 : vector<8x128xi1>, vector<8x128xi32>
      %gt3A_1869 = arith.cmpf ogt, %select_n3A_1866, %select_n3A_1848 : vector<8x128xf32>
      %select_n3A_1870 = arith.select %gt3A_1869, %select_n3A_1866, %select_n3A_1848 : vector<8x128xi1>, vector<8x128xf32>
      %select_n3A_1871 = arith.select %gt3A_1869, %select_n3A_1848, %select_n3A_1866 : vector<8x128xi1>, vector<8x128xf32>
      %select_n3A_1872 = arith.select %gt3A_1869, %select_n3A_1868, %select_n3A_1850 : vector<8x128xi1>, vector<8x128xi32>
      %select_n3A_1873 = arith.select %gt3A_1869, %select_n3A_1850, %select_n3A_1868 : vector<8x128xi1>, vector<8x128xi32>
      %gt3A_1874 = arith.cmpf ogt, %select_n3A_1871, %select_n3A_1853 : vector<8x128xf32>
      %select_n3A_1875 = arith.select %gt3A_1874, %select_n3A_1871, %select_n3A_1853 : vector<8x128xi1>, vector<8x128xf32>
      %select_n3A_1876 = arith.select %gt3A_1874, %select_n3A_1853, %select_n3A_1871 : vector<8x128xi1>, vector<8x128xf32>
      %select_n3A_1877 = arith.select %gt3A_1874, %select_n3A_1873, %select_n3A_1855 : vector<8x128xi1>, vector<8x128xi32>
      %select_n3A_1878 = arith.select %gt3A_1874, %select_n3A_1855, %select_n3A_1873 : vector<8x128xi1>, vector<8x128xi32>
      %gt3A_1879 = arith.cmpf ogt, %select_n3A_1876, %select_n3A_1858 : vector<8x128xf32>
      %select_n3A_1880 = arith.select %gt3A_1879, %select_n3A_1876, %select_n3A_1858 : vector<8x128xi1>, vector<8x128xf32>
      %select_n3A_1881 = arith.select %gt3A_1879, %select_n3A_1878, %select_n3A_1859 : vector<8x128xi1>, vector<8x128xi32>
      %slice3A_1882 = vector.extract_strided_slice %concatenate3A_37 {offsets = [216, 256], sizes = [8, 128], strides = [1, 1]} : vector<288x384xf32> to vector<8x128xf32>
      %add3A_1883 = arith.constant 69376 : i32
      %add3A_1884 = vector.broadcast %add3A_1883 : i32 to vector<8x128xi32>
      %add3A_1885 = arith.addi %add3A, %add3A_1884 : vector<8x128xi32>
      %gt3A_1886 = arith.cmpf ogt, %slice3A_1882, %select_n3A_1865 : vector<8x128xf32>
      %select_n3A_1887 = arith.select %gt3A_1886, %slice3A_1882, %select_n3A_1865 : vector<8x128xi1>, vector<8x128xf32>
      %select_n3A_1888 = arith.select %gt3A_1886, %select_n3A_1865, %slice3A_1882 : vector<8x128xi1>, vector<8x128xf32>
      %select_n3A_1889 = arith.select %gt3A_1886, %add3A_1885, %select_n3A_1867 : vector<8x128xi1>, vector<8x128xi32>
      %select_n3A_1890 = arith.select %gt3A_1886, %select_n3A_1867, %add3A_1885 : vector<8x128xi1>, vector<8x128xi32>
      %gt3A_1891 = arith.cmpf ogt, %select_n3A_1888, %select_n3A_1870 : vector<8x128xf32>
      %select_n3A_1892 = arith.select %gt3A_1891, %select_n3A_1888, %select_n3A_1870 : vector<8x128xi1>, vector<8x128xf32>
      %select_n3A_1893 = arith.select %gt3A_1891, %select_n3A_1870, %select_n3A_1888 : vector<8x128xi1>, vector<8x128xf32>
      %select_n3A_1894 = arith.select %gt3A_1891, %select_n3A_1890, %select_n3A_1872 : vector<8x128xi1>, vector<8x128xi32>
      %select_n3A_1895 = arith.select %gt3A_1891, %select_n3A_1872, %select_n3A_1890 : vector<8x128xi1>, vector<8x128xi32>
      %gt3A_1896 = arith.cmpf ogt, %select_n3A_1893, %select_n3A_1875 : vector<8x128xf32>
      %select_n3A_1897 = arith.select %gt3A_1896, %select_n3A_1893, %select_n3A_1875 : vector<8x128xi1>, vector<8x128xf32>
      %select_n3A_1898 = arith.select %gt3A_1896, %select_n3A_1875, %select_n3A_1893 : vector<8x128xi1>, vector<8x128xf32>
      %select_n3A_1899 = arith.select %gt3A_1896, %select_n3A_1895, %select_n3A_1877 : vector<8x128xi1>, vector<8x128xi32>
      %select_n3A_1900 = arith.select %gt3A_1896, %select_n3A_1877, %select_n3A_1895 : vector<8x128xi1>, vector<8x128xi32>
      %gt3A_1901 = arith.cmpf ogt, %select_n3A_1898, %select_n3A_1880 : vector<8x128xf32>
      %select_n3A_1902 = arith.select %gt3A_1901, %select_n3A_1898, %select_n3A_1880 : vector<8x128xi1>, vector<8x128xf32>
      %select_n3A_1903 = arith.select %gt3A_1901, %select_n3A_1900, %select_n3A_1881 : vector<8x128xi1>, vector<8x128xi32>
      %slice3A_1904 = vector.extract_strided_slice %concatenate3A_37 {offsets = [224, 0], sizes = [8, 128], strides = [1, 1]} : vector<288x384xf32> to vector<8x128xf32>
      %add3A_1905 = arith.constant 71680 : i32
      %add3A_1906 = vector.broadcast %add3A_1905 : i32 to vector<8x128xi32>
      %add3A_1907 = arith.addi %add3A, %add3A_1906 : vector<8x128xi32>
      %gt3A_1908 = arith.cmpf ogt, %slice3A_1904, %select_n3A_1887 : vector<8x128xf32>
      %select_n3A_1909 = arith.select %gt3A_1908, %slice3A_1904, %select_n3A_1887 : vector<8x128xi1>, vector<8x128xf32>
      %select_n3A_1910 = arith.select %gt3A_1908, %select_n3A_1887, %slice3A_1904 : vector<8x128xi1>, vector<8x128xf32>
      %select_n3A_1911 = arith.select %gt3A_1908, %add3A_1907, %select_n3A_1889 : vector<8x128xi1>, vector<8x128xi32>
      %select_n3A_1912 = arith.select %gt3A_1908, %select_n3A_1889, %add3A_1907 : vector<8x128xi1>, vector<8x128xi32>
      %gt3A_1913 = arith.cmpf ogt, %select_n3A_1910, %select_n3A_1892 : vector<8x128xf32>
      %select_n3A_1914 = arith.select %gt3A_1913, %select_n3A_1910, %select_n3A_1892 : vector<8x128xi1>, vector<8x128xf32>
      %select_n3A_1915 = arith.select %gt3A_1913, %select_n3A_1892, %select_n3A_1910 : vector<8x128xi1>, vector<8x128xf32>
      %select_n3A_1916 = arith.select %gt3A_1913, %select_n3A_1912, %select_n3A_1894 : vector<8x128xi1>, vector<8x128xi32>
      %select_n3A_1917 = arith.select %gt3A_1913, %select_n3A_1894, %select_n3A_1912 : vector<8x128xi1>, vector<8x128xi32>
      %gt3A_1918 = arith.cmpf ogt, %select_n3A_1915, %select_n3A_1897 : vector<8x128xf32>
      %select_n3A_1919 = arith.select %gt3A_1918, %select_n3A_1915, %select_n3A_1897 : vector<8x128xi1>, vector<8x128xf32>
      %select_n3A_1920 = arith.select %gt3A_1918, %select_n3A_1897, %select_n3A_1915 : vector<8x128xi1>, vector<8x128xf32>
      %select_n3A_1921 = arith.select %gt3A_1918, %select_n3A_1917, %select_n3A_1899 : vector<8x128xi1>, vector<8x128xi32>
      %select_n3A_1922 = arith.select %gt3A_1918, %select_n3A_1899, %select_n3A_1917 : vector<8x128xi1>, vector<8x128xi32>
      %gt3A_1923 = arith.cmpf ogt, %select_n3A_1920, %select_n3A_1902 : vector<8x128xf32>
      %select_n3A_1924 = arith.select %gt3A_1923, %select_n3A_1920, %select_n3A_1902 : vector<8x128xi1>, vector<8x128xf32>
      %select_n3A_1925 = arith.select %gt3A_1923, %select_n3A_1922, %select_n3A_1903 : vector<8x128xi1>, vector<8x128xi32>
      %slice3A_1926 = vector.extract_strided_slice %concatenate3A_37 {offsets = [224, 128], sizes = [8, 128], strides = [1, 1]} : vector<288x384xf32> to vector<8x128xf32>
      %add3A_1927 = arith.constant 71808 : i32
      %add3A_1928 = vector.broadcast %add3A_1927 : i32 to vector<8x128xi32>
      %add3A_1929 = arith.addi %add3A, %add3A_1928 : vector<8x128xi32>
      %gt3A_1930 = arith.cmpf ogt, %slice3A_1926, %select_n3A_1909 : vector<8x128xf32>
      %select_n3A_1931 = arith.select %gt3A_1930, %slice3A_1926, %select_n3A_1909 : vector<8x128xi1>, vector<8x128xf32>
      %select_n3A_1932 = arith.select %gt3A_1930, %select_n3A_1909, %slice3A_1926 : vector<8x128xi1>, vector<8x128xf32>
      %select_n3A_1933 = arith.select %gt3A_1930, %add3A_1929, %select_n3A_1911 : vector<8x128xi1>, vector<8x128xi32>
      %select_n3A_1934 = arith.select %gt3A_1930, %select_n3A_1911, %add3A_1929 : vector<8x128xi1>, vector<8x128xi32>
      %gt3A_1935 = arith.cmpf ogt, %select_n3A_1932, %select_n3A_1914 : vector<8x128xf32>
      %select_n3A_1936 = arith.select %gt3A_1935, %select_n3A_1932, %select_n3A_1914 : vector<8x128xi1>, vector<8x128xf32>
      %select_n3A_1937 = arith.select %gt3A_1935, %select_n3A_1914, %select_n3A_1932 : vector<8x128xi1>, vector<8x128xf32>
      %select_n3A_1938 = arith.select %gt3A_1935, %select_n3A_1934, %select_n3A_1916 : vector<8x128xi1>, vector<8x128xi32>
      %select_n3A_1939 = arith.select %gt3A_1935, %select_n3A_1916, %select_n3A_1934 : vector<8x128xi1>, vector<8x128xi32>
      %gt3A_1940 = arith.cmpf ogt, %select_n3A_1937, %select_n3A_1919 : vector<8x128xf32>
      %select_n3A_1941 = arith.select %gt3A_1940, %select_n3A_1937, %select_n3A_1919 : vector<8x128xi1>, vector<8x128xf32>
      %select_n3A_1942 = arith.select %gt3A_1940, %select_n3A_1919, %select_n3A_1937 : vector<8x128xi1>, vector<8x128xf32>
      %select_n3A_1943 = arith.select %gt3A_1940, %select_n3A_1939, %select_n3A_1921 : vector<8x128xi1>, vector<8x128xi32>
      %select_n3A_1944 = arith.select %gt3A_1940, %select_n3A_1921, %select_n3A_1939 : vector<8x128xi1>, vector<8x128xi32>
      %gt3A_1945 = arith.cmpf ogt, %select_n3A_1942, %select_n3A_1924 : vector<8x128xf32>
      %select_n3A_1946 = arith.select %gt3A_1945, %select_n3A_1942, %select_n3A_1924 : vector<8x128xi1>, vector<8x128xf32>
      %select_n3A_1947 = arith.select %gt3A_1945, %select_n3A_1944, %select_n3A_1925 : vector<8x128xi1>, vector<8x128xi32>
      %slice3A_1948 = vector.extract_strided_slice %concatenate3A_37 {offsets = [224, 256], sizes = [8, 128], strides = [1, 1]} : vector<288x384xf32> to vector<8x128xf32>
      %add3A_1949 = arith.constant 71936 : i32
      %add3A_1950 = vector.broadcast %add3A_1949 : i32 to vector<8x128xi32>
      %add3A_1951 = arith.addi %add3A, %add3A_1950 : vector<8x128xi32>
      %gt3A_1952 = arith.cmpf ogt, %slice3A_1948, %select_n3A_1931 : vector<8x128xf32>
      %select_n3A_1953 = arith.select %gt3A_1952, %slice3A_1948, %select_n3A_1931 : vector<8x128xi1>, vector<8x128xf32>
      %select_n3A_1954 = arith.select %gt3A_1952, %select_n3A_1931, %slice3A_1948 : vector<8x128xi1>, vector<8x128xf32>
      %select_n3A_1955 = arith.select %gt3A_1952, %add3A_1951, %select_n3A_1933 : vector<8x128xi1>, vector<8x128xi32>
      %select_n3A_1956 = arith.select %gt3A_1952, %select_n3A_1933, %add3A_1951 : vector<8x128xi1>, vector<8x128xi32>
      %gt3A_1957 = arith.cmpf ogt, %select_n3A_1954, %select_n3A_1936 : vector<8x128xf32>
      %select_n3A_1958 = arith.select %gt3A_1957, %select_n3A_1954, %select_n3A_1936 : vector<8x128xi1>, vector<8x128xf32>
      %select_n3A_1959 = arith.select %gt3A_1957, %select_n3A_1936, %select_n3A_1954 : vector<8x128xi1>, vector<8x128xf32>
      %select_n3A_1960 = arith.select %gt3A_1957, %select_n3A_1956, %select_n3A_1938 : vector<8x128xi1>, vector<8x128xi32>
      %select_n3A_1961 = arith.select %gt3A_1957, %select_n3A_1938, %select_n3A_1956 : vector<8x128xi1>, vector<8x128xi32>
      %gt3A_1962 = arith.cmpf ogt, %select_n3A_1959, %select_n3A_1941 : vector<8x128xf32>
      %select_n3A_1963 = arith.select %gt3A_1962, %select_n3A_1959, %select_n3A_1941 : vector<8x128xi1>, vector<8x128xf32>
      %select_n3A_1964 = arith.select %gt3A_1962, %select_n3A_1941, %select_n3A_1959 : vector<8x128xi1>, vector<8x128xf32>
      %select_n3A_1965 = arith.select %gt3A_1962, %select_n3A_1961, %select_n3A_1943 : vector<8x128xi1>, vector<8x128xi32>
      %select_n3A_1966 = arith.select %gt3A_1962, %select_n3A_1943, %select_n3A_1961 : vector<8x128xi1>, vector<8x128xi32>
      %gt3A_1967 = arith.cmpf ogt, %select_n3A_1964, %select_n3A_1946 : vector<8x128xf32>
      %select_n3A_1968 = arith.select %gt3A_1967, %select_n3A_1964, %select_n3A_1946 : vector<8x128xi1>, vector<8x128xf32>
      %select_n3A_1969 = arith.select %gt3A_1967, %select_n3A_1966, %select_n3A_1947 : vector<8x128xi1>, vector<8x128xi32>
      %slice3A_1970 = vector.extract_strided_slice %concatenate3A_37 {offsets = [232, 0], sizes = [8, 128], strides = [1, 1]} : vector<288x384xf32> to vector<8x128xf32>
      %add3A_1971 = arith.constant 74240 : i32
      %add3A_1972 = vector.broadcast %add3A_1971 : i32 to vector<8x128xi32>
      %add3A_1973 = arith.addi %add3A, %add3A_1972 : vector<8x128xi32>
      %gt3A_1974 = arith.cmpf ogt, %slice3A_1970, %select_n3A_1953 : vector<8x128xf32>
      %select_n3A_1975 = arith.select %gt3A_1974, %slice3A_1970, %select_n3A_1953 : vector<8x128xi1>, vector<8x128xf32>
      %select_n3A_1976 = arith.select %gt3A_1974, %select_n3A_1953, %slice3A_1970 : vector<8x128xi1>, vector<8x128xf32>
      %select_n3A_1977 = arith.select %gt3A_1974, %add3A_1973, %select_n3A_1955 : vector<8x128xi1>, vector<8x128xi32>
      %select_n3A_1978 = arith.select %gt3A_1974, %select_n3A_1955, %add3A_1973 : vector<8x128xi1>, vector<8x128xi32>
      %gt3A_1979 = arith.cmpf ogt, %select_n3A_1976, %select_n3A_1958 : vector<8x128xf32>
      %select_n3A_1980 = arith.select %gt3A_1979, %select_n3A_1976, %select_n3A_1958 : vector<8x128xi1>, vector<8x128xf32>
      %select_n3A_1981 = arith.select %gt3A_1979, %select_n3A_1958, %select_n3A_1976 : vector<8x128xi1>, vector<8x128xf32>
      %select_n3A_1982 = arith.select %gt3A_1979, %select_n3A_1978, %select_n3A_1960 : vector<8x128xi1>, vector<8x128xi32>
      %select_n3A_1983 = arith.select %gt3A_1979, %select_n3A_1960, %select_n3A_1978 : vector<8x128xi1>, vector<8x128xi32>
      %gt3A_1984 = arith.cmpf ogt, %select_n3A_1981, %select_n3A_1963 : vector<8x128xf32>
      %select_n3A_1985 = arith.select %gt3A_1984, %select_n3A_1981, %select_n3A_1963 : vector<8x128xi1>, vector<8x128xf32>
      %select_n3A_1986 = arith.select %gt3A_1984, %select_n3A_1963, %select_n3A_1981 : vector<8x128xi1>, vector<8x128xf32>
      %select_n3A_1987 = arith.select %gt3A_1984, %select_n3A_1983, %select_n3A_1965 : vector<8x128xi1>, vector<8x128xi32>
      %select_n3A_1988 = arith.select %gt3A_1984, %select_n3A_1965, %select_n3A_1983 : vector<8x128xi1>, vector<8x128xi32>
      %gt3A_1989 = arith.cmpf ogt, %select_n3A_1986, %select_n3A_1968 : vector<8x128xf32>
      %select_n3A_1990 = arith.select %gt3A_1989, %select_n3A_1986, %select_n3A_1968 : vector<8x128xi1>, vector<8x128xf32>
      %select_n3A_1991 = arith.select %gt3A_1989, %select_n3A_1988, %select_n3A_1969 : vector<8x128xi1>, vector<8x128xi32>
      %slice3A_1992 = vector.extract_strided_slice %concatenate3A_37 {offsets = [232, 128], sizes = [8, 128], strides = [1, 1]} : vector<288x384xf32> to vector<8x128xf32>
      %add3A_1993 = arith.constant 74368 : i32
      %add3A_1994 = vector.broadcast %add3A_1993 : i32 to vector<8x128xi32>
      %add3A_1995 = arith.addi %add3A, %add3A_1994 : vector<8x128xi32>
      %gt3A_1996 = arith.cmpf ogt, %slice3A_1992, %select_n3A_1975 : vector<8x128xf32>
      %select_n3A_1997 = arith.select %gt3A_1996, %slice3A_1992, %select_n3A_1975 : vector<8x128xi1>, vector<8x128xf32>
      %select_n3A_1998 = arith.select %gt3A_1996, %select_n3A_1975, %slice3A_1992 : vector<8x128xi1>, vector<8x128xf32>
      %select_n3A_1999 = arith.select %gt3A_1996, %add3A_1995, %select_n3A_1977 : vector<8x128xi1>, vector<8x128xi32>
      %select_n3A_2000 = arith.select %gt3A_1996, %select_n3A_1977, %add3A_1995 : vector<8x128xi1>, vector<8x128xi32>
      %gt3A_2001 = arith.cmpf ogt, %select_n3A_1998, %select_n3A_1980 : vector<8x128xf32>
      %select_n3A_2002 = arith.select %gt3A_2001, %select_n3A_1998, %select_n3A_1980 : vector<8x128xi1>, vector<8x128xf32>
      %select_n3A_2003 = arith.select %gt3A_2001, %select_n3A_1980, %select_n3A_1998 : vector<8x128xi1>, vector<8x128xf32>
      %select_n3A_2004 = arith.select %gt3A_2001, %select_n3A_2000, %select_n3A_1982 : vector<8x128xi1>, vector<8x128xi32>
      %select_n3A_2005 = arith.select %gt3A_2001, %select_n3A_1982, %select_n3A_2000 : vector<8x128xi1>, vector<8x128xi32>
      %gt3A_2006 = arith.cmpf ogt, %select_n3A_2003, %select_n3A_1985 : vector<8x128xf32>
      %select_n3A_2007 = arith.select %gt3A_2006, %select_n3A_2003, %select_n3A_1985 : vector<8x128xi1>, vector<8x128xf32>
      %select_n3A_2008 = arith.select %gt3A_2006, %select_n3A_1985, %select_n3A_2003 : vector<8x128xi1>, vector<8x128xf32>
      %select_n3A_2009 = arith.select %gt3A_2006, %select_n3A_2005, %select_n3A_1987 : vector<8x128xi1>, vector<8x128xi32>
      %select_n3A_2010 = arith.select %gt3A_2006, %select_n3A_1987, %select_n3A_2005 : vector<8x128xi1>, vector<8x128xi32>
      %gt3A_2011 = arith.cmpf ogt, %select_n3A_2008, %select_n3A_1990 : vector<8x128xf32>
      %select_n3A_2012 = arith.select %gt3A_2011, %select_n3A_2008, %select_n3A_1990 : vector<8x128xi1>, vector<8x128xf32>
      %select_n3A_2013 = arith.select %gt3A_2011, %select_n3A_2010, %select_n3A_1991 : vector<8x128xi1>, vector<8x128xi32>
      %slice3A_2014 = vector.extract_strided_slice %concatenate3A_37 {offsets = [232, 256], sizes = [8, 128], strides = [1, 1]} : vector<288x384xf32> to vector<8x128xf32>
      %add3A_2015 = arith.constant 74496 : i32
      %add3A_2016 = vector.broadcast %add3A_2015 : i32 to vector<8x128xi32>
      %add3A_2017 = arith.addi %add3A, %add3A_2016 : vector<8x128xi32>
      %gt3A_2018 = arith.cmpf ogt, %slice3A_2014, %select_n3A_1997 : vector<8x128xf32>
      %select_n3A_2019 = arith.select %gt3A_2018, %slice3A_2014, %select_n3A_1997 : vector<8x128xi1>, vector<8x128xf32>
      %select_n3A_2020 = arith.select %gt3A_2018, %select_n3A_1997, %slice3A_2014 : vector<8x128xi1>, vector<8x128xf32>
      %select_n3A_2021 = arith.select %gt3A_2018, %add3A_2017, %select_n3A_1999 : vector<8x128xi1>, vector<8x128xi32>
      %select_n3A_2022 = arith.select %gt3A_2018, %select_n3A_1999, %add3A_2017 : vector<8x128xi1>, vector<8x128xi32>
      %gt3A_2023 = arith.cmpf ogt, %select_n3A_2020, %select_n3A_2002 : vector<8x128xf32>
      %select_n3A_2024 = arith.select %gt3A_2023, %select_n3A_2020, %select_n3A_2002 : vector<8x128xi1>, vector<8x128xf32>
      %select_n3A_2025 = arith.select %gt3A_2023, %select_n3A_2002, %select_n3A_2020 : vector<8x128xi1>, vector<8x128xf32>
      %select_n3A_2026 = arith.select %gt3A_2023, %select_n3A_2022, %select_n3A_2004 : vector<8x128xi1>, vector<8x128xi32>
      %select_n3A_2027 = arith.select %gt3A_2023, %select_n3A_2004, %select_n3A_2022 : vector<8x128xi1>, vector<8x128xi32>
      %gt3A_2028 = arith.cmpf ogt, %select_n3A_2025, %select_n3A_2007 : vector<8x128xf32>
      %select_n3A_2029 = arith.select %gt3A_2028, %select_n3A_2025, %select_n3A_2007 : vector<8x128xi1>, vector<8x128xf32>
      %select_n3A_2030 = arith.select %gt3A_2028, %select_n3A_2007, %select_n3A_2025 : vector<8x128xi1>, vector<8x128xf32>
      %select_n3A_2031 = arith.select %gt3A_2028, %select_n3A_2027, %select_n3A_2009 : vector<8x128xi1>, vector<8x128xi32>
      %select_n3A_2032 = arith.select %gt3A_2028, %select_n3A_2009, %select_n3A_2027 : vector<8x128xi1>, vector<8x128xi32>
      %gt3A_2033 = arith.cmpf ogt, %select_n3A_2030, %select_n3A_2012 : vector<8x128xf32>
      %select_n3A_2034 = arith.select %gt3A_2033, %select_n3A_2030, %select_n3A_2012 : vector<8x128xi1>, vector<8x128xf32>
      %select_n3A_2035 = arith.select %gt3A_2033, %select_n3A_2032, %select_n3A_2013 : vector<8x128xi1>, vector<8x128xi32>
      %slice3A_2036 = vector.extract_strided_slice %concatenate3A_37 {offsets = [240, 0], sizes = [8, 128], strides = [1, 1]} : vector<288x384xf32> to vector<8x128xf32>
      %add3A_2037 = arith.constant 76800 : i32
      %add3A_2038 = vector.broadcast %add3A_2037 : i32 to vector<8x128xi32>
      %add3A_2039 = arith.addi %add3A, %add3A_2038 : vector<8x128xi32>
      %gt3A_2040 = arith.cmpf ogt, %slice3A_2036, %select_n3A_2019 : vector<8x128xf32>
      %select_n3A_2041 = arith.select %gt3A_2040, %slice3A_2036, %select_n3A_2019 : vector<8x128xi1>, vector<8x128xf32>
      %select_n3A_2042 = arith.select %gt3A_2040, %select_n3A_2019, %slice3A_2036 : vector<8x128xi1>, vector<8x128xf32>
      %select_n3A_2043 = arith.select %gt3A_2040, %add3A_2039, %select_n3A_2021 : vector<8x128xi1>, vector<8x128xi32>
      %select_n3A_2044 = arith.select %gt3A_2040, %select_n3A_2021, %add3A_2039 : vector<8x128xi1>, vector<8x128xi32>
      %gt3A_2045 = arith.cmpf ogt, %select_n3A_2042, %select_n3A_2024 : vector<8x128xf32>
      %select_n3A_2046 = arith.select %gt3A_2045, %select_n3A_2042, %select_n3A_2024 : vector<8x128xi1>, vector<8x128xf32>
      %select_n3A_2047 = arith.select %gt3A_2045, %select_n3A_2024, %select_n3A_2042 : vector<8x128xi1>, vector<8x128xf32>
      %select_n3A_2048 = arith.select %gt3A_2045, %select_n3A_2044, %select_n3A_2026 : vector<8x128xi1>, vector<8x128xi32>
      %select_n3A_2049 = arith.select %gt3A_2045, %select_n3A_2026, %select_n3A_2044 : vector<8x128xi1>, vector<8x128xi32>
      %gt3A_2050 = arith.cmpf ogt, %select_n3A_2047, %select_n3A_2029 : vector<8x128xf32>
      %select_n3A_2051 = arith.select %gt3A_2050, %select_n3A_2047, %select_n3A_2029 : vector<8x128xi1>, vector<8x128xf32>
      %select_n3A_2052 = arith.select %gt3A_2050, %select_n3A_2029, %select_n3A_2047 : vector<8x128xi1>, vector<8x128xf32>
      %select_n3A_2053 = arith.select %gt3A_2050, %select_n3A_2049, %select_n3A_2031 : vector<8x128xi1>, vector<8x128xi32>
      %select_n3A_2054 = arith.select %gt3A_2050, %select_n3A_2031, %select_n3A_2049 : vector<8x128xi1>, vector<8x128xi32>
      %gt3A_2055 = arith.cmpf ogt, %select_n3A_2052, %select_n3A_2034 : vector<8x128xf32>
      %select_n3A_2056 = arith.select %gt3A_2055, %select_n3A_2052, %select_n3A_2034 : vector<8x128xi1>, vector<8x128xf32>
      %select_n3A_2057 = arith.select %gt3A_2055, %select_n3A_2054, %select_n3A_2035 : vector<8x128xi1>, vector<8x128xi32>
      %slice3A_2058 = vector.extract_strided_slice %concatenate3A_37 {offsets = [240, 128], sizes = [8, 128], strides = [1, 1]} : vector<288x384xf32> to vector<8x128xf32>
      %add3A_2059 = arith.constant 76928 : i32
      %add3A_2060 = vector.broadcast %add3A_2059 : i32 to vector<8x128xi32>
      %add3A_2061 = arith.addi %add3A, %add3A_2060 : vector<8x128xi32>
      %gt3A_2062 = arith.cmpf ogt, %slice3A_2058, %select_n3A_2041 : vector<8x128xf32>
      %select_n3A_2063 = arith.select %gt3A_2062, %slice3A_2058, %select_n3A_2041 : vector<8x128xi1>, vector<8x128xf32>
      %select_n3A_2064 = arith.select %gt3A_2062, %select_n3A_2041, %slice3A_2058 : vector<8x128xi1>, vector<8x128xf32>
      %select_n3A_2065 = arith.select %gt3A_2062, %add3A_2061, %select_n3A_2043 : vector<8x128xi1>, vector<8x128xi32>
      %select_n3A_2066 = arith.select %gt3A_2062, %select_n3A_2043, %add3A_2061 : vector<8x128xi1>, vector<8x128xi32>
      %gt3A_2067 = arith.cmpf ogt, %select_n3A_2064, %select_n3A_2046 : vector<8x128xf32>
      %select_n3A_2068 = arith.select %gt3A_2067, %select_n3A_2064, %select_n3A_2046 : vector<8x128xi1>, vector<8x128xf32>
      %select_n3A_2069 = arith.select %gt3A_2067, %select_n3A_2046, %select_n3A_2064 : vector<8x128xi1>, vector<8x128xf32>
      %select_n3A_2070 = arith.select %gt3A_2067, %select_n3A_2066, %select_n3A_2048 : vector<8x128xi1>, vector<8x128xi32>
      %select_n3A_2071 = arith.select %gt3A_2067, %select_n3A_2048, %select_n3A_2066 : vector<8x128xi1>, vector<8x128xi32>
      %gt3A_2072 = arith.cmpf ogt, %select_n3A_2069, %select_n3A_2051 : vector<8x128xf32>
      %select_n3A_2073 = arith.select %gt3A_2072, %select_n3A_2069, %select_n3A_2051 : vector<8x128xi1>, vector<8x128xf32>
      %select_n3A_2074 = arith.select %gt3A_2072, %select_n3A_2051, %select_n3A_2069 : vector<8x128xi1>, vector<8x128xf32>
      %select_n3A_2075 = arith.select %gt3A_2072, %select_n3A_2071, %select_n3A_2053 : vector<8x128xi1>, vector<8x128xi32>
      %select_n3A_2076 = arith.select %gt3A_2072, %select_n3A_2053, %select_n3A_2071 : vector<8x128xi1>, vector<8x128xi32>
      %gt3A_2077 = arith.cmpf ogt, %select_n3A_2074, %select_n3A_2056 : vector<8x128xf32>
      %select_n3A_2078 = arith.select %gt3A_2077, %select_n3A_2074, %select_n3A_2056 : vector<8x128xi1>, vector<8x128xf32>
      %select_n3A_2079 = arith.select %gt3A_2077, %select_n3A_2076, %select_n3A_2057 : vector<8x128xi1>, vector<8x128xi32>
      %slice3A_2080 = vector.extract_strided_slice %concatenate3A_37 {offsets = [240, 256], sizes = [8, 128], strides = [1, 1]} : vector<288x384xf32> to vector<8x128xf32>
      %add3A_2081 = arith.constant 77056 : i32
      %add3A_2082 = vector.broadcast %add3A_2081 : i32 to vector<8x128xi32>
      %add3A_2083 = arith.addi %add3A, %add3A_2082 : vector<8x128xi32>
      %gt3A_2084 = arith.cmpf ogt, %slice3A_2080, %select_n3A_2063 : vector<8x128xf32>
      %select_n3A_2085 = arith.select %gt3A_2084, %slice3A_2080, %select_n3A_2063 : vector<8x128xi1>, vector<8x128xf32>
      %select_n3A_2086 = arith.select %gt3A_2084, %select_n3A_2063, %slice3A_2080 : vector<8x128xi1>, vector<8x128xf32>
      %select_n3A_2087 = arith.select %gt3A_2084, %add3A_2083, %select_n3A_2065 : vector<8x128xi1>, vector<8x128xi32>
      %select_n3A_2088 = arith.select %gt3A_2084, %select_n3A_2065, %add3A_2083 : vector<8x128xi1>, vector<8x128xi32>
      %gt3A_2089 = arith.cmpf ogt, %select_n3A_2086, %select_n3A_2068 : vector<8x128xf32>
      %select_n3A_2090 = arith.select %gt3A_2089, %select_n3A_2086, %select_n3A_2068 : vector<8x128xi1>, vector<8x128xf32>
      %select_n3A_2091 = arith.select %gt3A_2089, %select_n3A_2068, %select_n3A_2086 : vector<8x128xi1>, vector<8x128xf32>
      %select_n3A_2092 = arith.select %gt3A_2089, %select_n3A_2088, %select_n3A_2070 : vector<8x128xi1>, vector<8x128xi32>
      %select_n3A_2093 = arith.select %gt3A_2089, %select_n3A_2070, %select_n3A_2088 : vector<8x128xi1>, vector<8x128xi32>
      %gt3A_2094 = arith.cmpf ogt, %select_n3A_2091, %select_n3A_2073 : vector<8x128xf32>
      %select_n3A_2095 = arith.select %gt3A_2094, %select_n3A_2091, %select_n3A_2073 : vector<8x128xi1>, vector<8x128xf32>
      %select_n3A_2096 = arith.select %gt3A_2094, %select_n3A_2073, %select_n3A_2091 : vector<8x128xi1>, vector<8x128xf32>
      %select_n3A_2097 = arith.select %gt3A_2094, %select_n3A_2093, %select_n3A_2075 : vector<8x128xi1>, vector<8x128xi32>
      %select_n3A_2098 = arith.select %gt3A_2094, %select_n3A_2075, %select_n3A_2093 : vector<8x128xi1>, vector<8x128xi32>
      %gt3A_2099 = arith.cmpf ogt, %select_n3A_2096, %select_n3A_2078 : vector<8x128xf32>
      %select_n3A_2100 = arith.select %gt3A_2099, %select_n3A_2096, %select_n3A_2078 : vector<8x128xi1>, vector<8x128xf32>
      %select_n3A_2101 = arith.select %gt3A_2099, %select_n3A_2098, %select_n3A_2079 : vector<8x128xi1>, vector<8x128xi32>
      %slice3A_2102 = vector.extract_strided_slice %concatenate3A_37 {offsets = [248, 0], sizes = [8, 128], strides = [1, 1]} : vector<288x384xf32> to vector<8x128xf32>
      %add3A_2103 = arith.constant 79360 : i32
      %add3A_2104 = vector.broadcast %add3A_2103 : i32 to vector<8x128xi32>
      %add3A_2105 = arith.addi %add3A, %add3A_2104 : vector<8x128xi32>
      %gt3A_2106 = arith.cmpf ogt, %slice3A_2102, %select_n3A_2085 : vector<8x128xf32>
      %select_n3A_2107 = arith.select %gt3A_2106, %slice3A_2102, %select_n3A_2085 : vector<8x128xi1>, vector<8x128xf32>
      %select_n3A_2108 = arith.select %gt3A_2106, %select_n3A_2085, %slice3A_2102 : vector<8x128xi1>, vector<8x128xf32>
      %select_n3A_2109 = arith.select %gt3A_2106, %add3A_2105, %select_n3A_2087 : vector<8x128xi1>, vector<8x128xi32>
      %select_n3A_2110 = arith.select %gt3A_2106, %select_n3A_2087, %add3A_2105 : vector<8x128xi1>, vector<8x128xi32>
      %gt3A_2111 = arith.cmpf ogt, %select_n3A_2108, %select_n3A_2090 : vector<8x128xf32>
      %select_n3A_2112 = arith.select %gt3A_2111, %select_n3A_2108, %select_n3A_2090 : vector<8x128xi1>, vector<8x128xf32>
      %select_n3A_2113 = arith.select %gt3A_2111, %select_n3A_2090, %select_n3A_2108 : vector<8x128xi1>, vector<8x128xf32>
      %select_n3A_2114 = arith.select %gt3A_2111, %select_n3A_2110, %select_n3A_2092 : vector<8x128xi1>, vector<8x128xi32>
      %select_n3A_2115 = arith.select %gt3A_2111, %select_n3A_2092, %select_n3A_2110 : vector<8x128xi1>, vector<8x128xi32>
      %gt3A_2116 = arith.cmpf ogt, %select_n3A_2113, %select_n3A_2095 : vector<8x128xf32>
      %select_n3A_2117 = arith.select %gt3A_2116, %select_n3A_2113, %select_n3A_2095 : vector<8x128xi1>, vector<8x128xf32>
      %select_n3A_2118 = arith.select %gt3A_2116, %select_n3A_2095, %select_n3A_2113 : vector<8x128xi1>, vector<8x128xf32>
      %select_n3A_2119 = arith.select %gt3A_2116, %select_n3A_2115, %select_n3A_2097 : vector<8x128xi1>, vector<8x128xi32>
      %select_n3A_2120 = arith.select %gt3A_2116, %select_n3A_2097, %select_n3A_2115 : vector<8x128xi1>, vector<8x128xi32>
      %gt3A_2121 = arith.cmpf ogt, %select_n3A_2118, %select_n3A_2100 : vector<8x128xf32>
      %select_n3A_2122 = arith.select %gt3A_2121, %select_n3A_2118, %select_n3A_2100 : vector<8x128xi1>, vector<8x128xf32>
      %select_n3A_2123 = arith.select %gt3A_2121, %select_n3A_2120, %select_n3A_2101 : vector<8x128xi1>, vector<8x128xi32>
      %slice3A_2124 = vector.extract_strided_slice %concatenate3A_37 {offsets = [248, 128], sizes = [8, 128], strides = [1, 1]} : vector<288x384xf32> to vector<8x128xf32>
      %add3A_2125 = arith.constant 79488 : i32
      %add3A_2126 = vector.broadcast %add3A_2125 : i32 to vector<8x128xi32>
      %add3A_2127 = arith.addi %add3A, %add3A_2126 : vector<8x128xi32>
      %gt3A_2128 = arith.cmpf ogt, %slice3A_2124, %select_n3A_2107 : vector<8x128xf32>
      %select_n3A_2129 = arith.select %gt3A_2128, %slice3A_2124, %select_n3A_2107 : vector<8x128xi1>, vector<8x128xf32>
      %select_n3A_2130 = arith.select %gt3A_2128, %select_n3A_2107, %slice3A_2124 : vector<8x128xi1>, vector<8x128xf32>
      %select_n3A_2131 = arith.select %gt3A_2128, %add3A_2127, %select_n3A_2109 : vector<8x128xi1>, vector<8x128xi32>
      %select_n3A_2132 = arith.select %gt3A_2128, %select_n3A_2109, %add3A_2127 : vector<8x128xi1>, vector<8x128xi32>
      %gt3A_2133 = arith.cmpf ogt, %select_n3A_2130, %select_n3A_2112 : vector<8x128xf32>
      %select_n3A_2134 = arith.select %gt3A_2133, %select_n3A_2130, %select_n3A_2112 : vector<8x128xi1>, vector<8x128xf32>
      %select_n3A_2135 = arith.select %gt3A_2133, %select_n3A_2112, %select_n3A_2130 : vector<8x128xi1>, vector<8x128xf32>
      %select_n3A_2136 = arith.select %gt3A_2133, %select_n3A_2132, %select_n3A_2114 : vector<8x128xi1>, vector<8x128xi32>
      %select_n3A_2137 = arith.select %gt3A_2133, %select_n3A_2114, %select_n3A_2132 : vector<8x128xi1>, vector<8x128xi32>
      %gt3A_2138 = arith.cmpf ogt, %select_n3A_2135, %select_n3A_2117 : vector<8x128xf32>
      %select_n3A_2139 = arith.select %gt3A_2138, %select_n3A_2135, %select_n3A_2117 : vector<8x128xi1>, vector<8x128xf32>
      %select_n3A_2140 = arith.select %gt3A_2138, %select_n3A_2117, %select_n3A_2135 : vector<8x128xi1>, vector<8x128xf32>
      %select_n3A_2141 = arith.select %gt3A_2138, %select_n3A_2137, %select_n3A_2119 : vector<8x128xi1>, vector<8x128xi32>
      %select_n3A_2142 = arith.select %gt3A_2138, %select_n3A_2119, %select_n3A_2137 : vector<8x128xi1>, vector<8x128xi32>
      %gt3A_2143 = arith.cmpf ogt, %select_n3A_2140, %select_n3A_2122 : vector<8x128xf32>
      %select_n3A_2144 = arith.select %gt3A_2143, %select_n3A_2140, %select_n3A_2122 : vector<8x128xi1>, vector<8x128xf32>
      %select_n3A_2145 = arith.select %gt3A_2143, %select_n3A_2142, %select_n3A_2123 : vector<8x128xi1>, vector<8x128xi32>
      %slice3A_2146 = vector.extract_strided_slice %concatenate3A_37 {offsets = [248, 256], sizes = [8, 128], strides = [1, 1]} : vector<288x384xf32> to vector<8x128xf32>
      %add3A_2147 = arith.constant 79616 : i32
      %add3A_2148 = vector.broadcast %add3A_2147 : i32 to vector<8x128xi32>
      %add3A_2149 = arith.addi %add3A, %add3A_2148 : vector<8x128xi32>
      %gt3A_2150 = arith.cmpf ogt, %slice3A_2146, %select_n3A_2129 : vector<8x128xf32>
      %select_n3A_2151 = arith.select %gt3A_2150, %slice3A_2146, %select_n3A_2129 : vector<8x128xi1>, vector<8x128xf32>
      %select_n3A_2152 = arith.select %gt3A_2150, %select_n3A_2129, %slice3A_2146 : vector<8x128xi1>, vector<8x128xf32>
      %select_n3A_2153 = arith.select %gt3A_2150, %add3A_2149, %select_n3A_2131 : vector<8x128xi1>, vector<8x128xi32>
      %select_n3A_2154 = arith.select %gt3A_2150, %select_n3A_2131, %add3A_2149 : vector<8x128xi1>, vector<8x128xi32>
      %gt3A_2155 = arith.cmpf ogt, %select_n3A_2152, %select_n3A_2134 : vector<8x128xf32>
      %select_n3A_2156 = arith.select %gt3A_2155, %select_n3A_2152, %select_n3A_2134 : vector<8x128xi1>, vector<8x128xf32>
      %select_n3A_2157 = arith.select %gt3A_2155, %select_n3A_2134, %select_n3A_2152 : vector<8x128xi1>, vector<8x128xf32>
      %select_n3A_2158 = arith.select %gt3A_2155, %select_n3A_2154, %select_n3A_2136 : vector<8x128xi1>, vector<8x128xi32>
      %select_n3A_2159 = arith.select %gt3A_2155, %select_n3A_2136, %select_n3A_2154 : vector<8x128xi1>, vector<8x128xi32>
      %gt3A_2160 = arith.cmpf ogt, %select_n3A_2157, %select_n3A_2139 : vector<8x128xf32>
      %select_n3A_2161 = arith.select %gt3A_2160, %select_n3A_2157, %select_n3A_2139 : vector<8x128xi1>, vector<8x128xf32>
      %select_n3A_2162 = arith.select %gt3A_2160, %select_n3A_2139, %select_n3A_2157 : vector<8x128xi1>, vector<8x128xf32>
      %select_n3A_2163 = arith.select %gt3A_2160, %select_n3A_2159, %select_n3A_2141 : vector<8x128xi1>, vector<8x128xi32>
      %select_n3A_2164 = arith.select %gt3A_2160, %select_n3A_2141, %select_n3A_2159 : vector<8x128xi1>, vector<8x128xi32>
      %gt3A_2165 = arith.cmpf ogt, %select_n3A_2162, %select_n3A_2144 : vector<8x128xf32>
      %select_n3A_2166 = arith.select %gt3A_2165, %select_n3A_2162, %select_n3A_2144 : vector<8x128xi1>, vector<8x128xf32>
      %select_n3A_2167 = arith.select %gt3A_2165, %select_n3A_2164, %select_n3A_2145 : vector<8x128xi1>, vector<8x128xi32>
      %slice3A_2168 = vector.extract_strided_slice %concatenate3A_37 {offsets = [256, 0], sizes = [8, 128], strides = [1, 1]} : vector<288x384xf32> to vector<8x128xf32>
      %add3A_2169 = arith.constant 81920 : i32
      %add3A_2170 = vector.broadcast %add3A_2169 : i32 to vector<8x128xi32>
      %add3A_2171 = arith.addi %add3A, %add3A_2170 : vector<8x128xi32>
      %gt3A_2172 = arith.cmpf ogt, %slice3A_2168, %select_n3A_2151 : vector<8x128xf32>
      %select_n3A_2173 = arith.select %gt3A_2172, %slice3A_2168, %select_n3A_2151 : vector<8x128xi1>, vector<8x128xf32>
      %select_n3A_2174 = arith.select %gt3A_2172, %select_n3A_2151, %slice3A_2168 : vector<8x128xi1>, vector<8x128xf32>
      %select_n3A_2175 = arith.select %gt3A_2172, %add3A_2171, %select_n3A_2153 : vector<8x128xi1>, vector<8x128xi32>
      %select_n3A_2176 = arith.select %gt3A_2172, %select_n3A_2153, %add3A_2171 : vector<8x128xi1>, vector<8x128xi32>
      %gt3A_2177 = arith.cmpf ogt, %select_n3A_2174, %select_n3A_2156 : vector<8x128xf32>
      %select_n3A_2178 = arith.select %gt3A_2177, %select_n3A_2174, %select_n3A_2156 : vector<8x128xi1>, vector<8x128xf32>
      %select_n3A_2179 = arith.select %gt3A_2177, %select_n3A_2156, %select_n3A_2174 : vector<8x128xi1>, vector<8x128xf32>
      %select_n3A_2180 = arith.select %gt3A_2177, %select_n3A_2176, %select_n3A_2158 : vector<8x128xi1>, vector<8x128xi32>
      %select_n3A_2181 = arith.select %gt3A_2177, %select_n3A_2158, %select_n3A_2176 : vector<8x128xi1>, vector<8x128xi32>
      %gt3A_2182 = arith.cmpf ogt, %select_n3A_2179, %select_n3A_2161 : vector<8x128xf32>
      %select_n3A_2183 = arith.select %gt3A_2182, %select_n3A_2179, %select_n3A_2161 : vector<8x128xi1>, vector<8x128xf32>
      %select_n3A_2184 = arith.select %gt3A_2182, %select_n3A_2161, %select_n3A_2179 : vector<8x128xi1>, vector<8x128xf32>
      %select_n3A_2185 = arith.select %gt3A_2182, %select_n3A_2181, %select_n3A_2163 : vector<8x128xi1>, vector<8x128xi32>
      %select_n3A_2186 = arith.select %gt3A_2182, %select_n3A_2163, %select_n3A_2181 : vector<8x128xi1>, vector<8x128xi32>
      %gt3A_2187 = arith.cmpf ogt, %select_n3A_2184, %select_n3A_2166 : vector<8x128xf32>
      %select_n3A_2188 = arith.select %gt3A_2187, %select_n3A_2184, %select_n3A_2166 : vector<8x128xi1>, vector<8x128xf32>
      %select_n3A_2189 = arith.select %gt3A_2187, %select_n3A_2186, %select_n3A_2167 : vector<8x128xi1>, vector<8x128xi32>
      %slice3A_2190 = vector.extract_strided_slice %concatenate3A_37 {offsets = [256, 128], sizes = [8, 128], strides = [1, 1]} : vector<288x384xf32> to vector<8x128xf32>
      %add3A_2191 = arith.constant 82048 : i32
      %add3A_2192 = vector.broadcast %add3A_2191 : i32 to vector<8x128xi32>
      %add3A_2193 = arith.addi %add3A, %add3A_2192 : vector<8x128xi32>
      %gt3A_2194 = arith.cmpf ogt, %slice3A_2190, %select_n3A_2173 : vector<8x128xf32>
      %select_n3A_2195 = arith.select %gt3A_2194, %slice3A_2190, %select_n3A_2173 : vector<8x128xi1>, vector<8x128xf32>
      %select_n3A_2196 = arith.select %gt3A_2194, %select_n3A_2173, %slice3A_2190 : vector<8x128xi1>, vector<8x128xf32>
      %select_n3A_2197 = arith.select %gt3A_2194, %add3A_2193, %select_n3A_2175 : vector<8x128xi1>, vector<8x128xi32>
      %select_n3A_2198 = arith.select %gt3A_2194, %select_n3A_2175, %add3A_2193 : vector<8x128xi1>, vector<8x128xi32>
      %gt3A_2199 = arith.cmpf ogt, %select_n3A_2196, %select_n3A_2178 : vector<8x128xf32>
      %select_n3A_2200 = arith.select %gt3A_2199, %select_n3A_2196, %select_n3A_2178 : vector<8x128xi1>, vector<8x128xf32>
      %select_n3A_2201 = arith.select %gt3A_2199, %select_n3A_2178, %select_n3A_2196 : vector<8x128xi1>, vector<8x128xf32>
      %select_n3A_2202 = arith.select %gt3A_2199, %select_n3A_2198, %select_n3A_2180 : vector<8x128xi1>, vector<8x128xi32>
      %select_n3A_2203 = arith.select %gt3A_2199, %select_n3A_2180, %select_n3A_2198 : vector<8x128xi1>, vector<8x128xi32>
      %gt3A_2204 = arith.cmpf ogt, %select_n3A_2201, %select_n3A_2183 : vector<8x128xf32>
      %select_n3A_2205 = arith.select %gt3A_2204, %select_n3A_2201, %select_n3A_2183 : vector<8x128xi1>, vector<8x128xf32>
      %select_n3A_2206 = arith.select %gt3A_2204, %select_n3A_2183, %select_n3A_2201 : vector<8x128xi1>, vector<8x128xf32>
      %select_n3A_2207 = arith.select %gt3A_2204, %select_n3A_2203, %select_n3A_2185 : vector<8x128xi1>, vector<8x128xi32>
      %select_n3A_2208 = arith.select %gt3A_2204, %select_n3A_2185, %select_n3A_2203 : vector<8x128xi1>, vector<8x128xi32>
      %gt3A_2209 = arith.cmpf ogt, %select_n3A_2206, %select_n3A_2188 : vector<8x128xf32>
      %select_n3A_2210 = arith.select %gt3A_2209, %select_n3A_2206, %select_n3A_2188 : vector<8x128xi1>, vector<8x128xf32>
      %select_n3A_2211 = arith.select %gt3A_2209, %select_n3A_2208, %select_n3A_2189 : vector<8x128xi1>, vector<8x128xi32>
      %slice3A_2212 = vector.extract_strided_slice %concatenate3A_37 {offsets = [256, 256], sizes = [8, 128], strides = [1, 1]} : vector<288x384xf32> to vector<8x128xf32>
      %add3A_2213 = arith.constant 82176 : i32
      %add3A_2214 = vector.broadcast %add3A_2213 : i32 to vector<8x128xi32>
      %add3A_2215 = arith.addi %add3A, %add3A_2214 : vector<8x128xi32>
      %gt3A_2216 = arith.cmpf ogt, %slice3A_2212, %select_n3A_2195 : vector<8x128xf32>
      %select_n3A_2217 = arith.select %gt3A_2216, %slice3A_2212, %select_n3A_2195 : vector<8x128xi1>, vector<8x128xf32>
      %select_n3A_2218 = arith.select %gt3A_2216, %select_n3A_2195, %slice3A_2212 : vector<8x128xi1>, vector<8x128xf32>
      %select_n3A_2219 = arith.select %gt3A_2216, %add3A_2215, %select_n3A_2197 : vector<8x128xi1>, vector<8x128xi32>
      %select_n3A_2220 = arith.select %gt3A_2216, %select_n3A_2197, %add3A_2215 : vector<8x128xi1>, vector<8x128xi32>
      %gt3A_2221 = arith.cmpf ogt, %select_n3A_2218, %select_n3A_2200 : vector<8x128xf32>
      %select_n3A_2222 = arith.select %gt3A_2221, %select_n3A_2218, %select_n3A_2200 : vector<8x128xi1>, vector<8x128xf32>
      %select_n3A_2223 = arith.select %gt3A_2221, %select_n3A_2200, %select_n3A_2218 : vector<8x128xi1>, vector<8x128xf32>
      %select_n3A_2224 = arith.select %gt3A_2221, %select_n3A_2220, %select_n3A_2202 : vector<8x128xi1>, vector<8x128xi32>
      %select_n3A_2225 = arith.select %gt3A_2221, %select_n3A_2202, %select_n3A_2220 : vector<8x128xi1>, vector<8x128xi32>
      %gt3A_2226 = arith.cmpf ogt, %select_n3A_2223, %select_n3A_2205 : vector<8x128xf32>
      %select_n3A_2227 = arith.select %gt3A_2226, %select_n3A_2223, %select_n3A_2205 : vector<8x128xi1>, vector<8x128xf32>
      %select_n3A_2228 = arith.select %gt3A_2226, %select_n3A_2205, %select_n3A_2223 : vector<8x128xi1>, vector<8x128xf32>
      %select_n3A_2229 = arith.select %gt3A_2226, %select_n3A_2225, %select_n3A_2207 : vector<8x128xi1>, vector<8x128xi32>
      %select_n3A_2230 = arith.select %gt3A_2226, %select_n3A_2207, %select_n3A_2225 : vector<8x128xi1>, vector<8x128xi32>
      %gt3A_2231 = arith.cmpf ogt, %select_n3A_2228, %select_n3A_2210 : vector<8x128xf32>
      %select_n3A_2232 = arith.select %gt3A_2231, %select_n3A_2228, %select_n3A_2210 : vector<8x128xi1>, vector<8x128xf32>
      %select_n3A_2233 = arith.select %gt3A_2231, %select_n3A_2230, %select_n3A_2211 : vector<8x128xi1>, vector<8x128xi32>
      %slice3A_2234 = vector.extract_strided_slice %concatenate3A_37 {offsets = [264, 0], sizes = [8, 128], strides = [1, 1]} : vector<288x384xf32> to vector<8x128xf32>
      %add3A_2235 = arith.constant 84480 : i32
      %add3A_2236 = vector.broadcast %add3A_2235 : i32 to vector<8x128xi32>
      %add3A_2237 = arith.addi %add3A, %add3A_2236 : vector<8x128xi32>
      %gt3A_2238 = arith.cmpf ogt, %slice3A_2234, %select_n3A_2217 : vector<8x128xf32>
      %select_n3A_2239 = arith.select %gt3A_2238, %slice3A_2234, %select_n3A_2217 : vector<8x128xi1>, vector<8x128xf32>
      %select_n3A_2240 = arith.select %gt3A_2238, %select_n3A_2217, %slice3A_2234 : vector<8x128xi1>, vector<8x128xf32>
      %select_n3A_2241 = arith.select %gt3A_2238, %add3A_2237, %select_n3A_2219 : vector<8x128xi1>, vector<8x128xi32>
      %select_n3A_2242 = arith.select %gt3A_2238, %select_n3A_2219, %add3A_2237 : vector<8x128xi1>, vector<8x128xi32>
      %gt3A_2243 = arith.cmpf ogt, %select_n3A_2240, %select_n3A_2222 : vector<8x128xf32>
      %select_n3A_2244 = arith.select %gt3A_2243, %select_n3A_2240, %select_n3A_2222 : vector<8x128xi1>, vector<8x128xf32>
      %select_n3A_2245 = arith.select %gt3A_2243, %select_n3A_2222, %select_n3A_2240 : vector<8x128xi1>, vector<8x128xf32>
      %select_n3A_2246 = arith.select %gt3A_2243, %select_n3A_2242, %select_n3A_2224 : vector<8x128xi1>, vector<8x128xi32>
      %select_n3A_2247 = arith.select %gt3A_2243, %select_n3A_2224, %select_n3A_2242 : vector<8x128xi1>, vector<8x128xi32>
      %gt3A_2248 = arith.cmpf ogt, %select_n3A_2245, %select_n3A_2227 : vector<8x128xf32>
      %select_n3A_2249 = arith.select %gt3A_2248, %select_n3A_2245, %select_n3A_2227 : vector<8x128xi1>, vector<8x128xf32>
      %select_n3A_2250 = arith.select %gt3A_2248, %select_n3A_2227, %select_n3A_2245 : vector<8x128xi1>, vector<8x128xf32>
      %select_n3A_2251 = arith.select %gt3A_2248, %select_n3A_2247, %select_n3A_2229 : vector<8x128xi1>, vector<8x128xi32>
      %select_n3A_2252 = arith.select %gt3A_2248, %select_n3A_2229, %select_n3A_2247 : vector<8x128xi1>, vector<8x128xi32>
      %gt3A_2253 = arith.cmpf ogt, %select_n3A_2250, %select_n3A_2232 : vector<8x128xf32>
      %select_n3A_2254 = arith.select %gt3A_2253, %select_n3A_2250, %select_n3A_2232 : vector<8x128xi1>, vector<8x128xf32>
      %select_n3A_2255 = arith.select %gt3A_2253, %select_n3A_2252, %select_n3A_2233 : vector<8x128xi1>, vector<8x128xi32>
      %slice3A_2256 = vector.extract_strided_slice %concatenate3A_37 {offsets = [264, 128], sizes = [8, 128], strides = [1, 1]} : vector<288x384xf32> to vector<8x128xf32>
      %add3A_2257 = arith.constant 84608 : i32
      %add3A_2258 = vector.broadcast %add3A_2257 : i32 to vector<8x128xi32>
      %add3A_2259 = arith.addi %add3A, %add3A_2258 : vector<8x128xi32>
      %gt3A_2260 = arith.cmpf ogt, %slice3A_2256, %select_n3A_2239 : vector<8x128xf32>
      %select_n3A_2261 = arith.select %gt3A_2260, %slice3A_2256, %select_n3A_2239 : vector<8x128xi1>, vector<8x128xf32>
      %select_n3A_2262 = arith.select %gt3A_2260, %select_n3A_2239, %slice3A_2256 : vector<8x128xi1>, vector<8x128xf32>
      %select_n3A_2263 = arith.select %gt3A_2260, %add3A_2259, %select_n3A_2241 : vector<8x128xi1>, vector<8x128xi32>
      %select_n3A_2264 = arith.select %gt3A_2260, %select_n3A_2241, %add3A_2259 : vector<8x128xi1>, vector<8x128xi32>
      %gt3A_2265 = arith.cmpf ogt, %select_n3A_2262, %select_n3A_2244 : vector<8x128xf32>
      %select_n3A_2266 = arith.select %gt3A_2265, %select_n3A_2262, %select_n3A_2244 : vector<8x128xi1>, vector<8x128xf32>
      %select_n3A_2267 = arith.select %gt3A_2265, %select_n3A_2244, %select_n3A_2262 : vector<8x128xi1>, vector<8x128xf32>
      %select_n3A_2268 = arith.select %gt3A_2265, %select_n3A_2264, %select_n3A_2246 : vector<8x128xi1>, vector<8x128xi32>
      %select_n3A_2269 = arith.select %gt3A_2265, %select_n3A_2246, %select_n3A_2264 : vector<8x128xi1>, vector<8x128xi32>
      %gt3A_2270 = arith.cmpf ogt, %select_n3A_2267, %select_n3A_2249 : vector<8x128xf32>
      %select_n3A_2271 = arith.select %gt3A_2270, %select_n3A_2267, %select_n3A_2249 : vector<8x128xi1>, vector<8x128xf32>
      %select_n3A_2272 = arith.select %gt3A_2270, %select_n3A_2249, %select_n3A_2267 : vector<8x128xi1>, vector<8x128xf32>
      %select_n3A_2273 = arith.select %gt3A_2270, %select_n3A_2269, %select_n3A_2251 : vector<8x128xi1>, vector<8x128xi32>
      %select_n3A_2274 = arith.select %gt3A_2270, %select_n3A_2251, %select_n3A_2269 : vector<8x128xi1>, vector<8x128xi32>
      %gt3A_2275 = arith.cmpf ogt, %select_n3A_2272, %select_n3A_2254 : vector<8x128xf32>
      %select_n3A_2276 = arith.select %gt3A_2275, %select_n3A_2272, %select_n3A_2254 : vector<8x128xi1>, vector<8x128xf32>
      %select_n3A_2277 = arith.select %gt3A_2275, %select_n3A_2274, %select_n3A_2255 : vector<8x128xi1>, vector<8x128xi32>
      %slice3A_2278 = vector.extract_strided_slice %concatenate3A_37 {offsets = [264, 256], sizes = [8, 128], strides = [1, 1]} : vector<288x384xf32> to vector<8x128xf32>
      %add3A_2279 = arith.constant 84736 : i32
      %add3A_2280 = vector.broadcast %add3A_2279 : i32 to vector<8x128xi32>
      %add3A_2281 = arith.addi %add3A, %add3A_2280 : vector<8x128xi32>
      %gt3A_2282 = arith.cmpf ogt, %slice3A_2278, %select_n3A_2261 : vector<8x128xf32>
      %select_n3A_2283 = arith.select %gt3A_2282, %slice3A_2278, %select_n3A_2261 : vector<8x128xi1>, vector<8x128xf32>
      %select_n3A_2284 = arith.select %gt3A_2282, %select_n3A_2261, %slice3A_2278 : vector<8x128xi1>, vector<8x128xf32>
      %select_n3A_2285 = arith.select %gt3A_2282, %add3A_2281, %select_n3A_2263 : vector<8x128xi1>, vector<8x128xi32>
      %select_n3A_2286 = arith.select %gt3A_2282, %select_n3A_2263, %add3A_2281 : vector<8x128xi1>, vector<8x128xi32>
      %gt3A_2287 = arith.cmpf ogt, %select_n3A_2284, %select_n3A_2266 : vector<8x128xf32>
      %select_n3A_2288 = arith.select %gt3A_2287, %select_n3A_2284, %select_n3A_2266 : vector<8x128xi1>, vector<8x128xf32>
      %select_n3A_2289 = arith.select %gt3A_2287, %select_n3A_2266, %select_n3A_2284 : vector<8x128xi1>, vector<8x128xf32>
      %select_n3A_2290 = arith.select %gt3A_2287, %select_n3A_2286, %select_n3A_2268 : vector<8x128xi1>, vector<8x128xi32>
      %select_n3A_2291 = arith.select %gt3A_2287, %select_n3A_2268, %select_n3A_2286 : vector<8x128xi1>, vector<8x128xi32>
      %gt3A_2292 = arith.cmpf ogt, %select_n3A_2289, %select_n3A_2271 : vector<8x128xf32>
      %select_n3A_2293 = arith.select %gt3A_2292, %select_n3A_2289, %select_n3A_2271 : vector<8x128xi1>, vector<8x128xf32>
      %select_n3A_2294 = arith.select %gt3A_2292, %select_n3A_2271, %select_n3A_2289 : vector<8x128xi1>, vector<8x128xf32>
      %select_n3A_2295 = arith.select %gt3A_2292, %select_n3A_2291, %select_n3A_2273 : vector<8x128xi1>, vector<8x128xi32>
      %select_n3A_2296 = arith.select %gt3A_2292, %select_n3A_2273, %select_n3A_2291 : vector<8x128xi1>, vector<8x128xi32>
      %gt3A_2297 = arith.cmpf ogt, %select_n3A_2294, %select_n3A_2276 : vector<8x128xf32>
      %select_n3A_2298 = arith.select %gt3A_2297, %select_n3A_2294, %select_n3A_2276 : vector<8x128xi1>, vector<8x128xf32>
      %select_n3A_2299 = arith.select %gt3A_2297, %select_n3A_2296, %select_n3A_2277 : vector<8x128xi1>, vector<8x128xi32>
      %slice3A_2300 = vector.extract_strided_slice %concatenate3A_37 {offsets = [272, 0], sizes = [8, 128], strides = [1, 1]} : vector<288x384xf32> to vector<8x128xf32>
      %add3A_2301 = arith.constant 87040 : i32
      %add3A_2302 = vector.broadcast %add3A_2301 : i32 to vector<8x128xi32>
      %add3A_2303 = arith.addi %add3A, %add3A_2302 : vector<8x128xi32>
      %gt3A_2304 = arith.cmpf ogt, %slice3A_2300, %select_n3A_2283 : vector<8x128xf32>
      %select_n3A_2305 = arith.select %gt3A_2304, %slice3A_2300, %select_n3A_2283 : vector<8x128xi1>, vector<8x128xf32>
      %select_n3A_2306 = arith.select %gt3A_2304, %select_n3A_2283, %slice3A_2300 : vector<8x128xi1>, vector<8x128xf32>
      %select_n3A_2307 = arith.select %gt3A_2304, %add3A_2303, %select_n3A_2285 : vector<8x128xi1>, vector<8x128xi32>
      %select_n3A_2308 = arith.select %gt3A_2304, %select_n3A_2285, %add3A_2303 : vector<8x128xi1>, vector<8x128xi32>
      %gt3A_2309 = arith.cmpf ogt, %select_n3A_2306, %select_n3A_2288 : vector<8x128xf32>
      %select_n3A_2310 = arith.select %gt3A_2309, %select_n3A_2306, %select_n3A_2288 : vector<8x128xi1>, vector<8x128xf32>
      %select_n3A_2311 = arith.select %gt3A_2309, %select_n3A_2288, %select_n3A_2306 : vector<8x128xi1>, vector<8x128xf32>
      %select_n3A_2312 = arith.select %gt3A_2309, %select_n3A_2308, %select_n3A_2290 : vector<8x128xi1>, vector<8x128xi32>
      %select_n3A_2313 = arith.select %gt3A_2309, %select_n3A_2290, %select_n3A_2308 : vector<8x128xi1>, vector<8x128xi32>
      %gt3A_2314 = arith.cmpf ogt, %select_n3A_2311, %select_n3A_2293 : vector<8x128xf32>
      %select_n3A_2315 = arith.select %gt3A_2314, %select_n3A_2311, %select_n3A_2293 : vector<8x128xi1>, vector<8x128xf32>
      %select_n3A_2316 = arith.select %gt3A_2314, %select_n3A_2293, %select_n3A_2311 : vector<8x128xi1>, vector<8x128xf32>
      %select_n3A_2317 = arith.select %gt3A_2314, %select_n3A_2313, %select_n3A_2295 : vector<8x128xi1>, vector<8x128xi32>
      %select_n3A_2318 = arith.select %gt3A_2314, %select_n3A_2295, %select_n3A_2313 : vector<8x128xi1>, vector<8x128xi32>
      %gt3A_2319 = arith.cmpf ogt, %select_n3A_2316, %select_n3A_2298 : vector<8x128xf32>
      %select_n3A_2320 = arith.select %gt3A_2319, %select_n3A_2316, %select_n3A_2298 : vector<8x128xi1>, vector<8x128xf32>
      %select_n3A_2321 = arith.select %gt3A_2319, %select_n3A_2318, %select_n3A_2299 : vector<8x128xi1>, vector<8x128xi32>
      %slice3A_2322 = vector.extract_strided_slice %concatenate3A_37 {offsets = [272, 128], sizes = [8, 128], strides = [1, 1]} : vector<288x384xf32> to vector<8x128xf32>
      %add3A_2323 = arith.constant 87168 : i32
      %add3A_2324 = vector.broadcast %add3A_2323 : i32 to vector<8x128xi32>
      %add3A_2325 = arith.addi %add3A, %add3A_2324 : vector<8x128xi32>
      %gt3A_2326 = arith.cmpf ogt, %slice3A_2322, %select_n3A_2305 : vector<8x128xf32>
      %select_n3A_2327 = arith.select %gt3A_2326, %slice3A_2322, %select_n3A_2305 : vector<8x128xi1>, vector<8x128xf32>
      %select_n3A_2328 = arith.select %gt3A_2326, %select_n3A_2305, %slice3A_2322 : vector<8x128xi1>, vector<8x128xf32>
      %select_n3A_2329 = arith.select %gt3A_2326, %add3A_2325, %select_n3A_2307 : vector<8x128xi1>, vector<8x128xi32>
      %select_n3A_2330 = arith.select %gt3A_2326, %select_n3A_2307, %add3A_2325 : vector<8x128xi1>, vector<8x128xi32>
      %gt3A_2331 = arith.cmpf ogt, %select_n3A_2328, %select_n3A_2310 : vector<8x128xf32>
      %select_n3A_2332 = arith.select %gt3A_2331, %select_n3A_2328, %select_n3A_2310 : vector<8x128xi1>, vector<8x128xf32>
      %select_n3A_2333 = arith.select %gt3A_2331, %select_n3A_2310, %select_n3A_2328 : vector<8x128xi1>, vector<8x128xf32>
      %select_n3A_2334 = arith.select %gt3A_2331, %select_n3A_2330, %select_n3A_2312 : vector<8x128xi1>, vector<8x128xi32>
      %select_n3A_2335 = arith.select %gt3A_2331, %select_n3A_2312, %select_n3A_2330 : vector<8x128xi1>, vector<8x128xi32>
      %gt3A_2336 = arith.cmpf ogt, %select_n3A_2333, %select_n3A_2315 : vector<8x128xf32>
      %select_n3A_2337 = arith.select %gt3A_2336, %select_n3A_2333, %select_n3A_2315 : vector<8x128xi1>, vector<8x128xf32>
      %select_n3A_2338 = arith.select %gt3A_2336, %select_n3A_2315, %select_n3A_2333 : vector<8x128xi1>, vector<8x128xf32>
      %select_n3A_2339 = arith.select %gt3A_2336, %select_n3A_2335, %select_n3A_2317 : vector<8x128xi1>, vector<8x128xi32>
      %select_n3A_2340 = arith.select %gt3A_2336, %select_n3A_2317, %select_n3A_2335 : vector<8x128xi1>, vector<8x128xi32>
      %gt3A_2341 = arith.cmpf ogt, %select_n3A_2338, %select_n3A_2320 : vector<8x128xf32>
      %select_n3A_2342 = arith.select %gt3A_2341, %select_n3A_2338, %select_n3A_2320 : vector<8x128xi1>, vector<8x128xf32>
      %select_n3A_2343 = arith.select %gt3A_2341, %select_n3A_2340, %select_n3A_2321 : vector<8x128xi1>, vector<8x128xi32>
      %slice3A_2344 = vector.extract_strided_slice %concatenate3A_37 {offsets = [272, 256], sizes = [8, 128], strides = [1, 1]} : vector<288x384xf32> to vector<8x128xf32>
      %add3A_2345 = arith.constant 87296 : i32
      %add3A_2346 = vector.broadcast %add3A_2345 : i32 to vector<8x128xi32>
      %add3A_2347 = arith.addi %add3A, %add3A_2346 : vector<8x128xi32>
      %gt3A_2348 = arith.cmpf ogt, %slice3A_2344, %select_n3A_2327 : vector<8x128xf32>
      %select_n3A_2349 = arith.select %gt3A_2348, %slice3A_2344, %select_n3A_2327 : vector<8x128xi1>, vector<8x128xf32>
      %select_n3A_2350 = arith.select %gt3A_2348, %select_n3A_2327, %slice3A_2344 : vector<8x128xi1>, vector<8x128xf32>
      %select_n3A_2351 = arith.select %gt3A_2348, %add3A_2347, %select_n3A_2329 : vector<8x128xi1>, vector<8x128xi32>
      %select_n3A_2352 = arith.select %gt3A_2348, %select_n3A_2329, %add3A_2347 : vector<8x128xi1>, vector<8x128xi32>
      %gt3A_2353 = arith.cmpf ogt, %select_n3A_2350, %select_n3A_2332 : vector<8x128xf32>
      %select_n3A_2354 = arith.select %gt3A_2353, %select_n3A_2350, %select_n3A_2332 : vector<8x128xi1>, vector<8x128xf32>
      %select_n3A_2355 = arith.select %gt3A_2353, %select_n3A_2332, %select_n3A_2350 : vector<8x128xi1>, vector<8x128xf32>
      %select_n3A_2356 = arith.select %gt3A_2353, %select_n3A_2352, %select_n3A_2334 : vector<8x128xi1>, vector<8x128xi32>
      %select_n3A_2357 = arith.select %gt3A_2353, %select_n3A_2334, %select_n3A_2352 : vector<8x128xi1>, vector<8x128xi32>
      %gt3A_2358 = arith.cmpf ogt, %select_n3A_2355, %select_n3A_2337 : vector<8x128xf32>
      %select_n3A_2359 = arith.select %gt3A_2358, %select_n3A_2355, %select_n3A_2337 : vector<8x128xi1>, vector<8x128xf32>
      %select_n3A_2360 = arith.select %gt3A_2358, %select_n3A_2337, %select_n3A_2355 : vector<8x128xi1>, vector<8x128xf32>
      %select_n3A_2361 = arith.select %gt3A_2358, %select_n3A_2357, %select_n3A_2339 : vector<8x128xi1>, vector<8x128xi32>
      %select_n3A_2362 = arith.select %gt3A_2358, %select_n3A_2339, %select_n3A_2357 : vector<8x128xi1>, vector<8x128xi32>
      %gt3A_2363 = arith.cmpf ogt, %select_n3A_2360, %select_n3A_2342 : vector<8x128xf32>
      %select_n3A_2364 = arith.select %gt3A_2363, %select_n3A_2360, %select_n3A_2342 : vector<8x128xi1>, vector<8x128xf32>
      %select_n3A_2365 = arith.select %gt3A_2363, %select_n3A_2362, %select_n3A_2343 : vector<8x128xi1>, vector<8x128xi32>
      %slice3A_2366 = vector.extract_strided_slice %concatenate3A_37 {offsets = [280, 0], sizes = [8, 128], strides = [1, 1]} : vector<288x384xf32> to vector<8x128xf32>
      %add3A_2367 = arith.constant 89600 : i32
      %add3A_2368 = vector.broadcast %add3A_2367 : i32 to vector<8x128xi32>
      %add3A_2369 = arith.addi %add3A, %add3A_2368 : vector<8x128xi32>
      %gt3A_2370 = arith.cmpf ogt, %slice3A_2366, %select_n3A_2349 : vector<8x128xf32>
      %select_n3A_2371 = arith.select %gt3A_2370, %slice3A_2366, %select_n3A_2349 : vector<8x128xi1>, vector<8x128xf32>
      %select_n3A_2372 = arith.select %gt3A_2370, %select_n3A_2349, %slice3A_2366 : vector<8x128xi1>, vector<8x128xf32>
      %select_n3A_2373 = arith.select %gt3A_2370, %add3A_2369, %select_n3A_2351 : vector<8x128xi1>, vector<8x128xi32>
      %select_n3A_2374 = arith.select %gt3A_2370, %select_n3A_2351, %add3A_2369 : vector<8x128xi1>, vector<8x128xi32>
      %gt3A_2375 = arith.cmpf ogt, %select_n3A_2372, %select_n3A_2354 : vector<8x128xf32>
      %select_n3A_2376 = arith.select %gt3A_2375, %select_n3A_2372, %select_n3A_2354 : vector<8x128xi1>, vector<8x128xf32>
      %select_n3A_2377 = arith.select %gt3A_2375, %select_n3A_2354, %select_n3A_2372 : vector<8x128xi1>, vector<8x128xf32>
      %select_n3A_2378 = arith.select %gt3A_2375, %select_n3A_2374, %select_n3A_2356 : vector<8x128xi1>, vector<8x128xi32>
      %select_n3A_2379 = arith.select %gt3A_2375, %select_n3A_2356, %select_n3A_2374 : vector<8x128xi1>, vector<8x128xi32>
      %gt3A_2380 = arith.cmpf ogt, %select_n3A_2377, %select_n3A_2359 : vector<8x128xf32>
      %select_n3A_2381 = arith.select %gt3A_2380, %select_n3A_2377, %select_n3A_2359 : vector<8x128xi1>, vector<8x128xf32>
      %select_n3A_2382 = arith.select %gt3A_2380, %select_n3A_2359, %select_n3A_2377 : vector<8x128xi1>, vector<8x128xf32>
      %select_n3A_2383 = arith.select %gt3A_2380, %select_n3A_2379, %select_n3A_2361 : vector<8x128xi1>, vector<8x128xi32>
      %select_n3A_2384 = arith.select %gt3A_2380, %select_n3A_2361, %select_n3A_2379 : vector<8x128xi1>, vector<8x128xi32>
      %gt3A_2385 = arith.cmpf ogt, %select_n3A_2382, %select_n3A_2364 : vector<8x128xf32>
      %select_n3A_2386 = arith.select %gt3A_2385, %select_n3A_2382, %select_n3A_2364 : vector<8x128xi1>, vector<8x128xf32>
      %select_n3A_2387 = arith.select %gt3A_2385, %select_n3A_2384, %select_n3A_2365 : vector<8x128xi1>, vector<8x128xi32>
      %slice3A_2388 = vector.extract_strided_slice %concatenate3A_37 {offsets = [280, 128], sizes = [8, 128], strides = [1, 1]} : vector<288x384xf32> to vector<8x128xf32>
      %add3A_2389 = arith.constant 89728 : i32
      %add3A_2390 = vector.broadcast %add3A_2389 : i32 to vector<8x128xi32>
      %add3A_2391 = arith.addi %add3A, %add3A_2390 : vector<8x128xi32>
      %gt3A_2392 = arith.cmpf ogt, %slice3A_2388, %select_n3A_2371 : vector<8x128xf32>
      %select_n3A_2393 = arith.select %gt3A_2392, %slice3A_2388, %select_n3A_2371 : vector<8x128xi1>, vector<8x128xf32>
      %select_n3A_2394 = arith.select %gt3A_2392, %select_n3A_2371, %slice3A_2388 : vector<8x128xi1>, vector<8x128xf32>
      %select_n3A_2395 = arith.select %gt3A_2392, %add3A_2391, %select_n3A_2373 : vector<8x128xi1>, vector<8x128xi32>
      %select_n3A_2396 = arith.select %gt3A_2392, %select_n3A_2373, %add3A_2391 : vector<8x128xi1>, vector<8x128xi32>
      %gt3A_2397 = arith.cmpf ogt, %select_n3A_2394, %select_n3A_2376 : vector<8x128xf32>
      %select_n3A_2398 = arith.select %gt3A_2397, %select_n3A_2394, %select_n3A_2376 : vector<8x128xi1>, vector<8x128xf32>
      %select_n3A_2399 = arith.select %gt3A_2397, %select_n3A_2376, %select_n3A_2394 : vector<8x128xi1>, vector<8x128xf32>
      %select_n3A_2400 = arith.select %gt3A_2397, %select_n3A_2396, %select_n3A_2378 : vector<8x128xi1>, vector<8x128xi32>
      %select_n3A_2401 = arith.select %gt3A_2397, %select_n3A_2378, %select_n3A_2396 : vector<8x128xi1>, vector<8x128xi32>
      %gt3A_2402 = arith.cmpf ogt, %select_n3A_2399, %select_n3A_2381 : vector<8x128xf32>
      %select_n3A_2403 = arith.select %gt3A_2402, %select_n3A_2399, %select_n3A_2381 : vector<8x128xi1>, vector<8x128xf32>
      %select_n3A_2404 = arith.select %gt3A_2402, %select_n3A_2381, %select_n3A_2399 : vector<8x128xi1>, vector<8x128xf32>
      %select_n3A_2405 = arith.select %gt3A_2402, %select_n3A_2401, %select_n3A_2383 : vector<8x128xi1>, vector<8x128xi32>
      %select_n3A_2406 = arith.select %gt3A_2402, %select_n3A_2383, %select_n3A_2401 : vector<8x128xi1>, vector<8x128xi32>
      %gt3A_2407 = arith.cmpf ogt, %select_n3A_2404, %select_n3A_2386 : vector<8x128xf32>
      %select_n3A_2408 = arith.select %gt3A_2407, %select_n3A_2404, %select_n3A_2386 : vector<8x128xi1>, vector<8x128xf32>
      %select_n3A_2409 = arith.select %gt3A_2407, %select_n3A_2406, %select_n3A_2387 : vector<8x128xi1>, vector<8x128xi32>
      %slice3A_2410 = vector.extract_strided_slice %concatenate3A_37 {offsets = [280, 256], sizes = [8, 128], strides = [1, 1]} : vector<288x384xf32> to vector<8x128xf32>
      %add3A_2411 = arith.constant 89856 : i32
      %add3A_2412 = vector.broadcast %add3A_2411 : i32 to vector<8x128xi32>
      %add3A_2413 = arith.addi %add3A, %add3A_2412 : vector<8x128xi32>
      %gt3A_2414 = arith.cmpf ogt, %slice3A_2410, %select_n3A_2393 : vector<8x128xf32>
      %select_n3A_2415 = arith.select %gt3A_2414, %slice3A_2410, %select_n3A_2393 : vector<8x128xi1>, vector<8x128xf32>
      %select_n3A_2416 = arith.select %gt3A_2414, %select_n3A_2393, %slice3A_2410 : vector<8x128xi1>, vector<8x128xf32>
      %select_n3A_2417 = arith.select %gt3A_2414, %add3A_2413, %select_n3A_2395 : vector<8x128xi1>, vector<8x128xi32>
      %select_n3A_2418 = arith.select %gt3A_2414, %select_n3A_2395, %add3A_2413 : vector<8x128xi1>, vector<8x128xi32>
      %gt3A_2419 = arith.cmpf ogt, %select_n3A_2416, %select_n3A_2398 : vector<8x128xf32>
      %select_n3A_2420 = arith.select %gt3A_2419, %select_n3A_2416, %select_n3A_2398 : vector<8x128xi1>, vector<8x128xf32>
      %select_n3A_2421 = arith.select %gt3A_2419, %select_n3A_2398, %select_n3A_2416 : vector<8x128xi1>, vector<8x128xf32>
      %select_n3A_2422 = arith.select %gt3A_2419, %select_n3A_2418, %select_n3A_2400 : vector<8x128xi1>, vector<8x128xi32>
      %select_n3A_2423 = arith.select %gt3A_2419, %select_n3A_2400, %select_n3A_2418 : vector<8x128xi1>, vector<8x128xi32>
      %gt3A_2424 = arith.cmpf ogt, %select_n3A_2421, %select_n3A_2403 : vector<8x128xf32>
      %select_n3A_2425 = arith.select %gt3A_2424, %select_n3A_2421, %select_n3A_2403 : vector<8x128xi1>, vector<8x128xf32>
      %select_n3A_2426 = arith.select %gt3A_2424, %select_n3A_2403, %select_n3A_2421 : vector<8x128xi1>, vector<8x128xf32>
      %select_n3A_2427 = arith.select %gt3A_2424, %select_n3A_2423, %select_n3A_2405 : vector<8x128xi1>, vector<8x128xi32>
      %select_n3A_2428 = arith.select %gt3A_2424, %select_n3A_2405, %select_n3A_2423 : vector<8x128xi1>, vector<8x128xi32>
      %gt3A_2429 = arith.cmpf ogt, %select_n3A_2426, %select_n3A_2408 : vector<8x128xf32>
      %select_n3A_2430 = arith.select %gt3A_2429, %select_n3A_2426, %select_n3A_2408 : vector<8x128xi1>, vector<8x128xf32>
      %select_n3A_2431 = arith.select %gt3A_2429, %select_n3A_2428, %select_n3A_2409 : vector<8x128xi1>, vector<8x128xi32>
      %concatenate3A_2432 = tpu.concatenate %select_n3A_2415, %select_n3A_2420, %select_n3A_2425, %select_n3A_2430 in 0 : vector<8x128xf32>, vector<8x128xf32>, vector<8x128xf32>, vector<8x128xf32> -> vector<32x128xf32>
      %swap3A_2433 = arith.index_cast %arg0 : i32 to index
      %swap3A_2434 = arith.constant 0 : index
      %swap3A_2435 = arith.constant 0 : index
      %swap3A_2436 = vector.load %arg5[%swap3A_2433, %swap3A_2434, %swap3A_2435] : memref<16x32x128xf32, #tpu.memory_space<vmem>>, vector<1x32x128xf32>
      %swap3A_2437 = vector.shape_cast %swap3A_2436 : vector<1x32x128xf32> to vector<32x128xf32>
      %swap3A_2438 = vector.shape_cast %concatenate3A_2432 : vector<32x128xf32> to vector<1x32x128xf32>
      tpu.vector_store %arg5[%swap3A_2433, %swap3A_2434, %swap3A_2435], %swap3A_2438 {strides = array<i32>} : memref<16x32x128xf32, #tpu.memory_space<vmem>>, vector<1x32x128xf32>,
      %concatenate3A_2439 = tpu.concatenate %select_n3A_2417, %select_n3A_2422, %select_n3A_2427, %select_n3A_2431 in 0 : vector<8x128xi32>, vector<8x128xi32>, vector<8x128xi32>, vector<8x128xi32> -> vector<32x128xi32>
      %swap3A_2440 = arith.index_cast %arg0 : i32 to index
      %swap3A_2441 = arith.constant 0 : index
      %swap3A_2442 = arith.constant 0 : index
      %swap3A_2443 = vector.load %arg6[%swap3A_2440, %swap3A_2441, %swap3A_2442] : memref<16x32x128xi32, #tpu.memory_space<vmem>>, vector<1x32x128xi32>
      %swap3A_2444 = vector.shape_cast %swap3A_2443 : vector<1x32x128xi32> to vector<32x128xi32>
      %swap3A_2445 = vector.shape_cast %concatenate3A_2439 : vector<32x128xi32> to vector<1x32x128xi32>
      tpu.vector_store %arg6[%swap3A_2440, %swap3A_2441, %swap3A_2442], %swap3A_2445 {strides = array<i32>} : memref<16x32x128xi32, #tpu.memory_space<vmem>>, vector<1x32x128xi32>,
    } else {
    }
    %eq3A = arith.constant 16 : i32
    %eq3A_2 = arith.cmpi eq, %arg0, %eq3A : i32
    %convert_element_type3A_3 = arith.extui %eq3A_2 : i1 to i32
    %cond3A_4 = arith.constant 0 : i32
    %cond3A_5 = arith.cmpi ne, %convert_element_type3A_3, %cond3A_4 : i32
    scf.if %cond3A_5 {
      %get3A = arith.constant 0 : index
      %get3A_6 = arith.constant 0 : index
      %get3A_7 = arith.constant 0 : index
      %get3A_8 = vector.load %arg5[%get3A, %get3A_6, %get3A_7] : memref<16x32x128xf32, #tpu.memory_space<vmem>>, vector<16x32x128xf32>
      %get3A_9 = arith.constant 0 : index
      %get3A_10 = arith.constant 0 : index
      %get3A_11 = arith.constant 0 : index
      %get3A_12 = vector.load %arg6[%get3A_9, %get3A_10, %get3A_11] : memref<16x32x128xi32, #tpu.memory_space<vmem>>, vector<16x32x128xi32>
      %iota3A = tpu.iota {dimensions = array<i32: 1>} : vector<16x64xi32>
      %iota3A_13 = tpu.iota {dimensions = array<i32: 1>} : vector<16x32x128xi32>
      %ge3A = arith.constant 24 : i32
      %ge3A_14 = vector.broadcast %ge3A : i32 to vector<16x32x128xi32>
      %ge3A_15 = arith.cmpi sge, %iota3A_13, %ge3A_14 : vector<16x32x128xi32>
      %broadcast_in_dim3A = arith.constant -3.000000e+00 : f32
      %broadcast_in_dim3A_16 = vector.broadcast %broadcast_in_dim3A : f32 to vector<16x64xf32>
      %broadcast_in_dim3A_17 = arith.constant 0 : i32
      %broadcast_in_dim3A_18 = vector.broadcast %broadcast_in_dim3A_17 : i32 to vector<16x64xi32>
      %scan3A = arith.constant 0 : i32
      %scan3A_19 = arith.constant 0 : i32
      %scan3A_20 = arith.constant 50 : i32
      %scan3A_21 = arith.addi %scan3A_19, %scan3A_20 : i32
      %scan3A_22 = arith.constant 1 : i32
      %scan3A_23:4 = scf.for %scan3A_81 = %scan3A_19 to %scan3A_21 step %scan3A_22 iter_args(%scan3A_82 = %get3A_8, %scan3A_83 = %broadcast_in_dim3A_16, %scan3A_84 = %broadcast_in_dim3A_18, %scan3A_85 = %scan3A) -> (vector<16x32x128xf32>, vector<16x64xf32>, vector<16x64xi32>, i32)  : i32 {
        %reduce_max3A = arith.constant dense<0xFF800000> : vector<16xf32>
        %reduce_max3A_86 = vector.multi_reduction <maximumf>, %scan3A_82, %reduce_max3A [1, 2] : vector<16x32x128xf32> to vector<16xf32>
        %broadcast_in_dim3A_87 = vector.shape_cast %reduce_max3A_86 : vector<16xf32> to vector<16x1x1xf32>
        %eq3A_88 = vector.broadcast %broadcast_in_dim3A_87 : vector<16x1x1xf32> to vector<16x32x128xf32>
        %eq3A_89 = arith.cmpf oeq, %scan3A_82, %eq3A_88 : vector<16x32x128xf32>
        %jit3A_90 = arith.constant 92160 : i32
        %broadcast_in_dim3A_91 = vector.broadcast %jit3A_90 : i32 to vector<16x32x128xi32>
        %select_n3A_92 = arith.select %eq3A_89, %get3A_12, %broadcast_in_dim3A_91 : vector<16x32x128xi1>, vector<16x32x128xi32>
        %reduce_min3A = arith.constant dense<2147483647> : vector<16xi32>
        %reduce_min3A_93 = vector.multi_reduction <minsi>, %select_n3A_92, %reduce_min3A [1, 2] : vector<16x32x128xi32> to vector<16xi32>
        %broadcast_in_dim3A_94 = vector.shape_cast %reduce_min3A_93 : vector<16xi32> to vector<16x1x1xi32>
        %eq3A_95 = vector.broadcast %broadcast_in_dim3A_94 : vector<16x1x1xi32> to vector<16x32x128xi32>
        %eq3A_96 = arith.cmpi eq, %get3A_12, %eq3A_95 : vector<16x32x128xi32>
        %and3A_97 = arith.andi %eq3A_89, %eq3A_96 : vector<16x32x128xi1>
        %and3A_98 = arith.andi %and3A_97, %ge3A_15 : vector<16x32x128xi1>
        %reduce_or3A = arith.constant 1.000000e+00 : f32
        %reduce_or3A_99 = arith.constant 0.000000e+00 : f32
        %reduce_or3A_100 = vector.broadcast %reduce_or3A : f32 to vector<16x32x128xf32>
        %reduce_or3A_101 = vector.broadcast %reduce_or3A_99 : f32 to vector<16x32x128xf32>
        %reduce_or3A_102 = arith.select %and3A_98, %reduce_or3A_100, %reduce_or3A_101 : vector<16x32x128xi1>, vector<16x32x128xf32>
        %reduce_or3A_103 = vector.shape_cast %reduce_or3A_102 : vector<16x32x128xf32> to vector<1x16x32x128xf32>
        %reduce_or3A_104 = arith.constant dense<0xFF800000> : vector<1xf32>
        %reduce_or3A_105 = vector.multi_reduction <maximumf>, %reduce_or3A_103, %reduce_or3A_104 [1, 2, 3] : vector<1x16x32x128xf32> to vector<1xf32>
        %reduce_or3A_106 = vector.shape_cast %reduce_or3A_105 : vector<1xf32> to vector<1x1x1x1xf32>
        %reduce_or3A_107 = vector.extract %reduce_or3A_106[0, 0, 0, 0] : f32 from vector<1x1x1x1xf32>
        %reduce_or3A_108 = arith.constant 0.000000e+00 : f32
        %reduce_or3A_109 = arith.cmpf ogt, %reduce_or3A_107, %reduce_or3A_108 : f32
        %convert_element_type3A_110 = arith.extui %reduce_or3A_109 : i1 to i32
        %or3A = arith.ori %scan3A_85, %convert_element_type3A_110 : i32
        %jit3A_111 = arith.constant -3.000000e+00 : f32
        %broadcast_in_dim3A_112 = vector.broadcast %jit3A_111 : f32 to vector<16x32x128xf32>
        %select_n3A_113 = arith.select %and3A_97, %broadcast_in_dim3A_112, %scan3A_82 : vector<16x32x128xi1>, vector<16x32x128xf32>
        %eq3A_114 = vector.broadcast %scan3A_81 : i32 to vector<16x64xi32>
        %eq3A_115 = arith.cmpi eq, %iota3A, %eq3A_114 : vector<16x64xi32>
        %squeeze3A = vector.shape_cast %broadcast_in_dim3A_87 : vector<16x1x1xf32> to vector<16x1xf32>
        %broadcast_in_dim3A_116 = vector.shape_cast %squeeze3A : vector<16x1xf32> to vector<16x1xf32>
        %broadcast_in_dim3A_117 = vector.broadcast %broadcast_in_dim3A_116 : vector<16x1xf32> to vector<16x64xf32>
        %select_n3A_118 = arith.select %eq3A_115, %broadcast_in_dim3A_117, %scan3A_83 : vector<16x64xi1>, vector<16x64xf32>
        %eq3A_119 = vector.broadcast %scan3A_81 : i32 to vector<16x64xi32>
        %eq3A_120 = arith.cmpi eq, %iota3A, %eq3A_119 : vector<16x64xi32>
        %squeeze3A_121 = vector.shape_cast %broadcast_in_dim3A_94 : vector<16x1x1xi32> to vector<16x1xi32>
        %broadcast_in_dim3A_122 = vector.shape_cast %squeeze3A_121 : vector<16x1xi32> to vector<16x1xi32>
        %broadcast_in_dim3A_123 = vector.broadcast %broadcast_in_dim3A_122 : vector<16x1xi32> to vector<16x64xi32>
        %select_n3A_124 = arith.select %eq3A_120, %broadcast_in_dim3A_123, %scan3A_84 : vector<16x64xi1>, vector<16x64xi32>
        scf.yield %select_n3A_113, %select_n3A_118, %select_n3A_124, %or3A : vector<16x32x128xf32>, vector<16x64xf32>, vector<16x64xi32>, i32
      }
      %scan3A_24 = arith.constant 50 : i32
      %broadcast_in_dim3A_25 = vector.shape_cast %scan3A_23#1 : vector<16x64xf32> to vector<16x1x64xf32>
      %swap3A = arith.constant 0 : index
      %swap3A_26 = arith.constant 0 : index
      %swap3A_27 = arith.constant 0 : index
      %swap3A_28 = vector.load %arg2[%swap3A, %swap3A_26, %swap3A_27] : memref<16x1x64xf32, #tpu.memory_space<vmem>>, vector<16x1x64xf32>
      tpu.vector_store %arg2[%swap3A, %swap3A_26, %swap3A_27], %broadcast_in_dim3A_25 {strides = array<i32>} : memref<16x1x64xf32, #tpu.memory_space<vmem>>, vector<16x1x64xf32>,
      %broadcast_in_dim3A_29 = vector.shape_cast %scan3A_23#2 : vector<16x64xi32> to vector<16x1x64xi32>
      %swap3A_30 = arith.constant 0 : index
      %swap3A_31 = arith.constant 0 : index
      %swap3A_32 = arith.constant 0 : index
      %swap3A_33 = vector.load %arg3[%swap3A_30, %swap3A_31, %swap3A_32] : memref<16x1x64xi32, #tpu.memory_space<vmem>>, vector<16x1x64xi32>
      tpu.vector_store %arg3[%swap3A_30, %swap3A_31, %swap3A_32], %broadcast_in_dim3A_29 {strides = array<i32>} : memref<16x1x64xi32, #tpu.memory_space<vmem>>, vector<16x1x64xi32>,
      %iota3A_34 = tpu.iota {dimensions = array<i32: 0>} : vector<16x64xi32>
      %mul3A = arith.constant 1413120 : i32
      %mul3A_35 = vector.broadcast %mul3A : i32 to vector<16x64xi32>
      %mul3A_36 = arith.muli %iota3A_34, %mul3A_35 : vector<16x64xi32>
      %jit3A = arith.constant 30720 : i32
      %eq3A_37 = arith.constant 0 : i32
      %eq3A_38 = arith.cmpi eq, %jit3A, %eq3A_37 : i32
      %jit3A_39 = arith.constant 1 : i32
      %select_n3A = arith.select %eq3A_38, %jit3A_39, %jit3A : i32
      %rem3A = vector.broadcast %select_n3A : i32 to vector<16x64xi32>
      %rem3A_40 = arith.remsi %scan3A_23#2, %rem3A : vector<16x64xi32>
      %ne3A = arith.constant 0 : i32
      %ne3A_41 = vector.broadcast %ne3A : i32 to vector<16x64xi32>
      %ne3A_42 = arith.cmpi ne, %rem3A_40, %ne3A_41 : vector<16x64xi32>
      %lt3A_43 = arith.constant 0 : i32
      %lt3A_44 = vector.broadcast %lt3A_43 : i32 to vector<16x64xi32>
      %lt3A_45 = arith.cmpi slt, %rem3A_40, %lt3A_44 : vector<16x64xi32>
      %lt3A_46 = arith.constant 0 : i32
      %lt3A_47 = arith.cmpi slt, %select_n3A, %lt3A_46 : i32
      %ne3A_48 = vector.broadcast %lt3A_47 : i1 to vector<16x64xi1>
      %ne3A_49 = vector.broadcast %ne3A_48 : vector<16x64xi1> to vector<16x64xi1>
      %ne3A_50 = arith.xori %lt3A_45, %ne3A_49 : vector<16x64xi1>
      %and3A = arith.andi %ne3A_50, %ne3A_42 : vector<16x64xi1>
      %add3A = vector.broadcast %select_n3A : i32 to vector<16x64xi32>
      %add3A_51 = arith.addi %rem3A_40, %add3A : vector<16x64xi32>
      %select_n3A_52 = arith.select %and3A, %add3A_51, %rem3A_40 : vector<16x64xi1>, vector<16x64xi32>
      %add3A_53 = arith.addi %mul3A_36, %select_n3A_52 : vector<16x64xi32>
      %mul3A_54 = arith.constant 64 : i32
      %mul3A_55 = vector.broadcast %mul3A_54 : i32 to vector<16x64xi32>
      %mul3A_56 = arith.muli %iota3A, %mul3A_55 : vector<16x64xi32>
      %mul3A_57 = arith.constant 4096 : i32
      %mul3A_58 = vector.broadcast %mul3A_57 : i32 to vector<16x64xi32>
      %mul3A_59 = arith.muli %iota3A_34, %mul3A_58 : vector<16x64xi32>
      %add3A_60 = arith.addi %mul3A_56, %mul3A_59 : vector<16x64xi32>
      %lt3A_61 = arith.constant 50 : i32
      %lt3A_62 = vector.broadcast %lt3A_61 : i32 to vector<16x64xi32>
      %lt3A_63 = arith.cmpi slt, %iota3A, %lt3A_62 : vector<16x64xi32>
      %select_n3A_64 = arith.select %lt3A_63, %add3A_53, %add3A_60 : vector<16x64xi1>, vector<16x64xi32>
      %iota3A_65 = tpu.iota {dimensions = array<i32: 2>} : vector<16x64x32xi32>
      %broadcast_in_dim3A_66 = vector.shape_cast %select_n3A_64 : vector<16x64xi32> to vector<16x64x1xi32>
      %mul3A_67 = arith.constant 30720 : i32
      %mul3A_68 = vector.broadcast %mul3A_67 : i32 to vector<16x64x32xi32>
      %mul3A_69 = arith.muli %iota3A_65, %mul3A_68 : vector<16x64x32xi32>
      %add3A_70 = vector.broadcast %broadcast_in_dim3A_66 : vector<16x64x1xi32> to vector<16x64x32xi32>
      %add3A_71 = arith.addi %add3A_70, %mul3A_69 : vector<16x64x32xi32>
      %swap3A_72 = arith.constant 0 : index
      %swap3A_73 = arith.constant 0 : index
      %swap3A_74 = arith.constant 0 : index
      %swap3A_75 = vector.load %arg4[%swap3A_72, %swap3A_73, %swap3A_74] : memref<16x64x32xi32, #tpu.memory_space<vmem>>, vector<16x64x32xi32>
      tpu.vector_store %arg4[%swap3A_72, %swap3A_73, %swap3A_74], %add3A_71 {strides = array<i32>} : memref<16x64x32xi32, #tpu.memory_space<vmem>>, vector<16x64x32xi32>,
      %ne3A_76 = arith.constant 0 : i32
      %ne3A_77 = arith.cmpi ne, %scan3A_23#3, %ne3A_76 : i32
      %convert_element_type3A_78 = arith.extui %ne3A_77 : i1 to i32
      %cond3A_79 = arith.constant 0 : i32
      %cond3A_80 = arith.cmpi ne, %convert_element_type3A_78, %cond3A_79 : i32
      scf.if %cond3A_80 {
        %iota3A_81 = tpu.iota {dimensions = array<i32: 0>} : vector<288x320xi32>
        %mul3A_82 = arith.constant 320 : i32
        %mul3A_83 = vector.broadcast %mul3A_82 : i32 to vector<288x320xi32>
        %mul3A_84 = arith.muli %iota3A_81, %mul3A_83 : vector<288x320xi32>
        %iota3A_85 = tpu.iota {dimensions = array<i32: 1>} : vector<288x320xi32>
        %add3A_86 = arith.addi %mul3A_84, %iota3A_85 : vector<288x320xi32>
        %iota3A_87 = tpu.iota {dimensions = array<i32: 1>} : vector<1x64xi32>
        %iota3A_88 = tpu.iota {dimensions = array<i32: 0>} : vector<16x1xi32>
        %scan3A_89 = arith.constant 0 : i32
        %scan3A_90 = arith.constant 16 : i32
        %scan3A_91 = arith.addi %scan3A_89, %scan3A_90 : i32
        %scan3A_92 = arith.constant 1 : i32
        %scan3A_93:2 = scf.for %scan3A_154 = %scan3A_89 to %scan3A_91 step %scan3A_92 iter_args(%scan3A_155 = %broadcast_in_dim3A_16, %scan3A_156 = %broadcast_in_dim3A_18) -> (vector<16x64xf32>, vector<16x64xi32>)  : i32 {
          %get3A_157 = arith.index_cast %scan3A_154 : i32 to index
          %get3A_158 = arith.constant 0 : index
          %get3A_159 = arith.constant 0 : index
          %get3A_160 = vector.load %arg7[%get3A_157, %get3A_158, %get3A_159] : memref<16x288x320xf32, #tpu.memory_space<vmem>>, vector<1x288x320xf32>
          %get3A_161 = vector.shape_cast %get3A_160 : vector<1x288x320xf32> to vector<288x320xf32>
          %broadcast_in_dim3A_162 = arith.constant -3.000000e+00 : f32
          %broadcast_in_dim3A_163 = vector.broadcast %broadcast_in_dim3A_162 : f32 to vector<1x64xf32>
          %broadcast_in_dim3A_164 = arith.constant 0 : i32
          %broadcast_in_dim3A_165 = vector.broadcast %broadcast_in_dim3A_164 : i32 to vector<1x64xi32>
          %scan3A_166 = arith.constant 0 : i32
          %scan3A_167 = arith.constant 50 : i32
          %scan3A_168 = arith.addi %scan3A_166, %scan3A_167 : i32
          %scan3A_169 = arith.constant 1 : i32
          %scan3A_170:3 = scf.for %scan3A_184 = %scan3A_166 to %scan3A_168 step %scan3A_169 iter_args(%scan3A_185 = %get3A_161, %scan3A_186 = %broadcast_in_dim3A_163, %scan3A_187 = %broadcast_in_dim3A_165) -> (vector<288x320xf32>, vector<1x64xf32>, vector<1x64xi32>)  : i32 {
            %reduce_max3A = vector.shape_cast %scan3A_185 : vector<288x320xf32> to vector<1x288x320xf32>
            %reduce_max3A_188 = arith.constant dense<0xFF800000> : vector<1xf32>
            %reduce_max3A_189 = vector.multi_reduction <maximumf>, %reduce_max3A, %reduce_max3A_188 [1, 2] : vector<1x288x320xf32> to vector<1xf32>
            %reduce_max3A_190 = vector.shape_cast %reduce_max3A_189 : vector<1xf32> to vector<1x1x1xf32>
            %reduce_max3A_191 = vector.extract %reduce_max3A_190[0, 0, 0] : f32 from vector<1x1x1xf32>
            %eq3A_192 = vector.broadcast %reduce_max3A_191 : f32 to vector<288x320xf32>
            %eq3A_193 = arith.cmpf oeq, %scan3A_185, %eq3A_192 : vector<288x320xf32>
            %jit3A_194 = arith.constant 92160 : i32
            %broadcast_in_dim3A_195 = vector.broadcast %jit3A_194 : i32 to vector<288x320xi32>
            %select_n3A_196 = arith.select %eq3A_193, %add3A_86, %broadcast_in_dim3A_195 : vector<288x320xi1>, vector<288x320xi32>
            %reduce_min3A = vector.shape_cast %select_n3A_196 : vector<288x320xi32> to vector<1x288x320xi32>
            %reduce_min3A_197 = arith.constant dense<2147483647> : vector<1xi32>
            %reduce_min3A_198 = vector.multi_reduction <minsi>, %reduce_min3A, %reduce_min3A_197 [1, 2] : vector<1x288x320xi32> to vector<1xi32>
            %reduce_min3A_199 = vector.shape_cast %reduce_min3A_198 : vector<1xi32> to vector<1x1x1xi32>
            %reduce_min3A_200 = vector.extract %reduce_min3A_199[0, 0, 0] : i32 from vector<1x1x1xi32>
            %eq3A_201 = vector.broadcast %reduce_min3A_200 : i32 to vector<288x320xi32>
            %eq3A_202 = arith.cmpi eq, %add3A_86, %eq3A_201 : vector<288x320xi32>
            %jit3A_203 = arith.constant -3.000000e+00 : f32
            %broadcast_in_dim3A_204 = vector.broadcast %jit3A_203 : f32 to vector<288x320xf32>
            %select_n3A_205 = arith.select %eq3A_202, %broadcast_in_dim3A_204, %scan3A_185 : vector<288x320xi1>, vector<288x320xf32>
            %eq3A_206 = vector.broadcast %scan3A_184 : i32 to vector<1x64xi32>
            %eq3A_207 = arith.cmpi eq, %iota3A_87, %eq3A_206 : vector<1x64xi32>
            %broadcast_in_dim3A_208 = vector.broadcast %reduce_max3A_191 : f32 to vector<1x64xf32>
            %select_n3A_209 = arith.select %eq3A_207, %broadcast_in_dim3A_208, %scan3A_186 : vector<1x64xi1>, vector<1x64xf32>
            %eq3A_210 = vector.broadcast %scan3A_184 : i32 to vector<1x64xi32>
            %eq3A_211 = arith.cmpi eq, %iota3A_87, %eq3A_210 : vector<1x64xi32>
            %broadcast_in_dim3A_212 = vector.broadcast %reduce_min3A_200 : i32 to vector<1x64xi32>
            %select_n3A_213 = arith.select %eq3A_211, %broadcast_in_dim3A_212, %scan3A_187 : vector<1x64xi1>, vector<1x64xi32>
            scf.yield %select_n3A_205, %select_n3A_209, %select_n3A_213 : vector<288x320xf32>, vector<1x64xf32>, vector<1x64xi32>
          }
          %scan3A_171 = arith.constant 50 : i32
          %eq3A_172 = vector.broadcast %scan3A_154 : i32 to vector<16x1xi32>
          %eq3A_173 = arith.cmpi eq, %iota3A_88, %eq3A_172 : vector<16x1xi32>
          %broadcast_in_dim3A_174 = vector.shape_cast %eq3A_173 : vector<16x1xi1> to vector<16x1xi1>
          %broadcast_in_dim3A_175 = vector.broadcast %broadcast_in_dim3A_174 : vector<16x1xi1> to vector<16x64xi1>
          %broadcast_in_dim3A_176 = vector.shape_cast %scan3A_170#1 : vector<1x64xf32> to vector<1x64xf32>
          %broadcast_in_dim3A_177 = vector.broadcast %broadcast_in_dim3A_176 : vector<1x64xf32> to vector<16x64xf32>
          %select_n3A_178 = arith.select %broadcast_in_dim3A_175, %broadcast_in_dim3A_177, %scan3A_155 : vector<16x64xi1>, vector<16x64xf32>
          %broadcast_in_dim3A_179 = vector.shape_cast %eq3A_173 : vector<16x1xi1> to vector<16x1xi1>
          %broadcast_in_dim3A_180 = vector.broadcast %broadcast_in_dim3A_179 : vector<16x1xi1> to vector<16x64xi1>
          %broadcast_in_dim3A_181 = vector.shape_cast %scan3A_170#2 : vector<1x64xi32> to vector<1x64xi32>
          %broadcast_in_dim3A_182 = vector.broadcast %broadcast_in_dim3A_181 : vector<1x64xi32> to vector<16x64xi32>
          %select_n3A_183 = arith.select %broadcast_in_dim3A_180, %broadcast_in_dim3A_182, %scan3A_156 : vector<16x64xi1>, vector<16x64xi32>
          scf.yield %select_n3A_178, %select_n3A_183 : vector<16x64xf32>, vector<16x64xi32>
        }
        %scan3A_94 = arith.constant 16 : i32
        %broadcast_in_dim3A_95 = vector.shape_cast %scan3A_93#0 : vector<16x64xf32> to vector<16x1x64xf32>
        %swap3A_96 = arith.constant 0 : index
        %swap3A_97 = arith.constant 0 : index
        %swap3A_98 = arith.constant 0 : index
        %swap3A_99 = vector.load %arg2[%swap3A_96, %swap3A_97, %swap3A_98] : memref<16x1x64xf32, #tpu.memory_space<vmem>>, vector<16x1x64xf32>
        tpu.vector_store %arg2[%swap3A_96, %swap3A_97, %swap3A_98], %broadcast_in_dim3A_95 {strides = array<i32>} : memref<16x1x64xf32, #tpu.memory_space<vmem>>, vector<16x1x64xf32>,
        %broadcast_in_dim3A_100 = vector.shape_cast %scan3A_93#1 : vector<16x64xi32> to vector<16x1x64xi32>
        %swap3A_101 = arith.constant 0 : index
        %swap3A_102 = arith.constant 0 : index
        %swap3A_103 = arith.constant 0 : index
        %swap3A_104 = vector.load %arg3[%swap3A_101, %swap3A_102, %swap3A_103] : memref<16x1x64xi32, #tpu.memory_space<vmem>>, vector<16x1x64xi32>
        tpu.vector_store %arg3[%swap3A_101, %swap3A_102, %swap3A_103], %broadcast_in_dim3A_100 {strides = array<i32>} : memref<16x1x64xi32, #tpu.memory_space<vmem>>, vector<16x1x64xi32>,
        %iota3A_105 = tpu.iota {dimensions = array<i32: 0>} : vector<16x64xi32>
        %mul3A_106 = arith.constant 1413120 : i32
        %mul3A_107 = vector.broadcast %mul3A_106 : i32 to vector<16x64xi32>
        %mul3A_108 = arith.muli %iota3A_105, %mul3A_107 : vector<16x64xi32>
        %jit3A_109 = arith.constant 30720 : i32
        %eq3A_110 = arith.constant 0 : i32
        %eq3A_111 = arith.cmpi eq, %jit3A_109, %eq3A_110 : i32
        %jit3A_112 = arith.constant 1 : i32
        %select_n3A_113 = arith.select %eq3A_111, %jit3A_112, %jit3A_109 : i32
        %rem3A_114 = vector.broadcast %select_n3A_113 : i32 to vector<16x64xi32>
        %rem3A_115 = arith.remsi %scan3A_93#1, %rem3A_114 : vector<16x64xi32>
        %ne3A_116 = arith.constant 0 : i32
        %ne3A_117 = vector.broadcast %ne3A_116 : i32 to vector<16x64xi32>
        %ne3A_118 = arith.cmpi ne, %rem3A_115, %ne3A_117 : vector<16x64xi32>
        %lt3A_119 = arith.constant 0 : i32
        %lt3A_120 = vector.broadcast %lt3A_119 : i32 to vector<16x64xi32>
        %lt3A_121 = arith.cmpi slt, %rem3A_115, %lt3A_120 : vector<16x64xi32>
        %lt3A_122 = arith.constant 0 : i32
        %lt3A_123 = arith.cmpi slt, %select_n3A_113, %lt3A_122 : i32
        %ne3A_124 = vector.broadcast %lt3A_123 : i1 to vector<16x64xi1>
        %ne3A_125 = vector.broadcast %ne3A_124 : vector<16x64xi1> to vector<16x64xi1>
        %ne3A_126 = arith.xori %lt3A_121, %ne3A_125 : vector<16x64xi1>
        %and3A_127 = arith.andi %ne3A_126, %ne3A_118 : vector<16x64xi1>
        %add3A_128 = vector.broadcast %select_n3A_113 : i32 to vector<16x64xi32>
        %add3A_129 = arith.addi %rem3A_115, %add3A_128 : vector<16x64xi32>
        %select_n3A_130 = arith.select %and3A_127, %add3A_129, %rem3A_115 : vector<16x64xi1>, vector<16x64xi32>
        %add3A_131 = arith.addi %mul3A_108, %select_n3A_130 : vector<16x64xi32>
        %mul3A_132 = arith.constant 64 : i32
        %mul3A_133 = vector.broadcast %mul3A_132 : i32 to vector<16x64xi32>
        %mul3A_134 = arith.muli %iota3A, %mul3A_133 : vector<16x64xi32>
        %mul3A_135 = arith.constant 4096 : i32
        %mul3A_136 = vector.broadcast %mul3A_135 : i32 to vector<16x64xi32>
        %mul3A_137 = arith.muli %iota3A_105, %mul3A_136 : vector<16x64xi32>
        %add3A_138 = arith.addi %mul3A_134, %mul3A_137 : vector<16x64xi32>
        %lt3A_139 = arith.constant 50 : i32
        %lt3A_140 = vector.broadcast %lt3A_139 : i32 to vector<16x64xi32>
        %lt3A_141 = arith.cmpi slt, %iota3A, %lt3A_140 : vector<16x64xi32>
        %select_n3A_142 = arith.select %lt3A_141, %add3A_131, %add3A_138 : vector<16x64xi1>, vector<16x64xi32>
        %iota3A_143 = tpu.iota {dimensions = array<i32: 2>} : vector<16x64x32xi32>
        %broadcast_in_dim3A_144 = vector.shape_cast %select_n3A_142 : vector<16x64xi32> to vector<16x64x1xi32>
        %mul3A_145 = arith.constant 30720 : i32
        %mul3A_146 = vector.broadcast %mul3A_145 : i32 to vector<16x64x32xi32>
        %mul3A_147 = arith.muli %iota3A_143, %mul3A_146 : vector<16x64x32xi32>
        %add3A_148 = vector.broadcast %broadcast_in_dim3A_144 : vector<16x64x1xi32> to vector<16x64x32xi32>
        %add3A_149 = arith.addi %add3A_148, %mul3A_147 : vector<16x64x32xi32>
        %swap3A_150 = arith.constant 0 : index
        %swap3A_151 = arith.constant 0 : index
        %swap3A_152 = arith.constant 0 : index
        %swap3A_153 = vector.load %arg4[%swap3A_150, %swap3A_151, %swap3A_152] : memref<16x64x32xi32, #tpu.memory_space<vmem>>, vector<16x64x32xi32>
        tpu.vector_store %arg4[%swap3A_150, %swap3A_151, %swap3A_152], %add3A_149 {strides = array<i32>} : memref<16x64x32xi32, #tpu.memory_space<vmem>>, vector<16x64x32xi32>,
      } else {
      }
    } else {
    }
    return
  }
  func.func @transform_0(%arg0: i32) -> (i32, i32, i32, i32) {
    %min3A = arith.constant 15 : i32
    %min3A_0 = arith.minsi %arg0, %min3A : i32
    %c0_i32 = arith.constant 0 : i32
    %c0_i32_1 = arith.constant 0 : i32
    %c0_i32_2 = arith.constant 0 : i32
    %c0_i32_3 = arith.constant 0 : i32
    return %min3A_0, %c0_i32, %c0_i32_1, %c0_i32_2 : i32, i32, i32, i32
  }
  func.func @transform_1(%arg0: i32) -> (i32, i32, i32) {
    %c0_i32 = arith.constant 0 : i32
    %c0_i32_0 = arith.constant 0 : i32
    %c0_i32_1 = arith.constant 0 : i32
    %c0_i32_2 = arith.constant 0 : i32
    return %c0_i32, %c0_i32_0, %c0_i32_1 : i32, i32, i32
  }
  func.func @transform_2(%arg0: i32) -> (i32, i32, i32) {
    %c0_i32 = arith.constant 0 : i32
    %c0_i32_0 = arith.constant 0 : i32
    %c0_i32_1 = arith.constant 0 : i32
    %c0_i32_2 = arith.constant 0 : i32
    return %c0_i32, %c0_i32_0, %c0_i32_1 : i32, i32, i32
  }
  func.func @transform_3(%arg0: i32) -> (i32, i32, i32) {
    %c0_i32 = arith.constant 0 : i32
    %c0_i32_0 = arith.constant 0 : i32
    %c0_i32_1 = arith.constant 0 : i32
    %c0_i32_2 = arith.constant 0 : i32
    return %c0_i32, %c0_i32_0, %c0_i32_1 : i32, i32, i32
  }
}

module attributes {stable_mosaic.version = 14 : i64} {
  func.func @_asm_body(%arg0: memref<800x1xf32, #tpu.memory_space<vmem>>, %arg1: memref<800x1xi32, #tpu.memory_space<vmem>>, %arg2: memref<800x32xf32, #tpu.memory_space<vmem>>, %arg3: memref<800x29xf32, #tpu.memory_space<vmem>>) attributes {dimension_semantics = [], scalar_prefetch = 0 : i64, scratch_operands = 0 : i64, tpu.core_type = #tpu.core_type<tc>} {
    %get3A = arith.constant 0 : index
    %get3A_0 = arith.constant 0 : index
    %get3A_1 = vector.load %arg0[%get3A, %get3A_0] : memref<800x1xf32, #tpu.memory_space<vmem>>, vector<800x1xf32>
    %get3A_2 = arith.constant 0 : index
    %get3A_3 = arith.constant 0 : index
    %get3A_4 = vector.load %arg1[%get3A_2, %get3A_3] : memref<800x1xi32, #tpu.memory_space<vmem>>, vector<800x1xi32>
    %get3A_5 = arith.constant 0 : index
    %get3A_6 = arith.constant 0 : index
    %get3A_7 = vector.load %arg2[%get3A_5, %get3A_6] : memref<800x32xf32, #tpu.memory_space<vmem>>, vector<800x32xf32>
    %jit3A = arith.constant 30720 : i32
    %eq3A = arith.constant 0 : i32
    %eq3A_8 = arith.cmpi eq, %jit3A, %eq3A : i32
    %jit3A_9 = arith.constant 1 : i32
    %select_n3A = arith.select %eq3A_8, %jit3A_9, %jit3A : i32
    %rem3A = vector.broadcast %select_n3A : i32 to vector<800x1xi32>
    %rem3A_10 = arith.remsi %get3A_4, %rem3A : vector<800x1xi32>
    %ne3A = arith.constant 0 : i32
    %ne3A_11 = vector.broadcast %ne3A : i32 to vector<800x1xi32>
    %ne3A_12 = arith.cmpi ne, %rem3A_10, %ne3A_11 : vector<800x1xi32>
    %lt3A = arith.constant 0 : i32
    %lt3A_13 = vector.broadcast %lt3A : i32 to vector<800x1xi32>
    %lt3A_14 = arith.cmpi slt, %rem3A_10, %lt3A_13 : vector<800x1xi32>
    %lt3A_15 = arith.constant 0 : i32
    %lt3A_16 = arith.cmpi slt, %select_n3A, %lt3A_15 : i32
    %ne3A_17 = vector.broadcast %lt3A_16 : i1 to vector<800x1xi1>
    %ne3A_18 = vector.broadcast %ne3A_17 : vector<800x1xi1> to vector<800x1xi1>
    %ne3A_19 = arith.xori %lt3A_14, %ne3A_18 : vector<800x1xi1>
    %and3A = arith.andi %ne3A_19, %ne3A_12 : vector<800x1xi1>
    %add3A = vector.broadcast %select_n3A : i32 to vector<800x1xi32>
    %add3A_20 = arith.addi %rem3A_10, %add3A : vector<800x1xi32>
    %select_n3A_21 = arith.select %and3A, %add3A_20, %rem3A_10 : vector<800x1xi1>, vector<800x1xi32>
    %jit3A_22 = arith.constant 30720 : i32
    %div3A = vector.broadcast %jit3A_22 : i32 to vector<800x1xi32>
    %div3A_23 = arith.divsi %get3A_4, %div3A : vector<800x1xi32>
    %sign3A = arith.constant 0 : i32
    %sign3A_24 = vector.broadcast %sign3A : i32 to vector<800x1xi32>
    %sign3A_25 = arith.cmpi sgt, %get3A_4, %sign3A_24 : vector<800x1xi32>
    %sign3A_26 = arith.extui %sign3A_25 : vector<800x1xi1> to vector<800x1xi32>
    %sign3A_27 = arith.constant 0 : i32
    %sign3A_28 = vector.broadcast %sign3A_27 : i32 to vector<800x1xi32>
    %sign3A_29 = arith.cmpi slt, %get3A_4, %sign3A_28 : vector<800x1xi32>
    %sign3A_30 = arith.extui %sign3A_29 : vector<800x1xi1> to vector<800x1xi32>
    %sign3A_31 = arith.subi %sign3A_26, %sign3A_30 : vector<800x1xi32>
    %sign3A_32 = arith.constant 0 : i32
    %sign3A_33 = arith.cmpi sgt, %jit3A_22, %sign3A_32 : i32
    %sign3A_34 = arith.extui %sign3A_33 : i1 to i32
    %sign3A_35 = arith.constant 0 : i32
    %sign3A_36 = arith.cmpi slt, %jit3A_22, %sign3A_35 : i32
    %sign3A_37 = arith.extui %sign3A_36 : i1 to i32
    %sign3A_38 = arith.subi %sign3A_34, %sign3A_37 : i32
    %ne3A_39 = vector.broadcast %sign3A_38 : i32 to vector<800x1xi32>
    %ne3A_40 = arith.cmpi ne, %sign3A_31, %ne3A_39 : vector<800x1xi32>
    %rem3A_41 = vector.broadcast %jit3A_22 : i32 to vector<800x1xi32>
    %rem3A_42 = arith.remsi %get3A_4, %rem3A_41 : vector<800x1xi32>
    %ne3A_43 = arith.constant 0 : i32
    %ne3A_44 = vector.broadcast %ne3A_43 : i32 to vector<800x1xi32>
    %ne3A_45 = arith.cmpi ne, %rem3A_42, %ne3A_44 : vector<800x1xi32>
    %and3A_46 = arith.andi %ne3A_40, %ne3A_45 : vector<800x1xi1>
    %sub3A = arith.constant 1 : i32
    %sub3A_47 = vector.broadcast %sub3A : i32 to vector<800x1xi32>
    %sub3A_48 = arith.subi %div3A_23, %sub3A_47 : vector<800x1xi32>
    %select_n3A_49 = arith.select %and3A_46, %sub3A_48, %div3A_23 : vector<800x1xi1>, vector<800x1xi32>
    %convert_element_type3A = arith.sitofp %select_n3A_49 : vector<800x1xi32> to vector<800x1xf32>
    %jit3A_50 = arith.constant 320 : i32
    %div3A_51 = vector.broadcast %jit3A_50 : i32 to vector<800x1xi32>
    %div3A_52 = arith.divsi %select_n3A_21, %div3A_51 : vector<800x1xi32>
    %sign3A_53 = arith.constant 0 : i32
    %sign3A_54 = vector.broadcast %sign3A_53 : i32 to vector<800x1xi32>
    %sign3A_55 = arith.cmpi sgt, %select_n3A_21, %sign3A_54 : vector<800x1xi32>
    %sign3A_56 = arith.extui %sign3A_55 : vector<800x1xi1> to vector<800x1xi32>
    %sign3A_57 = arith.constant 0 : i32
    %sign3A_58 = vector.broadcast %sign3A_57 : i32 to vector<800x1xi32>
    %sign3A_59 = arith.cmpi slt, %select_n3A_21, %sign3A_58 : vector<800x1xi32>
    %sign3A_60 = arith.extui %sign3A_59 : vector<800x1xi1> to vector<800x1xi32>
    %sign3A_61 = arith.subi %sign3A_56, %sign3A_60 : vector<800x1xi32>
    %sign3A_62 = arith.constant 0 : i32
    %sign3A_63 = arith.cmpi sgt, %jit3A_50, %sign3A_62 : i32
    %sign3A_64 = arith.extui %sign3A_63 : i1 to i32
    %sign3A_65 = arith.constant 0 : i32
    %sign3A_66 = arith.cmpi slt, %jit3A_50, %sign3A_65 : i32
    %sign3A_67 = arith.extui %sign3A_66 : i1 to i32
    %sign3A_68 = arith.subi %sign3A_64, %sign3A_67 : i32
    %ne3A_69 = vector.broadcast %sign3A_68 : i32 to vector<800x1xi32>
    %ne3A_70 = arith.cmpi ne, %sign3A_61, %ne3A_69 : vector<800x1xi32>
    %rem3A_71 = vector.broadcast %jit3A_50 : i32 to vector<800x1xi32>
    %rem3A_72 = arith.remsi %select_n3A_21, %rem3A_71 : vector<800x1xi32>
    %ne3A_73 = arith.constant 0 : i32
    %ne3A_74 = vector.broadcast %ne3A_73 : i32 to vector<800x1xi32>
    %ne3A_75 = arith.cmpi ne, %rem3A_72, %ne3A_74 : vector<800x1xi32>
    %and3A_76 = arith.andi %ne3A_70, %ne3A_75 : vector<800x1xi1>
    %sub3A_77 = arith.constant 1 : i32
    %sub3A_78 = vector.broadcast %sub3A_77 : i32 to vector<800x1xi32>
    %sub3A_79 = arith.subi %div3A_52, %sub3A_78 : vector<800x1xi32>
    %select_n3A_80 = arith.select %and3A_76, %sub3A_79, %div3A_52 : vector<800x1xi1>, vector<800x1xi32>
    %convert_element_type3A_81 = arith.sitofp %select_n3A_80 : vector<800x1xi32> to vector<800x1xf32>
    %jit3A_82 = arith.constant 320 : i32
    %eq3A_83 = arith.constant 0 : i32
    %eq3A_84 = arith.cmpi eq, %jit3A_82, %eq3A_83 : i32
    %jit3A_85 = arith.constant 1 : i32
    %select_n3A_86 = arith.select %eq3A_84, %jit3A_85, %jit3A_82 : i32
    %rem3A_87 = vector.broadcast %select_n3A_86 : i32 to vector<800x1xi32>
    %rem3A_88 = arith.remsi %select_n3A_21, %rem3A_87 : vector<800x1xi32>
    %ne3A_89 = arith.constant 0 : i32
    %ne3A_90 = vector.broadcast %ne3A_89 : i32 to vector<800x1xi32>
    %ne3A_91 = arith.cmpi ne, %rem3A_88, %ne3A_90 : vector<800x1xi32>
    %lt3A_92 = arith.constant 0 : i32
    %lt3A_93 = vector.broadcast %lt3A_92 : i32 to vector<800x1xi32>
    %lt3A_94 = arith.cmpi slt, %rem3A_88, %lt3A_93 : vector<800x1xi32>
    %lt3A_95 = arith.constant 0 : i32
    %lt3A_96 = arith.cmpi slt, %select_n3A_86, %lt3A_95 : i32
    %ne3A_97 = vector.broadcast %lt3A_96 : i1 to vector<800x1xi1>
    %ne3A_98 = vector.broadcast %ne3A_97 : vector<800x1xi1> to vector<800x1xi1>
    %ne3A_99 = arith.xori %lt3A_94, %ne3A_98 : vector<800x1xi1>
    %and3A_100 = arith.andi %ne3A_99, %ne3A_91 : vector<800x1xi1>
    %add3A_101 = vector.broadcast %select_n3A_86 : i32 to vector<800x1xi32>
    %add3A_102 = arith.addi %rem3A_88, %add3A_101 : vector<800x1xi32>
    %select_n3A_103 = arith.select %and3A_100, %add3A_102, %rem3A_88 : vector<800x1xi1>, vector<800x1xi32>
    %convert_element_type3A_104 = arith.sitofp %select_n3A_103 : vector<800x1xi32> to vector<800x1xf32>
    %ge3A = arith.constant 3.000000e-01 : f32
    %ge3A_105 = vector.broadcast %ge3A : f32 to vector<800x1xf32>
    %ge3A_106 = arith.cmpf oge, %get3A_1, %ge3A_105 : vector<800x1xf32>
    %convert_element_type3A_107 = arith.extui %ge3A_106 : vector<800x1xi1> to vector<800x1xi32>
    %convert_element_type3A_108 = arith.sitofp %convert_element_type3A_107 : vector<800x1xi32> to vector<800x1xf32>
    %slice3A = vector.extract_strided_slice %get3A_7 {offsets = [0, 0], sizes = [800, 4], strides = [1, 1]} : vector<800x32xf32> to vector<800x4xf32>
    %max3A = arith.constant 0.000000e+00 : f32
    %max3A_109 = vector.broadcast %max3A : f32 to vector<800x4xf32>
    %max3A_110 = arith.maximumf %slice3A, %max3A_109 : vector<800x4xf32>
    %slice3A_111 = vector.extract_strided_slice %get3A_7 {offsets = [0, 4], sizes = [800, 21], strides = [1, 1]} : vector<800x32xf32> to vector<800x21xf32>
    %concatenate3A = tpu.concatenate %convert_element_type3A_104, %convert_element_type3A_81, %max3A_110, %slice3A_111, %get3A_1, %convert_element_type3A in 1 : vector<800x1xf32>, vector<800x1xf32>, vector<800x4xf32>, vector<800x21xf32>, vector<800x1xf32>, vector<800x1xf32> -> vector<800x29xf32>
    %mul3A = vector.broadcast %convert_element_type3A_108 : vector<800x1xf32> to vector<800x29xf32>
    %mul3A_112 = arith.mulf %concatenate3A, %mul3A : vector<800x29xf32>
    %swap3A = arith.constant 0 : index
    %swap3A_113 = arith.constant 0 : index
    %swap3A_114 = vector.load %arg3[%swap3A, %swap3A_113] : memref<800x29xf32, #tpu.memory_space<vmem>>, vector<800x29xf32>
    tpu.vector_store %arg3[%swap3A, %swap3A_113], %mul3A_112 {strides = array<i32>} : memref<800x29xf32, #tpu.memory_space<vmem>>, vector<800x29xf32>,
    return
  }
}

</mosaic_0001>

<sc_bundles>
// kernel: kernel.5.cloned.1.call-start
scs
__scs_entry_jumppad:
0x0: {  	(pc) =	sbr.rel $0x88, $3  }
0x1: {  	(tag) =	ssettag $0x0;
	lr =	simm.s32 $0x1  }
0x2: {  	[smem:$0x3F9F] =	sst lr;
	_ =	strace $0xD0000000  }
0x3: {  	_ = 	snop  }
0x4: {  	_ = 	snop  }
0x5: {  	_ = 	snop  }
0x6: {  	_ = 	snop  }
0x7: {  	_ = 	snop  }
__scs_overlays_trampoline_lowered:
0x8: {  	[smem:$0x3FAE] =	sst s0  }
0x9: {  	[smem:$0x3FAF] =	sst s1  }
0xa: {  	[smem:$0x3FB0] =	sst s2  }
0xb: {  	[smem:$0x3FB1] =	sst s3  }
0xc: {  	[smem:$0x3FB2] =	sst s4  }
0xd: {  	[smem:$0x3FB3] =	sst s5  }
0xe: {  	[smem:$0x3FB4] =	sst s6  }
0xf: {  	[smem:$0x3FB5] =	sst s7  }
0x10: {  	[smem:$0x3FB6] =	sst s8  }
0x11: {  	[smem:$0x3FB7] =	sst s9;
	s0 =	simm.s32 @!p0 $0x0  }
0x12: {  	s1 =	sld [smem:$0x3F9D];
	s0 =	simm.s32 @p0 $0x1  }
0x13: {  	[smem:$0x3FB8] =	sst s0;
	s0 =	simm.s32 @!p1 $0x0  }
0x14: {  	s2 =	sld [smem:$0x3F9C];
	s0 =	simm.s32 @p1 $0x1  }
0x15: {  	[smem:$0x3FB9] =	sst s0;
	s0 =	simm.s32 @!p2 $0x0  }
0x16: {  	s3 =	sld [smem:$0x3FDB];
	s0 =	simm.s32 @p2 $0x1  }
0x17: {  	s4 =	simm.s32 $0x1BF5;
	[smem:$0x3FBB] =	sst s0  }
0x18: {  	s0 =	sld [smem:$0x3F9E];
	_ =	swait.ge [sflag:s4], $0x0  }
0x19: {  	s7 =	sld [smem:$0x3F9F]  }
0x1a: {  	s8 =	sadd.s32 $0xFFFFE003, lr  }
0x1b: {  	s9 =	sadd.s32 $0xFFFFFEF7, lr;
	s5 =	simm.s32 $0xFFFFFFFF;
	p2 =	slt.u32 s8, $0xFFFFF086  }
0x1c: {  	p1 =	slt.u32 s9, $0xF7A;
	s5 =	simm.s32 @!p2 $0x0  }
0x1d: {  	s5 =	simm.s32 @p1 $0x1;
	p0 =	seq.s32 s7, s2  }
0x1e: {  	s7 =	smul.u32 @!p0 $0xF7A, s2;
	p2 =	seq.s32 @!p0 s5, $0x0  }
0x1f: {  	s9 =	smul.u32 $0xF7A, s1;
	s8 =	simm.s32 @!p0 $0x1BF5;
	p2 =	por !p2, p0  }
0x20: {  	[sflag:s8] =	ssyncset.s32 @!p0 $0xFFFFF086;
	s6 =	sadd.s32 @!p0 s3, s7;
	s7 =	simm.s32 @!p0 $0x108  }
0x21: {  	s3 =	sadd.s32 s3, s9;
	s6 =	sadd.s32 @!p0 $0x88, s6;
	s7 =	simm.s32 @p2 $0x1082  }
0x22: {  	[simem:s7], [sflag:s8] =	dma.local @!p0 [hbm:s6], $0xF7A  }
0x23: {  	s9 =	sor.u32 $0xD0000000, s2;
	s6 =	simm.s32 $0x108;
	_ =	swait.ge @!p0 [sflag:s8], $0x0  }
0x24: {  	s3 =	sadd.s32 $0x88, s3;
	s6 =	simm.s32 @!p1 $0x1082;
	[sflag:s4] =	ssyncset.s32 $0xFFFFF086  }
0x25: {  	[simem:s6], [sflag:s4] =	dma.local [hbm:s3], $0xF7A  }
0x26: {  	[smem:$0x3F9F] =	sst s1;
	(tag) =	ssettag s2;
	_ =	strace s9  }
0x27: {  	s1 =	sld [smem:$0x3FAF]  }
0x28: {  	s2 =	sld [smem:$0x3FB0]  }
0x29: {  	s4 =	sld [smem:$0x3FB2]  }
0x2a: {  	p0 =	seq.s32 s5, $0x0;
	s5 =	sld [smem:$0x3FB3]  }
0x2b: {  	s6 =	sld [smem:$0x3FB4]  }
0x2c: {  	s7 =	sld [smem:$0x3FB5]  }
0x2d: {  	s3 =	simm.s32 $0x108;
	s8 =	sld [smem:$0x3FB6]  }
0x2e: {  	s3 =	simm.s32 @!p0 $0x1082;
	s9 =	sld [smem:$0x3FB7]  }
0x2f: {  	lr =	sadd.s32 s0, s3;
	s0 =	sld [smem:$0x3FAE]  }
0x30: {  	s3 =	sld [smem:$0x3FB1]  }
0x31: {  	[smem:$0x3FBA] =	sst s10  }
0x32: {  	s10 =	sld [smem:$0x3FB8];
	_ =	sdelay $0x3  }
0x33: {  	p0 =	seq.s32 s10, $0x1;
	s10 =	sld [smem:$0x3FBA];
	_ =	sdelay $0x3  }
0x34: {  	[smem:$0x3FBA] =	sst s10  }
0x35: {  	s10 =	sld [smem:$0x3FB9];
	_ =	sdelay $0x3  }
0x36: {  	p1 =	seq.s32 s10, $0x1;
	s10 =	sld [smem:$0x3FBA];
	_ =	sdelay $0x3  }
0x37: {  	[smem:$0x3FBA] =	sst s10  }
0x38: {  	s10 =	sld [smem:$0x3FBB]  }
0x39: {  	_ = 	snop;
	(pc) =	sbr.ind lr, $3  }
0x3a: {  	_ = 	snop  }
0x3b: {  	_ = 	snop  }
0x3c: {  	p2 =	seq.s32 s10, $0x1;
	s10 =	sld [smem:$0x3FBA]  }
0x3d: {  	_ =	shalt  }
0x3e: {  	_ =	shalt  }
0x3f: {  	_ =	shalt  }
0x40: {  	_ =	shalt  }
0x41: {  	_ =	shalt  }
0x42: {  	_ =	shalt  }
0x43: {  	_ =	shalt  }
0x44: {  	_ =	shalt  }
0x45: {  	_ =	shalt  }
0x46: {  	_ =	shalt  }
0x47: {  	_ =	shalt  }
0x48: {  	_ =	shalt  }
0x49: {  	_ =	shalt  }
0x4a: {  	_ =	shalt  }
0x4b: {  	_ =	shalt  }
0x4c: {  	_ =	shalt  }
0x4d: {  	_ =	shalt  }
0x4e: {  	_ =	shalt  }
0x4f: {  	_ =	shalt  }
0x50: {  	_ =	shalt  }
0x51: {  	_ =	shalt  }
0x52: {  	_ =	shalt  }
0x53: {  	_ =	shalt  }
0x54: {  	_ =	shalt  }
0x55: {  	_ =	shalt  }
0x56: {  	_ =	shalt  }
0x57: {  	_ =	shalt  }
0x58: {  	_ =	shalt  }
0x59: {  	_ =	shalt  }
0x5a: {  	_ =	shalt  }
0x5b: {  	_ =	shalt  }
0x5c: {  	_ =	shalt  }
0x5d: {  	_ =	shalt  }
0x5e: {  	_ =	shalt  }
0x5f: {  	_ =	shalt  }
0x60: {  	_ =	shalt  }
0x61: {  	_ =	shalt  }
0x62: {  	_ =	shalt  }
0x63: {  	_ =	shalt  }
0x64: {  	_ =	shalt  }
0x65: {  	_ =	shalt  }
0x66: {  	_ =	shalt  }
0x67: {  	_ =	shalt  }
0x68: {  	_ =	shalt  }
0x69: {  	_ =	shalt  }
0x6a: {  	_ =	shalt  }
0x6b: {  	_ =	shalt  }
0x6c: {  	_ =	shalt  }
0x6d: {  	_ =	shalt  }
0x6e: {  	_ =	shalt  }
0x6f: {  	_ =	shalt  }
0x70: {  	_ =	shalt  }
0x71: {  	_ =	shalt  }
0x72: {  	_ =	shalt  }
0x73: {  	_ =	shalt  }
0x74: {  	_ =	shalt  }
0x75: {  	_ =	shalt  }
0x76: {  	_ =	shalt  }
0x77: {  	_ =	shalt  }
0x78: {  	_ =	shalt  }
0x79: {  	_ =	shalt  }
0x7a: {  	_ =	shalt  }
0x7b: {  	_ =	shalt  }
0x7c: {  	_ =	shalt  }
0x7d: {  	_ =	shalt  }
0x7e: {  	_ =	shalt  }
0x7f: {  	_ =	shalt  }
0x80: {  	_ =	shalt  }
0x81: {  	_ =	shalt  }
0x82: {  	_ =	shalt  }
0x83: {  	_ =	shalt  }
0x84: {  	_ =	shalt  }
0x85: {  	_ =	shalt  }
0x86: {  	_ =	shalt  }
0x87: {  	_ =	shalt  }
.Lfunc_end0:
.L_simem_size_0:
called_computation_lowered:
.L_overlay_start_0:
0x88: {  	s2 =	sld [smem:$0x3FD9]  }
0x89: {  	s3 =	sld [smem:$0x3FFE];
	_ =	sdelay $0x1  }
0x8a: {  	s1 =	srdreg.scid  }
0x8b: {  	s0 =	sand.u32 $0x1, s1  }
0x8c: {  	s16 =	sshll.u32 s0, $0xA;
	s2 =	sadd.s32 s3, s2  }
0x8d: {  	s2 =	sadd.s32 s2, s16  }
0x8e: {  	[smem:$0x3FC6] =	sst s2  }
0x8f: {  	_ = 	snop  }
0x90: {  	(tm) =	ssettm $0x1  }
0x91: {  	s17 =	sld [smem:$0x3FFB];
	_ =	sdelay $0x3  }
0x92: {  	_ =	strace s17  }
0x93: {  	s2 =	sld [smem:$0x3FFC];
	_ =	sdelay $0x3  }
0x94: {  	_ =	strace s2  }
0x95: {  	s2 =	sld [smem:$0x3FFD];
	_ =	sdelay $0x3  }
0x96: {  	_ =	strace s2  }
0x97: {  	_ =	strace $0x8FFFFFFF  }
0x98: {  	s18 =	sld [smem:$0x3FDB];
	_ =	sdelay $0x1  }
0x99: {  	s19 =	simm.s32 $_scs_section_size  }
0x9a: {  	s4 =	simm.s32 $_size__tile_overlayer_lowered;
	s5 =	simm.s32 $_tile_overlayer_lowered  }
0x9b: {  	s22 =	simm.s32 $0x1BFF;
	s21 =	sshll.u32 s5, $0x1;
	s2 =	sadd.s32 s19, s18  }
0x9c: {  	s6 =	simm.s32 $0x0;
	s20 =	sshll.u32 s4, $0x1;
	s4 =	sadd.s32 s21, s2  }
0x9d: {  	[timem:s6], [sflag:s22] =	dma.local [hbm:s4], s20  }
0x9e: {  	_ =	swait.ge [sflag:s22], s20  }
0x9f: {  	s3 =	ssub.s32 $0x0, s20;
	[sflag:s22] =	ssyncset.done $0x0  }
0xa0: {  	[sflag:s22] =	ssyncadd.s32 s3;
	_ =	sdelay $0x1  }
0xa1: {  	s23 =	simm.s32 $0x1B8B  }
0xa2: {  	_ =	swait.ge [sflag:s23], $0x1  }
0xa3: {  	[sflag:s23] =	ssyncset.done $0x0  }
0xa4: {  	s25 =	simm.s32 $0x1B8E;
	s24 =	sld [smem:$0x3FFE];
	[sflag:s23] =	ssyncadd.s32 $0xFFFFFFFF  }
0xa5: {  	s26 =	simm.s32 $execute0_lowered;
	[smem:$0x3FD2] =	sst s25  }
0xa6: {  	s4 =	sshll.u32 s26, $0x1;
	_ =	strace $0x80000046;
	[dreg:$0x1] =	wrdreg $0xFFFFFFFF  }
0xa7: {  	s28 =	simm.s32 $_size_execute0_lowered;
	s2 =	sadd.s32 s2, s4;
	[dreg:$0x0] =	wrdreg $0x0  }
0xa8: {  	s4 =	sshll.u32 s28, $0x1;
	[dreg:$0x2] =	wrdreg s2  }
0xa9: {  	[dreg:$0x3] =	wrdreg s4  }
0xaa: {  	[dreg:$0x4] =	wrdreg $0xC0  }
0xab: {  	_ =	task [dreg:s6], $0x5FFFF  }
0xac: {  	[dreg:$0x1] =	wrdreg $0xFFFFFFFF  }
0xad: {  	[dreg:$0x0] =	wrdreg $0x60  }
0xae: {  	[dreg:$0x2] =	wrdreg s24  }
0xaf: {  	[dreg:$0x3] =	wrdreg $0x9  }
0xb0: {  	_ =	task.clear_ibuf [dreg:s6], $0x4FFFF;
	_ =	strace $0x90000046  }
0xb1: {  	s29 =	simm.s32 $0x9;
	_ =	strace $0x80000048  }
0xb2: {  	_ =	swait.ge [sflag:s29], $0x1  }
0xb3: {  	[sflag:s29] =	ssyncadd.s32 $0xFFFFFFFF  }
0xb4: {  	_ =	strace $0x90000048  }
0xb5: {  	_ =	sfence  }
0xb6: {  	s30 =	sld [smem:$0x0];
	_ =	sdelay $0x2  }
0xb7: {  	s31 =	sshll.u32 s1, $0xD;
	s1 =	sshrl.u32 s1, $0x2  }
0xb8: {  	s3 =	sand.u32 $0x4000, s31;
	s1 =	sadd.s32 s1, s30  }
0xb9: {  	s0 =	sor.u32 s3, s0;
	s1 =	sshll.u32 s1, $0x11  }
0xba: {  	s0 =	sor.u32 s1, s0  }
0xbb: {  	s0 =	sadd.s32 $0x8F2B, s0  }
0xbc: {  	[sflag:s0] =	ssyncadd.remote.s32 $0x1  }
0xbd: {  	_ =	sfence.sel $0xFFFF  }
0xbe: {  	[dreg:$0x0] =	wrdreg $0xFFFFFFFF;
	(pc) =	sbr.abs _section_cstart, $3  }
0xbf: {  	[dreg:$0x1] =	wrdreg $0xFFFFFFFF  }
0xc0: {  	_ =	task.clear_ibuf [dreg:s6], $0x2FFFF;
	_ =	strace $0x9FFFFFFF  }
0xc1: {  	(tm) =	ssettm $0x7FFFFFFF  }
tec
execute0_lowered:
.L_overlay_start_1:
0x0: {  	(tag) =	ssettag $0x1  }
0x1: {  	s1 =	srdreg.scid  }
0x2: {  	s0 =	stileid.u32;
	s22 =	sand.u32 $0x1, s1  }
0x3: {  	s5 =	rddreg [dreg:$0x0];
	s3 =	sshll.u32 s0, $0x8;
	s4 =	sshll.u32 s22, $0x7  }
0x4: {  	s2 =	simm.s32 $0x0;
	s1 =	rddreg [dreg:$0x1];
	s3 =	sor.u32 s4, s3  }
0x5: {  	[smem:$0x7FF] =	sst s2;
	s23 =	sadd.s32 s3, s5  }
0x6: {  	_ =	strace $0x80000047;
	s3 =	simm.s32 $0x2;
	s4 =	sadd.s32 $0x800, s23  }
0x7: {  	[tilespmem:s2], [sflag:$0x2] =	stream.linear.gather [hbm4b:s4+s2], $0x400, $0x38;
	[tilespmem:$0x800] =	vst v63  }
0x8: {  	_ =	swait.ge [sflag:s3], $0x400  }
0x9: {  	s6 =	simm.s32 $0x80;
	[sflag:s3] =	ssyncset.done $0x0  }
0xa: {  	s7 =	simm.s32 $0x400;
	s5 =	sadd.s32 $0x1800, s5;
	[sflag:s3] =	ssyncadd.s32 $0xFFFFFC00  }
0xb: {  	[tilespmem:s7], [sflag:$0x1] =	stream.indirect.gather [hbm4b:s5+s6], $0x1, s2, s6, $0xb8;
	[tilespmem:$0x800] =	vst v63  }
0xc: {  	s8 =	simm.s32 $0x480  }
0xd: {  	[tilespmem:s8], [sflag:$0x1] =	stream.indirect.gather [hbm4b:s5+s6], $0x1, s6, s6, $0xb8;
	[tilespmem:$0x800] =	vst v63  }
0xe: {  	s9 =	simm.s32 $0x100;
	s10 =	simm.s32 $0x500  }
0xf: {  	[tilespmem:s10], [sflag:$0x1] =	stream.indirect.gather [hbm4b:s5+s6], $0x1, s9, s6, $0xb8;
	[tilespmem:$0x800] =	vst v63  }
0x10: {  	s11 =	simm.s32 $0x180;
	s12 =	simm.s32 $0x580  }
0x11: {  	[tilespmem:s12], [sflag:$0x1] =	stream.indirect.gather [hbm4b:s5+s6], $0x1, s11, s6, $0xb8;
	[tilespmem:$0x800] =	vst v63  }
0x12: {  	s13 =	simm.s32 $0x200;
	s14 =	simm.s32 $0x600  }
0x13: {  	[tilespmem:s14], [sflag:$0x1] =	stream.indirect.gather [hbm4b:s5+s6], $0x1, s13, s6, $0xb8;
	[tilespmem:$0x800] =	vst v63  }
0x14: {  	s15 =	simm.s32 $0x280;
	s16 =	simm.s32 $0x680  }
0x15: {  	[tilespmem:s16], [sflag:$0x1] =	stream.indirect.gather [hbm4b:s5+s6], $0x1, s15, s6, $0xb8;
	[tilespmem:$0x800] =	vst v63  }
0x16: {  	s17 =	simm.s32 $0x300;
	s18 =	simm.s32 $0x700  }
0x17: {  	[tilespmem:s18], [sflag:$0x1] =	stream.indirect.gather [hbm4b:s5+s6], $0x1, s17, s6, $0xb8;
	[tilespmem:$0x800] =	vst v63  }
0x18: {  	s19 =	simm.s32 $0x380;
	s20 =	simm.s32 $0x780;
	s21 =	simm.s32 $0x1  }
0x19: {  	[tilespmem:s20], [sflag:$0x1] =	stream.indirect.gather [hbm4b:s5+s6], $0x1, s19, s6, $0xb8;
	[tilespmem:$0x800] =	vst v63  }
0x1a: {  	_ =	swait.ge [sflag:s21], $0x80  }
0x1b: {  	[sflag:s21] =	ssyncset.done $0x0  }
0x1c: {  	[sflag:s21] =	ssyncadd.s32 $0xFFFFFF80  }
0x1d: {  	_ =	swait.ge [sflag:s21], $0x80  }
0x1e: {  	[sflag:s21] =	ssyncset.done $0x0  }
0x1f: {  	[sflag:s21] =	ssyncadd.s32 $0xFFFFFF80  }
0x20: {  	_ =	swait.ge [sflag:s21], $0x80  }
0x21: {  	[sflag:s21] =	ssyncset.done $0x0  }
0x22: {  	[sflag:s21] =	ssyncadd.s32 $0xFFFFFF80  }
0x23: {  	_ =	swait.ge [sflag:s21], $0x80  }
0x24: {  	[sflag:s21] =	ssyncset.done $0x0  }
0x25: {  	[sflag:s21] =	ssyncadd.s32 $0xFFFFFF80  }
0x26: {  	_ =	swait.ge [sflag:s21], $0x80  }
0x27: {  	[sflag:s21] =	ssyncset.done $0x0  }
0x28: {  	[sflag:s21] =	ssyncadd.s32 $0xFFFFFF80  }
0x29: {  	_ =	swait.ge [sflag:s21], $0x80  }
0x2a: {  	[sflag:s21] =	ssyncset.done $0x0  }
0x2b: {  	s22 =	ssub.s32 $0x2, s22;
	[sflag:s21] =	ssyncadd.s32 $0xFFFFFF80  }
0x2c: {  	s24 =	sshrl.u32 s22, $0x1;
	_ =	swait.ge [sflag:s21], $0x80  }
0x2d: {  	s24 =	ssub.s32 s22, s24;
	[sflag:s21] =	ssyncset.done $0x0  }
0x2e: {  	s31 =	smax.u32 s24, $0x1;
	[sflag:s21] =	ssyncadd.s32 $0xFFFFFF80  }
0x2f: {  	p0 =	sne.s32 s31, $0x1;
	_ =	swait.ge [sflag:s21], $0x80  }
.Ltmp0:
0x30: {  	[sflag:s21] =	ssyncset.done $0x0;
	(pc) =	sbr.rel @!p0 .LBB2_2-.Ltmp0, $4  }
0x31: {  	s22 =	sadd.s32 $0x2B3800, s23;
	[sflag:s21] =	ssyncadd.s32 $0xFFFFFF80  }
0x32: {  	[hbm4b:s22+s2] =	stream.linear.scatter [tilespmem:s7], [sflag:$0x2], $0x400, $0x38;
	[tilespmem:$0x800] =	vst v63  }
0x33: {  	_ =	swait.ge [sflag:s3], $0x400  }
0x34: {  	s23 =	sadd.s32 $0xFFFFFFFF, s31;
	[sflag:s3] =	ssyncset.done $0x0  }
.LBB2_1:
0x35: {  	p0 =	sne.s32 s23, $0x1;
	s23 =	sadd.s32 $0xFFFFFFFF, s23;
	[sflag:s3] =	ssyncadd.s32 $0xFFFFFC00  }
0x36: {  	[tilespmem:s2], [sflag:$0x2] =	stream.linear.gather [hbm4b:s4+s2], $0x400, $0x38;
	[tilespmem:$0x800] =	vst v63  }
0x37: {  	_ =	swait.ge [sflag:s3], $0x400  }
0x38: {  	[sflag:s3] =	ssyncset.done $0x0  }
0x39: {  	[sflag:s3] =	ssyncadd.s32 $0xFFFFFC00  }
0x3a: {  	[tilespmem:s7], [sflag:$0x1] =	stream.indirect.gather [hbm4b:s5+s6], $0x1, s2, s6, $0xb8;
	[tilespmem:$0x800] =	vst v63  }
0x3b: {  	_ = 	snop  }
0x3c: {  	[tilespmem:s8], [sflag:$0x1] =	stream.indirect.gather [hbm4b:s5+s6], $0x1, s6, s6, $0xb8;
	[tilespmem:$0x800] =	vst v63  }
0x3d: {  	_ = 	snop  }
0x3e: {  	[tilespmem:s10], [sflag:$0x1] =	stream.indirect.gather [hbm4b:s5+s6], $0x1, s9, s6, $0xb8;
	[tilespmem:$0x800] =	vst v63  }
0x3f: {  	_ = 	snop  }
0x40: {  	[tilespmem:s12], [sflag:$0x1] =	stream.indirect.gather [hbm4b:s5+s6], $0x1, s11, s6, $0xb8;
	[tilespmem:$0x800] =	vst v63  }
0x41: {  	_ = 	snop  }
0x42: {  	[tilespmem:s14], [sflag:$0x1] =	stream.indirect.gather [hbm4b:s5+s6], $0x1, s13, s6, $0xb8;
	[tilespmem:$0x800] =	vst v63  }
0x43: {  	_ = 	snop  }
0x44: {  	[tilespmem:s16], [sflag:$0x1] =	stream.indirect.gather [hbm4b:s5+s6], $0x1, s15, s6, $0xb8;
	[tilespmem:$0x800] =	vst v63  }
0x45: {  	_ = 	snop  }
0x46: {  	[tilespmem:s18], [sflag:$0x1] =	stream.indirect.gather [hbm4b:s5+s6], $0x1, s17, s6, $0xb8;
	[tilespmem:$0x800] =	vst v63  }
0x47: {  	_ = 	snop  }
0x48: {  	[tilespmem:s20], [sflag:$0x1] =	stream.indirect.gather [hbm4b:s5+s6], $0x1, s19, s6, $0xb8;
	[tilespmem:$0x800] =	vst v63  }
0x49: {  	_ =	swait.ge [sflag:s21], $0x80  }
0x4a: {  	[sflag:s21] =	ssyncset.done $0x0  }
0x4b: {  	[sflag:s21] =	ssyncadd.s32 $0xFFFFFF80  }
0x4c: {  	_ =	swait.ge [sflag:s21], $0x80  }
0x4d: {  	[sflag:s21] =	ssyncset.done $0x0  }
0x4e: {  	[sflag:s21] =	ssyncadd.s32 $0xFFFFFF80  }
0x4f: {  	_ =	swait.ge [sflag:s21], $0x80  }
0x50: {  	[sflag:s21] =	ssyncset.done $0x0  }
0x51: {  	[sflag:s21] =	ssyncadd.s32 $0xFFFFFF80  }
0x52: {  	_ =	swait.ge [sflag:s21], $0x80  }
0x53: {  	[sflag:s21] =	ssyncset.done $0x0  }
0x54: {  	[sflag:s21] =	ssyncadd.s32 $0xFFFFFF80  }
0x55: {  	_ =	swait.ge [sflag:s21], $0x80  }
0x56: {  	[sflag:s21] =	ssyncset.done $0x0  }
0x57: {  	[sflag:s21] =	ssyncadd.s32 $0xFFFFFF80  }
0x58: {  	_ =	swait.ge [sflag:s21], $0x80  }
0x59: {  	[sflag:s21] =	ssyncset.done $0x0  }
0x5a: {  	[sflag:s21] =	ssyncadd.s32 $0xFFFFFF80  }
0x5b: {  	_ =	swait.ge [sflag:s21], $0x80  }
0x5c: {  	[sflag:s21] =	ssyncset.done $0x0  }
0x5d: {  	[sflag:s21] =	ssyncadd.s32 $0xFFFFFF80  }
0x5e: {  	_ =	swait.ge [sflag:s21], $0x80  }
.Ltmp1:
0x5f: {  	[sflag:s21] =	ssyncset.done $0x0;
	(pc) =	sbr.rel @p0 .LBB2_1-.Ltmp1, $4  }
0x60: {  	[sflag:s21] =	ssyncadd.s32 $0xFFFFFF80  }
0x61: {  	[hbm4b:s22+s2] =	stream.linear.scatter [tilespmem:s7], [sflag:$0x2], $0x400, $0x38;
	[tilespmem:$0x800] =	vst v63  }
0x62: {  	_ =	swait.ge [sflag:s3], $0x400  }
0x63: {  	[sflag:s3] =	ssyncset.done $0x0  }
.LBB2_2:
0x64: {  	[sflag:s3] =	ssyncadd.s32 $0xFFFFFC00  }
0x65: {  	_ =	sfence.sel $0x180000  }
0x66: {  	[bflag:$0x0] =	sbarrier.arrive $0xFFFF  }
0x67: {  	p0 =	sne.s32 s0, $0x0;
	_ =	strace $0x90000047  }
0x68: {  	s0 =	sadd.s32 @!p0 $0x100000, s1;
	[bflag:$0x2] =	sbarrier.arrive $0xFFFF  }
0x69: {  	[sflag:s0] =	ssyncadd.tile.s32 @!p0 $0x1;
	_ =	shalt  }
.Lfunc_end2:
_tile_overlayer_lowered:
.L_overlay_start_2:
0x6a: {  	(tag) =	ssettag $0x2  }
0x6b: {  	s0 =	rddreg [dreg:$0x0];
	s2 =	stileid.u32  }
0x6c: {  	s1 =	rddreg [dreg:$0x1];
	p0 =	sne.s32 s2, $0x0  }
0x6d: {  	s3 =	rddreg [dreg:$0x2];
	[bflag:$0x3] =	sbarrier.arrive $0xFFFF;
	s2 =	simm.s32 @!p0 $0x1C02  }
0x6e: {  	[timem:s3], [sflag:s2] =	dma.local @!p0 [hbm:s0], s1  }
0x6f: {  	s0 =	simm.s32 @!p0 $0x2  }
0x70: {  	_ =	swait.ge @!p0 [sflag:s0], s1  }
0x71: {  	s1 =	ssub.s32 @!p0 $0x0, s1;
	[sflag:s0] =	ssyncset.done @!p0 $0x0  }
0x72: {  	[sflag:s0] =	ssyncadd.s32 @!p0 s1  }
0x73: {  	[bflag:$0x3] =	sbarrier.arrive $0xFFFF  }
0x74: {  	_ =	shalt  }

</sc_bundles>
